<compile_context>
chip_gen: v7x
topology: tpu7x:2x2x1
jax: 0.10.2.dev20260603
libtpu: 0.0.44.dev20260713+nightly
codegen_flags: <defaults>
</compile_context>

<pallas_src>
import functools

import jax
import jax.numpy as jnp
from jax import lax
from jax.experimental import pallas as pl
from jax.experimental.pallas import tpu as pltpu
from jax.experimental.pallas import tpu_sc as plsc

BATCH = 16384
DIM = 64

_GATHER_DNUMS = lax.GatherDimensionNumbers(
    offset_dims=(), collapsed_slice_dims=(0,), start_index_map=(0,)
)


def _vperm(v, p):
    return lax.gather(
        v,
        p.reshape(16, 1),
        _GATHER_DNUMS,
        (1,),
        mode=lax.GatherScatterMode.PROMISE_IN_BOUNDS,
    )


def _lane(v, r):
    splat = jnp.full((16,), r, jnp.int32)
    return lax.reduce_max(_vperm(v, splat), axes=(0,))


def _make_perms():
    lanes = lax.iota(jnp.int32, 16)
    fold = {k: (lanes + k // 2) & 15 for k in (16, 8, 4, 2)}
    pack = {k: (lanes - k // 2) & 15 for k in (16, 8, 4, 2)}
    odd = {
        k: ((lanes >> {8: 3, 4: 2, 2: 1, 1: 0}[k // 2]) & 1).astype(jnp.float32)
        for k in (16, 8, 4, 2)
    }
    bitrev = (
        ((lanes & 1) << 3) | ((lanes & 2) << 1) | ((lanes & 4) >> 1) | ((lanes & 8) >> 3)
    )
    return fold, pack, odd, bitrev


def _rowsum16(vecs, perms):
    fold, pack, odd, bitrev = perms

    def merge(a, b, k):
        a2 = a + _vperm(a, fold[k])
        b2 = b + _vperm(b, fold[k])
        pb = _vperm(b2, pack[k])
        return a2 + (pb - a2) * odd[k]

    k = 16
    while len(vecs) > 1:
        vecs = [merge(vecs[2 * i], vecs[2 * i + 1], k) for i in range(len(vecs) // 2)]
        k //= 2
    return _vperm(vecs[0], bitrev)


def kernel(e, l, t, Ee, El):
    info = plsc.get_sparse_core_info()
    nc, ns, nl = info.num_cores, info.num_subcores, info.num_lanes
    nw = nc * ns
    bpw = BATCH // nw
    chunk = 256
    nchunks = bpw // chunk

    mesh = plsc.VectorSubcoreMesh(core_axis_name="c", subcore_axis_name="s")

    @functools.partial(
        pl.kernel,
        mesh=mesh,
        out_type=jax.ShapeDtypeStruct((BATCH,), jnp.float32),
        compiler_params=pltpu.CompilerParams(needs_layout_passes=False),
        scratch_types=[
            pltpu.VMEM((bpw,), jnp.int32),
            pltpu.VMEM((bpw,), jnp.int32),
            pltpu.VMEM((bpw,), jnp.int32),
            pltpu.VMEM((chunk, DIM), jnp.float32),
            pltpu.VMEM((chunk, DIM), jnp.float32),
            pltpu.VMEM((chunk, DIM), jnp.float32),
            pltpu.VMEM((bpw,), jnp.float32),
        ] + [pltpu.SemaphoreType.DMA] * 6,
    )
    def trans_e(ee_hbm, el_hbm, e_hbm, l_hbm, t_hbm, out_hbm,
                ei_v, li_v, ti_v, er_v, lr_v, tr_v, out_v,
                sem_e0, sem_e1, sem_l0, sem_l1, sem_t0, sem_t1):
        wid = lax.axis_index("s") * nc + lax.axis_index("c")
        base = wid * bpw
        pltpu.sync_copy(e_hbm.at[pl.ds(base, bpw)], ei_v)
        pltpu.sync_copy(l_hbm.at[pl.ds(base, bpw)], li_v)
        pltpu.sync_copy(t_hbm.at[pl.ds(base, bpw)], ti_v)

        def do_chunk(ck, carry):
            koff = ck * chunk

            def fire(g, carry2):
                g16 = g * nl
                iv_e = ei_v[pl.ds(koff + g16, nl)]
                iv_l = li_v[pl.ds(koff + g16, nl)]
                iv_t = ti_v[pl.ds(koff + g16, nl)]
                for r in range(nl):
                    row = g16 + r
                    se = (sem_e0, sem_e1)[r % 2]
                    sl = (sem_l0, sem_l1)[r % 2]
                    st = (sem_t0, sem_t1)[r % 2]
                    pltpu.async_copy(ee_hbm.at[iv_e[r]], er_v.at[row], se)
                    pltpu.async_copy(el_hbm.at[iv_l[r]], lr_v.at[row], sl)
                    pltpu.async_copy(ee_hbm.at[iv_t[r]], tr_v.at[row], st)
                return carry2

            lax.fori_loop(0, chunk // nl, fire, 0)

            h = chunk // 2
            for sem in (sem_e0, sem_e1, sem_l0, sem_l1, sem_t0, sem_t1):
                pltpu.make_async_copy(
                    ee_hbm.at[pl.ds(0, h)], er_v.at[pl.ds(0, h)], sem).wait()

            def group(g, carry2):
                perms = _make_perms()
                g16 = g * nl
                rows = []
                for r in range(nl):
                    row = g16 + r
                    acc = None
                    for c in range(DIM // nl):
                        ds = pl.ds(c * nl, nl)
                        d = jnp.abs(er_v[row, ds] + lr_v[row, ds] - tr_v[row, ds])
                        acc = d if acc is None else acc + d
                    rows.append(acc)
                out_v[pl.ds(koff + g16, nl)] = _rowsum16(rows, perms)
                return carry2

            lax.fori_loop(0, chunk // nl, group, 0)
            return carry

        lax.fori_loop(0, nchunks, do_chunk, 0)
        pltpu.sync_copy(out_v, out_hbm.at[pl.ds(base, bpw)])

    return trans_e(Ee, El, e, l, t)

# --- scband reference (transcript-rebuilt; emitter-appended) ---
"""Pipeline reference for scband-trans-emodel-69114613730210 (READ-ONLY COPY).

The authoritative reference and input builder live on the scoring server;
editing this copy changes nothing except your own understanding.
"""

import jax, jax.numpy as jnp
import numpy as np

NENTITY = 1000000
NRELATION = 1000
VECTOR_DIM = 64
BATCH = 16384

def setup_inputs(seed: int = 0) -> dict:
    key = jax.random.key(seed)
    k_e, k_l, k_t, k_Ee, k_El = jax.random.split(key, 5)
    bound = 6.0 / (VECTOR_DIM ** 0.5)
    e = jax.random.randint(k_e, (BATCH,), 0, NENTITY, dtype=jnp.int64 if jax.config.jax_enable_x64 else jnp.int32).astype(jnp.int32)
    l = jax.random.randint(k_l, (BATCH,), 0, NRELATION).astype(jnp.int32)
    t = jax.random.randint(k_t, (BATCH,), 0, NENTITY).astype(jnp.int32)
    Ee = jax.random.uniform(k_Ee, (NENTITY, VECTOR_DIM), dtype=jnp.float32, minval=-bound, maxval=bound)
    El = jax.random.uniform(k_El, (NRELATION, VECTOR_DIM), dtype=jnp.float32, minval=-bound, maxval=bound)
    return {"e": e, "l": l, "t": t, "Ee": Ee, "El": El}

def reference(e, l, t, Ee, El):
    e_emb = jnp.take(Ee, e, axis=0)
    l_emb = jnp.take(El, l, axis=0)
    t_emb = jnp.take(Ee, t, axis=0)
    d = jnp.sum(jnp.abs(e_emb + l_emb - t_emb), axis=1)
    return d

if __name__ == "__main__":
    import jax
    _d = setup_inputs()
    print(jax.jit(kernel)(*tuple(_d.values())))

</pallas_src>

<mosaic_0001>
#map = affine_map<(d0, d1) -> (0, 0)>
#map1 = affine_map<(d0, d1) -> (0)>
module attributes {stable_mosaic.version = 14 : i64} {
  func.func @trans_e(%arg0: i32, %arg1: i32, %arg2: memref<1000000x64xf32, #tpu.memory_space<hbm>>, %arg3: memref<1000x64xf32, #tpu.memory_space<hbm>>, %arg4: memref<16384xi32, #tpu.memory_space<hbm>>, %arg5: memref<16384xi32, #tpu.memory_space<hbm>>, %arg6: memref<16384xi32, #tpu.memory_space<hbm>>, %arg7: memref<16384xf32, #tpu.memory_space<hbm>>, %arg8: memref<512xi32, #tpu.memory_space<vmem>>, %arg9: memref<512xi32, #tpu.memory_space<vmem>>, %arg10: memref<512xi32, #tpu.memory_space<vmem>>, %arg11: memref<256x64xf32, #tpu.memory_space<vmem>>, %arg12: memref<256x64xf32, #tpu.memory_space<vmem>>, %arg13: memref<256x64xf32, #tpu.memory_space<vmem>>, %arg14: memref<512xf32, #tpu.memory_space<vmem>>, %arg15: memref<!tpu.dma_semaphore, #tpu.memory_space<semaphore_mem>>, %arg16: memref<!tpu.dma_semaphore, #tpu.memory_space<semaphore_mem>>, %arg17: memref<!tpu.dma_semaphore, #tpu.memory_space<semaphore_mem>>, %arg18: memref<!tpu.dma_semaphore, #tpu.memory_space<semaphore_mem>>, %arg19: memref<!tpu.dma_semaphore, #tpu.memory_space<semaphore_mem>>, %arg20: memref<!tpu.dma_semaphore, #tpu.memory_space<semaphore_mem>>) attributes {dimension_semantics = [#tpu.dimension_semantics<core_parallel>, #tpu.dimension_semantics<subcore_parallel>], iteration_bounds = array<i64: 2, 16>, scalar_prefetch = 0 : i64, scratch_operands = 13 : i64, tpu.core_type = #tpu.core_type<sc_vector_subcore>, window_params = [{transform_indices = #map}, {transform_indices = #map}, {transform_indices = #map1}, {transform_indices = #map1}, {transform_indices = #map1}, {transform_indices = #map1}]} {
    %mul3A = arith.constant 2 : i32
    %mul3A_0 = arith.muli %arg1, %mul3A : i32
    %add3A = arith.addi %mul3A_0, %arg0 : i32
    %mul3A_1 = arith.constant 512 : i32
    %mul3A_2 = arith.muli %add3A, %mul3A_1 : i32
    "tpu.region"() ({
      %run_scoped3A = tpu.sem_alloc : memref<!tpu.dma_semaphore, #tpu.memory_space<semaphore_mem>>
      %dma_start3A = tpu.memref_slice %arg4[%mul3A_2] : memref<16384xi32, #tpu.memory_space<hbm>> -> memref<512xi32, #tpu.memory_space<hbm>>
      %dma_start3A_8 = tpu.memref_slice %arg4[%mul3A_2] : memref<16384xi32, #tpu.memory_space<hbm>> -> memref<512xi32, #tpu.memory_space<hbm>>
      tpu.enqueue_dma source(%dma_start3A_8 : memref<512xi32, #tpu.memory_space<hbm>>) target(%arg8 : memref<512xi32, #tpu.memory_space<vmem>>) target_semaphore(%run_scoped3A : memref<!tpu.dma_semaphore, #tpu.memory_space<semaphore_mem>>)
      %dma_wait3A = tpu.memref_slice %arg4[%mul3A_2] : memref<16384xi32, #tpu.memory_space<hbm>> -> memref<512xi32, #tpu.memory_space<hbm>>
      %dma_wait3A_9 = tpu.memref_slice %arg4[%mul3A_2] : memref<16384xi32, #tpu.memory_space<hbm>> -> memref<512xi32, #tpu.memory_space<hbm>>
      tpu.wait_dma2 semaphore(%run_scoped3A : memref<!tpu.dma_semaphore, #tpu.memory_space<semaphore_mem>>) src(%dma_wait3A_9 : memref<512xi32, #tpu.memory_space<hbm>>) dst(%arg8 : memref<512xi32, #tpu.memory_space<vmem>>)
      tpu.yield
    }) : () -> ()
    "tpu.region"() ({
      %run_scoped3A = tpu.sem_alloc : memref<!tpu.dma_semaphore, #tpu.memory_space<semaphore_mem>>
      %dma_start3A = tpu.memref_slice %arg5[%mul3A_2] : memref<16384xi32, #tpu.memory_space<hbm>> -> memref<512xi32, #tpu.memory_space<hbm>>
      %dma_start3A_8 = tpu.memref_slice %arg5[%mul3A_2] : memref<16384xi32, #tpu.memory_space<hbm>> -> memref<512xi32, #tpu.memory_space<hbm>>
      tpu.enqueue_dma source(%dma_start3A_8 : memref<512xi32, #tpu.memory_space<hbm>>) target(%arg9 : memref<512xi32, #tpu.memory_space<vmem>>) target_semaphore(%run_scoped3A : memref<!tpu.dma_semaphore, #tpu.memory_space<semaphore_mem>>)
      %dma_wait3A = tpu.memref_slice %arg5[%mul3A_2] : memref<16384xi32, #tpu.memory_space<hbm>> -> memref<512xi32, #tpu.memory_space<hbm>>
      %dma_wait3A_9 = tpu.memref_slice %arg5[%mul3A_2] : memref<16384xi32, #tpu.memory_space<hbm>> -> memref<512xi32, #tpu.memory_space<hbm>>
      tpu.wait_dma2 semaphore(%run_scoped3A : memref<!tpu.dma_semaphore, #tpu.memory_space<semaphore_mem>>) src(%dma_wait3A_9 : memref<512xi32, #tpu.memory_space<hbm>>) dst(%arg9 : memref<512xi32, #tpu.memory_space<vmem>>)
      tpu.yield
    }) : () -> ()
    "tpu.region"() ({
      %run_scoped3A = tpu.sem_alloc : memref<!tpu.dma_semaphore, #tpu.memory_space<semaphore_mem>>
      %dma_start3A = tpu.memref_slice %arg6[%mul3A_2] : memref<16384xi32, #tpu.memory_space<hbm>> -> memref<512xi32, #tpu.memory_space<hbm>>
      %dma_start3A_8 = tpu.memref_slice %arg6[%mul3A_2] : memref<16384xi32, #tpu.memory_space<hbm>> -> memref<512xi32, #tpu.memory_space<hbm>>
      tpu.enqueue_dma source(%dma_start3A_8 : memref<512xi32, #tpu.memory_space<hbm>>) target(%arg10 : memref<512xi32, #tpu.memory_space<vmem>>) target_semaphore(%run_scoped3A : memref<!tpu.dma_semaphore, #tpu.memory_space<semaphore_mem>>)
      %dma_wait3A = tpu.memref_slice %arg6[%mul3A_2] : memref<16384xi32, #tpu.memory_space<hbm>> -> memref<512xi32, #tpu.memory_space<hbm>>
      %dma_wait3A_9 = tpu.memref_slice %arg6[%mul3A_2] : memref<16384xi32, #tpu.memory_space<hbm>> -> memref<512xi32, #tpu.memory_space<hbm>>
      tpu.wait_dma2 semaphore(%run_scoped3A : memref<!tpu.dma_semaphore, #tpu.memory_space<semaphore_mem>>) src(%dma_wait3A_9 : memref<512xi32, #tpu.memory_space<hbm>>) dst(%arg10 : memref<512xi32, #tpu.memory_space<vmem>>)
      tpu.yield
    }) : () -> ()
    %scan3A = arith.constant 0 : i32
    %scan3A_3 = arith.constant 0 : i32
    %scan3A_4 = arith.constant 2 : i32
    %scan3A_5 = arith.addi %scan3A_3, %scan3A_4 : i32
    %scan3A_6 = arith.constant 1 : i32
    scf.for %scan3A_8 = %scan3A_3 to %scan3A_5 step %scan3A_6  : i32 {
      %mul3A_9 = arith.constant 256 : i32
      %mul3A_10 = arith.muli %scan3A_8, %mul3A_9 : i32
      %scan3A_11 = arith.constant 0 : i32
      %scan3A_12 = arith.constant 0 : i32
      %scan3A_13 = arith.constant 16 : i32
      %scan3A_14 = arith.addi %scan3A_12, %scan3A_13 : i32
      %scan3A_15 = arith.constant 1 : i32
      scf.for %scan3A_94 = %scan3A_12 to %scan3A_14 step %scan3A_15  : i32 {
        %mul3A_95 = arith.constant 16 : i32
        %mul3A_96 = arith.muli %scan3A_94, %mul3A_95 : i32
        %add3A_97 = arith.addi %mul3A_10, %mul3A_96 : i32
        %get3A = arith.index_cast %add3A_97 : i32 to index
        %get3A_98 = tpu.vector_load %arg8[%get3A] {strides = array<i32>} : memref<512xi32, #tpu.memory_space<vmem>>, vector<16xi32>,
        %add3A_99 = arith.addi %mul3A_10, %mul3A_96 : i32
        %get3A_100 = arith.index_cast %add3A_99 : i32 to index
        %get3A_101 = tpu.vector_load %arg9[%get3A_100] {strides = array<i32>} : memref<512xi32, #tpu.memory_space<vmem>>, vector<16xi32>,
        %add3A_102 = arith.addi %mul3A_10, %mul3A_96 : i32
        %get3A_103 = arith.index_cast %add3A_102 : i32 to index
        %get3A_104 = tpu.vector_load %arg10[%get3A_103] {strides = array<i32>} : memref<512xi32, #tpu.memory_space<vmem>>, vector<16xi32>,
        %add3A_105 = arith.constant 0 : i32
        %add3A_106 = arith.addi %mul3A_96, %add3A_105 : i32
        %slice3A = vector.extract_strided_slice %get3A_98 {offsets = [0], sizes = [1], strides = [1]} : vector<16xi32> to vector<1xi32>
        %squeeze3A = vector.extract %slice3A[0] : i32 from vector<1xi32>
        %dma_start3A = arith.constant 0 : i32
        %dma_start3A_107 = tpu.memref_slice %arg11[%add3A_106, %dma_start3A] : memref<256x64xf32, #tpu.memory_space<vmem>> -> memref<1x64xf32, #tpu.memory_space<vmem>>
        %dma_start3A_108 = tpu.memref_squeeze %dma_start3A_107 : memref<1x64xf32, #tpu.memory_space<vmem>> -> memref<64xf32, #tpu.memory_space<vmem>>
        %dma_start3A_109 = arith.constant 0 : i32
        %dma_start3A_110 = tpu.memref_slice %arg2[%squeeze3A, %dma_start3A_109] : memref<1000000x64xf32, #tpu.memory_space<hbm>> -> memref<1x64xf32, #tpu.memory_space<hbm>>
        %dma_start3A_111 = tpu.memref_squeeze %dma_start3A_110 : memref<1x64xf32, #tpu.memory_space<hbm>> -> memref<64xf32, #tpu.memory_space<hbm>>
        %dma_start3A_112 = arith.constant 0 : i32
        %dma_start3A_113 = tpu.memref_slice %arg11[%add3A_106, %dma_start3A_112] : memref<256x64xf32, #tpu.memory_space<vmem>> -> memref<1x64xf32, #tpu.memory_space<vmem>>
        %dma_start3A_114 = tpu.memref_squeeze %dma_start3A_113 : memref<1x64xf32, #tpu.memory_space<vmem>> -> memref<64xf32, #tpu.memory_space<vmem>>
        %dma_start3A_115 = arith.constant 0 : i32
        %dma_start3A_116 = tpu.memref_slice %arg2[%squeeze3A, %dma_start3A_115] : memref<1000000x64xf32, #tpu.memory_space<hbm>> -> memref<1x64xf32, #tpu.memory_space<hbm>>
        %dma_start3A_117 = tpu.memref_squeeze %dma_start3A_116 : memref<1x64xf32, #tpu.memory_space<hbm>> -> memref<64xf32, #tpu.memory_space<hbm>>
        tpu.enqueue_dma source(%dma_start3A_117 : memref<64xf32, #tpu.memory_space<hbm>>) target(%dma_start3A_114 : memref<64xf32, #tpu.memory_space<vmem>>) target_semaphore(%arg15 : memref<!tpu.dma_semaphore, #tpu.memory_space<semaphore_mem>>)
        %slice3A_118 = vector.extract_strided_slice %get3A_101 {offsets = [0], sizes = [1], strides = [1]} : vector<16xi32> to vector<1xi32>
        %squeeze3A_119 = vector.extract %slice3A_118[0] : i32 from vector<1xi32>
        %dma_start3A_120 = arith.constant 0 : i32
        %dma_start3A_121 = tpu.memref_slice %arg12[%add3A_106, %dma_start3A_120] : memref<256x64xf32, #tpu.memory_space<vmem>> -> memref<1x64xf32, #tpu.memory_space<vmem>>
        %dma_start3A_122 = tpu.memref_squeeze %dma_start3A_121 : memref<1x64xf32, #tpu.memory_space<vmem>> -> memref<64xf32, #tpu.memory_space<vmem>>
        %dma_start3A_123 = arith.constant 0 : i32
        %dma_start3A_124 = tpu.memref_slice %arg3[%squeeze3A_119, %dma_start3A_123] : memref<1000x64xf32, #tpu.memory_space<hbm>> -> memref<1x64xf32, #tpu.memory_space<hbm>>
        %dma_start3A_125 = tpu.memref_squeeze %dma_start3A_124 : memref<1x64xf32, #tpu.memory_space<hbm>> -> memref<64xf32, #tpu.memory_space<hbm>>
        %dma_start3A_126 = arith.constant 0 : i32
        %dma_start3A_127 = tpu.memref_slice %arg12[%add3A_106, %dma_start3A_126] : memref<256x64xf32, #tpu.memory_space<vmem>> -> memref<1x64xf32, #tpu.memory_space<vmem>>
        %dma_start3A_128 = tpu.memref_squeeze %dma_start3A_127 : memref<1x64xf32, #tpu.memory_space<vmem>> -> memref<64xf32, #tpu.memory_space<vmem>>
        %dma_start3A_129 = arith.constant 0 : i32
        %dma_start3A_130 = tpu.memref_slice %arg3[%squeeze3A_119, %dma_start3A_129] : memref<1000x64xf32, #tpu.memory_space<hbm>> -> memref<1x64xf32, #tpu.memory_space<hbm>>
        %dma_start3A_131 = tpu.memref_squeeze %dma_start3A_130 : memref<1x64xf32, #tpu.memory_space<hbm>> -> memref<64xf32, #tpu.memory_space<hbm>>
        tpu.enqueue_dma source(%dma_start3A_131 : memref<64xf32, #tpu.memory_space<hbm>>) target(%dma_start3A_128 : memref<64xf32, #tpu.memory_space<vmem>>) target_semaphore(%arg17 : memref<!tpu.dma_semaphore, #tpu.memory_space<semaphore_mem>>)
        %slice3A_132 = vector.extract_strided_slice %get3A_104 {offsets = [0], sizes = [1], strides = [1]} : vector<16xi32> to vector<1xi32>
        %squeeze3A_133 = vector.extract %slice3A_132[0] : i32 from vector<1xi32>
        %dma_start3A_134 = arith.constant 0 : i32
        %dma_start3A_135 = tpu.memref_slice %arg13[%add3A_106, %dma_start3A_134] : memref<256x64xf32, #tpu.memory_space<vmem>> -> memref<1x64xf32, #tpu.memory_space<vmem>>
        %dma_start3A_136 = tpu.memref_squeeze %dma_start3A_135 : memref<1x64xf32, #tpu.memory_space<vmem>> -> memref<64xf32, #tpu.memory_space<vmem>>
        %dma_start3A_137 = arith.constant 0 : i32
        %dma_start3A_138 = tpu.memref_slice %arg2[%squeeze3A_133, %dma_start3A_137] : memref<1000000x64xf32, #tpu.memory_space<hbm>> -> memref<1x64xf32, #tpu.memory_space<hbm>>
        %dma_start3A_139 = tpu.memref_squeeze %dma_start3A_138 : memref<1x64xf32, #tpu.memory_space<hbm>> -> memref<64xf32, #tpu.memory_space<hbm>>
        %dma_start3A_140 = arith.constant 0 : i32
        %dma_start3A_141 = tpu.memref_slice %arg13[%add3A_106, %dma_start3A_140] : memref<256x64xf32, #tpu.memory_space<vmem>> -> memref<1x64xf32, #tpu.memory_space<vmem>>
        %dma_start3A_142 = tpu.memref_squeeze %dma_start3A_141 : memref<1x64xf32, #tpu.memory_space<vmem>> -> memref<64xf32, #tpu.memory_space<vmem>>
        %dma_start3A_143 = arith.constant 0 : i32
        %dma_start3A_144 = tpu.memref_slice %arg2[%squeeze3A_133, %dma_start3A_143] : memref<1000000x64xf32, #tpu.memory_space<hbm>> -> memref<1x64xf32, #tpu.memory_space<hbm>>
        %dma_start3A_145 = tpu.memref_squeeze %dma_start3A_144 : memref<1x64xf32, #tpu.memory_space<hbm>> -> memref<64xf32, #tpu.memory_space<hbm>>
        tpu.enqueue_dma source(%dma_start3A_145 : memref<64xf32, #tpu.memory_space<hbm>>) target(%dma_start3A_142 : memref<64xf32, #tpu.memory_space<vmem>>) target_semaphore(%arg19 : memref<!tpu.dma_semaphore, #tpu.memory_space<semaphore_mem>>)
        %add3A_146 = arith.constant 1 : i32
        %add3A_147 = arith.addi %mul3A_96, %add3A_146 : i32
        %slice3A_148 = vector.extract_strided_slice %get3A_98 {offsets = [1], sizes = [1], strides = [1]} : vector<16xi32> to vector<1xi32>
        %squeeze3A_149 = vector.extract %slice3A_148[0] : i32 from vector<1xi32>
        %dma_start3A_150 = arith.constant 0 : i32
        %dma_start3A_151 = tpu.memref_slice %arg11[%add3A_147, %dma_start3A_150] : memref<256x64xf32, #tpu.memory_space<vmem>> -> memref<1x64xf32, #tpu.memory_space<vmem>>
        %dma_start3A_152 = tpu.memref_squeeze %dma_start3A_151 : memref<1x64xf32, #tpu.memory_space<vmem>> -> memref<64xf32, #tpu.memory_space<vmem>>
        %dma_start3A_153 = arith.constant 0 : i32
        %dma_start3A_154 = tpu.memref_slice %arg2[%squeeze3A_149, %dma_start3A_153] : memref<1000000x64xf32, #tpu.memory_space<hbm>> -> memref<1x64xf32, #tpu.memory_space<hbm>>
        %dma_start3A_155 = tpu.memref_squeeze %dma_start3A_154 : memref<1x64xf32, #tpu.memory_space<hbm>> -> memref<64xf32, #tpu.memory_space<hbm>>
        %dma_start3A_156 = arith.constant 0 : i32
        %dma_start3A_157 = tpu.memref_slice %arg11[%add3A_147, %dma_start3A_156] : memref<256x64xf32, #tpu.memory_space<vmem>> -> memref<1x64xf32, #tpu.memory_space<vmem>>
        %dma_start3A_158 = tpu.memref_squeeze %dma_start3A_157 : memref<1x64xf32, #tpu.memory_space<vmem>> -> memref<64xf32, #tpu.memory_space<vmem>>
        %dma_start3A_159 = arith.constant 0 : i32
        %dma_start3A_160 = tpu.memref_slice %arg2[%squeeze3A_149, %dma_start3A_159] : memref<1000000x64xf32, #tpu.memory_space<hbm>> -> memref<1x64xf32, #tpu.memory_space<hbm>>
        %dma_start3A_161 = tpu.memref_squeeze %dma_start3A_160 : memref<1x64xf32, #tpu.memory_space<hbm>> -> memref<64xf32, #tpu.memory_space<hbm>>
        tpu.enqueue_dma source(%dma_start3A_161 : memref<64xf32, #tpu.memory_space<hbm>>) target(%dma_start3A_158 : memref<64xf32, #tpu.memory_space<vmem>>) target_semaphore(%arg16 : memref<!tpu.dma_semaphore, #tpu.memory_space<semaphore_mem>>)
        %slice3A_162 = vector.extract_strided_slice %get3A_101 {offsets = [1], sizes = [1], strides = [1]} : vector<16xi32> to vector<1xi32>
        %squeeze3A_163 = vector.extract %slice3A_162[0] : i32 from vector<1xi32>
        %dma_start3A_164 = arith.constant 0 : i32
        %dma_start3A_165 = tpu.memref_slice %arg12[%add3A_147, %dma_start3A_164] : memref<256x64xf32, #tpu.memory_space<vmem>> -> memref<1x64xf32, #tpu.memory_space<vmem>>
        %dma_start3A_166 = tpu.memref_squeeze %dma_start3A_165 : memref<1x64xf32, #tpu.memory_space<vmem>> -> memref<64xf32, #tpu.memory_space<vmem>>
        %dma_start3A_167 = arith.constant 0 : i32
        %dma_start3A_168 = tpu.memref_slice %arg3[%squeeze3A_163, %dma_start3A_167] : memref<1000x64xf32, #tpu.memory_space<hbm>> -> memref<1x64xf32, #tpu.memory_space<hbm>>
        %dma_start3A_169 = tpu.memref_squeeze %dma_start3A_168 : memref<1x64xf32, #tpu.memory_space<hbm>> -> memref<64xf32, #tpu.memory_space<hbm>>
        %dma_start3A_170 = arith.constant 0 : i32
        %dma_start3A_171 = tpu.memref_slice %arg12[%add3A_147, %dma_start3A_170] : memref<256x64xf32, #tpu.memory_space<vmem>> -> memref<1x64xf32, #tpu.memory_space<vmem>>
        %dma_start3A_172 = tpu.memref_squeeze %dma_start3A_171 : memref<1x64xf32, #tpu.memory_space<vmem>> -> memref<64xf32, #tpu.memory_space<vmem>>
        %dma_start3A_173 = arith.constant 0 : i32
        %dma_start3A_174 = tpu.memref_slice %arg3[%squeeze3A_163, %dma_start3A_173] : memref<1000x64xf32, #tpu.memory_space<hbm>> -> memref<1x64xf32, #tpu.memory_space<hbm>>
        %dma_start3A_175 = tpu.memref_squeeze %dma_start3A_174 : memref<1x64xf32, #tpu.memory_space<hbm>> -> memref<64xf32, #tpu.memory_space<hbm>>
        tpu.enqueue_dma source(%dma_start3A_175 : memref<64xf32, #tpu.memory_space<hbm>>) target(%dma_start3A_172 : memref<64xf32, #tpu.memory_space<vmem>>) target_semaphore(%arg18 : memref<!tpu.dma_semaphore, #tpu.memory_space<semaphore_mem>>)
        %slice3A_176 = vector.extract_strided_slice %get3A_104 {offsets = [1], sizes = [1], strides = [1]} : vector<16xi32> to vector<1xi32>
        %squeeze3A_177 = vector.extract %slice3A_176[0] : i32 from vector<1xi32>
        %dma_start3A_178 = arith.constant 0 : i32
        %dma_start3A_179 = tpu.memref_slice %arg13[%add3A_147, %dma_start3A_178] : memref<256x64xf32, #tpu.memory_space<vmem>> -> memref<1x64xf32, #tpu.memory_space<vmem>>
        %dma_start3A_180 = tpu.memref_squeeze %dma_start3A_179 : memref<1x64xf32, #tpu.memory_space<vmem>> -> memref<64xf32, #tpu.memory_space<vmem>>
        %dma_start3A_181 = arith.constant 0 : i32
        %dma_start3A_182 = tpu.memref_slice %arg2[%squeeze3A_177, %dma_start3A_181] : memref<1000000x64xf32, #tpu.memory_space<hbm>> -> memref<1x64xf32, #tpu.memory_space<hbm>>
        %dma_start3A_183 = tpu.memref_squeeze %dma_start3A_182 : memref<1x64xf32, #tpu.memory_space<hbm>> -> memref<64xf32, #tpu.memory_space<hbm>>
        %dma_start3A_184 = arith.constant 0 : i32
        %dma_start3A_185 = tpu.memref_slice %arg13[%add3A_147, %dma_start3A_184] : memref<256x64xf32, #tpu.memory_space<vmem>> -> memref<1x64xf32, #tpu.memory_space<vmem>>
        %dma_start3A_186 = tpu.memref_squeeze %dma_start3A_185 : memref<1x64xf32, #tpu.memory_space<vmem>> -> memref<64xf32, #tpu.memory_space<vmem>>
        %dma_start3A_187 = arith.constant 0 : i32
        %dma_start3A_188 = tpu.memref_slice %arg2[%squeeze3A_177, %dma_start3A_187] : memref<1000000x64xf32, #tpu.memory_space<hbm>> -> memref<1x64xf32, #tpu.memory_space<hbm>>
        %dma_start3A_189 = tpu.memref_squeeze %dma_start3A_188 : memref<1x64xf32, #tpu.memory_space<hbm>> -> memref<64xf32, #tpu.memory_space<hbm>>
        tpu.enqueue_dma source(%dma_start3A_189 : memref<64xf32, #tpu.memory_space<hbm>>) target(%dma_start3A_186 : memref<64xf32, #tpu.memory_space<vmem>>) target_semaphore(%arg20 : memref<!tpu.dma_semaphore, #tpu.memory_space<semaphore_mem>>)
        %add3A_190 = arith.constant 2 : i32
        %add3A_191 = arith.addi %mul3A_96, %add3A_190 : i32
        %slice3A_192 = vector.extract_strided_slice %get3A_98 {offsets = [2], sizes = [1], strides = [1]} : vector<16xi32> to vector<1xi32>
        %squeeze3A_193 = vector.extract %slice3A_192[0] : i32 from vector<1xi32>
        %dma_start3A_194 = arith.constant 0 : i32
        %dma_start3A_195 = tpu.memref_slice %arg11[%add3A_191, %dma_start3A_194] : memref<256x64xf32, #tpu.memory_space<vmem>> -> memref<1x64xf32, #tpu.memory_space<vmem>>
        %dma_start3A_196 = tpu.memref_squeeze %dma_start3A_195 : memref<1x64xf32, #tpu.memory_space<vmem>> -> memref<64xf32, #tpu.memory_space<vmem>>
        %dma_start3A_197 = arith.constant 0 : i32
        %dma_start3A_198 = tpu.memref_slice %arg2[%squeeze3A_193, %dma_start3A_197] : memref<1000000x64xf32, #tpu.memory_space<hbm>> -> memref<1x64xf32, #tpu.memory_space<hbm>>
        %dma_start3A_199 = tpu.memref_squeeze %dma_start3A_198 : memref<1x64xf32, #tpu.memory_space<hbm>> -> memref<64xf32, #tpu.memory_space<hbm>>
        %dma_start3A_200 = arith.constant 0 : i32
        %dma_start3A_201 = tpu.memref_slice %arg11[%add3A_191, %dma_start3A_200] : memref<256x64xf32, #tpu.memory_space<vmem>> -> memref<1x64xf32, #tpu.memory_space<vmem>>
        %dma_start3A_202 = tpu.memref_squeeze %dma_start3A_201 : memref<1x64xf32, #tpu.memory_space<vmem>> -> memref<64xf32, #tpu.memory_space<vmem>>
        %dma_start3A_203 = arith.constant 0 : i32
        %dma_start3A_204 = tpu.memref_slice %arg2[%squeeze3A_193, %dma_start3A_203] : memref<1000000x64xf32, #tpu.memory_space<hbm>> -> memref<1x64xf32, #tpu.memory_space<hbm>>
        %dma_start3A_205 = tpu.memref_squeeze %dma_start3A_204 : memref<1x64xf32, #tpu.memory_space<hbm>> -> memref<64xf32, #tpu.memory_space<hbm>>
        tpu.enqueue_dma source(%dma_start3A_205 : memref<64xf32, #tpu.memory_space<hbm>>) target(%dma_start3A_202 : memref<64xf32, #tpu.memory_space<vmem>>) target_semaphore(%arg15 : memref<!tpu.dma_semaphore, #tpu.memory_space<semaphore_mem>>)
        %slice3A_206 = vector.extract_strided_slice %get3A_101 {offsets = [2], sizes = [1], strides = [1]} : vector<16xi32> to vector<1xi32>
        %squeeze3A_207 = vector.extract %slice3A_206[0] : i32 from vector<1xi32>
        %dma_start3A_208 = arith.constant 0 : i32
        %dma_start3A_209 = tpu.memref_slice %arg12[%add3A_191, %dma_start3A_208] : memref<256x64xf32, #tpu.memory_space<vmem>> -> memref<1x64xf32, #tpu.memory_space<vmem>>
        %dma_start3A_210 = tpu.memref_squeeze %dma_start3A_209 : memref<1x64xf32, #tpu.memory_space<vmem>> -> memref<64xf32, #tpu.memory_space<vmem>>
        %dma_start3A_211 = arith.constant 0 : i32
        %dma_start3A_212 = tpu.memref_slice %arg3[%squeeze3A_207, %dma_start3A_211] : memref<1000x64xf32, #tpu.memory_space<hbm>> -> memref<1x64xf32, #tpu.memory_space<hbm>>
        %dma_start3A_213 = tpu.memref_squeeze %dma_start3A_212 : memref<1x64xf32, #tpu.memory_space<hbm>> -> memref<64xf32, #tpu.memory_space<hbm>>
        %dma_start3A_214 = arith.constant 0 : i32
        %dma_start3A_215 = tpu.memref_slice %arg12[%add3A_191, %dma_start3A_214] : memref<256x64xf32, #tpu.memory_space<vmem>> -> memref<1x64xf32, #tpu.memory_space<vmem>>
        %dma_start3A_216 = tpu.memref_squeeze %dma_start3A_215 : memref<1x64xf32, #tpu.memory_space<vmem>> -> memref<64xf32, #tpu.memory_space<vmem>>
        %dma_start3A_217 = arith.constant 0 : i32
        %dma_start3A_218 = tpu.memref_slice %arg3[%squeeze3A_207, %dma_start3A_217] : memref<1000x64xf32, #tpu.memory_space<hbm>> -> memref<1x64xf32, #tpu.memory_space<hbm>>
        %dma_start3A_219 = tpu.memref_squeeze %dma_start3A_218 : memref<1x64xf32, #tpu.memory_space<hbm>> -> memref<64xf32, #tpu.memory_space<hbm>>
        tpu.enqueue_dma source(%dma_start3A_219 : memref<64xf32, #tpu.memory_space<hbm>>) target(%dma_start3A_216 : memref<64xf32, #tpu.memory_space<vmem>>) target_semaphore(%arg17 : memref<!tpu.dma_semaphore, #tpu.memory_space<semaphore_mem>>)
        %slice3A_220 = vector.extract_strided_slice %get3A_104 {offsets = [2], sizes = [1], strides = [1]} : vector<16xi32> to vector<1xi32>
        %squeeze3A_221 = vector.extract %slice3A_220[0] : i32 from vector<1xi32>
        %dma_start3A_222 = arith.constant 0 : i32
        %dma_start3A_223 = tpu.memref_slice %arg13[%add3A_191, %dma_start3A_222] : memref<256x64xf32, #tpu.memory_space<vmem>> -> memref<1x64xf32, #tpu.memory_space<vmem>>
        %dma_start3A_224 = tpu.memref_squeeze %dma_start3A_223 : memref<1x64xf32, #tpu.memory_space<vmem>> -> memref<64xf32, #tpu.memory_space<vmem>>
        %dma_start3A_225 = arith.constant 0 : i32
        %dma_start3A_226 = tpu.memref_slice %arg2[%squeeze3A_221, %dma_start3A_225] : memref<1000000x64xf32, #tpu.memory_space<hbm>> -> memref<1x64xf32, #tpu.memory_space<hbm>>
        %dma_start3A_227 = tpu.memref_squeeze %dma_start3A_226 : memref<1x64xf32, #tpu.memory_space<hbm>> -> memref<64xf32, #tpu.memory_space<hbm>>
        %dma_start3A_228 = arith.constant 0 : i32
        %dma_start3A_229 = tpu.memref_slice %arg13[%add3A_191, %dma_start3A_228] : memref<256x64xf32, #tpu.memory_space<vmem>> -> memref<1x64xf32, #tpu.memory_space<vmem>>
        %dma_start3A_230 = tpu.memref_squeeze %dma_start3A_229 : memref<1x64xf32, #tpu.memory_space<vmem>> -> memref<64xf32, #tpu.memory_space<vmem>>
        %dma_start3A_231 = arith.constant 0 : i32
        %dma_start3A_232 = tpu.memref_slice %arg2[%squeeze3A_221, %dma_start3A_231] : memref<1000000x64xf32, #tpu.memory_space<hbm>> -> memref<1x64xf32, #tpu.memory_space<hbm>>
        %dma_start3A_233 = tpu.memref_squeeze %dma_start3A_232 : memref<1x64xf32, #tpu.memory_space<hbm>> -> memref<64xf32, #tpu.memory_space<hbm>>
        tpu.enqueue_dma source(%dma_start3A_233 : memref<64xf32, #tpu.memory_space<hbm>>) target(%dma_start3A_230 : memref<64xf32, #tpu.memory_space<vmem>>) target_semaphore(%arg19 : memref<!tpu.dma_semaphore, #tpu.memory_space<semaphore_mem>>)
        %add3A_234 = arith.constant 3 : i32
        %add3A_235 = arith.addi %mul3A_96, %add3A_234 : i32
        %slice3A_236 = vector.extract_strided_slice %get3A_98 {offsets = [3], sizes = [1], strides = [1]} : vector<16xi32> to vector<1xi32>
        %squeeze3A_237 = vector.extract %slice3A_236[0] : i32 from vector<1xi32>
        %dma_start3A_238 = arith.constant 0 : i32
        %dma_start3A_239 = tpu.memref_slice %arg11[%add3A_235, %dma_start3A_238] : memref<256x64xf32, #tpu.memory_space<vmem>> -> memref<1x64xf32, #tpu.memory_space<vmem>>
        %dma_start3A_240 = tpu.memref_squeeze %dma_start3A_239 : memref<1x64xf32, #tpu.memory_space<vmem>> -> memref<64xf32, #tpu.memory_space<vmem>>
        %dma_start3A_241 = arith.constant 0 : i32
        %dma_start3A_242 = tpu.memref_slice %arg2[%squeeze3A_237, %dma_start3A_241] : memref<1000000x64xf32, #tpu.memory_space<hbm>> -> memref<1x64xf32, #tpu.memory_space<hbm>>
        %dma_start3A_243 = tpu.memref_squeeze %dma_start3A_242 : memref<1x64xf32, #tpu.memory_space<hbm>> -> memref<64xf32, #tpu.memory_space<hbm>>
        %dma_start3A_244 = arith.constant 0 : i32
        %dma_start3A_245 = tpu.memref_slice %arg11[%add3A_235, %dma_start3A_244] : memref<256x64xf32, #tpu.memory_space<vmem>> -> memref<1x64xf32, #tpu.memory_space<vmem>>
        %dma_start3A_246 = tpu.memref_squeeze %dma_start3A_245 : memref<1x64xf32, #tpu.memory_space<vmem>> -> memref<64xf32, #tpu.memory_space<vmem>>
        %dma_start3A_247 = arith.constant 0 : i32
        %dma_start3A_248 = tpu.memref_slice %arg2[%squeeze3A_237, %dma_start3A_247] : memref<1000000x64xf32, #tpu.memory_space<hbm>> -> memref<1x64xf32, #tpu.memory_space<hbm>>
        %dma_start3A_249 = tpu.memref_squeeze %dma_start3A_248 : memref<1x64xf32, #tpu.memory_space<hbm>> -> memref<64xf32, #tpu.memory_space<hbm>>
        tpu.enqueue_dma source(%dma_start3A_249 : memref<64xf32, #tpu.memory_space<hbm>>) target(%dma_start3A_246 : memref<64xf32, #tpu.memory_space<vmem>>) target_semaphore(%arg16 : memref<!tpu.dma_semaphore, #tpu.memory_space<semaphore_mem>>)
        %slice3A_250 = vector.extract_strided_slice %get3A_101 {offsets = [3], sizes = [1], strides = [1]} : vector<16xi32> to vector<1xi32>
        %squeeze3A_251 = vector.extract %slice3A_250[0] : i32 from vector<1xi32>
        %dma_start3A_252 = arith.constant 0 : i32
        %dma_start3A_253 = tpu.memref_slice %arg12[%add3A_235, %dma_start3A_252] : memref<256x64xf32, #tpu.memory_space<vmem>> -> memref<1x64xf32, #tpu.memory_space<vmem>>
        %dma_start3A_254 = tpu.memref_squeeze %dma_start3A_253 : memref<1x64xf32, #tpu.memory_space<vmem>> -> memref<64xf32, #tpu.memory_space<vmem>>
        %dma_start3A_255 = arith.constant 0 : i32
        %dma_start3A_256 = tpu.memref_slice %arg3[%squeeze3A_251, %dma_start3A_255] : memref<1000x64xf32, #tpu.memory_space<hbm>> -> memref<1x64xf32, #tpu.memory_space<hbm>>
        %dma_start3A_257 = tpu.memref_squeeze %dma_start3A_256 : memref<1x64xf32, #tpu.memory_space<hbm>> -> memref<64xf32, #tpu.memory_space<hbm>>
        %dma_start3A_258 = arith.constant 0 : i32
        %dma_start3A_259 = tpu.memref_slice %arg12[%add3A_235, %dma_start3A_258] : memref<256x64xf32, #tpu.memory_space<vmem>> -> memref<1x64xf32, #tpu.memory_space<vmem>>
        %dma_start3A_260 = tpu.memref_squeeze %dma_start3A_259 : memref<1x64xf32, #tpu.memory_space<vmem>> -> memref<64xf32, #tpu.memory_space<vmem>>
        %dma_start3A_261 = arith.constant 0 : i32
        %dma_start3A_262 = tpu.memref_slice %arg3[%squeeze3A_251, %dma_start3A_261] : memref<1000x64xf32, #tpu.memory_space<hbm>> -> memref<1x64xf32, #tpu.memory_space<hbm>>
        %dma_start3A_263 = tpu.memref_squeeze %dma_start3A_262 : memref<1x64xf32, #tpu.memory_space<hbm>> -> memref<64xf32, #tpu.memory_space<hbm>>
        tpu.enqueue_dma source(%dma_start3A_263 : memref<64xf32, #tpu.memory_space<hbm>>) target(%dma_start3A_260 : memref<64xf32, #tpu.memory_space<vmem>>) target_semaphore(%arg18 : memref<!tpu.dma_semaphore, #tpu.memory_space<semaphore_mem>>)
        %slice3A_264 = vector.extract_strided_slice %get3A_104 {offsets = [3], sizes = [1], strides = [1]} : vector<16xi32> to vector<1xi32>
        %squeeze3A_265 = vector.extract %slice3A_264[0] : i32 from vector<1xi32>
        %dma_start3A_266 = arith.constant 0 : i32
        %dma_start3A_267 = tpu.memref_slice %arg13[%add3A_235, %dma_start3A_266] : memref<256x64xf32, #tpu.memory_space<vmem>> -> memref<1x64xf32, #tpu.memory_space<vmem>>
        %dma_start3A_268 = tpu.memref_squeeze %dma_start3A_267 : memref<1x64xf32, #tpu.memory_space<vmem>> -> memref<64xf32, #tpu.memory_space<vmem>>
        %dma_start3A_269 = arith.constant 0 : i32
        %dma_start3A_270 = tpu.memref_slice %arg2[%squeeze3A_265, %dma_start3A_269] : memref<1000000x64xf32, #tpu.memory_space<hbm>> -> memref<1x64xf32, #tpu.memory_space<hbm>>
        %dma_start3A_271 = tpu.memref_squeeze %dma_start3A_270 : memref<1x64xf32, #tpu.memory_space<hbm>> -> memref<64xf32, #tpu.memory_space<hbm>>
        %dma_start3A_272 = arith.constant 0 : i32
        %dma_start3A_273 = tpu.memref_slice %arg13[%add3A_235, %dma_start3A_272] : memref<256x64xf32, #tpu.memory_space<vmem>> -> memref<1x64xf32, #tpu.memory_space<vmem>>
        %dma_start3A_274 = tpu.memref_squeeze %dma_start3A_273 : memref<1x64xf32, #tpu.memory_space<vmem>> -> memref<64xf32, #tpu.memory_space<vmem>>
        %dma_start3A_275 = arith.constant 0 : i32
        %dma_start3A_276 = tpu.memref_slice %arg2[%squeeze3A_265, %dma_start3A_275] : memref<1000000x64xf32, #tpu.memory_space<hbm>> -> memref<1x64xf32, #tpu.memory_space<hbm>>
        %dma_start3A_277 = tpu.memref_squeeze %dma_start3A_276 : memref<1x64xf32, #tpu.memory_space<hbm>> -> memref<64xf32, #tpu.memory_space<hbm>>
        tpu.enqueue_dma source(%dma_start3A_277 : memref<64xf32, #tpu.memory_space<hbm>>) target(%dma_start3A_274 : memref<64xf32, #tpu.memory_space<vmem>>) target_semaphore(%arg20 : memref<!tpu.dma_semaphore, #tpu.memory_space<semaphore_mem>>)
        %add3A_278 = arith.constant 4 : i32
        %add3A_279 = arith.addi %mul3A_96, %add3A_278 : i32
        %slice3A_280 = vector.extract_strided_slice %get3A_98 {offsets = [4], sizes = [1], strides = [1]} : vector<16xi32> to vector<1xi32>
        %squeeze3A_281 = vector.extract %slice3A_280[0] : i32 from vector<1xi32>
        %dma_start3A_282 = arith.constant 0 : i32
        %dma_start3A_283 = tpu.memref_slice %arg11[%add3A_279, %dma_start3A_282] : memref<256x64xf32, #tpu.memory_space<vmem>> -> memref<1x64xf32, #tpu.memory_space<vmem>>
        %dma_start3A_284 = tpu.memref_squeeze %dma_start3A_283 : memref<1x64xf32, #tpu.memory_space<vmem>> -> memref<64xf32, #tpu.memory_space<vmem>>
        %dma_start3A_285 = arith.constant 0 : i32
        %dma_start3A_286 = tpu.memref_slice %arg2[%squeeze3A_281, %dma_start3A_285] : memref<1000000x64xf32, #tpu.memory_space<hbm>> -> memref<1x64xf32, #tpu.memory_space<hbm>>
        %dma_start3A_287 = tpu.memref_squeeze %dma_start3A_286 : memref<1x64xf32, #tpu.memory_space<hbm>> -> memref<64xf32, #tpu.memory_space<hbm>>
        %dma_start3A_288 = arith.constant 0 : i32
        %dma_start3A_289 = tpu.memref_slice %arg11[%add3A_279, %dma_start3A_288] : memref<256x64xf32, #tpu.memory_space<vmem>> -> memref<1x64xf32, #tpu.memory_space<vmem>>
        %dma_start3A_290 = tpu.memref_squeeze %dma_start3A_289 : memref<1x64xf32, #tpu.memory_space<vmem>> -> memref<64xf32, #tpu.memory_space<vmem>>
        %dma_start3A_291 = arith.constant 0 : i32
        %dma_start3A_292 = tpu.memref_slice %arg2[%squeeze3A_281, %dma_start3A_291] : memref<1000000x64xf32, #tpu.memory_space<hbm>> -> memref<1x64xf32, #tpu.memory_space<hbm>>
        %dma_start3A_293 = tpu.memref_squeeze %dma_start3A_292 : memref<1x64xf32, #tpu.memory_space<hbm>> -> memref<64xf32, #tpu.memory_space<hbm>>
        tpu.enqueue_dma source(%dma_start3A_293 : memref<64xf32, #tpu.memory_space<hbm>>) target(%dma_start3A_290 : memref<64xf32, #tpu.memory_space<vmem>>) target_semaphore(%arg15 : memref<!tpu.dma_semaphore, #tpu.memory_space<semaphore_mem>>)
        %slice3A_294 = vector.extract_strided_slice %get3A_101 {offsets = [4], sizes = [1], strides = [1]} : vector<16xi32> to vector<1xi32>
        %squeeze3A_295 = vector.extract %slice3A_294[0] : i32 from vector<1xi32>
        %dma_start3A_296 = arith.constant 0 : i32
        %dma_start3A_297 = tpu.memref_slice %arg12[%add3A_279, %dma_start3A_296] : memref<256x64xf32, #tpu.memory_space<vmem>> -> memref<1x64xf32, #tpu.memory_space<vmem>>
        %dma_start3A_298 = tpu.memref_squeeze %dma_start3A_297 : memref<1x64xf32, #tpu.memory_space<vmem>> -> memref<64xf32, #tpu.memory_space<vmem>>
        %dma_start3A_299 = arith.constant 0 : i32
        %dma_start3A_300 = tpu.memref_slice %arg3[%squeeze3A_295, %dma_start3A_299] : memref<1000x64xf32, #tpu.memory_space<hbm>> -> memref<1x64xf32, #tpu.memory_space<hbm>>
        %dma_start3A_301 = tpu.memref_squeeze %dma_start3A_300 : memref<1x64xf32, #tpu.memory_space<hbm>> -> memref<64xf32, #tpu.memory_space<hbm>>
        %dma_start3A_302 = arith.constant 0 : i32
        %dma_start3A_303 = tpu.memref_slice %arg12[%add3A_279, %dma_start3A_302] : memref<256x64xf32, #tpu.memory_space<vmem>> -> memref<1x64xf32, #tpu.memory_space<vmem>>
        %dma_start3A_304 = tpu.memref_squeeze %dma_start3A_303 : memref<1x64xf32, #tpu.memory_space<vmem>> -> memref<64xf32, #tpu.memory_space<vmem>>
        %dma_start3A_305 = arith.constant 0 : i32
        %dma_start3A_306 = tpu.memref_slice %arg3[%squeeze3A_295, %dma_start3A_305] : memref<1000x64xf32, #tpu.memory_space<hbm>> -> memref<1x64xf32, #tpu.memory_space<hbm>>
        %dma_start3A_307 = tpu.memref_squeeze %dma_start3A_306 : memref<1x64xf32, #tpu.memory_space<hbm>> -> memref<64xf32, #tpu.memory_space<hbm>>
        tpu.enqueue_dma source(%dma_start3A_307 : memref<64xf32, #tpu.memory_space<hbm>>) target(%dma_start3A_304 : memref<64xf32, #tpu.memory_space<vmem>>) target_semaphore(%arg17 : memref<!tpu.dma_semaphore, #tpu.memory_space<semaphore_mem>>)
        %slice3A_308 = vector.extract_strided_slice %get3A_104 {offsets = [4], sizes = [1], strides = [1]} : vector<16xi32> to vector<1xi32>
        %squeeze3A_309 = vector.extract %slice3A_308[0] : i32 from vector<1xi32>
        %dma_start3A_310 = arith.constant 0 : i32
        %dma_start3A_311 = tpu.memref_slice %arg13[%add3A_279, %dma_start3A_310] : memref<256x64xf32, #tpu.memory_space<vmem>> -> memref<1x64xf32, #tpu.memory_space<vmem>>
        %dma_start3A_312 = tpu.memref_squeeze %dma_start3A_311 : memref<1x64xf32, #tpu.memory_space<vmem>> -> memref<64xf32, #tpu.memory_space<vmem>>
        %dma_start3A_313 = arith.constant 0 : i32
        %dma_start3A_314 = tpu.memref_slice %arg2[%squeeze3A_309, %dma_start3A_313] : memref<1000000x64xf32, #tpu.memory_space<hbm>> -> memref<1x64xf32, #tpu.memory_space<hbm>>
        %dma_start3A_315 = tpu.memref_squeeze %dma_start3A_314 : memref<1x64xf32, #tpu.memory_space<hbm>> -> memref<64xf32, #tpu.memory_space<hbm>>
        %dma_start3A_316 = arith.constant 0 : i32
        %dma_start3A_317 = tpu.memref_slice %arg13[%add3A_279, %dma_start3A_316] : memref<256x64xf32, #tpu.memory_space<vmem>> -> memref<1x64xf32, #tpu.memory_space<vmem>>
        %dma_start3A_318 = tpu.memref_squeeze %dma_start3A_317 : memref<1x64xf32, #tpu.memory_space<vmem>> -> memref<64xf32, #tpu.memory_space<vmem>>
        %dma_start3A_319 = arith.constant 0 : i32
        %dma_start3A_320 = tpu.memref_slice %arg2[%squeeze3A_309, %dma_start3A_319] : memref<1000000x64xf32, #tpu.memory_space<hbm>> -> memref<1x64xf32, #tpu.memory_space<hbm>>
        %dma_start3A_321 = tpu.memref_squeeze %dma_start3A_320 : memref<1x64xf32, #tpu.memory_space<hbm>> -> memref<64xf32, #tpu.memory_space<hbm>>
        tpu.enqueue_dma source(%dma_start3A_321 : memref<64xf32, #tpu.memory_space<hbm>>) target(%dma_start3A_318 : memref<64xf32, #tpu.memory_space<vmem>>) target_semaphore(%arg19 : memref<!tpu.dma_semaphore, #tpu.memory_space<semaphore_mem>>)
        %add3A_322 = arith.constant 5 : i32
        %add3A_323 = arith.addi %mul3A_96, %add3A_322 : i32
        %slice3A_324 = vector.extract_strided_slice %get3A_98 {offsets = [5], sizes = [1], strides = [1]} : vector<16xi32> to vector<1xi32>
        %squeeze3A_325 = vector.extract %slice3A_324[0] : i32 from vector<1xi32>
        %dma_start3A_326 = arith.constant 0 : i32
        %dma_start3A_327 = tpu.memref_slice %arg11[%add3A_323, %dma_start3A_326] : memref<256x64xf32, #tpu.memory_space<vmem>> -> memref<1x64xf32, #tpu.memory_space<vmem>>
        %dma_start3A_328 = tpu.memref_squeeze %dma_start3A_327 : memref<1x64xf32, #tpu.memory_space<vmem>> -> memref<64xf32, #tpu.memory_space<vmem>>
        %dma_start3A_329 = arith.constant 0 : i32
        %dma_start3A_330 = tpu.memref_slice %arg2[%squeeze3A_325, %dma_start3A_329] : memref<1000000x64xf32, #tpu.memory_space<hbm>> -> memref<1x64xf32, #tpu.memory_space<hbm>>
        %dma_start3A_331 = tpu.memref_squeeze %dma_start3A_330 : memref<1x64xf32, #tpu.memory_space<hbm>> -> memref<64xf32, #tpu.memory_space<hbm>>
        %dma_start3A_332 = arith.constant 0 : i32
        %dma_start3A_333 = tpu.memref_slice %arg11[%add3A_323, %dma_start3A_332] : memref<256x64xf32, #tpu.memory_space<vmem>> -> memref<1x64xf32, #tpu.memory_space<vmem>>
        %dma_start3A_334 = tpu.memref_squeeze %dma_start3A_333 : memref<1x64xf32, #tpu.memory_space<vmem>> -> memref<64xf32, #tpu.memory_space<vmem>>
        %dma_start3A_335 = arith.constant 0 : i32
        %dma_start3A_336 = tpu.memref_slice %arg2[%squeeze3A_325, %dma_start3A_335] : memref<1000000x64xf32, #tpu.memory_space<hbm>> -> memref<1x64xf32, #tpu.memory_space<hbm>>
        %dma_start3A_337 = tpu.memref_squeeze %dma_start3A_336 : memref<1x64xf32, #tpu.memory_space<hbm>> -> memref<64xf32, #tpu.memory_space<hbm>>
        tpu.enqueue_dma source(%dma_start3A_337 : memref<64xf32, #tpu.memory_space<hbm>>) target(%dma_start3A_334 : memref<64xf32, #tpu.memory_space<vmem>>) target_semaphore(%arg16 : memref<!tpu.dma_semaphore, #tpu.memory_space<semaphore_mem>>)
        %slice3A_338 = vector.extract_strided_slice %get3A_101 {offsets = [5], sizes = [1], strides = [1]} : vector<16xi32> to vector<1xi32>
        %squeeze3A_339 = vector.extract %slice3A_338[0] : i32 from vector<1xi32>
        %dma_start3A_340 = arith.constant 0 : i32
        %dma_start3A_341 = tpu.memref_slice %arg12[%add3A_323, %dma_start3A_340] : memref<256x64xf32, #tpu.memory_space<vmem>> -> memref<1x64xf32, #tpu.memory_space<vmem>>
        %dma_start3A_342 = tpu.memref_squeeze %dma_start3A_341 : memref<1x64xf32, #tpu.memory_space<vmem>> -> memref<64xf32, #tpu.memory_space<vmem>>
        %dma_start3A_343 = arith.constant 0 : i32
        %dma_start3A_344 = tpu.memref_slice %arg3[%squeeze3A_339, %dma_start3A_343] : memref<1000x64xf32, #tpu.memory_space<hbm>> -> memref<1x64xf32, #tpu.memory_space<hbm>>
        %dma_start3A_345 = tpu.memref_squeeze %dma_start3A_344 : memref<1x64xf32, #tpu.memory_space<hbm>> -> memref<64xf32, #tpu.memory_space<hbm>>
        %dma_start3A_346 = arith.constant 0 : i32
        %dma_start3A_347 = tpu.memref_slice %arg12[%add3A_323, %dma_start3A_346] : memref<256x64xf32, #tpu.memory_space<vmem>> -> memref<1x64xf32, #tpu.memory_space<vmem>>
        %dma_start3A_348 = tpu.memref_squeeze %dma_start3A_347 : memref<1x64xf32, #tpu.memory_space<vmem>> -> memref<64xf32, #tpu.memory_space<vmem>>
        %dma_start3A_349 = arith.constant 0 : i32
        %dma_start3A_350 = tpu.memref_slice %arg3[%squeeze3A_339, %dma_start3A_349] : memref<1000x64xf32, #tpu.memory_space<hbm>> -> memref<1x64xf32, #tpu.memory_space<hbm>>
        %dma_start3A_351 = tpu.memref_squeeze %dma_start3A_350 : memref<1x64xf32, #tpu.memory_space<hbm>> -> memref<64xf32, #tpu.memory_space<hbm>>
        tpu.enqueue_dma source(%dma_start3A_351 : memref<64xf32, #tpu.memory_space<hbm>>) target(%dma_start3A_348 : memref<64xf32, #tpu.memory_space<vmem>>) target_semaphore(%arg18 : memref<!tpu.dma_semaphore, #tpu.memory_space<semaphore_mem>>)
        %slice3A_352 = vector.extract_strided_slice %get3A_104 {offsets = [5], sizes = [1], strides = [1]} : vector<16xi32> to vector<1xi32>
        %squeeze3A_353 = vector.extract %slice3A_352[0] : i32 from vector<1xi32>
        %dma_start3A_354 = arith.constant 0 : i32
        %dma_start3A_355 = tpu.memref_slice %arg13[%add3A_323, %dma_start3A_354] : memref<256x64xf32, #tpu.memory_space<vmem>> -> memref<1x64xf32, #tpu.memory_space<vmem>>
        %dma_start3A_356 = tpu.memref_squeeze %dma_start3A_355 : memref<1x64xf32, #tpu.memory_space<vmem>> -> memref<64xf32, #tpu.memory_space<vmem>>
        %dma_start3A_357 = arith.constant 0 : i32
        %dma_start3A_358 = tpu.memref_slice %arg2[%squeeze3A_353, %dma_start3A_357] : memref<1000000x64xf32, #tpu.memory_space<hbm>> -> memref<1x64xf32, #tpu.memory_space<hbm>>
        %dma_start3A_359 = tpu.memref_squeeze %dma_start3A_358 : memref<1x64xf32, #tpu.memory_space<hbm>> -> memref<64xf32, #tpu.memory_space<hbm>>
        %dma_start3A_360 = arith.constant 0 : i32
        %dma_start3A_361 = tpu.memref_slice %arg13[%add3A_323, %dma_start3A_360] : memref<256x64xf32, #tpu.memory_space<vmem>> -> memref<1x64xf32, #tpu.memory_space<vmem>>
        %dma_start3A_362 = tpu.memref_squeeze %dma_start3A_361 : memref<1x64xf32, #tpu.memory_space<vmem>> -> memref<64xf32, #tpu.memory_space<vmem>>
        %dma_start3A_363 = arith.constant 0 : i32
        %dma_start3A_364 = tpu.memref_slice %arg2[%squeeze3A_353, %dma_start3A_363] : memref<1000000x64xf32, #tpu.memory_space<hbm>> -> memref<1x64xf32, #tpu.memory_space<hbm>>
        %dma_start3A_365 = tpu.memref_squeeze %dma_start3A_364 : memref<1x64xf32, #tpu.memory_space<hbm>> -> memref<64xf32, #tpu.memory_space<hbm>>
        tpu.enqueue_dma source(%dma_start3A_365 : memref<64xf32, #tpu.memory_space<hbm>>) target(%dma_start3A_362 : memref<64xf32, #tpu.memory_space<vmem>>) target_semaphore(%arg20 : memref<!tpu.dma_semaphore, #tpu.memory_space<semaphore_mem>>)
        %add3A_366 = arith.constant 6 : i32
        %add3A_367 = arith.addi %mul3A_96, %add3A_366 : i32
        %slice3A_368 = vector.extract_strided_slice %get3A_98 {offsets = [6], sizes = [1], strides = [1]} : vector<16xi32> to vector<1xi32>
        %squeeze3A_369 = vector.extract %slice3A_368[0] : i32 from vector<1xi32>
        %dma_start3A_370 = arith.constant 0 : i32
        %dma_start3A_371 = tpu.memref_slice %arg11[%add3A_367, %dma_start3A_370] : memref<256x64xf32, #tpu.memory_space<vmem>> -> memref<1x64xf32, #tpu.memory_space<vmem>>
        %dma_start3A_372 = tpu.memref_squeeze %dma_start3A_371 : memref<1x64xf32, #tpu.memory_space<vmem>> -> memref<64xf32, #tpu.memory_space<vmem>>
        %dma_start3A_373 = arith.constant 0 : i32
        %dma_start3A_374 = tpu.memref_slice %arg2[%squeeze3A_369, %dma_start3A_373] : memref<1000000x64xf32, #tpu.memory_space<hbm>> -> memref<1x64xf32, #tpu.memory_space<hbm>>
        %dma_start3A_375 = tpu.memref_squeeze %dma_start3A_374 : memref<1x64xf32, #tpu.memory_space<hbm>> -> memref<64xf32, #tpu.memory_space<hbm>>
        %dma_start3A_376 = arith.constant 0 : i32
        %dma_start3A_377 = tpu.memref_slice %arg11[%add3A_367, %dma_start3A_376] : memref<256x64xf32, #tpu.memory_space<vmem>> -> memref<1x64xf32, #tpu.memory_space<vmem>>
        %dma_start3A_378 = tpu.memref_squeeze %dma_start3A_377 : memref<1x64xf32, #tpu.memory_space<vmem>> -> memref<64xf32, #tpu.memory_space<vmem>>
        %dma_start3A_379 = arith.constant 0 : i32
        %dma_start3A_380 = tpu.memref_slice %arg2[%squeeze3A_369, %dma_start3A_379] : memref<1000000x64xf32, #tpu.memory_space<hbm>> -> memref<1x64xf32, #tpu.memory_space<hbm>>
        %dma_start3A_381 = tpu.memref_squeeze %dma_start3A_380 : memref<1x64xf32, #tpu.memory_space<hbm>> -> memref<64xf32, #tpu.memory_space<hbm>>
        tpu.enqueue_dma source(%dma_start3A_381 : memref<64xf32, #tpu.memory_space<hbm>>) target(%dma_start3A_378 : memref<64xf32, #tpu.memory_space<vmem>>) target_semaphore(%arg15 : memref<!tpu.dma_semaphore, #tpu.memory_space<semaphore_mem>>)
        %slice3A_382 = vector.extract_strided_slice %get3A_101 {offsets = [6], sizes = [1], strides = [1]} : vector<16xi32> to vector<1xi32>
        %squeeze3A_383 = vector.extract %slice3A_382[0] : i32 from vector<1xi32>
        %dma_start3A_384 = arith.constant 0 : i32
        %dma_start3A_385 = tpu.memref_slice %arg12[%add3A_367, %dma_start3A_384] : memref<256x64xf32, #tpu.memory_space<vmem>> -> memref<1x64xf32, #tpu.memory_space<vmem>>
        %dma_start3A_386 = tpu.memref_squeeze %dma_start3A_385 : memref<1x64xf32, #tpu.memory_space<vmem>> -> memref<64xf32, #tpu.memory_space<vmem>>
        %dma_start3A_387 = arith.constant 0 : i32
        %dma_start3A_388 = tpu.memref_slice %arg3[%squeeze3A_383, %dma_start3A_387] : memref<1000x64xf32, #tpu.memory_space<hbm>> -> memref<1x64xf32, #tpu.memory_space<hbm>>
        %dma_start3A_389 = tpu.memref_squeeze %dma_start3A_388 : memref<1x64xf32, #tpu.memory_space<hbm>> -> memref<64xf32, #tpu.memory_space<hbm>>
        %dma_start3A_390 = arith.constant 0 : i32
        %dma_start3A_391 = tpu.memref_slice %arg12[%add3A_367, %dma_start3A_390] : memref<256x64xf32, #tpu.memory_space<vmem>> -> memref<1x64xf32, #tpu.memory_space<vmem>>
        %dma_start3A_392 = tpu.memref_squeeze %dma_start3A_391 : memref<1x64xf32, #tpu.memory_space<vmem>> -> memref<64xf32, #tpu.memory_space<vmem>>
        %dma_start3A_393 = arith.constant 0 : i32
        %dma_start3A_394 = tpu.memref_slice %arg3[%squeeze3A_383, %dma_start3A_393] : memref<1000x64xf32, #tpu.memory_space<hbm>> -> memref<1x64xf32, #tpu.memory_space<hbm>>
        %dma_start3A_395 = tpu.memref_squeeze %dma_start3A_394 : memref<1x64xf32, #tpu.memory_space<hbm>> -> memref<64xf32, #tpu.memory_space<hbm>>
        tpu.enqueue_dma source(%dma_start3A_395 : memref<64xf32, #tpu.memory_space<hbm>>) target(%dma_start3A_392 : memref<64xf32, #tpu.memory_space<vmem>>) target_semaphore(%arg17 : memref<!tpu.dma_semaphore, #tpu.memory_space<semaphore_mem>>)
        %slice3A_396 = vector.extract_strided_slice %get3A_104 {offsets = [6], sizes = [1], strides = [1]} : vector<16xi32> to vector<1xi32>
        %squeeze3A_397 = vector.extract %slice3A_396[0] : i32 from vector<1xi32>
        %dma_start3A_398 = arith.constant 0 : i32
        %dma_start3A_399 = tpu.memref_slice %arg13[%add3A_367, %dma_start3A_398] : memref<256x64xf32, #tpu.memory_space<vmem>> -> memref<1x64xf32, #tpu.memory_space<vmem>>
        %dma_start3A_400 = tpu.memref_squeeze %dma_start3A_399 : memref<1x64xf32, #tpu.memory_space<vmem>> -> memref<64xf32, #tpu.memory_space<vmem>>
        %dma_start3A_401 = arith.constant 0 : i32
        %dma_start3A_402 = tpu.memref_slice %arg2[%squeeze3A_397, %dma_start3A_401] : memref<1000000x64xf32, #tpu.memory_space<hbm>> -> memref<1x64xf32, #tpu.memory_space<hbm>>
        %dma_start3A_403 = tpu.memref_squeeze %dma_start3A_402 : memref<1x64xf32, #tpu.memory_space<hbm>> -> memref<64xf32, #tpu.memory_space<hbm>>
        %dma_start3A_404 = arith.constant 0 : i32
        %dma_start3A_405 = tpu.memref_slice %arg13[%add3A_367, %dma_start3A_404] : memref<256x64xf32, #tpu.memory_space<vmem>> -> memref<1x64xf32, #tpu.memory_space<vmem>>
        %dma_start3A_406 = tpu.memref_squeeze %dma_start3A_405 : memref<1x64xf32, #tpu.memory_space<vmem>> -> memref<64xf32, #tpu.memory_space<vmem>>
        %dma_start3A_407 = arith.constant 0 : i32
        %dma_start3A_408 = tpu.memref_slice %arg2[%squeeze3A_397, %dma_start3A_407] : memref<1000000x64xf32, #tpu.memory_space<hbm>> -> memref<1x64xf32, #tpu.memory_space<hbm>>
        %dma_start3A_409 = tpu.memref_squeeze %dma_start3A_408 : memref<1x64xf32, #tpu.memory_space<hbm>> -> memref<64xf32, #tpu.memory_space<hbm>>
        tpu.enqueue_dma source(%dma_start3A_409 : memref<64xf32, #tpu.memory_space<hbm>>) target(%dma_start3A_406 : memref<64xf32, #tpu.memory_space<vmem>>) target_semaphore(%arg19 : memref<!tpu.dma_semaphore, #tpu.memory_space<semaphore_mem>>)
        %add3A_410 = arith.constant 7 : i32
        %add3A_411 = arith.addi %mul3A_96, %add3A_410 : i32
        %slice3A_412 = vector.extract_strided_slice %get3A_98 {offsets = [7], sizes = [1], strides = [1]} : vector<16xi32> to vector<1xi32>
        %squeeze3A_413 = vector.extract %slice3A_412[0] : i32 from vector<1xi32>
        %dma_start3A_414 = arith.constant 0 : i32
        %dma_start3A_415 = tpu.memref_slice %arg11[%add3A_411, %dma_start3A_414] : memref<256x64xf32, #tpu.memory_space<vmem>> -> memref<1x64xf32, #tpu.memory_space<vmem>>
        %dma_start3A_416 = tpu.memref_squeeze %dma_start3A_415 : memref<1x64xf32, #tpu.memory_space<vmem>> -> memref<64xf32, #tpu.memory_space<vmem>>
        %dma_start3A_417 = arith.constant 0 : i32
        %dma_start3A_418 = tpu.memref_slice %arg2[%squeeze3A_413, %dma_start3A_417] : memref<1000000x64xf32, #tpu.memory_space<hbm>> -> memref<1x64xf32, #tpu.memory_space<hbm>>
        %dma_start3A_419 = tpu.memref_squeeze %dma_start3A_418 : memref<1x64xf32, #tpu.memory_space<hbm>> -> memref<64xf32, #tpu.memory_space<hbm>>
        %dma_start3A_420 = arith.constant 0 : i32
        %dma_start3A_421 = tpu.memref_slice %arg11[%add3A_411, %dma_start3A_420] : memref<256x64xf32, #tpu.memory_space<vmem>> -> memref<1x64xf32, #tpu.memory_space<vmem>>
        %dma_start3A_422 = tpu.memref_squeeze %dma_start3A_421 : memref<1x64xf32, #tpu.memory_space<vmem>> -> memref<64xf32, #tpu.memory_space<vmem>>
        %dma_start3A_423 = arith.constant 0 : i32
        %dma_start3A_424 = tpu.memref_slice %arg2[%squeeze3A_413, %dma_start3A_423] : memref<1000000x64xf32, #tpu.memory_space<hbm>> -> memref<1x64xf32, #tpu.memory_space<hbm>>
        %dma_start3A_425 = tpu.memref_squeeze %dma_start3A_424 : memref<1x64xf32, #tpu.memory_space<hbm>> -> memref<64xf32, #tpu.memory_space<hbm>>
        tpu.enqueue_dma source(%dma_start3A_425 : memref<64xf32, #tpu.memory_space<hbm>>) target(%dma_start3A_422 : memref<64xf32, #tpu.memory_space<vmem>>) target_semaphore(%arg16 : memref<!tpu.dma_semaphore, #tpu.memory_space<semaphore_mem>>)
        %slice3A_426 = vector.extract_strided_slice %get3A_101 {offsets = [7], sizes = [1], strides = [1]} : vector<16xi32> to vector<1xi32>
        %squeeze3A_427 = vector.extract %slice3A_426[0] : i32 from vector<1xi32>
        %dma_start3A_428 = arith.constant 0 : i32
        %dma_start3A_429 = tpu.memref_slice %arg12[%add3A_411, %dma_start3A_428] : memref<256x64xf32, #tpu.memory_space<vmem>> -> memref<1x64xf32, #tpu.memory_space<vmem>>
        %dma_start3A_430 = tpu.memref_squeeze %dma_start3A_429 : memref<1x64xf32, #tpu.memory_space<vmem>> -> memref<64xf32, #tpu.memory_space<vmem>>
        %dma_start3A_431 = arith.constant 0 : i32
        %dma_start3A_432 = tpu.memref_slice %arg3[%squeeze3A_427, %dma_start3A_431] : memref<1000x64xf32, #tpu.memory_space<hbm>> -> memref<1x64xf32, #tpu.memory_space<hbm>>
        %dma_start3A_433 = tpu.memref_squeeze %dma_start3A_432 : memref<1x64xf32, #tpu.memory_space<hbm>> -> memref<64xf32, #tpu.memory_space<hbm>>
        %dma_start3A_434 = arith.constant 0 : i32
        %dma_start3A_435 = tpu.memref_slice %arg12[%add3A_411, %dma_start3A_434] : memref<256x64xf32, #tpu.memory_space<vmem>> -> memref<1x64xf32, #tpu.memory_space<vmem>>
        %dma_start3A_436 = tpu.memref_squeeze %dma_start3A_435 : memref<1x64xf32, #tpu.memory_space<vmem>> -> memref<64xf32, #tpu.memory_space<vmem>>
        %dma_start3A_437 = arith.constant 0 : i32
        %dma_start3A_438 = tpu.memref_slice %arg3[%squeeze3A_427, %dma_start3A_437] : memref<1000x64xf32, #tpu.memory_space<hbm>> -> memref<1x64xf32, #tpu.memory_space<hbm>>
        %dma_start3A_439 = tpu.memref_squeeze %dma_start3A_438 : memref<1x64xf32, #tpu.memory_space<hbm>> -> memref<64xf32, #tpu.memory_space<hbm>>
        tpu.enqueue_dma source(%dma_start3A_439 : memref<64xf32, #tpu.memory_space<hbm>>) target(%dma_start3A_436 : memref<64xf32, #tpu.memory_space<vmem>>) target_semaphore(%arg18 : memref<!tpu.dma_semaphore, #tpu.memory_space<semaphore_mem>>)
        %slice3A_440 = vector.extract_strided_slice %get3A_104 {offsets = [7], sizes = [1], strides = [1]} : vector<16xi32> to vector<1xi32>
        %squeeze3A_441 = vector.extract %slice3A_440[0] : i32 from vector<1xi32>
        %dma_start3A_442 = arith.constant 0 : i32
        %dma_start3A_443 = tpu.memref_slice %arg13[%add3A_411, %dma_start3A_442] : memref<256x64xf32, #tpu.memory_space<vmem>> -> memref<1x64xf32, #tpu.memory_space<vmem>>
        %dma_start3A_444 = tpu.memref_squeeze %dma_start3A_443 : memref<1x64xf32, #tpu.memory_space<vmem>> -> memref<64xf32, #tpu.memory_space<vmem>>
        %dma_start3A_445 = arith.constant 0 : i32
        %dma_start3A_446 = tpu.memref_slice %arg2[%squeeze3A_441, %dma_start3A_445] : memref<1000000x64xf32, #tpu.memory_space<hbm>> -> memref<1x64xf32, #tpu.memory_space<hbm>>
        %dma_start3A_447 = tpu.memref_squeeze %dma_start3A_446 : memref<1x64xf32, #tpu.memory_space<hbm>> -> memref<64xf32, #tpu.memory_space<hbm>>
        %dma_start3A_448 = arith.constant 0 : i32
        %dma_start3A_449 = tpu.memref_slice %arg13[%add3A_411, %dma_start3A_448] : memref<256x64xf32, #tpu.memory_space<vmem>> -> memref<1x64xf32, #tpu.memory_space<vmem>>
        %dma_start3A_450 = tpu.memref_squeeze %dma_start3A_449 : memref<1x64xf32, #tpu.memory_space<vmem>> -> memref<64xf32, #tpu.memory_space<vmem>>
        %dma_start3A_451 = arith.constant 0 : i32
        %dma_start3A_452 = tpu.memref_slice %arg2[%squeeze3A_441, %dma_start3A_451] : memref<1000000x64xf32, #tpu.memory_space<hbm>> -> memref<1x64xf32, #tpu.memory_space<hbm>>
        %dma_start3A_453 = tpu.memref_squeeze %dma_start3A_452 : memref<1x64xf32, #tpu.memory_space<hbm>> -> memref<64xf32, #tpu.memory_space<hbm>>
        tpu.enqueue_dma source(%dma_start3A_453 : memref<64xf32, #tpu.memory_space<hbm>>) target(%dma_start3A_450 : memref<64xf32, #tpu.memory_space<vmem>>) target_semaphore(%arg20 : memref<!tpu.dma_semaphore, #tpu.memory_space<semaphore_mem>>)
        %add3A_454 = arith.constant 8 : i32
        %add3A_455 = arith.addi %mul3A_96, %add3A_454 : i32
        %slice3A_456 = vector.extract_strided_slice %get3A_98 {offsets = [8], sizes = [1], strides = [1]} : vector<16xi32> to vector<1xi32>
        %squeeze3A_457 = vector.extract %slice3A_456[0] : i32 from vector<1xi32>
        %dma_start3A_458 = arith.constant 0 : i32
        %dma_start3A_459 = tpu.memref_slice %arg11[%add3A_455, %dma_start3A_458] : memref<256x64xf32, #tpu.memory_space<vmem>> -> memref<1x64xf32, #tpu.memory_space<vmem>>
        %dma_start3A_460 = tpu.memref_squeeze %dma_start3A_459 : memref<1x64xf32, #tpu.memory_space<vmem>> -> memref<64xf32, #tpu.memory_space<vmem>>
        %dma_start3A_461 = arith.constant 0 : i32
        %dma_start3A_462 = tpu.memref_slice %arg2[%squeeze3A_457, %dma_start3A_461] : memref<1000000x64xf32, #tpu.memory_space<hbm>> -> memref<1x64xf32, #tpu.memory_space<hbm>>
        %dma_start3A_463 = tpu.memref_squeeze %dma_start3A_462 : memref<1x64xf32, #tpu.memory_space<hbm>> -> memref<64xf32, #tpu.memory_space<hbm>>
        %dma_start3A_464 = arith.constant 0 : i32
        %dma_start3A_465 = tpu.memref_slice %arg11[%add3A_455, %dma_start3A_464] : memref<256x64xf32, #tpu.memory_space<vmem>> -> memref<1x64xf32, #tpu.memory_space<vmem>>
        %dma_start3A_466 = tpu.memref_squeeze %dma_start3A_465 : memref<1x64xf32, #tpu.memory_space<vmem>> -> memref<64xf32, #tpu.memory_space<vmem>>
        %dma_start3A_467 = arith.constant 0 : i32
        %dma_start3A_468 = tpu.memref_slice %arg2[%squeeze3A_457, %dma_start3A_467] : memref<1000000x64xf32, #tpu.memory_space<hbm>> -> memref<1x64xf32, #tpu.memory_space<hbm>>
        %dma_start3A_469 = tpu.memref_squeeze %dma_start3A_468 : memref<1x64xf32, #tpu.memory_space<hbm>> -> memref<64xf32, #tpu.memory_space<hbm>>
        tpu.enqueue_dma source(%dma_start3A_469 : memref<64xf32, #tpu.memory_space<hbm>>) target(%dma_start3A_466 : memref<64xf32, #tpu.memory_space<vmem>>) target_semaphore(%arg15 : memref<!tpu.dma_semaphore, #tpu.memory_space<semaphore_mem>>)
        %slice3A_470 = vector.extract_strided_slice %get3A_101 {offsets = [8], sizes = [1], strides = [1]} : vector<16xi32> to vector<1xi32>
        %squeeze3A_471 = vector.extract %slice3A_470[0] : i32 from vector<1xi32>
        %dma_start3A_472 = arith.constant 0 : i32
        %dma_start3A_473 = tpu.memref_slice %arg12[%add3A_455, %dma_start3A_472] : memref<256x64xf32, #tpu.memory_space<vmem>> -> memref<1x64xf32, #tpu.memory_space<vmem>>
        %dma_start3A_474 = tpu.memref_squeeze %dma_start3A_473 : memref<1x64xf32, #tpu.memory_space<vmem>> -> memref<64xf32, #tpu.memory_space<vmem>>
        %dma_start3A_475 = arith.constant 0 : i32
        %dma_start3A_476 = tpu.memref_slice %arg3[%squeeze3A_471, %dma_start3A_475] : memref<1000x64xf32, #tpu.memory_space<hbm>> -> memref<1x64xf32, #tpu.memory_space<hbm>>
        %dma_start3A_477 = tpu.memref_squeeze %dma_start3A_476 : memref<1x64xf32, #tpu.memory_space<hbm>> -> memref<64xf32, #tpu.memory_space<hbm>>
        %dma_start3A_478 = arith.constant 0 : i32
        %dma_start3A_479 = tpu.memref_slice %arg12[%add3A_455, %dma_start3A_478] : memref<256x64xf32, #tpu.memory_space<vmem>> -> memref<1x64xf32, #tpu.memory_space<vmem>>
        %dma_start3A_480 = tpu.memref_squeeze %dma_start3A_479 : memref<1x64xf32, #tpu.memory_space<vmem>> -> memref<64xf32, #tpu.memory_space<vmem>>
        %dma_start3A_481 = arith.constant 0 : i32
        %dma_start3A_482 = tpu.memref_slice %arg3[%squeeze3A_471, %dma_start3A_481] : memref<1000x64xf32, #tpu.memory_space<hbm>> -> memref<1x64xf32, #tpu.memory_space<hbm>>
        %dma_start3A_483 = tpu.memref_squeeze %dma_start3A_482 : memref<1x64xf32, #tpu.memory_space<hbm>> -> memref<64xf32, #tpu.memory_space<hbm>>
        tpu.enqueue_dma source(%dma_start3A_483 : memref<64xf32, #tpu.memory_space<hbm>>) target(%dma_start3A_480 : memref<64xf32, #tpu.memory_space<vmem>>) target_semaphore(%arg17 : memref<!tpu.dma_semaphore, #tpu.memory_space<semaphore_mem>>)
        %slice3A_484 = vector.extract_strided_slice %get3A_104 {offsets = [8], sizes = [1], strides = [1]} : vector<16xi32> to vector<1xi32>
        %squeeze3A_485 = vector.extract %slice3A_484[0] : i32 from vector<1xi32>
        %dma_start3A_486 = arith.constant 0 : i32
        %dma_start3A_487 = tpu.memref_slice %arg13[%add3A_455, %dma_start3A_486] : memref<256x64xf32, #tpu.memory_space<vmem>> -> memref<1x64xf32, #tpu.memory_space<vmem>>
        %dma_start3A_488 = tpu.memref_squeeze %dma_start3A_487 : memref<1x64xf32, #tpu.memory_space<vmem>> -> memref<64xf32, #tpu.memory_space<vmem>>
        %dma_start3A_489 = arith.constant 0 : i32
        %dma_start3A_490 = tpu.memref_slice %arg2[%squeeze3A_485, %dma_start3A_489] : memref<1000000x64xf32, #tpu.memory_space<hbm>> -> memref<1x64xf32, #tpu.memory_space<hbm>>
        %dma_start3A_491 = tpu.memref_squeeze %dma_start3A_490 : memref<1x64xf32, #tpu.memory_space<hbm>> -> memref<64xf32, #tpu.memory_space<hbm>>
        %dma_start3A_492 = arith.constant 0 : i32
        %dma_start3A_493 = tpu.memref_slice %arg13[%add3A_455, %dma_start3A_492] : memref<256x64xf32, #tpu.memory_space<vmem>> -> memref<1x64xf32, #tpu.memory_space<vmem>>
        %dma_start3A_494 = tpu.memref_squeeze %dma_start3A_493 : memref<1x64xf32, #tpu.memory_space<vmem>> -> memref<64xf32, #tpu.memory_space<vmem>>
        %dma_start3A_495 = arith.constant 0 : i32
        %dma_start3A_496 = tpu.memref_slice %arg2[%squeeze3A_485, %dma_start3A_495] : memref<1000000x64xf32, #tpu.memory_space<hbm>> -> memref<1x64xf32, #tpu.memory_space<hbm>>
        %dma_start3A_497 = tpu.memref_squeeze %dma_start3A_496 : memref<1x64xf32, #tpu.memory_space<hbm>> -> memref<64xf32, #tpu.memory_space<hbm>>
        tpu.enqueue_dma source(%dma_start3A_497 : memref<64xf32, #tpu.memory_space<hbm>>) target(%dma_start3A_494 : memref<64xf32, #tpu.memory_space<vmem>>) target_semaphore(%arg19 : memref<!tpu.dma_semaphore, #tpu.memory_space<semaphore_mem>>)
        %add3A_498 = arith.constant 9 : i32
        %add3A_499 = arith.addi %mul3A_96, %add3A_498 : i32
        %slice3A_500 = vector.extract_strided_slice %get3A_98 {offsets = [9], sizes = [1], strides = [1]} : vector<16xi32> to vector<1xi32>
        %squeeze3A_501 = vector.extract %slice3A_500[0] : i32 from vector<1xi32>
        %dma_start3A_502 = arith.constant 0 : i32
        %dma_start3A_503 = tpu.memref_slice %arg11[%add3A_499, %dma_start3A_502] : memref<256x64xf32, #tpu.memory_space<vmem>> -> memref<1x64xf32, #tpu.memory_space<vmem>>
        %dma_start3A_504 = tpu.memref_squeeze %dma_start3A_503 : memref<1x64xf32, #tpu.memory_space<vmem>> -> memref<64xf32, #tpu.memory_space<vmem>>
        %dma_start3A_505 = arith.constant 0 : i32
        %dma_start3A_506 = tpu.memref_slice %arg2[%squeeze3A_501, %dma_start3A_505] : memref<1000000x64xf32, #tpu.memory_space<hbm>> -> memref<1x64xf32, #tpu.memory_space<hbm>>
        %dma_start3A_507 = tpu.memref_squeeze %dma_start3A_506 : memref<1x64xf32, #tpu.memory_space<hbm>> -> memref<64xf32, #tpu.memory_space<hbm>>
        %dma_start3A_508 = arith.constant 0 : i32
        %dma_start3A_509 = tpu.memref_slice %arg11[%add3A_499, %dma_start3A_508] : memref<256x64xf32, #tpu.memory_space<vmem>> -> memref<1x64xf32, #tpu.memory_space<vmem>>
        %dma_start3A_510 = tpu.memref_squeeze %dma_start3A_509 : memref<1x64xf32, #tpu.memory_space<vmem>> -> memref<64xf32, #tpu.memory_space<vmem>>
        %dma_start3A_511 = arith.constant 0 : i32
        %dma_start3A_512 = tpu.memref_slice %arg2[%squeeze3A_501, %dma_start3A_511] : memref<1000000x64xf32, #tpu.memory_space<hbm>> -> memref<1x64xf32, #tpu.memory_space<hbm>>
        %dma_start3A_513 = tpu.memref_squeeze %dma_start3A_512 : memref<1x64xf32, #tpu.memory_space<hbm>> -> memref<64xf32, #tpu.memory_space<hbm>>
        tpu.enqueue_dma source(%dma_start3A_513 : memref<64xf32, #tpu.memory_space<hbm>>) target(%dma_start3A_510 : memref<64xf32, #tpu.memory_space<vmem>>) target_semaphore(%arg16 : memref<!tpu.dma_semaphore, #tpu.memory_space<semaphore_mem>>)
        %slice3A_514 = vector.extract_strided_slice %get3A_101 {offsets = [9], sizes = [1], strides = [1]} : vector<16xi32> to vector<1xi32>
        %squeeze3A_515 = vector.extract %slice3A_514[0] : i32 from vector<1xi32>
        %dma_start3A_516 = arith.constant 0 : i32
        %dma_start3A_517 = tpu.memref_slice %arg12[%add3A_499, %dma_start3A_516] : memref<256x64xf32, #tpu.memory_space<vmem>> -> memref<1x64xf32, #tpu.memory_space<vmem>>
        %dma_start3A_518 = tpu.memref_squeeze %dma_start3A_517 : memref<1x64xf32, #tpu.memory_space<vmem>> -> memref<64xf32, #tpu.memory_space<vmem>>
        %dma_start3A_519 = arith.constant 0 : i32
        %dma_start3A_520 = tpu.memref_slice %arg3[%squeeze3A_515, %dma_start3A_519] : memref<1000x64xf32, #tpu.memory_space<hbm>> -> memref<1x64xf32, #tpu.memory_space<hbm>>
        %dma_start3A_521 = tpu.memref_squeeze %dma_start3A_520 : memref<1x64xf32, #tpu.memory_space<hbm>> -> memref<64xf32, #tpu.memory_space<hbm>>
        %dma_start3A_522 = arith.constant 0 : i32
        %dma_start3A_523 = tpu.memref_slice %arg12[%add3A_499, %dma_start3A_522] : memref<256x64xf32, #tpu.memory_space<vmem>> -> memref<1x64xf32, #tpu.memory_space<vmem>>
        %dma_start3A_524 = tpu.memref_squeeze %dma_start3A_523 : memref<1x64xf32, #tpu.memory_space<vmem>> -> memref<64xf32, #tpu.memory_space<vmem>>
        %dma_start3A_525 = arith.constant 0 : i32
        %dma_start3A_526 = tpu.memref_slice %arg3[%squeeze3A_515, %dma_start3A_525] : memref<1000x64xf32, #tpu.memory_space<hbm>> -> memref<1x64xf32, #tpu.memory_space<hbm>>
        %dma_start3A_527 = tpu.memref_squeeze %dma_start3A_526 : memref<1x64xf32, #tpu.memory_space<hbm>> -> memref<64xf32, #tpu.memory_space<hbm>>
        tpu.enqueue_dma source(%dma_start3A_527 : memref<64xf32, #tpu.memory_space<hbm>>) target(%dma_start3A_524 : memref<64xf32, #tpu.memory_space<vmem>>) target_semaphore(%arg18 : memref<!tpu.dma_semaphore, #tpu.memory_space<semaphore_mem>>)
        %slice3A_528 = vector.extract_strided_slice %get3A_104 {offsets = [9], sizes = [1], strides = [1]} : vector<16xi32> to vector<1xi32>
        %squeeze3A_529 = vector.extract %slice3A_528[0] : i32 from vector<1xi32>
        %dma_start3A_530 = arith.constant 0 : i32
        %dma_start3A_531 = tpu.memref_slice %arg13[%add3A_499, %dma_start3A_530] : memref<256x64xf32, #tpu.memory_space<vmem>> -> memref<1x64xf32, #tpu.memory_space<vmem>>
        %dma_start3A_532 = tpu.memref_squeeze %dma_start3A_531 : memref<1x64xf32, #tpu.memory_space<vmem>> -> memref<64xf32, #tpu.memory_space<vmem>>
        %dma_start3A_533 = arith.constant 0 : i32
        %dma_start3A_534 = tpu.memref_slice %arg2[%squeeze3A_529, %dma_start3A_533] : memref<1000000x64xf32, #tpu.memory_space<hbm>> -> memref<1x64xf32, #tpu.memory_space<hbm>>
        %dma_start3A_535 = tpu.memref_squeeze %dma_start3A_534 : memref<1x64xf32, #tpu.memory_space<hbm>> -> memref<64xf32, #tpu.memory_space<hbm>>
        %dma_start3A_536 = arith.constant 0 : i32
        %dma_start3A_537 = tpu.memref_slice %arg13[%add3A_499, %dma_start3A_536] : memref<256x64xf32, #tpu.memory_space<vmem>> -> memref<1x64xf32, #tpu.memory_space<vmem>>
        %dma_start3A_538 = tpu.memref_squeeze %dma_start3A_537 : memref<1x64xf32, #tpu.memory_space<vmem>> -> memref<64xf32, #tpu.memory_space<vmem>>
        %dma_start3A_539 = arith.constant 0 : i32
        %dma_start3A_540 = tpu.memref_slice %arg2[%squeeze3A_529, %dma_start3A_539] : memref<1000000x64xf32, #tpu.memory_space<hbm>> -> memref<1x64xf32, #tpu.memory_space<hbm>>
        %dma_start3A_541 = tpu.memref_squeeze %dma_start3A_540 : memref<1x64xf32, #tpu.memory_space<hbm>> -> memref<64xf32, #tpu.memory_space<hbm>>
        tpu.enqueue_dma source(%dma_start3A_541 : memref<64xf32, #tpu.memory_space<hbm>>) target(%dma_start3A_538 : memref<64xf32, #tpu.memory_space<vmem>>) target_semaphore(%arg20 : memref<!tpu.dma_semaphore, #tpu.memory_space<semaphore_mem>>)
        %add3A_542 = arith.constant 10 : i32
        %add3A_543 = arith.addi %mul3A_96, %add3A_542 : i32
        %slice3A_544 = vector.extract_strided_slice %get3A_98 {offsets = [10], sizes = [1], strides = [1]} : vector<16xi32> to vector<1xi32>
        %squeeze3A_545 = vector.extract %slice3A_544[0] : i32 from vector<1xi32>
        %dma_start3A_546 = arith.constant 0 : i32
        %dma_start3A_547 = tpu.memref_slice %arg11[%add3A_543, %dma_start3A_546] : memref<256x64xf32, #tpu.memory_space<vmem>> -> memref<1x64xf32, #tpu.memory_space<vmem>>
        %dma_start3A_548 = tpu.memref_squeeze %dma_start3A_547 : memref<1x64xf32, #tpu.memory_space<vmem>> -> memref<64xf32, #tpu.memory_space<vmem>>
        %dma_start3A_549 = arith.constant 0 : i32
        %dma_start3A_550 = tpu.memref_slice %arg2[%squeeze3A_545, %dma_start3A_549] : memref<1000000x64xf32, #tpu.memory_space<hbm>> -> memref<1x64xf32, #tpu.memory_space<hbm>>
        %dma_start3A_551 = tpu.memref_squeeze %dma_start3A_550 : memref<1x64xf32, #tpu.memory_space<hbm>> -> memref<64xf32, #tpu.memory_space<hbm>>
        %dma_start3A_552 = arith.constant 0 : i32
        %dma_start3A_553 = tpu.memref_slice %arg11[%add3A_543, %dma_start3A_552] : memref<256x64xf32, #tpu.memory_space<vmem>> -> memref<1x64xf32, #tpu.memory_space<vmem>>
        %dma_start3A_554 = tpu.memref_squeeze %dma_start3A_553 : memref<1x64xf32, #tpu.memory_space<vmem>> -> memref<64xf32, #tpu.memory_space<vmem>>
        %dma_start3A_555 = arith.constant 0 : i32
        %dma_start3A_556 = tpu.memref_slice %arg2[%squeeze3A_545, %dma_start3A_555] : memref<1000000x64xf32, #tpu.memory_space<hbm>> -> memref<1x64xf32, #tpu.memory_space<hbm>>
        %dma_start3A_557 = tpu.memref_squeeze %dma_start3A_556 : memref<1x64xf32, #tpu.memory_space<hbm>> -> memref<64xf32, #tpu.memory_space<hbm>>
        tpu.enqueue_dma source(%dma_start3A_557 : memref<64xf32, #tpu.memory_space<hbm>>) target(%dma_start3A_554 : memref<64xf32, #tpu.memory_space<vmem>>) target_semaphore(%arg15 : memref<!tpu.dma_semaphore, #tpu.memory_space<semaphore_mem>>)
        %slice3A_558 = vector.extract_strided_slice %get3A_101 {offsets = [10], sizes = [1], strides = [1]} : vector<16xi32> to vector<1xi32>
        %squeeze3A_559 = vector.extract %slice3A_558[0] : i32 from vector<1xi32>
        %dma_start3A_560 = arith.constant 0 : i32
        %dma_start3A_561 = tpu.memref_slice %arg12[%add3A_543, %dma_start3A_560] : memref<256x64xf32, #tpu.memory_space<vmem>> -> memref<1x64xf32, #tpu.memory_space<vmem>>
        %dma_start3A_562 = tpu.memref_squeeze %dma_start3A_561 : memref<1x64xf32, #tpu.memory_space<vmem>> -> memref<64xf32, #tpu.memory_space<vmem>>
        %dma_start3A_563 = arith.constant 0 : i32
        %dma_start3A_564 = tpu.memref_slice %arg3[%squeeze3A_559, %dma_start3A_563] : memref<1000x64xf32, #tpu.memory_space<hbm>> -> memref<1x64xf32, #tpu.memory_space<hbm>>
        %dma_start3A_565 = tpu.memref_squeeze %dma_start3A_564 : memref<1x64xf32, #tpu.memory_space<hbm>> -> memref<64xf32, #tpu.memory_space<hbm>>
        %dma_start3A_566 = arith.constant 0 : i32
        %dma_start3A_567 = tpu.memref_slice %arg12[%add3A_543, %dma_start3A_566] : memref<256x64xf32, #tpu.memory_space<vmem>> -> memref<1x64xf32, #tpu.memory_space<vmem>>
        %dma_start3A_568 = tpu.memref_squeeze %dma_start3A_567 : memref<1x64xf32, #tpu.memory_space<vmem>> -> memref<64xf32, #tpu.memory_space<vmem>>
        %dma_start3A_569 = arith.constant 0 : i32
        %dma_start3A_570 = tpu.memref_slice %arg3[%squeeze3A_559, %dma_start3A_569] : memref<1000x64xf32, #tpu.memory_space<hbm>> -> memref<1x64xf32, #tpu.memory_space<hbm>>
        %dma_start3A_571 = tpu.memref_squeeze %dma_start3A_570 : memref<1x64xf32, #tpu.memory_space<hbm>> -> memref<64xf32, #tpu.memory_space<hbm>>
        tpu.enqueue_dma source(%dma_start3A_571 : memref<64xf32, #tpu.memory_space<hbm>>) target(%dma_start3A_568 : memref<64xf32, #tpu.memory_space<vmem>>) target_semaphore(%arg17 : memref<!tpu.dma_semaphore, #tpu.memory_space<semaphore_mem>>)
        %slice3A_572 = vector.extract_strided_slice %get3A_104 {offsets = [10], sizes = [1], strides = [1]} : vector<16xi32> to vector<1xi32>
        %squeeze3A_573 = vector.extract %slice3A_572[0] : i32 from vector<1xi32>
        %dma_start3A_574 = arith.constant 0 : i32
        %dma_start3A_575 = tpu.memref_slice %arg13[%add3A_543, %dma_start3A_574] : memref<256x64xf32, #tpu.memory_space<vmem>> -> memref<1x64xf32, #tpu.memory_space<vmem>>
        %dma_start3A_576 = tpu.memref_squeeze %dma_start3A_575 : memref<1x64xf32, #tpu.memory_space<vmem>> -> memref<64xf32, #tpu.memory_space<vmem>>
        %dma_start3A_577 = arith.constant 0 : i32
        %dma_start3A_578 = tpu.memref_slice %arg2[%squeeze3A_573, %dma_start3A_577] : memref<1000000x64xf32, #tpu.memory_space<hbm>> -> memref<1x64xf32, #tpu.memory_space<hbm>>
        %dma_start3A_579 = tpu.memref_squeeze %dma_start3A_578 : memref<1x64xf32, #tpu.memory_space<hbm>> -> memref<64xf32, #tpu.memory_space<hbm>>
        %dma_start3A_580 = arith.constant 0 : i32
        %dma_start3A_581 = tpu.memref_slice %arg13[%add3A_543, %dma_start3A_580] : memref<256x64xf32, #tpu.memory_space<vmem>> -> memref<1x64xf32, #tpu.memory_space<vmem>>
        %dma_start3A_582 = tpu.memref_squeeze %dma_start3A_581 : memref<1x64xf32, #tpu.memory_space<vmem>> -> memref<64xf32, #tpu.memory_space<vmem>>
        %dma_start3A_583 = arith.constant 0 : i32
        %dma_start3A_584 = tpu.memref_slice %arg2[%squeeze3A_573, %dma_start3A_583] : memref<1000000x64xf32, #tpu.memory_space<hbm>> -> memref<1x64xf32, #tpu.memory_space<hbm>>
        %dma_start3A_585 = tpu.memref_squeeze %dma_start3A_584 : memref<1x64xf32, #tpu.memory_space<hbm>> -> memref<64xf32, #tpu.memory_space<hbm>>
        tpu.enqueue_dma source(%dma_start3A_585 : memref<64xf32, #tpu.memory_space<hbm>>) target(%dma_start3A_582 : memref<64xf32, #tpu.memory_space<vmem>>) target_semaphore(%arg19 : memref<!tpu.dma_semaphore, #tpu.memory_space<semaphore_mem>>)
        %add3A_586 = arith.constant 11 : i32
        %add3A_587 = arith.addi %mul3A_96, %add3A_586 : i32
        %slice3A_588 = vector.extract_strided_slice %get3A_98 {offsets = [11], sizes = [1], strides = [1]} : vector<16xi32> to vector<1xi32>
        %squeeze3A_589 = vector.extract %slice3A_588[0] : i32 from vector<1xi32>
        %dma_start3A_590 = arith.constant 0 : i32
        %dma_start3A_591 = tpu.memref_slice %arg11[%add3A_587, %dma_start3A_590] : memref<256x64xf32, #tpu.memory_space<vmem>> -> memref<1x64xf32, #tpu.memory_space<vmem>>
        %dma_start3A_592 = tpu.memref_squeeze %dma_start3A_591 : memref<1x64xf32, #tpu.memory_space<vmem>> -> memref<64xf32, #tpu.memory_space<vmem>>
        %dma_start3A_593 = arith.constant 0 : i32
        %dma_start3A_594 = tpu.memref_slice %arg2[%squeeze3A_589, %dma_start3A_593] : memref<1000000x64xf32, #tpu.memory_space<hbm>> -> memref<1x64xf32, #tpu.memory_space<hbm>>
        %dma_start3A_595 = tpu.memref_squeeze %dma_start3A_594 : memref<1x64xf32, #tpu.memory_space<hbm>> -> memref<64xf32, #tpu.memory_space<hbm>>
        %dma_start3A_596 = arith.constant 0 : i32
        %dma_start3A_597 = tpu.memref_slice %arg11[%add3A_587, %dma_start3A_596] : memref<256x64xf32, #tpu.memory_space<vmem>> -> memref<1x64xf32, #tpu.memory_space<vmem>>
        %dma_start3A_598 = tpu.memref_squeeze %dma_start3A_597 : memref<1x64xf32, #tpu.memory_space<vmem>> -> memref<64xf32, #tpu.memory_space<vmem>>
        %dma_start3A_599 = arith.constant 0 : i32
        %dma_start3A_600 = tpu.memref_slice %arg2[%squeeze3A_589, %dma_start3A_599] : memref<1000000x64xf32, #tpu.memory_space<hbm>> -> memref<1x64xf32, #tpu.memory_space<hbm>>
        %dma_start3A_601 = tpu.memref_squeeze %dma_start3A_600 : memref<1x64xf32, #tpu.memory_space<hbm>> -> memref<64xf32, #tpu.memory_space<hbm>>
        tpu.enqueue_dma source(%dma_start3A_601 : memref<64xf32, #tpu.memory_space<hbm>>) target(%dma_start3A_598 : memref<64xf32, #tpu.memory_space<vmem>>) target_semaphore(%arg16 : memref<!tpu.dma_semaphore, #tpu.memory_space<semaphore_mem>>)
        %slice3A_602 = vector.extract_strided_slice %get3A_101 {offsets = [11], sizes = [1], strides = [1]} : vector<16xi32> to vector<1xi32>
        %squeeze3A_603 = vector.extract %slice3A_602[0] : i32 from vector<1xi32>
        %dma_start3A_604 = arith.constant 0 : i32
        %dma_start3A_605 = tpu.memref_slice %arg12[%add3A_587, %dma_start3A_604] : memref<256x64xf32, #tpu.memory_space<vmem>> -> memref<1x64xf32, #tpu.memory_space<vmem>>
        %dma_start3A_606 = tpu.memref_squeeze %dma_start3A_605 : memref<1x64xf32, #tpu.memory_space<vmem>> -> memref<64xf32, #tpu.memory_space<vmem>>
        %dma_start3A_607 = arith.constant 0 : i32
        %dma_start3A_608 = tpu.memref_slice %arg3[%squeeze3A_603, %dma_start3A_607] : memref<1000x64xf32, #tpu.memory_space<hbm>> -> memref<1x64xf32, #tpu.memory_space<hbm>>
        %dma_start3A_609 = tpu.memref_squeeze %dma_start3A_608 : memref<1x64xf32, #tpu.memory_space<hbm>> -> memref<64xf32, #tpu.memory_space<hbm>>
        %dma_start3A_610 = arith.constant 0 : i32
        %dma_start3A_611 = tpu.memref_slice %arg12[%add3A_587, %dma_start3A_610] : memref<256x64xf32, #tpu.memory_space<vmem>> -> memref<1x64xf32, #tpu.memory_space<vmem>>
        %dma_start3A_612 = tpu.memref_squeeze %dma_start3A_611 : memref<1x64xf32, #tpu.memory_space<vmem>> -> memref<64xf32, #tpu.memory_space<vmem>>
        %dma_start3A_613 = arith.constant 0 : i32
        %dma_start3A_614 = tpu.memref_slice %arg3[%squeeze3A_603, %dma_start3A_613] : memref<1000x64xf32, #tpu.memory_space<hbm>> -> memref<1x64xf32, #tpu.memory_space<hbm>>
        %dma_start3A_615 = tpu.memref_squeeze %dma_start3A_614 : memref<1x64xf32, #tpu.memory_space<hbm>> -> memref<64xf32, #tpu.memory_space<hbm>>
        tpu.enqueue_dma source(%dma_start3A_615 : memref<64xf32, #tpu.memory_space<hbm>>) target(%dma_start3A_612 : memref<64xf32, #tpu.memory_space<vmem>>) target_semaphore(%arg18 : memref<!tpu.dma_semaphore, #tpu.memory_space<semaphore_mem>>)
        %slice3A_616 = vector.extract_strided_slice %get3A_104 {offsets = [11], sizes = [1], strides = [1]} : vector<16xi32> to vector<1xi32>
        %squeeze3A_617 = vector.extract %slice3A_616[0] : i32 from vector<1xi32>
        %dma_start3A_618 = arith.constant 0 : i32
        %dma_start3A_619 = tpu.memref_slice %arg13[%add3A_587, %dma_start3A_618] : memref<256x64xf32, #tpu.memory_space<vmem>> -> memref<1x64xf32, #tpu.memory_space<vmem>>
        %dma_start3A_620 = tpu.memref_squeeze %dma_start3A_619 : memref<1x64xf32, #tpu.memory_space<vmem>> -> memref<64xf32, #tpu.memory_space<vmem>>
        %dma_start3A_621 = arith.constant 0 : i32
        %dma_start3A_622 = tpu.memref_slice %arg2[%squeeze3A_617, %dma_start3A_621] : memref<1000000x64xf32, #tpu.memory_space<hbm>> -> memref<1x64xf32, #tpu.memory_space<hbm>>
        %dma_start3A_623 = tpu.memref_squeeze %dma_start3A_622 : memref<1x64xf32, #tpu.memory_space<hbm>> -> memref<64xf32, #tpu.memory_space<hbm>>
        %dma_start3A_624 = arith.constant 0 : i32
        %dma_start3A_625 = tpu.memref_slice %arg13[%add3A_587, %dma_start3A_624] : memref<256x64xf32, #tpu.memory_space<vmem>> -> memref<1x64xf32, #tpu.memory_space<vmem>>
        %dma_start3A_626 = tpu.memref_squeeze %dma_start3A_625 : memref<1x64xf32, #tpu.memory_space<vmem>> -> memref<64xf32, #tpu.memory_space<vmem>>
        %dma_start3A_627 = arith.constant 0 : i32
        %dma_start3A_628 = tpu.memref_slice %arg2[%squeeze3A_617, %dma_start3A_627] : memref<1000000x64xf32, #tpu.memory_space<hbm>> -> memref<1x64xf32, #tpu.memory_space<hbm>>
        %dma_start3A_629 = tpu.memref_squeeze %dma_start3A_628 : memref<1x64xf32, #tpu.memory_space<hbm>> -> memref<64xf32, #tpu.memory_space<hbm>>
        tpu.enqueue_dma source(%dma_start3A_629 : memref<64xf32, #tpu.memory_space<hbm>>) target(%dma_start3A_626 : memref<64xf32, #tpu.memory_space<vmem>>) target_semaphore(%arg20 : memref<!tpu.dma_semaphore, #tpu.memory_space<semaphore_mem>>)
        %add3A_630 = arith.constant 12 : i32
        %add3A_631 = arith.addi %mul3A_96, %add3A_630 : i32
        %slice3A_632 = vector.extract_strided_slice %get3A_98 {offsets = [12], sizes = [1], strides = [1]} : vector<16xi32> to vector<1xi32>
        %squeeze3A_633 = vector.extract %slice3A_632[0] : i32 from vector<1xi32>
        %dma_start3A_634 = arith.constant 0 : i32
        %dma_start3A_635 = tpu.memref_slice %arg11[%add3A_631, %dma_start3A_634] : memref<256x64xf32, #tpu.memory_space<vmem>> -> memref<1x64xf32, #tpu.memory_space<vmem>>
        %dma_start3A_636 = tpu.memref_squeeze %dma_start3A_635 : memref<1x64xf32, #tpu.memory_space<vmem>> -> memref<64xf32, #tpu.memory_space<vmem>>
        %dma_start3A_637 = arith.constant 0 : i32
        %dma_start3A_638 = tpu.memref_slice %arg2[%squeeze3A_633, %dma_start3A_637] : memref<1000000x64xf32, #tpu.memory_space<hbm>> -> memref<1x64xf32, #tpu.memory_space<hbm>>
        %dma_start3A_639 = tpu.memref_squeeze %dma_start3A_638 : memref<1x64xf32, #tpu.memory_space<hbm>> -> memref<64xf32, #tpu.memory_space<hbm>>
        %dma_start3A_640 = arith.constant 0 : i32
        %dma_start3A_641 = tpu.memref_slice %arg11[%add3A_631, %dma_start3A_640] : memref<256x64xf32, #tpu.memory_space<vmem>> -> memref<1x64xf32, #tpu.memory_space<vmem>>
        %dma_start3A_642 = tpu.memref_squeeze %dma_start3A_641 : memref<1x64xf32, #tpu.memory_space<vmem>> -> memref<64xf32, #tpu.memory_space<vmem>>
        %dma_start3A_643 = arith.constant 0 : i32
        %dma_start3A_644 = tpu.memref_slice %arg2[%squeeze3A_633, %dma_start3A_643] : memref<1000000x64xf32, #tpu.memory_space<hbm>> -> memref<1x64xf32, #tpu.memory_space<hbm>>
        %dma_start3A_645 = tpu.memref_squeeze %dma_start3A_644 : memref<1x64xf32, #tpu.memory_space<hbm>> -> memref<64xf32, #tpu.memory_space<hbm>>
        tpu.enqueue_dma source(%dma_start3A_645 : memref<64xf32, #tpu.memory_space<hbm>>) target(%dma_start3A_642 : memref<64xf32, #tpu.memory_space<vmem>>) target_semaphore(%arg15 : memref<!tpu.dma_semaphore, #tpu.memory_space<semaphore_mem>>)
        %slice3A_646 = vector.extract_strided_slice %get3A_101 {offsets = [12], sizes = [1], strides = [1]} : vector<16xi32> to vector<1xi32>
        %squeeze3A_647 = vector.extract %slice3A_646[0] : i32 from vector<1xi32>
        %dma_start3A_648 = arith.constant 0 : i32
        %dma_start3A_649 = tpu.memref_slice %arg12[%add3A_631, %dma_start3A_648] : memref<256x64xf32, #tpu.memory_space<vmem>> -> memref<1x64xf32, #tpu.memory_space<vmem>>
        %dma_start3A_650 = tpu.memref_squeeze %dma_start3A_649 : memref<1x64xf32, #tpu.memory_space<vmem>> -> memref<64xf32, #tpu.memory_space<vmem>>
        %dma_start3A_651 = arith.constant 0 : i32
        %dma_start3A_652 = tpu.memref_slice %arg3[%squeeze3A_647, %dma_start3A_651] : memref<1000x64xf32, #tpu.memory_space<hbm>> -> memref<1x64xf32, #tpu.memory_space<hbm>>
        %dma_start3A_653 = tpu.memref_squeeze %dma_start3A_652 : memref<1x64xf32, #tpu.memory_space<hbm>> -> memref<64xf32, #tpu.memory_space<hbm>>
        %dma_start3A_654 = arith.constant 0 : i32
        %dma_start3A_655 = tpu.memref_slice %arg12[%add3A_631, %dma_start3A_654] : memref<256x64xf32, #tpu.memory_space<vmem>> -> memref<1x64xf32, #tpu.memory_space<vmem>>
        %dma_start3A_656 = tpu.memref_squeeze %dma_start3A_655 : memref<1x64xf32, #tpu.memory_space<vmem>> -> memref<64xf32, #tpu.memory_space<vmem>>
        %dma_start3A_657 = arith.constant 0 : i32
        %dma_start3A_658 = tpu.memref_slice %arg3[%squeeze3A_647, %dma_start3A_657] : memref<1000x64xf32, #tpu.memory_space<hbm>> -> memref<1x64xf32, #tpu.memory_space<hbm>>
        %dma_start3A_659 = tpu.memref_squeeze %dma_start3A_658 : memref<1x64xf32, #tpu.memory_space<hbm>> -> memref<64xf32, #tpu.memory_space<hbm>>
        tpu.enqueue_dma source(%dma_start3A_659 : memref<64xf32, #tpu.memory_space<hbm>>) target(%dma_start3A_656 : memref<64xf32, #tpu.memory_space<vmem>>) target_semaphore(%arg17 : memref<!tpu.dma_semaphore, #tpu.memory_space<semaphore_mem>>)
        %slice3A_660 = vector.extract_strided_slice %get3A_104 {offsets = [12], sizes = [1], strides = [1]} : vector<16xi32> to vector<1xi32>
        %squeeze3A_661 = vector.extract %slice3A_660[0] : i32 from vector<1xi32>
        %dma_start3A_662 = arith.constant 0 : i32
        %dma_start3A_663 = tpu.memref_slice %arg13[%add3A_631, %dma_start3A_662] : memref<256x64xf32, #tpu.memory_space<vmem>> -> memref<1x64xf32, #tpu.memory_space<vmem>>
        %dma_start3A_664 = tpu.memref_squeeze %dma_start3A_663 : memref<1x64xf32, #tpu.memory_space<vmem>> -> memref<64xf32, #tpu.memory_space<vmem>>
        %dma_start3A_665 = arith.constant 0 : i32
        %dma_start3A_666 = tpu.memref_slice %arg2[%squeeze3A_661, %dma_start3A_665] : memref<1000000x64xf32, #tpu.memory_space<hbm>> -> memref<1x64xf32, #tpu.memory_space<hbm>>
        %dma_start3A_667 = tpu.memref_squeeze %dma_start3A_666 : memref<1x64xf32, #tpu.memory_space<hbm>> -> memref<64xf32, #tpu.memory_space<hbm>>
        %dma_start3A_668 = arith.constant 0 : i32
        %dma_start3A_669 = tpu.memref_slice %arg13[%add3A_631, %dma_start3A_668] : memref<256x64xf32, #tpu.memory_space<vmem>> -> memref<1x64xf32, #tpu.memory_space<vmem>>
        %dma_start3A_670 = tpu.memref_squeeze %dma_start3A_669 : memref<1x64xf32, #tpu.memory_space<vmem>> -> memref<64xf32, #tpu.memory_space<vmem>>
        %dma_start3A_671 = arith.constant 0 : i32
        %dma_start3A_672 = tpu.memref_slice %arg2[%squeeze3A_661, %dma_start3A_671] : memref<1000000x64xf32, #tpu.memory_space<hbm>> -> memref<1x64xf32, #tpu.memory_space<hbm>>
        %dma_start3A_673 = tpu.memref_squeeze %dma_start3A_672 : memref<1x64xf32, #tpu.memory_space<hbm>> -> memref<64xf32, #tpu.memory_space<hbm>>
        tpu.enqueue_dma source(%dma_start3A_673 : memref<64xf32, #tpu.memory_space<hbm>>) target(%dma_start3A_670 : memref<64xf32, #tpu.memory_space<vmem>>) target_semaphore(%arg19 : memref<!tpu.dma_semaphore, #tpu.memory_space<semaphore_mem>>)
        %add3A_674 = arith.constant 13 : i32
        %add3A_675 = arith.addi %mul3A_96, %add3A_674 : i32
        %slice3A_676 = vector.extract_strided_slice %get3A_98 {offsets = [13], sizes = [1], strides = [1]} : vector<16xi32> to vector<1xi32>
        %squeeze3A_677 = vector.extract %slice3A_676[0] : i32 from vector<1xi32>
        %dma_start3A_678 = arith.constant 0 : i32
        %dma_start3A_679 = tpu.memref_slice %arg11[%add3A_675, %dma_start3A_678] : memref<256x64xf32, #tpu.memory_space<vmem>> -> memref<1x64xf32, #tpu.memory_space<vmem>>
        %dma_start3A_680 = tpu.memref_squeeze %dma_start3A_679 : memref<1x64xf32, #tpu.memory_space<vmem>> -> memref<64xf32, #tpu.memory_space<vmem>>
        %dma_start3A_681 = arith.constant 0 : i32
        %dma_start3A_682 = tpu.memref_slice %arg2[%squeeze3A_677, %dma_start3A_681] : memref<1000000x64xf32, #tpu.memory_space<hbm>> -> memref<1x64xf32, #tpu.memory_space<hbm>>
        %dma_start3A_683 = tpu.memref_squeeze %dma_start3A_682 : memref<1x64xf32, #tpu.memory_space<hbm>> -> memref<64xf32, #tpu.memory_space<hbm>>
        %dma_start3A_684 = arith.constant 0 : i32
        %dma_start3A_685 = tpu.memref_slice %arg11[%add3A_675, %dma_start3A_684] : memref<256x64xf32, #tpu.memory_space<vmem>> -> memref<1x64xf32, #tpu.memory_space<vmem>>
        %dma_start3A_686 = tpu.memref_squeeze %dma_start3A_685 : memref<1x64xf32, #tpu.memory_space<vmem>> -> memref<64xf32, #tpu.memory_space<vmem>>
        %dma_start3A_687 = arith.constant 0 : i32
        %dma_start3A_688 = tpu.memref_slice %arg2[%squeeze3A_677, %dma_start3A_687] : memref<1000000x64xf32, #tpu.memory_space<hbm>> -> memref<1x64xf32, #tpu.memory_space<hbm>>
        %dma_start3A_689 = tpu.memref_squeeze %dma_start3A_688 : memref<1x64xf32, #tpu.memory_space<hbm>> -> memref<64xf32, #tpu.memory_space<hbm>>
        tpu.enqueue_dma source(%dma_start3A_689 : memref<64xf32, #tpu.memory_space<hbm>>) target(%dma_start3A_686 : memref<64xf32, #tpu.memory_space<vmem>>) target_semaphore(%arg16 : memref<!tpu.dma_semaphore, #tpu.memory_space<semaphore_mem>>)
        %slice3A_690 = vector.extract_strided_slice %get3A_101 {offsets = [13], sizes = [1], strides = [1]} : vector<16xi32> to vector<1xi32>
        %squeeze3A_691 = vector.extract %slice3A_690[0] : i32 from vector<1xi32>
        %dma_start3A_692 = arith.constant 0 : i32
        %dma_start3A_693 = tpu.memref_slice %arg12[%add3A_675, %dma_start3A_692] : memref<256x64xf32, #tpu.memory_space<vmem>> -> memref<1x64xf32, #tpu.memory_space<vmem>>
        %dma_start3A_694 = tpu.memref_squeeze %dma_start3A_693 : memref<1x64xf32, #tpu.memory_space<vmem>> -> memref<64xf32, #tpu.memory_space<vmem>>
        %dma_start3A_695 = arith.constant 0 : i32
        %dma_start3A_696 = tpu.memref_slice %arg3[%squeeze3A_691, %dma_start3A_695] : memref<1000x64xf32, #tpu.memory_space<hbm>> -> memref<1x64xf32, #tpu.memory_space<hbm>>
        %dma_start3A_697 = tpu.memref_squeeze %dma_start3A_696 : memref<1x64xf32, #tpu.memory_space<hbm>> -> memref<64xf32, #tpu.memory_space<hbm>>
        %dma_start3A_698 = arith.constant 0 : i32
        %dma_start3A_699 = tpu.memref_slice %arg12[%add3A_675, %dma_start3A_698] : memref<256x64xf32, #tpu.memory_space<vmem>> -> memref<1x64xf32, #tpu.memory_space<vmem>>
        %dma_start3A_700 = tpu.memref_squeeze %dma_start3A_699 : memref<1x64xf32, #tpu.memory_space<vmem>> -> memref<64xf32, #tpu.memory_space<vmem>>
        %dma_start3A_701 = arith.constant 0 : i32
        %dma_start3A_702 = tpu.memref_slice %arg3[%squeeze3A_691, %dma_start3A_701] : memref<1000x64xf32, #tpu.memory_space<hbm>> -> memref<1x64xf32, #tpu.memory_space<hbm>>
        %dma_start3A_703 = tpu.memref_squeeze %dma_start3A_702 : memref<1x64xf32, #tpu.memory_space<hbm>> -> memref<64xf32, #tpu.memory_space<hbm>>
        tpu.enqueue_dma source(%dma_start3A_703 : memref<64xf32, #tpu.memory_space<hbm>>) target(%dma_start3A_700 : memref<64xf32, #tpu.memory_space<vmem>>) target_semaphore(%arg18 : memref<!tpu.dma_semaphore, #tpu.memory_space<semaphore_mem>>)
        %slice3A_704 = vector.extract_strided_slice %get3A_104 {offsets = [13], sizes = [1], strides = [1]} : vector<16xi32> to vector<1xi32>
        %squeeze3A_705 = vector.extract %slice3A_704[0] : i32 from vector<1xi32>
        %dma_start3A_706 = arith.constant 0 : i32
        %dma_start3A_707 = tpu.memref_slice %arg13[%add3A_675, %dma_start3A_706] : memref<256x64xf32, #tpu.memory_space<vmem>> -> memref<1x64xf32, #tpu.memory_space<vmem>>
        %dma_start3A_708 = tpu.memref_squeeze %dma_start3A_707 : memref<1x64xf32, #tpu.memory_space<vmem>> -> memref<64xf32, #tpu.memory_space<vmem>>
        %dma_start3A_709 = arith.constant 0 : i32
        %dma_start3A_710 = tpu.memref_slice %arg2[%squeeze3A_705, %dma_start3A_709] : memref<1000000x64xf32, #tpu.memory_space<hbm>> -> memref<1x64xf32, #tpu.memory_space<hbm>>
        %dma_start3A_711 = tpu.memref_squeeze %dma_start3A_710 : memref<1x64xf32, #tpu.memory_space<hbm>> -> memref<64xf32, #tpu.memory_space<hbm>>
        %dma_start3A_712 = arith.constant 0 : i32
        %dma_start3A_713 = tpu.memref_slice %arg13[%add3A_675, %dma_start3A_712] : memref<256x64xf32, #tpu.memory_space<vmem>> -> memref<1x64xf32, #tpu.memory_space<vmem>>
        %dma_start3A_714 = tpu.memref_squeeze %dma_start3A_713 : memref<1x64xf32, #tpu.memory_space<vmem>> -> memref<64xf32, #tpu.memory_space<vmem>>
        %dma_start3A_715 = arith.constant 0 : i32
        %dma_start3A_716 = tpu.memref_slice %arg2[%squeeze3A_705, %dma_start3A_715] : memref<1000000x64xf32, #tpu.memory_space<hbm>> -> memref<1x64xf32, #tpu.memory_space<hbm>>
        %dma_start3A_717 = tpu.memref_squeeze %dma_start3A_716 : memref<1x64xf32, #tpu.memory_space<hbm>> -> memref<64xf32, #tpu.memory_space<hbm>>
        tpu.enqueue_dma source(%dma_start3A_717 : memref<64xf32, #tpu.memory_space<hbm>>) target(%dma_start3A_714 : memref<64xf32, #tpu.memory_space<vmem>>) target_semaphore(%arg20 : memref<!tpu.dma_semaphore, #tpu.memory_space<semaphore_mem>>)
        %add3A_718 = arith.constant 14 : i32
        %add3A_719 = arith.addi %mul3A_96, %add3A_718 : i32
        %slice3A_720 = vector.extract_strided_slice %get3A_98 {offsets = [14], sizes = [1], strides = [1]} : vector<16xi32> to vector<1xi32>
        %squeeze3A_721 = vector.extract %slice3A_720[0] : i32 from vector<1xi32>
        %dma_start3A_722 = arith.constant 0 : i32
        %dma_start3A_723 = tpu.memref_slice %arg11[%add3A_719, %dma_start3A_722] : memref<256x64xf32, #tpu.memory_space<vmem>> -> memref<1x64xf32, #tpu.memory_space<vmem>>
        %dma_start3A_724 = tpu.memref_squeeze %dma_start3A_723 : memref<1x64xf32, #tpu.memory_space<vmem>> -> memref<64xf32, #tpu.memory_space<vmem>>
        %dma_start3A_725 = arith.constant 0 : i32
        %dma_start3A_726 = tpu.memref_slice %arg2[%squeeze3A_721, %dma_start3A_725] : memref<1000000x64xf32, #tpu.memory_space<hbm>> -> memref<1x64xf32, #tpu.memory_space<hbm>>
        %dma_start3A_727 = tpu.memref_squeeze %dma_start3A_726 : memref<1x64xf32, #tpu.memory_space<hbm>> -> memref<64xf32, #tpu.memory_space<hbm>>
        %dma_start3A_728 = arith.constant 0 : i32
        %dma_start3A_729 = tpu.memref_slice %arg11[%add3A_719, %dma_start3A_728] : memref<256x64xf32, #tpu.memory_space<vmem>> -> memref<1x64xf32, #tpu.memory_space<vmem>>
        %dma_start3A_730 = tpu.memref_squeeze %dma_start3A_729 : memref<1x64xf32, #tpu.memory_space<vmem>> -> memref<64xf32, #tpu.memory_space<vmem>>
        %dma_start3A_731 = arith.constant 0 : i32
        %dma_start3A_732 = tpu.memref_slice %arg2[%squeeze3A_721, %dma_start3A_731] : memref<1000000x64xf32, #tpu.memory_space<hbm>> -> memref<1x64xf32, #tpu.memory_space<hbm>>
        %dma_start3A_733 = tpu.memref_squeeze %dma_start3A_732 : memref<1x64xf32, #tpu.memory_space<hbm>> -> memref<64xf32, #tpu.memory_space<hbm>>
        tpu.enqueue_dma source(%dma_start3A_733 : memref<64xf32, #tpu.memory_space<hbm>>) target(%dma_start3A_730 : memref<64xf32, #tpu.memory_space<vmem>>) target_semaphore(%arg15 : memref<!tpu.dma_semaphore, #tpu.memory_space<semaphore_mem>>)
        %slice3A_734 = vector.extract_strided_slice %get3A_101 {offsets = [14], sizes = [1], strides = [1]} : vector<16xi32> to vector<1xi32>
        %squeeze3A_735 = vector.extract %slice3A_734[0] : i32 from vector<1xi32>
        %dma_start3A_736 = arith.constant 0 : i32
        %dma_start3A_737 = tpu.memref_slice %arg12[%add3A_719, %dma_start3A_736] : memref<256x64xf32, #tpu.memory_space<vmem>> -> memref<1x64xf32, #tpu.memory_space<vmem>>
        %dma_start3A_738 = tpu.memref_squeeze %dma_start3A_737 : memref<1x64xf32, #tpu.memory_space<vmem>> -> memref<64xf32, #tpu.memory_space<vmem>>
        %dma_start3A_739 = arith.constant 0 : i32
        %dma_start3A_740 = tpu.memref_slice %arg3[%squeeze3A_735, %dma_start3A_739] : memref<1000x64xf32, #tpu.memory_space<hbm>> -> memref<1x64xf32, #tpu.memory_space<hbm>>
        %dma_start3A_741 = tpu.memref_squeeze %dma_start3A_740 : memref<1x64xf32, #tpu.memory_space<hbm>> -> memref<64xf32, #tpu.memory_space<hbm>>
        %dma_start3A_742 = arith.constant 0 : i32
        %dma_start3A_743 = tpu.memref_slice %arg12[%add3A_719, %dma_start3A_742] : memref<256x64xf32, #tpu.memory_space<vmem>> -> memref<1x64xf32, #tpu.memory_space<vmem>>
        %dma_start3A_744 = tpu.memref_squeeze %dma_start3A_743 : memref<1x64xf32, #tpu.memory_space<vmem>> -> memref<64xf32, #tpu.memory_space<vmem>>
        %dma_start3A_745 = arith.constant 0 : i32
        %dma_start3A_746 = tpu.memref_slice %arg3[%squeeze3A_735, %dma_start3A_745] : memref<1000x64xf32, #tpu.memory_space<hbm>> -> memref<1x64xf32, #tpu.memory_space<hbm>>
        %dma_start3A_747 = tpu.memref_squeeze %dma_start3A_746 : memref<1x64xf32, #tpu.memory_space<hbm>> -> memref<64xf32, #tpu.memory_space<hbm>>
        tpu.enqueue_dma source(%dma_start3A_747 : memref<64xf32, #tpu.memory_space<hbm>>) target(%dma_start3A_744 : memref<64xf32, #tpu.memory_space<vmem>>) target_semaphore(%arg17 : memref<!tpu.dma_semaphore, #tpu.memory_space<semaphore_mem>>)
        %slice3A_748 = vector.extract_strided_slice %get3A_104 {offsets = [14], sizes = [1], strides = [1]} : vector<16xi32> to vector<1xi32>
        %squeeze3A_749 = vector.extract %slice3A_748[0] : i32 from vector<1xi32>
        %dma_start3A_750 = arith.constant 0 : i32
        %dma_start3A_751 = tpu.memref_slice %arg13[%add3A_719, %dma_start3A_750] : memref<256x64xf32, #tpu.memory_space<vmem>> -> memref<1x64xf32, #tpu.memory_space<vmem>>
        %dma_start3A_752 = tpu.memref_squeeze %dma_start3A_751 : memref<1x64xf32, #tpu.memory_space<vmem>> -> memref<64xf32, #tpu.memory_space<vmem>>
        %dma_start3A_753 = arith.constant 0 : i32
        %dma_start3A_754 = tpu.memref_slice %arg2[%squeeze3A_749, %dma_start3A_753] : memref<1000000x64xf32, #tpu.memory_space<hbm>> -> memref<1x64xf32, #tpu.memory_space<hbm>>
        %dma_start3A_755 = tpu.memref_squeeze %dma_start3A_754 : memref<1x64xf32, #tpu.memory_space<hbm>> -> memref<64xf32, #tpu.memory_space<hbm>>
        %dma_start3A_756 = arith.constant 0 : i32
        %dma_start3A_757 = tpu.memref_slice %arg13[%add3A_719, %dma_start3A_756] : memref<256x64xf32, #tpu.memory_space<vmem>> -> memref<1x64xf32, #tpu.memory_space<vmem>>
        %dma_start3A_758 = tpu.memref_squeeze %dma_start3A_757 : memref<1x64xf32, #tpu.memory_space<vmem>> -> memref<64xf32, #tpu.memory_space<vmem>>
        %dma_start3A_759 = arith.constant 0 : i32
        %dma_start3A_760 = tpu.memref_slice %arg2[%squeeze3A_749, %dma_start3A_759] : memref<1000000x64xf32, #tpu.memory_space<hbm>> -> memref<1x64xf32, #tpu.memory_space<hbm>>
        %dma_start3A_761 = tpu.memref_squeeze %dma_start3A_760 : memref<1x64xf32, #tpu.memory_space<hbm>> -> memref<64xf32, #tpu.memory_space<hbm>>
        tpu.enqueue_dma source(%dma_start3A_761 : memref<64xf32, #tpu.memory_space<hbm>>) target(%dma_start3A_758 : memref<64xf32, #tpu.memory_space<vmem>>) target_semaphore(%arg19 : memref<!tpu.dma_semaphore, #tpu.memory_space<semaphore_mem>>)
        %add3A_762 = arith.constant 15 : i32
        %add3A_763 = arith.addi %mul3A_96, %add3A_762 : i32
        %slice3A_764 = vector.extract_strided_slice %get3A_98 {offsets = [15], sizes = [1], strides = [1]} : vector<16xi32> to vector<1xi32>
        %squeeze3A_765 = vector.extract %slice3A_764[0] : i32 from vector<1xi32>
        %dma_start3A_766 = arith.constant 0 : i32
        %dma_start3A_767 = tpu.memref_slice %arg11[%add3A_763, %dma_start3A_766] : memref<256x64xf32, #tpu.memory_space<vmem>> -> memref<1x64xf32, #tpu.memory_space<vmem>>
        %dma_start3A_768 = tpu.memref_squeeze %dma_start3A_767 : memref<1x64xf32, #tpu.memory_space<vmem>> -> memref<64xf32, #tpu.memory_space<vmem>>
        %dma_start3A_769 = arith.constant 0 : i32
        %dma_start3A_770 = tpu.memref_slice %arg2[%squeeze3A_765, %dma_start3A_769] : memref<1000000x64xf32, #tpu.memory_space<hbm>> -> memref<1x64xf32, #tpu.memory_space<hbm>>
        %dma_start3A_771 = tpu.memref_squeeze %dma_start3A_770 : memref<1x64xf32, #tpu.memory_space<hbm>> -> memref<64xf32, #tpu.memory_space<hbm>>
        %dma_start3A_772 = arith.constant 0 : i32
        %dma_start3A_773 = tpu.memref_slice %arg11[%add3A_763, %dma_start3A_772] : memref<256x64xf32, #tpu.memory_space<vmem>> -> memref<1x64xf32, #tpu.memory_space<vmem>>
        %dma_start3A_774 = tpu.memref_squeeze %dma_start3A_773 : memref<1x64xf32, #tpu.memory_space<vmem>> -> memref<64xf32, #tpu.memory_space<vmem>>
        %dma_start3A_775 = arith.constant 0 : i32
        %dma_start3A_776 = tpu.memref_slice %arg2[%squeeze3A_765, %dma_start3A_775] : memref<1000000x64xf32, #tpu.memory_space<hbm>> -> memref<1x64xf32, #tpu.memory_space<hbm>>
        %dma_start3A_777 = tpu.memref_squeeze %dma_start3A_776 : memref<1x64xf32, #tpu.memory_space<hbm>> -> memref<64xf32, #tpu.memory_space<hbm>>
        tpu.enqueue_dma source(%dma_start3A_777 : memref<64xf32, #tpu.memory_space<hbm>>) target(%dma_start3A_774 : memref<64xf32, #tpu.memory_space<vmem>>) target_semaphore(%arg16 : memref<!tpu.dma_semaphore, #tpu.memory_space<semaphore_mem>>)
        %slice3A_778 = vector.extract_strided_slice %get3A_101 {offsets = [15], sizes = [1], strides = [1]} : vector<16xi32> to vector<1xi32>
        %squeeze3A_779 = vector.extract %slice3A_778[0] : i32 from vector<1xi32>
        %dma_start3A_780 = arith.constant 0 : i32
        %dma_start3A_781 = tpu.memref_slice %arg12[%add3A_763, %dma_start3A_780] : memref<256x64xf32, #tpu.memory_space<vmem>> -> memref<1x64xf32, #tpu.memory_space<vmem>>
        %dma_start3A_782 = tpu.memref_squeeze %dma_start3A_781 : memref<1x64xf32, #tpu.memory_space<vmem>> -> memref<64xf32, #tpu.memory_space<vmem>>
        %dma_start3A_783 = arith.constant 0 : i32
        %dma_start3A_784 = tpu.memref_slice %arg3[%squeeze3A_779, %dma_start3A_783] : memref<1000x64xf32, #tpu.memory_space<hbm>> -> memref<1x64xf32, #tpu.memory_space<hbm>>
        %dma_start3A_785 = tpu.memref_squeeze %dma_start3A_784 : memref<1x64xf32, #tpu.memory_space<hbm>> -> memref<64xf32, #tpu.memory_space<hbm>>
        %dma_start3A_786 = arith.constant 0 : i32
        %dma_start3A_787 = tpu.memref_slice %arg12[%add3A_763, %dma_start3A_786] : memref<256x64xf32, #tpu.memory_space<vmem>> -> memref<1x64xf32, #tpu.memory_space<vmem>>
        %dma_start3A_788 = tpu.memref_squeeze %dma_start3A_787 : memref<1x64xf32, #tpu.memory_space<vmem>> -> memref<64xf32, #tpu.memory_space<vmem>>
        %dma_start3A_789 = arith.constant 0 : i32
        %dma_start3A_790 = tpu.memref_slice %arg3[%squeeze3A_779, %dma_start3A_789] : memref<1000x64xf32, #tpu.memory_space<hbm>> -> memref<1x64xf32, #tpu.memory_space<hbm>>
        %dma_start3A_791 = tpu.memref_squeeze %dma_start3A_790 : memref<1x64xf32, #tpu.memory_space<hbm>> -> memref<64xf32, #tpu.memory_space<hbm>>
        tpu.enqueue_dma source(%dma_start3A_791 : memref<64xf32, #tpu.memory_space<hbm>>) target(%dma_start3A_788 : memref<64xf32, #tpu.memory_space<vmem>>) target_semaphore(%arg18 : memref<!tpu.dma_semaphore, #tpu.memory_space<semaphore_mem>>)
        %slice3A_792 = vector.extract_strided_slice %get3A_104 {offsets = [15], sizes = [1], strides = [1]} : vector<16xi32> to vector<1xi32>
        %squeeze3A_793 = vector.extract %slice3A_792[0] : i32 from vector<1xi32>
        %dma_start3A_794 = arith.constant 0 : i32
        %dma_start3A_795 = tpu.memref_slice %arg13[%add3A_763, %dma_start3A_794] : memref<256x64xf32, #tpu.memory_space<vmem>> -> memref<1x64xf32, #tpu.memory_space<vmem>>
        %dma_start3A_796 = tpu.memref_squeeze %dma_start3A_795 : memref<1x64xf32, #tpu.memory_space<vmem>> -> memref<64xf32, #tpu.memory_space<vmem>>
        %dma_start3A_797 = arith.constant 0 : i32
        %dma_start3A_798 = tpu.memref_slice %arg2[%squeeze3A_793, %dma_start3A_797] : memref<1000000x64xf32, #tpu.memory_space<hbm>> -> memref<1x64xf32, #tpu.memory_space<hbm>>
        %dma_start3A_799 = tpu.memref_squeeze %dma_start3A_798 : memref<1x64xf32, #tpu.memory_space<hbm>> -> memref<64xf32, #tpu.memory_space<hbm>>
        %dma_start3A_800 = arith.constant 0 : i32
        %dma_start3A_801 = tpu.memref_slice %arg13[%add3A_763, %dma_start3A_800] : memref<256x64xf32, #tpu.memory_space<vmem>> -> memref<1x64xf32, #tpu.memory_space<vmem>>
        %dma_start3A_802 = tpu.memref_squeeze %dma_start3A_801 : memref<1x64xf32, #tpu.memory_space<vmem>> -> memref<64xf32, #tpu.memory_space<vmem>>
        %dma_start3A_803 = arith.constant 0 : i32
        %dma_start3A_804 = tpu.memref_slice %arg2[%squeeze3A_793, %dma_start3A_803] : memref<1000000x64xf32, #tpu.memory_space<hbm>> -> memref<1x64xf32, #tpu.memory_space<hbm>>
        %dma_start3A_805 = tpu.memref_squeeze %dma_start3A_804 : memref<1x64xf32, #tpu.memory_space<hbm>> -> memref<64xf32, #tpu.memory_space<hbm>>
        tpu.enqueue_dma source(%dma_start3A_805 : memref<64xf32, #tpu.memory_space<hbm>>) target(%dma_start3A_802 : memref<64xf32, #tpu.memory_space<vmem>>) target_semaphore(%arg20 : memref<!tpu.dma_semaphore, #tpu.memory_space<semaphore_mem>>)
      }
      %scan3A_16 = arith.constant 16 : i32
      %dma_wait3A = arith.constant 0 : i32
      %dma_wait3A_17 = arith.constant 0 : i32
      %dma_wait3A_18 = tpu.memref_slice %arg11[%dma_wait3A, %dma_wait3A_17] : memref<256x64xf32, #tpu.memory_space<vmem>> -> memref<128x64xf32, #tpu.memory_space<vmem>>
      %dma_wait3A_19 = arith.constant 0 : i32
      %dma_wait3A_20 = arith.constant 0 : i32
      %dma_wait3A_21 = tpu.memref_slice %arg2[%dma_wait3A_19, %dma_wait3A_20] : memref<1000000x64xf32, #tpu.memory_space<hbm>> -> memref<128x64xf32, #tpu.memory_space<hbm>>
      %dma_wait3A_22 = arith.constant 0 : i32
      %dma_wait3A_23 = arith.constant 0 : i32
      %dma_wait3A_24 = tpu.memref_slice %arg11[%dma_wait3A_22, %dma_wait3A_23] : memref<256x64xf32, #tpu.memory_space<vmem>> -> memref<128x64xf32, #tpu.memory_space<vmem>>
      %dma_wait3A_25 = arith.constant 0 : i32
      %dma_wait3A_26 = arith.constant 0 : i32
      %dma_wait3A_27 = tpu.memref_slice %arg2[%dma_wait3A_25, %dma_wait3A_26] : memref<1000000x64xf32, #tpu.memory_space<hbm>> -> memref<128x64xf32, #tpu.memory_space<hbm>>
      tpu.wait_dma2 semaphore(%arg15 : memref<!tpu.dma_semaphore, #tpu.memory_space<semaphore_mem>>) src(%dma_wait3A_27 : memref<128x64xf32, #tpu.memory_space<hbm>>) dst(%dma_wait3A_24 : memref<128x64xf32, #tpu.memory_space<vmem>>)
      %dma_wait3A_28 = arith.constant 0 : i32
      %dma_wait3A_29 = arith.constant 0 : i32
      %dma_wait3A_30 = tpu.memref_slice %arg11[%dma_wait3A_28, %dma_wait3A_29] : memref<256x64xf32, #tpu.memory_space<vmem>> -> memref<128x64xf32, #tpu.memory_space<vmem>>
      %dma_wait3A_31 = arith.constant 0 : i32
      %dma_wait3A_32 = arith.constant 0 : i32
      %dma_wait3A_33 = tpu.memref_slice %arg2[%dma_wait3A_31, %dma_wait3A_32] : memref<1000000x64xf32, #tpu.memory_space<hbm>> -> memref<128x64xf32, #tpu.memory_space<hbm>>
      %dma_wait3A_34 = arith.constant 0 : i32
      %dma_wait3A_35 = arith.constant 0 : i32
      %dma_wait3A_36 = tpu.memref_slice %arg11[%dma_wait3A_34, %dma_wait3A_35] : memref<256x64xf32, #tpu.memory_space<vmem>> -> memref<128x64xf32, #tpu.memory_space<vmem>>
      %dma_wait3A_37 = arith.constant 0 : i32
      %dma_wait3A_38 = arith.constant 0 : i32
      %dma_wait3A_39 = tpu.memref_slice %arg2[%dma_wait3A_37, %dma_wait3A_38] : memref<1000000x64xf32, #tpu.memory_space<hbm>> -> memref<128x64xf32, #tpu.memory_space<hbm>>
      tpu.wait_dma2 semaphore(%arg16 : memref<!tpu.dma_semaphore, #tpu.memory_space<semaphore_mem>>) src(%dma_wait3A_39 : memref<128x64xf32, #tpu.memory_space<hbm>>) dst(%dma_wait3A_36 : memref<128x64xf32, #tpu.memory_space<vmem>>)
      %dma_wait3A_40 = arith.constant 0 : i32
      %dma_wait3A_41 = arith.constant 0 : i32
      %dma_wait3A_42 = tpu.memref_slice %arg11[%dma_wait3A_40, %dma_wait3A_41] : memref<256x64xf32, #tpu.memory_space<vmem>> -> memref<128x64xf32, #tpu.memory_space<vmem>>
      %dma_wait3A_43 = arith.constant 0 : i32
      %dma_wait3A_44 = arith.constant 0 : i32
      %dma_wait3A_45 = tpu.memref_slice %arg2[%dma_wait3A_43, %dma_wait3A_44] : memref<1000000x64xf32, #tpu.memory_space<hbm>> -> memref<128x64xf32, #tpu.memory_space<hbm>>
      %dma_wait3A_46 = arith.constant 0 : i32
      %dma_wait3A_47 = arith.constant 0 : i32
      %dma_wait3A_48 = tpu.memref_slice %arg11[%dma_wait3A_46, %dma_wait3A_47] : memref<256x64xf32, #tpu.memory_space<vmem>> -> memref<128x64xf32, #tpu.memory_space<vmem>>
      %dma_wait3A_49 = arith.constant 0 : i32
      %dma_wait3A_50 = arith.constant 0 : i32
      %dma_wait3A_51 = tpu.memref_slice %arg2[%dma_wait3A_49, %dma_wait3A_50] : memref<1000000x64xf32, #tpu.memory_space<hbm>> -> memref<128x64xf32, #tpu.memory_space<hbm>>
      tpu.wait_dma2 semaphore(%arg17 : memref<!tpu.dma_semaphore, #tpu.memory_space<semaphore_mem>>) src(%dma_wait3A_51 : memref<128x64xf32, #tpu.memory_space<hbm>>) dst(%dma_wait3A_48 : memref<128x64xf32, #tpu.memory_space<vmem>>)
      %dma_wait3A_52 = arith.constant 0 : i32
      %dma_wait3A_53 = arith.constant 0 : i32
      %dma_wait3A_54 = tpu.memref_slice %arg11[%dma_wait3A_52, %dma_wait3A_53] : memref<256x64xf32, #tpu.memory_space<vmem>> -> memref<128x64xf32, #tpu.memory_space<vmem>>
      %dma_wait3A_55 = arith.constant 0 : i32
      %dma_wait3A_56 = arith.constant 0 : i32
      %dma_wait3A_57 = tpu.memref_slice %arg2[%dma_wait3A_55, %dma_wait3A_56] : memref<1000000x64xf32, #tpu.memory_space<hbm>> -> memref<128x64xf32, #tpu.memory_space<hbm>>
      %dma_wait3A_58 = arith.constant 0 : i32
      %dma_wait3A_59 = arith.constant 0 : i32
      %dma_wait3A_60 = tpu.memref_slice %arg11[%dma_wait3A_58, %dma_wait3A_59] : memref<256x64xf32, #tpu.memory_space<vmem>> -> memref<128x64xf32, #tpu.memory_space<vmem>>
      %dma_wait3A_61 = arith.constant 0 : i32
      %dma_wait3A_62 = arith.constant 0 : i32
      %dma_wait3A_63 = tpu.memref_slice %arg2[%dma_wait3A_61, %dma_wait3A_62] : memref<1000000x64xf32, #tpu.memory_space<hbm>> -> memref<128x64xf32, #tpu.memory_space<hbm>>
      tpu.wait_dma2 semaphore(%arg18 : memref<!tpu.dma_semaphore, #tpu.memory_space<semaphore_mem>>) src(%dma_wait3A_63 : memref<128x64xf32, #tpu.memory_space<hbm>>) dst(%dma_wait3A_60 : memref<128x64xf32, #tpu.memory_space<vmem>>)
      %dma_wait3A_64 = arith.constant 0 : i32
      %dma_wait3A_65 = arith.constant 0 : i32
      %dma_wait3A_66 = tpu.memref_slice %arg11[%dma_wait3A_64, %dma_wait3A_65] : memref<256x64xf32, #tpu.memory_space<vmem>> -> memref<128x64xf32, #tpu.memory_space<vmem>>
      %dma_wait3A_67 = arith.constant 0 : i32
      %dma_wait3A_68 = arith.constant 0 : i32
      %dma_wait3A_69 = tpu.memref_slice %arg2[%dma_wait3A_67, %dma_wait3A_68] : memref<1000000x64xf32, #tpu.memory_space<hbm>> -> memref<128x64xf32, #tpu.memory_space<hbm>>
      %dma_wait3A_70 = arith.constant 0 : i32
      %dma_wait3A_71 = arith.constant 0 : i32
      %dma_wait3A_72 = tpu.memref_slice %arg11[%dma_wait3A_70, %dma_wait3A_71] : memref<256x64xf32, #tpu.memory_space<vmem>> -> memref<128x64xf32, #tpu.memory_space<vmem>>
      %dma_wait3A_73 = arith.constant 0 : i32
      %dma_wait3A_74 = arith.constant 0 : i32
      %dma_wait3A_75 = tpu.memref_slice %arg2[%dma_wait3A_73, %dma_wait3A_74] : memref<1000000x64xf32, #tpu.memory_space<hbm>> -> memref<128x64xf32, #tpu.memory_space<hbm>>
      tpu.wait_dma2 semaphore(%arg19 : memref<!tpu.dma_semaphore, #tpu.memory_space<semaphore_mem>>) src(%dma_wait3A_75 : memref<128x64xf32, #tpu.memory_space<hbm>>) dst(%dma_wait3A_72 : memref<128x64xf32, #tpu.memory_space<vmem>>)
      %dma_wait3A_76 = arith.constant 0 : i32
      %dma_wait3A_77 = arith.constant 0 : i32
      %dma_wait3A_78 = tpu.memref_slice %arg11[%dma_wait3A_76, %dma_wait3A_77] : memref<256x64xf32, #tpu.memory_space<vmem>> -> memref<128x64xf32, #tpu.memory_space<vmem>>
      %dma_wait3A_79 = arith.constant 0 : i32
      %dma_wait3A_80 = arith.constant 0 : i32
      %dma_wait3A_81 = tpu.memref_slice %arg2[%dma_wait3A_79, %dma_wait3A_80] : memref<1000000x64xf32, #tpu.memory_space<hbm>> -> memref<128x64xf32, #tpu.memory_space<hbm>>
      %dma_wait3A_82 = arith.constant 0 : i32
      %dma_wait3A_83 = arith.constant 0 : i32
      %dma_wait3A_84 = tpu.memref_slice %arg11[%dma_wait3A_82, %dma_wait3A_83] : memref<256x64xf32, #tpu.memory_space<vmem>> -> memref<128x64xf32, #tpu.memory_space<vmem>>
      %dma_wait3A_85 = arith.constant 0 : i32
      %dma_wait3A_86 = arith.constant 0 : i32
      %dma_wait3A_87 = tpu.memref_slice %arg2[%dma_wait3A_85, %dma_wait3A_86] : memref<1000000x64xf32, #tpu.memory_space<hbm>> -> memref<128x64xf32, #tpu.memory_space<hbm>>
      tpu.wait_dma2 semaphore(%arg20 : memref<!tpu.dma_semaphore, #tpu.memory_space<semaphore_mem>>) src(%dma_wait3A_87 : memref<128x64xf32, #tpu.memory_space<hbm>>) dst(%dma_wait3A_84 : memref<128x64xf32, #tpu.memory_space<vmem>>)
      %scan3A_88 = arith.constant 0 : i32
      %scan3A_89 = arith.constant 0 : i32
      %scan3A_90 = arith.constant 16 : i32
      %scan3A_91 = arith.addi %scan3A_89, %scan3A_90 : i32
      %scan3A_92 = arith.constant 1 : i32
      scf.for %scan3A_94 = %scan3A_89 to %scan3A_91 step %scan3A_92  : i32 {
        %iota3A = tpu.iota {dimensions = array<i32: 0>} : vector<16xi32>
        %add3A_95 = arith.constant 8 : i32
        %add3A_96 = vector.broadcast %add3A_95 : i32 to vector<16xi32>
        %add3A_97 = arith.addi %iota3A, %add3A_96 : vector<16xi32>
        %and3A = arith.constant 15 : i32
        %and3A_98 = vector.broadcast %and3A : i32 to vector<16xi32>
        %and3A_99 = arith.andi %add3A_97, %and3A_98 : vector<16xi32>
        %add3A_100 = arith.constant 4 : i32
        %add3A_101 = vector.broadcast %add3A_100 : i32 to vector<16xi32>
        %add3A_102 = arith.addi %iota3A, %add3A_101 : vector<16xi32>
        %and3A_103 = arith.constant 15 : i32
        %and3A_104 = vector.broadcast %and3A_103 : i32 to vector<16xi32>
        %and3A_105 = arith.andi %add3A_102, %and3A_104 : vector<16xi32>
        %add3A_106 = arith.constant 2 : i32
        %add3A_107 = vector.broadcast %add3A_106 : i32 to vector<16xi32>
        %add3A_108 = arith.addi %iota3A, %add3A_107 : vector<16xi32>
        %and3A_109 = arith.constant 15 : i32
        %and3A_110 = vector.broadcast %and3A_109 : i32 to vector<16xi32>
        %and3A_111 = arith.andi %add3A_108, %and3A_110 : vector<16xi32>
        %add3A_112 = arith.constant 1 : i32
        %add3A_113 = vector.broadcast %add3A_112 : i32 to vector<16xi32>
        %add3A_114 = arith.addi %iota3A, %add3A_113 : vector<16xi32>
        %and3A_115 = arith.constant 15 : i32
        %and3A_116 = vector.broadcast %and3A_115 : i32 to vector<16xi32>
        %and3A_117 = arith.andi %add3A_114, %and3A_116 : vector<16xi32>
        %sub3A = arith.constant 8 : i32
        %sub3A_118 = vector.broadcast %sub3A : i32 to vector<16xi32>
        %sub3A_119 = arith.subi %iota3A, %sub3A_118 : vector<16xi32>
        %and3A_120 = arith.constant 15 : i32
        %and3A_121 = vector.broadcast %and3A_120 : i32 to vector<16xi32>
        %and3A_122 = arith.andi %sub3A_119, %and3A_121 : vector<16xi32>
        %sub3A_123 = arith.constant 4 : i32
        %sub3A_124 = vector.broadcast %sub3A_123 : i32 to vector<16xi32>
        %sub3A_125 = arith.subi %iota3A, %sub3A_124 : vector<16xi32>
        %and3A_126 = arith.constant 15 : i32
        %and3A_127 = vector.broadcast %and3A_126 : i32 to vector<16xi32>
        %and3A_128 = arith.andi %sub3A_125, %and3A_127 : vector<16xi32>
        %sub3A_129 = arith.constant 2 : i32
        %sub3A_130 = vector.broadcast %sub3A_129 : i32 to vector<16xi32>
        %sub3A_131 = arith.subi %iota3A, %sub3A_130 : vector<16xi32>
        %and3A_132 = arith.constant 15 : i32
        %and3A_133 = vector.broadcast %and3A_132 : i32 to vector<16xi32>
        %and3A_134 = arith.andi %sub3A_131, %and3A_133 : vector<16xi32>
        %sub3A_135 = arith.constant 1 : i32
        %sub3A_136 = vector.broadcast %sub3A_135 : i32 to vector<16xi32>
        %sub3A_137 = arith.subi %iota3A, %sub3A_136 : vector<16xi32>
        %and3A_138 = arith.constant 15 : i32
        %and3A_139 = vector.broadcast %and3A_138 : i32 to vector<16xi32>
        %and3A_140 = arith.andi %sub3A_137, %and3A_139 : vector<16xi32>
        %shift_right_arithmetic3A = arith.constant 3 : i32
        %shift_right_arithmetic3A_141 = vector.broadcast %shift_right_arithmetic3A : i32 to vector<16xi32>
        %shift_right_arithmetic3A_142 = arith.shrsi %iota3A, %shift_right_arithmetic3A_141 : vector<16xi32>
        %and3A_143 = arith.constant 1 : i32
        %and3A_144 = vector.broadcast %and3A_143 : i32 to vector<16xi32>
        %and3A_145 = arith.andi %shift_right_arithmetic3A_142, %and3A_144 : vector<16xi32>
        %convert_element_type3A = arith.sitofp %and3A_145 : vector<16xi32> to vector<16xf32>
        %shift_right_arithmetic3A_146 = arith.constant 2 : i32
        %shift_right_arithmetic3A_147 = vector.broadcast %shift_right_arithmetic3A_146 : i32 to vector<16xi32>
        %shift_right_arithmetic3A_148 = arith.shrsi %iota3A, %shift_right_arithmetic3A_147 : vector<16xi32>
        %and3A_149 = arith.constant 1 : i32
        %and3A_150 = vector.broadcast %and3A_149 : i32 to vector<16xi32>
        %and3A_151 = arith.andi %shift_right_arithmetic3A_148, %and3A_150 : vector<16xi32>
        %convert_element_type3A_152 = arith.sitofp %and3A_151 : vector<16xi32> to vector<16xf32>
        %shift_right_arithmetic3A_153 = arith.constant 1 : i32
        %shift_right_arithmetic3A_154 = vector.broadcast %shift_right_arithmetic3A_153 : i32 to vector<16xi32>
        %shift_right_arithmetic3A_155 = arith.shrsi %iota3A, %shift_right_arithmetic3A_154 : vector<16xi32>
        %and3A_156 = arith.constant 1 : i32
        %and3A_157 = vector.broadcast %and3A_156 : i32 to vector<16xi32>
        %and3A_158 = arith.andi %shift_right_arithmetic3A_155, %and3A_157 : vector<16xi32>
        %convert_element_type3A_159 = arith.sitofp %and3A_158 : vector<16xi32> to vector<16xf32>
        %shift_right_arithmetic3A_160 = arith.constant 0 : i32
        %shift_right_arithmetic3A_161 = vector.broadcast %shift_right_arithmetic3A_160 : i32 to vector<16xi32>
        %shift_right_arithmetic3A_162 = arith.shrsi %iota3A, %shift_right_arithmetic3A_161 : vector<16xi32>
        %and3A_163 = arith.constant 1 : i32
        %and3A_164 = vector.broadcast %and3A_163 : i32 to vector<16xi32>
        %and3A_165 = arith.andi %shift_right_arithmetic3A_162, %and3A_164 : vector<16xi32>
        %convert_element_type3A_166 = arith.sitofp %and3A_165 : vector<16xi32> to vector<16xf32>
        %and3A_167 = arith.constant 1 : i32
        %and3A_168 = vector.broadcast %and3A_167 : i32 to vector<16xi32>
        %and3A_169 = arith.andi %iota3A, %and3A_168 : vector<16xi32>
        %shift_left3A = arith.constant 3 : i32
        %shift_left3A_170 = vector.broadcast %shift_left3A : i32 to vector<16xi32>
        %shift_left3A_171 = arith.shli %and3A_169, %shift_left3A_170 : vector<16xi32>
        %and3A_172 = arith.constant 2 : i32
        %and3A_173 = vector.broadcast %and3A_172 : i32 to vector<16xi32>
        %and3A_174 = arith.andi %iota3A, %and3A_173 : vector<16xi32>
        %shift_left3A_175 = arith.constant 1 : i32
        %shift_left3A_176 = vector.broadcast %shift_left3A_175 : i32 to vector<16xi32>
        %shift_left3A_177 = arith.shli %and3A_174, %shift_left3A_176 : vector<16xi32>
        %or3A = arith.ori %shift_left3A_171, %shift_left3A_177 : vector<16xi32>
        %and3A_178 = arith.constant 4 : i32
        %and3A_179 = vector.broadcast %and3A_178 : i32 to vector<16xi32>
        %and3A_180 = arith.andi %iota3A, %and3A_179 : vector<16xi32>
        %shift_right_arithmetic3A_181 = arith.constant 1 : i32
        %shift_right_arithmetic3A_182 = vector.broadcast %shift_right_arithmetic3A_181 : i32 to vector<16xi32>
        %shift_right_arithmetic3A_183 = arith.shrsi %and3A_180, %shift_right_arithmetic3A_182 : vector<16xi32>
        %or3A_184 = arith.ori %or3A, %shift_right_arithmetic3A_183 : vector<16xi32>
        %and3A_185 = arith.constant 8 : i32
        %and3A_186 = vector.broadcast %and3A_185 : i32 to vector<16xi32>
        %and3A_187 = arith.andi %iota3A, %and3A_186 : vector<16xi32>
        %shift_right_arithmetic3A_188 = arith.constant 3 : i32
        %shift_right_arithmetic3A_189 = vector.broadcast %shift_right_arithmetic3A_188 : i32 to vector<16xi32>
        %shift_right_arithmetic3A_190 = arith.shrsi %and3A_187, %shift_right_arithmetic3A_189 : vector<16xi32>
        %or3A_191 = arith.ori %or3A_184, %shift_right_arithmetic3A_190 : vector<16xi32>
        %mul3A_192 = arith.constant 16 : i32
        %mul3A_193 = arith.muli %scan3A_94, %mul3A_192 : i32
        %add3A_194 = arith.constant 0 : i32
        %add3A_195 = arith.addi %mul3A_193, %add3A_194 : i32
        %get3A = arith.index_cast %add3A_195 : i32 to index
        %get3A_196 = arith.constant 0 : index
        %get3A_197 = tpu.vector_load %arg11[%get3A, %get3A_196] {strides = array<i32>} : memref<256x64xf32, #tpu.memory_space<vmem>>, vector<16xf32>,
        %get3A_198 = arith.index_cast %add3A_195 : i32 to index
        %get3A_199 = arith.constant 0 : index
        %get3A_200 = tpu.vector_load %arg12[%get3A_198, %get3A_199] {strides = array<i32>} : memref<256x64xf32, #tpu.memory_space<vmem>>, vector<16xf32>,
        %add3A_201 = arith.addf %get3A_197, %get3A_200 : vector<16xf32>
        %get3A_202 = arith.index_cast %add3A_195 : i32 to index
        %get3A_203 = arith.constant 0 : index
        %get3A_204 = tpu.vector_load %arg13[%get3A_202, %get3A_203] {strides = array<i32>} : memref<256x64xf32, #tpu.memory_space<vmem>>, vector<16xf32>,
        %sub3A_205 = arith.subf %add3A_201, %get3A_204 : vector<16xf32>
        %abs3A = math.absf %sub3A_205 : vector<16xf32>
        %get3A_206 = arith.index_cast %add3A_195 : i32 to index
        %get3A_207 = arith.constant 16 : index
        %get3A_208 = tpu.vector_load %arg11[%get3A_206, %get3A_207] {strides = array<i32>} : memref<256x64xf32, #tpu.memory_space<vmem>>, vector<16xf32>,
        %get3A_209 = arith.index_cast %add3A_195 : i32 to index
        %get3A_210 = arith.constant 16 : index
        %get3A_211 = tpu.vector_load %arg12[%get3A_209, %get3A_210] {strides = array<i32>} : memref<256x64xf32, #tpu.memory_space<vmem>>, vector<16xf32>,
        %add3A_212 = arith.addf %get3A_208, %get3A_211 : vector<16xf32>
        %get3A_213 = arith.index_cast %add3A_195 : i32 to index
        %get3A_214 = arith.constant 16 : index
        %get3A_215 = tpu.vector_load %arg13[%get3A_213, %get3A_214] {strides = array<i32>} : memref<256x64xf32, #tpu.memory_space<vmem>>, vector<16xf32>,
        %sub3A_216 = arith.subf %add3A_212, %get3A_215 : vector<16xf32>
        %abs3A_217 = math.absf %sub3A_216 : vector<16xf32>
        %add3A_218 = arith.addf %abs3A, %abs3A_217 : vector<16xf32>
        %get3A_219 = arith.index_cast %add3A_195 : i32 to index
        %get3A_220 = arith.constant 32 : index
        %get3A_221 = tpu.vector_load %arg11[%get3A_219, %get3A_220] {strides = array<i32>} : memref<256x64xf32, #tpu.memory_space<vmem>>, vector<16xf32>,
        %get3A_222 = arith.index_cast %add3A_195 : i32 to index
        %get3A_223 = arith.constant 32 : index
        %get3A_224 = tpu.vector_load %arg12[%get3A_222, %get3A_223] {strides = array<i32>} : memref<256x64xf32, #tpu.memory_space<vmem>>, vector<16xf32>,
        %add3A_225 = arith.addf %get3A_221, %get3A_224 : vector<16xf32>
        %get3A_226 = arith.index_cast %add3A_195 : i32 to index
        %get3A_227 = arith.constant 32 : index
        %get3A_228 = tpu.vector_load %arg13[%get3A_226, %get3A_227] {strides = array<i32>} : memref<256x64xf32, #tpu.memory_space<vmem>>, vector<16xf32>,
        %sub3A_229 = arith.subf %add3A_225, %get3A_228 : vector<16xf32>
        %abs3A_230 = math.absf %sub3A_229 : vector<16xf32>
        %add3A_231 = arith.addf %add3A_218, %abs3A_230 : vector<16xf32>
        %get3A_232 = arith.index_cast %add3A_195 : i32 to index
        %get3A_233 = arith.constant 48 : index
        %get3A_234 = tpu.vector_load %arg11[%get3A_232, %get3A_233] {strides = array<i32>} : memref<256x64xf32, #tpu.memory_space<vmem>>, vector<16xf32>,
        %get3A_235 = arith.index_cast %add3A_195 : i32 to index
        %get3A_236 = arith.constant 48 : index
        %get3A_237 = tpu.vector_load %arg12[%get3A_235, %get3A_236] {strides = array<i32>} : memref<256x64xf32, #tpu.memory_space<vmem>>, vector<16xf32>,
        %add3A_238 = arith.addf %get3A_234, %get3A_237 : vector<16xf32>
        %get3A_239 = arith.index_cast %add3A_195 : i32 to index
        %get3A_240 = arith.constant 48 : index
        %get3A_241 = tpu.vector_load %arg13[%get3A_239, %get3A_240] {strides = array<i32>} : memref<256x64xf32, #tpu.memory_space<vmem>>, vector<16xf32>,
        %sub3A_242 = arith.subf %add3A_238, %get3A_241 : vector<16xf32>
        %abs3A_243 = math.absf %sub3A_242 : vector<16xf32>
        %add3A_244 = arith.addf %add3A_231, %abs3A_243 : vector<16xf32>
        %add3A_245 = arith.constant 1 : i32
        %add3A_246 = arith.addi %mul3A_193, %add3A_245 : i32
        %get3A_247 = arith.index_cast %add3A_246 : i32 to index
        %get3A_248 = arith.constant 0 : index
        %get3A_249 = tpu.vector_load %arg11[%get3A_247, %get3A_248] {strides = array<i32>} : memref<256x64xf32, #tpu.memory_space<vmem>>, vector<16xf32>,
        %get3A_250 = arith.index_cast %add3A_246 : i32 to index
        %get3A_251 = arith.constant 0 : index
        %get3A_252 = tpu.vector_load %arg12[%get3A_250, %get3A_251] {strides = array<i32>} : memref<256x64xf32, #tpu.memory_space<vmem>>, vector<16xf32>,
        %add3A_253 = arith.addf %get3A_249, %get3A_252 : vector<16xf32>
        %get3A_254 = arith.index_cast %add3A_246 : i32 to index
        %get3A_255 = arith.constant 0 : index
        %get3A_256 = tpu.vector_load %arg13[%get3A_254, %get3A_255] {strides = array<i32>} : memref<256x64xf32, #tpu.memory_space<vmem>>, vector<16xf32>,
        %sub3A_257 = arith.subf %add3A_253, %get3A_256 : vector<16xf32>
        %abs3A_258 = math.absf %sub3A_257 : vector<16xf32>
        %get3A_259 = arith.index_cast %add3A_246 : i32 to index
        %get3A_260 = arith.constant 16 : index
        %get3A_261 = tpu.vector_load %arg11[%get3A_259, %get3A_260] {strides = array<i32>} : memref<256x64xf32, #tpu.memory_space<vmem>>, vector<16xf32>,
        %get3A_262 = arith.index_cast %add3A_246 : i32 to index
        %get3A_263 = arith.constant 16 : index
        %get3A_264 = tpu.vector_load %arg12[%get3A_262, %get3A_263] {strides = array<i32>} : memref<256x64xf32, #tpu.memory_space<vmem>>, vector<16xf32>,
        %add3A_265 = arith.addf %get3A_261, %get3A_264 : vector<16xf32>
        %get3A_266 = arith.index_cast %add3A_246 : i32 to index
        %get3A_267 = arith.constant 16 : index
        %get3A_268 = tpu.vector_load %arg13[%get3A_266, %get3A_267] {strides = array<i32>} : memref<256x64xf32, #tpu.memory_space<vmem>>, vector<16xf32>,
        %sub3A_269 = arith.subf %add3A_265, %get3A_268 : vector<16xf32>
        %abs3A_270 = math.absf %sub3A_269 : vector<16xf32>
        %add3A_271 = arith.addf %abs3A_258, %abs3A_270 : vector<16xf32>
        %get3A_272 = arith.index_cast %add3A_246 : i32 to index
        %get3A_273 = arith.constant 32 : index
        %get3A_274 = tpu.vector_load %arg11[%get3A_272, %get3A_273] {strides = array<i32>} : memref<256x64xf32, #tpu.memory_space<vmem>>, vector<16xf32>,
        %get3A_275 = arith.index_cast %add3A_246 : i32 to index
        %get3A_276 = arith.constant 32 : index
        %get3A_277 = tpu.vector_load %arg12[%get3A_275, %get3A_276] {strides = array<i32>} : memref<256x64xf32, #tpu.memory_space<vmem>>, vector<16xf32>,
        %add3A_278 = arith.addf %get3A_274, %get3A_277 : vector<16xf32>
        %get3A_279 = arith.index_cast %add3A_246 : i32 to index
        %get3A_280 = arith.constant 32 : index
        %get3A_281 = tpu.vector_load %arg13[%get3A_279, %get3A_280] {strides = array<i32>} : memref<256x64xf32, #tpu.memory_space<vmem>>, vector<16xf32>,
        %sub3A_282 = arith.subf %add3A_278, %get3A_281 : vector<16xf32>
        %abs3A_283 = math.absf %sub3A_282 : vector<16xf32>
        %add3A_284 = arith.addf %add3A_271, %abs3A_283 : vector<16xf32>
        %get3A_285 = arith.index_cast %add3A_246 : i32 to index
        %get3A_286 = arith.constant 48 : index
        %get3A_287 = tpu.vector_load %arg11[%get3A_285, %get3A_286] {strides = array<i32>} : memref<256x64xf32, #tpu.memory_space<vmem>>, vector<16xf32>,
        %get3A_288 = arith.index_cast %add3A_246 : i32 to index
        %get3A_289 = arith.constant 48 : index
        %get3A_290 = tpu.vector_load %arg12[%get3A_288, %get3A_289] {strides = array<i32>} : memref<256x64xf32, #tpu.memory_space<vmem>>, vector<16xf32>,
        %add3A_291 = arith.addf %get3A_287, %get3A_290 : vector<16xf32>
        %get3A_292 = arith.index_cast %add3A_246 : i32 to index
        %get3A_293 = arith.constant 48 : index
        %get3A_294 = tpu.vector_load %arg13[%get3A_292, %get3A_293] {strides = array<i32>} : memref<256x64xf32, #tpu.memory_space<vmem>>, vector<16xf32>,
        %sub3A_295 = arith.subf %add3A_291, %get3A_294 : vector<16xf32>
        %abs3A_296 = math.absf %sub3A_295 : vector<16xf32>
        %add3A_297 = arith.addf %add3A_284, %abs3A_296 : vector<16xf32>
        %add3A_298 = arith.constant 2 : i32
        %add3A_299 = arith.addi %mul3A_193, %add3A_298 : i32
        %get3A_300 = arith.index_cast %add3A_299 : i32 to index
        %get3A_301 = arith.constant 0 : index
        %get3A_302 = tpu.vector_load %arg11[%get3A_300, %get3A_301] {strides = array<i32>} : memref<256x64xf32, #tpu.memory_space<vmem>>, vector<16xf32>,
        %get3A_303 = arith.index_cast %add3A_299 : i32 to index
        %get3A_304 = arith.constant 0 : index
        %get3A_305 = tpu.vector_load %arg12[%get3A_303, %get3A_304] {strides = array<i32>} : memref<256x64xf32, #tpu.memory_space<vmem>>, vector<16xf32>,
        %add3A_306 = arith.addf %get3A_302, %get3A_305 : vector<16xf32>
        %get3A_307 = arith.index_cast %add3A_299 : i32 to index
        %get3A_308 = arith.constant 0 : index
        %get3A_309 = tpu.vector_load %arg13[%get3A_307, %get3A_308] {strides = array<i32>} : memref<256x64xf32, #tpu.memory_space<vmem>>, vector<16xf32>,
        %sub3A_310 = arith.subf %add3A_306, %get3A_309 : vector<16xf32>
        %abs3A_311 = math.absf %sub3A_310 : vector<16xf32>
        %get3A_312 = arith.index_cast %add3A_299 : i32 to index
        %get3A_313 = arith.constant 16 : index
        %get3A_314 = tpu.vector_load %arg11[%get3A_312, %get3A_313] {strides = array<i32>} : memref<256x64xf32, #tpu.memory_space<vmem>>, vector<16xf32>,
        %get3A_315 = arith.index_cast %add3A_299 : i32 to index
        %get3A_316 = arith.constant 16 : index
        %get3A_317 = tpu.vector_load %arg12[%get3A_315, %get3A_316] {strides = array<i32>} : memref<256x64xf32, #tpu.memory_space<vmem>>, vector<16xf32>,
        %add3A_318 = arith.addf %get3A_314, %get3A_317 : vector<16xf32>
        %get3A_319 = arith.index_cast %add3A_299 : i32 to index
        %get3A_320 = arith.constant 16 : index
        %get3A_321 = tpu.vector_load %arg13[%get3A_319, %get3A_320] {strides = array<i32>} : memref<256x64xf32, #tpu.memory_space<vmem>>, vector<16xf32>,
        %sub3A_322 = arith.subf %add3A_318, %get3A_321 : vector<16xf32>
        %abs3A_323 = math.absf %sub3A_322 : vector<16xf32>
        %add3A_324 = arith.addf %abs3A_311, %abs3A_323 : vector<16xf32>
        %get3A_325 = arith.index_cast %add3A_299 : i32 to index
        %get3A_326 = arith.constant 32 : index
        %get3A_327 = tpu.vector_load %arg11[%get3A_325, %get3A_326] {strides = array<i32>} : memref<256x64xf32, #tpu.memory_space<vmem>>, vector<16xf32>,
        %get3A_328 = arith.index_cast %add3A_299 : i32 to index
        %get3A_329 = arith.constant 32 : index
        %get3A_330 = tpu.vector_load %arg12[%get3A_328, %get3A_329] {strides = array<i32>} : memref<256x64xf32, #tpu.memory_space<vmem>>, vector<16xf32>,
        %add3A_331 = arith.addf %get3A_327, %get3A_330 : vector<16xf32>
        %get3A_332 = arith.index_cast %add3A_299 : i32 to index
        %get3A_333 = arith.constant 32 : index
        %get3A_334 = tpu.vector_load %arg13[%get3A_332, %get3A_333] {strides = array<i32>} : memref<256x64xf32, #tpu.memory_space<vmem>>, vector<16xf32>,
        %sub3A_335 = arith.subf %add3A_331, %get3A_334 : vector<16xf32>
        %abs3A_336 = math.absf %sub3A_335 : vector<16xf32>
        %add3A_337 = arith.addf %add3A_324, %abs3A_336 : vector<16xf32>
        %get3A_338 = arith.index_cast %add3A_299 : i32 to index
        %get3A_339 = arith.constant 48 : index
        %get3A_340 = tpu.vector_load %arg11[%get3A_338, %get3A_339] {strides = array<i32>} : memref<256x64xf32, #tpu.memory_space<vmem>>, vector<16xf32>,
        %get3A_341 = arith.index_cast %add3A_299 : i32 to index
        %get3A_342 = arith.constant 48 : index
        %get3A_343 = tpu.vector_load %arg12[%get3A_341, %get3A_342] {strides = array<i32>} : memref<256x64xf32, #tpu.memory_space<vmem>>, vector<16xf32>,
        %add3A_344 = arith.addf %get3A_340, %get3A_343 : vector<16xf32>
        %get3A_345 = arith.index_cast %add3A_299 : i32 to index
        %get3A_346 = arith.constant 48 : index
        %get3A_347 = tpu.vector_load %arg13[%get3A_345, %get3A_346] {strides = array<i32>} : memref<256x64xf32, #tpu.memory_space<vmem>>, vector<16xf32>,
        %sub3A_348 = arith.subf %add3A_344, %get3A_347 : vector<16xf32>
        %abs3A_349 = math.absf %sub3A_348 : vector<16xf32>
        %add3A_350 = arith.addf %add3A_337, %abs3A_349 : vector<16xf32>
        %add3A_351 = arith.constant 3 : i32
        %add3A_352 = arith.addi %mul3A_193, %add3A_351 : i32
        %get3A_353 = arith.index_cast %add3A_352 : i32 to index
        %get3A_354 = arith.constant 0 : index
        %get3A_355 = tpu.vector_load %arg11[%get3A_353, %get3A_354] {strides = array<i32>} : memref<256x64xf32, #tpu.memory_space<vmem>>, vector<16xf32>,
        %get3A_356 = arith.index_cast %add3A_352 : i32 to index
        %get3A_357 = arith.constant 0 : index
        %get3A_358 = tpu.vector_load %arg12[%get3A_356, %get3A_357] {strides = array<i32>} : memref<256x64xf32, #tpu.memory_space<vmem>>, vector<16xf32>,
        %add3A_359 = arith.addf %get3A_355, %get3A_358 : vector<16xf32>
        %get3A_360 = arith.index_cast %add3A_352 : i32 to index
        %get3A_361 = arith.constant 0 : index
        %get3A_362 = tpu.vector_load %arg13[%get3A_360, %get3A_361] {strides = array<i32>} : memref<256x64xf32, #tpu.memory_space<vmem>>, vector<16xf32>,
        %sub3A_363 = arith.subf %add3A_359, %get3A_362 : vector<16xf32>
        %abs3A_364 = math.absf %sub3A_363 : vector<16xf32>
        %get3A_365 = arith.index_cast %add3A_352 : i32 to index
        %get3A_366 = arith.constant 16 : index
        %get3A_367 = tpu.vector_load %arg11[%get3A_365, %get3A_366] {strides = array<i32>} : memref<256x64xf32, #tpu.memory_space<vmem>>, vector<16xf32>,
        %get3A_368 = arith.index_cast %add3A_352 : i32 to index
        %get3A_369 = arith.constant 16 : index
        %get3A_370 = tpu.vector_load %arg12[%get3A_368, %get3A_369] {strides = array<i32>} : memref<256x64xf32, #tpu.memory_space<vmem>>, vector<16xf32>,
        %add3A_371 = arith.addf %get3A_367, %get3A_370 : vector<16xf32>
        %get3A_372 = arith.index_cast %add3A_352 : i32 to index
        %get3A_373 = arith.constant 16 : index
        %get3A_374 = tpu.vector_load %arg13[%get3A_372, %get3A_373] {strides = array<i32>} : memref<256x64xf32, #tpu.memory_space<vmem>>, vector<16xf32>,
        %sub3A_375 = arith.subf %add3A_371, %get3A_374 : vector<16xf32>
        %abs3A_376 = math.absf %sub3A_375 : vector<16xf32>
        %add3A_377 = arith.addf %abs3A_364, %abs3A_376 : vector<16xf32>
        %get3A_378 = arith.index_cast %add3A_352 : i32 to index
        %get3A_379 = arith.constant 32 : index
        %get3A_380 = tpu.vector_load %arg11[%get3A_378, %get3A_379] {strides = array<i32>} : memref<256x64xf32, #tpu.memory_space<vmem>>, vector<16xf32>,
        %get3A_381 = arith.index_cast %add3A_352 : i32 to index
        %get3A_382 = arith.constant 32 : index
        %get3A_383 = tpu.vector_load %arg12[%get3A_381, %get3A_382] {strides = array<i32>} : memref<256x64xf32, #tpu.memory_space<vmem>>, vector<16xf32>,
        %add3A_384 = arith.addf %get3A_380, %get3A_383 : vector<16xf32>
        %get3A_385 = arith.index_cast %add3A_352 : i32 to index
        %get3A_386 = arith.constant 32 : index
        %get3A_387 = tpu.vector_load %arg13[%get3A_385, %get3A_386] {strides = array<i32>} : memref<256x64xf32, #tpu.memory_space<vmem>>, vector<16xf32>,
        %sub3A_388 = arith.subf %add3A_384, %get3A_387 : vector<16xf32>
        %abs3A_389 = math.absf %sub3A_388 : vector<16xf32>
        %add3A_390 = arith.addf %add3A_377, %abs3A_389 : vector<16xf32>
        %get3A_391 = arith.index_cast %add3A_352 : i32 to index
        %get3A_392 = arith.constant 48 : index
        %get3A_393 = tpu.vector_load %arg11[%get3A_391, %get3A_392] {strides = array<i32>} : memref<256x64xf32, #tpu.memory_space<vmem>>, vector<16xf32>,
        %get3A_394 = arith.index_cast %add3A_352 : i32 to index
        %get3A_395 = arith.constant 48 : index
        %get3A_396 = tpu.vector_load %arg12[%get3A_394, %get3A_395] {strides = array<i32>} : memref<256x64xf32, #tpu.memory_space<vmem>>, vector<16xf32>,
        %add3A_397 = arith.addf %get3A_393, %get3A_396 : vector<16xf32>
        %get3A_398 = arith.index_cast %add3A_352 : i32 to index
        %get3A_399 = arith.constant 48 : index
        %get3A_400 = tpu.vector_load %arg13[%get3A_398, %get3A_399] {strides = array<i32>} : memref<256x64xf32, #tpu.memory_space<vmem>>, vector<16xf32>,
        %sub3A_401 = arith.subf %add3A_397, %get3A_400 : vector<16xf32>
        %abs3A_402 = math.absf %sub3A_401 : vector<16xf32>
        %add3A_403 = arith.addf %add3A_390, %abs3A_402 : vector<16xf32>
        %add3A_404 = arith.constant 4 : i32
        %add3A_405 = arith.addi %mul3A_193, %add3A_404 : i32
        %get3A_406 = arith.index_cast %add3A_405 : i32 to index
        %get3A_407 = arith.constant 0 : index
        %get3A_408 = tpu.vector_load %arg11[%get3A_406, %get3A_407] {strides = array<i32>} : memref<256x64xf32, #tpu.memory_space<vmem>>, vector<16xf32>,
        %get3A_409 = arith.index_cast %add3A_405 : i32 to index
        %get3A_410 = arith.constant 0 : index
        %get3A_411 = tpu.vector_load %arg12[%get3A_409, %get3A_410] {strides = array<i32>} : memref<256x64xf32, #tpu.memory_space<vmem>>, vector<16xf32>,
        %add3A_412 = arith.addf %get3A_408, %get3A_411 : vector<16xf32>
        %get3A_413 = arith.index_cast %add3A_405 : i32 to index
        %get3A_414 = arith.constant 0 : index
        %get3A_415 = tpu.vector_load %arg13[%get3A_413, %get3A_414] {strides = array<i32>} : memref<256x64xf32, #tpu.memory_space<vmem>>, vector<16xf32>,
        %sub3A_416 = arith.subf %add3A_412, %get3A_415 : vector<16xf32>
        %abs3A_417 = math.absf %sub3A_416 : vector<16xf32>
        %get3A_418 = arith.index_cast %add3A_405 : i32 to index
        %get3A_419 = arith.constant 16 : index
        %get3A_420 = tpu.vector_load %arg11[%get3A_418, %get3A_419] {strides = array<i32>} : memref<256x64xf32, #tpu.memory_space<vmem>>, vector<16xf32>,
        %get3A_421 = arith.index_cast %add3A_405 : i32 to index
        %get3A_422 = arith.constant 16 : index
        %get3A_423 = tpu.vector_load %arg12[%get3A_421, %get3A_422] {strides = array<i32>} : memref<256x64xf32, #tpu.memory_space<vmem>>, vector<16xf32>,
        %add3A_424 = arith.addf %get3A_420, %get3A_423 : vector<16xf32>
        %get3A_425 = arith.index_cast %add3A_405 : i32 to index
        %get3A_426 = arith.constant 16 : index
        %get3A_427 = tpu.vector_load %arg13[%get3A_425, %get3A_426] {strides = array<i32>} : memref<256x64xf32, #tpu.memory_space<vmem>>, vector<16xf32>,
        %sub3A_428 = arith.subf %add3A_424, %get3A_427 : vector<16xf32>
        %abs3A_429 = math.absf %sub3A_428 : vector<16xf32>
        %add3A_430 = arith.addf %abs3A_417, %abs3A_429 : vector<16xf32>
        %get3A_431 = arith.index_cast %add3A_405 : i32 to index
        %get3A_432 = arith.constant 32 : index
        %get3A_433 = tpu.vector_load %arg11[%get3A_431, %get3A_432] {strides = array<i32>} : memref<256x64xf32, #tpu.memory_space<vmem>>, vector<16xf32>,
        %get3A_434 = arith.index_cast %add3A_405 : i32 to index
        %get3A_435 = arith.constant 32 : index
        %get3A_436 = tpu.vector_load %arg12[%get3A_434, %get3A_435] {strides = array<i32>} : memref<256x64xf32, #tpu.memory_space<vmem>>, vector<16xf32>,
        %add3A_437 = arith.addf %get3A_433, %get3A_436 : vector<16xf32>
        %get3A_438 = arith.index_cast %add3A_405 : i32 to index
        %get3A_439 = arith.constant 32 : index
        %get3A_440 = tpu.vector_load %arg13[%get3A_438, %get3A_439] {strides = array<i32>} : memref<256x64xf32, #tpu.memory_space<vmem>>, vector<16xf32>,
        %sub3A_441 = arith.subf %add3A_437, %get3A_440 : vector<16xf32>
        %abs3A_442 = math.absf %sub3A_441 : vector<16xf32>
        %add3A_443 = arith.addf %add3A_430, %abs3A_442 : vector<16xf32>
        %get3A_444 = arith.index_cast %add3A_405 : i32 to index
        %get3A_445 = arith.constant 48 : index
        %get3A_446 = tpu.vector_load %arg11[%get3A_444, %get3A_445] {strides = array<i32>} : memref<256x64xf32, #tpu.memory_space<vmem>>, vector<16xf32>,
        %get3A_447 = arith.index_cast %add3A_405 : i32 to index
        %get3A_448 = arith.constant 48 : index
        %get3A_449 = tpu.vector_load %arg12[%get3A_447, %get3A_448] {strides = array<i32>} : memref<256x64xf32, #tpu.memory_space<vmem>>, vector<16xf32>,
        %add3A_450 = arith.addf %get3A_446, %get3A_449 : vector<16xf32>
        %get3A_451 = arith.index_cast %add3A_405 : i32 to index
        %get3A_452 = arith.constant 48 : index
        %get3A_453 = tpu.vector_load %arg13[%get3A_451, %get3A_452] {strides = array<i32>} : memref<256x64xf32, #tpu.memory_space<vmem>>, vector<16xf32>,
        %sub3A_454 = arith.subf %add3A_450, %get3A_453 : vector<16xf32>
        %abs3A_455 = math.absf %sub3A_454 : vector<16xf32>
        %add3A_456 = arith.addf %add3A_443, %abs3A_455 : vector<16xf32>
        %add3A_457 = arith.constant 5 : i32
        %add3A_458 = arith.addi %mul3A_193, %add3A_457 : i32
        %get3A_459 = arith.index_cast %add3A_458 : i32 to index
        %get3A_460 = arith.constant 0 : index
        %get3A_461 = tpu.vector_load %arg11[%get3A_459, %get3A_460] {strides = array<i32>} : memref<256x64xf32, #tpu.memory_space<vmem>>, vector<16xf32>,
        %get3A_462 = arith.index_cast %add3A_458 : i32 to index
        %get3A_463 = arith.constant 0 : index
        %get3A_464 = tpu.vector_load %arg12[%get3A_462, %get3A_463] {strides = array<i32>} : memref<256x64xf32, #tpu.memory_space<vmem>>, vector<16xf32>,
        %add3A_465 = arith.addf %get3A_461, %get3A_464 : vector<16xf32>
        %get3A_466 = arith.index_cast %add3A_458 : i32 to index
        %get3A_467 = arith.constant 0 : index
        %get3A_468 = tpu.vector_load %arg13[%get3A_466, %get3A_467] {strides = array<i32>} : memref<256x64xf32, #tpu.memory_space<vmem>>, vector<16xf32>,
        %sub3A_469 = arith.subf %add3A_465, %get3A_468 : vector<16xf32>
        %abs3A_470 = math.absf %sub3A_469 : vector<16xf32>
        %get3A_471 = arith.index_cast %add3A_458 : i32 to index
        %get3A_472 = arith.constant 16 : index
        %get3A_473 = tpu.vector_load %arg11[%get3A_471, %get3A_472] {strides = array<i32>} : memref<256x64xf32, #tpu.memory_space<vmem>>, vector<16xf32>,
        %get3A_474 = arith.index_cast %add3A_458 : i32 to index
        %get3A_475 = arith.constant 16 : index
        %get3A_476 = tpu.vector_load %arg12[%get3A_474, %get3A_475] {strides = array<i32>} : memref<256x64xf32, #tpu.memory_space<vmem>>, vector<16xf32>,
        %add3A_477 = arith.addf %get3A_473, %get3A_476 : vector<16xf32>
        %get3A_478 = arith.index_cast %add3A_458 : i32 to index
        %get3A_479 = arith.constant 16 : index
        %get3A_480 = tpu.vector_load %arg13[%get3A_478, %get3A_479] {strides = array<i32>} : memref<256x64xf32, #tpu.memory_space<vmem>>, vector<16xf32>,
        %sub3A_481 = arith.subf %add3A_477, %get3A_480 : vector<16xf32>
        %abs3A_482 = math.absf %sub3A_481 : vector<16xf32>
        %add3A_483 = arith.addf %abs3A_470, %abs3A_482 : vector<16xf32>
        %get3A_484 = arith.index_cast %add3A_458 : i32 to index
        %get3A_485 = arith.constant 32 : index
        %get3A_486 = tpu.vector_load %arg11[%get3A_484, %get3A_485] {strides = array<i32>} : memref<256x64xf32, #tpu.memory_space<vmem>>, vector<16xf32>,
        %get3A_487 = arith.index_cast %add3A_458 : i32 to index
        %get3A_488 = arith.constant 32 : index
        %get3A_489 = tpu.vector_load %arg12[%get3A_487, %get3A_488] {strides = array<i32>} : memref<256x64xf32, #tpu.memory_space<vmem>>, vector<16xf32>,
        %add3A_490 = arith.addf %get3A_486, %get3A_489 : vector<16xf32>
        %get3A_491 = arith.index_cast %add3A_458 : i32 to index
        %get3A_492 = arith.constant 32 : index
        %get3A_493 = tpu.vector_load %arg13[%get3A_491, %get3A_492] {strides = array<i32>} : memref<256x64xf32, #tpu.memory_space<vmem>>, vector<16xf32>,
        %sub3A_494 = arith.subf %add3A_490, %get3A_493 : vector<16xf32>
        %abs3A_495 = math.absf %sub3A_494 : vector<16xf32>
        %add3A_496 = arith.addf %add3A_483, %abs3A_495 : vector<16xf32>
        %get3A_497 = arith.index_cast %add3A_458 : i32 to index
        %get3A_498 = arith.constant 48 : index
        %get3A_499 = tpu.vector_load %arg11[%get3A_497, %get3A_498] {strides = array<i32>} : memref<256x64xf32, #tpu.memory_space<vmem>>, vector<16xf32>,
        %get3A_500 = arith.index_cast %add3A_458 : i32 to index
        %get3A_501 = arith.constant 48 : index
        %get3A_502 = tpu.vector_load %arg12[%get3A_500, %get3A_501] {strides = array<i32>} : memref<256x64xf32, #tpu.memory_space<vmem>>, vector<16xf32>,
        %add3A_503 = arith.addf %get3A_499, %get3A_502 : vector<16xf32>
        %get3A_504 = arith.index_cast %add3A_458 : i32 to index
        %get3A_505 = arith.constant 48 : index
        %get3A_506 = tpu.vector_load %arg13[%get3A_504, %get3A_505] {strides = array<i32>} : memref<256x64xf32, #tpu.memory_space<vmem>>, vector<16xf32>,
        %sub3A_507 = arith.subf %add3A_503, %get3A_506 : vector<16xf32>
        %abs3A_508 = math.absf %sub3A_507 : vector<16xf32>
        %add3A_509 = arith.addf %add3A_496, %abs3A_508 : vector<16xf32>
        %add3A_510 = arith.constant 6 : i32
        %add3A_511 = arith.addi %mul3A_193, %add3A_510 : i32
        %get3A_512 = arith.index_cast %add3A_511 : i32 to index
        %get3A_513 = arith.constant 0 : index
        %get3A_514 = tpu.vector_load %arg11[%get3A_512, %get3A_513] {strides = array<i32>} : memref<256x64xf32, #tpu.memory_space<vmem>>, vector<16xf32>,
        %get3A_515 = arith.index_cast %add3A_511 : i32 to index
        %get3A_516 = arith.constant 0 : index
        %get3A_517 = tpu.vector_load %arg12[%get3A_515, %get3A_516] {strides = array<i32>} : memref<256x64xf32, #tpu.memory_space<vmem>>, vector<16xf32>,
        %add3A_518 = arith.addf %get3A_514, %get3A_517 : vector<16xf32>
        %get3A_519 = arith.index_cast %add3A_511 : i32 to index
        %get3A_520 = arith.constant 0 : index
        %get3A_521 = tpu.vector_load %arg13[%get3A_519, %get3A_520] {strides = array<i32>} : memref<256x64xf32, #tpu.memory_space<vmem>>, vector<16xf32>,
        %sub3A_522 = arith.subf %add3A_518, %get3A_521 : vector<16xf32>
        %abs3A_523 = math.absf %sub3A_522 : vector<16xf32>
        %get3A_524 = arith.index_cast %add3A_511 : i32 to index
        %get3A_525 = arith.constant 16 : index
        %get3A_526 = tpu.vector_load %arg11[%get3A_524, %get3A_525] {strides = array<i32>} : memref<256x64xf32, #tpu.memory_space<vmem>>, vector<16xf32>,
        %get3A_527 = arith.index_cast %add3A_511 : i32 to index
        %get3A_528 = arith.constant 16 : index
        %get3A_529 = tpu.vector_load %arg12[%get3A_527, %get3A_528] {strides = array<i32>} : memref<256x64xf32, #tpu.memory_space<vmem>>, vector<16xf32>,
        %add3A_530 = arith.addf %get3A_526, %get3A_529 : vector<16xf32>
        %get3A_531 = arith.index_cast %add3A_511 : i32 to index
        %get3A_532 = arith.constant 16 : index
        %get3A_533 = tpu.vector_load %arg13[%get3A_531, %get3A_532] {strides = array<i32>} : memref<256x64xf32, #tpu.memory_space<vmem>>, vector<16xf32>,
        %sub3A_534 = arith.subf %add3A_530, %get3A_533 : vector<16xf32>
        %abs3A_535 = math.absf %sub3A_534 : vector<16xf32>
        %add3A_536 = arith.addf %abs3A_523, %abs3A_535 : vector<16xf32>
        %get3A_537 = arith.index_cast %add3A_511 : i32 to index
        %get3A_538 = arith.constant 32 : index
        %get3A_539 = tpu.vector_load %arg11[%get3A_537, %get3A_538] {strides = array<i32>} : memref<256x64xf32, #tpu.memory_space<vmem>>, vector<16xf32>,
        %get3A_540 = arith.index_cast %add3A_511 : i32 to index
        %get3A_541 = arith.constant 32 : index
        %get3A_542 = tpu.vector_load %arg12[%get3A_540, %get3A_541] {strides = array<i32>} : memref<256x64xf32, #tpu.memory_space<vmem>>, vector<16xf32>,
        %add3A_543 = arith.addf %get3A_539, %get3A_542 : vector<16xf32>
        %get3A_544 = arith.index_cast %add3A_511 : i32 to index
        %get3A_545 = arith.constant 32 : index
        %get3A_546 = tpu.vector_load %arg13[%get3A_544, %get3A_545] {strides = array<i32>} : memref<256x64xf32, #tpu.memory_space<vmem>>, vector<16xf32>,
        %sub3A_547 = arith.subf %add3A_543, %get3A_546 : vector<16xf32>
        %abs3A_548 = math.absf %sub3A_547 : vector<16xf32>
        %add3A_549 = arith.addf %add3A_536, %abs3A_548 : vector<16xf32>
        %get3A_550 = arith.index_cast %add3A_511 : i32 to index
        %get3A_551 = arith.constant 48 : index
        %get3A_552 = tpu.vector_load %arg11[%get3A_550, %get3A_551] {strides = array<i32>} : memref<256x64xf32, #tpu.memory_space<vmem>>, vector<16xf32>,
        %get3A_553 = arith.index_cast %add3A_511 : i32 to index
        %get3A_554 = arith.constant 48 : index
        %get3A_555 = tpu.vector_load %arg12[%get3A_553, %get3A_554] {strides = array<i32>} : memref<256x64xf32, #tpu.memory_space<vmem>>, vector<16xf32>,
        %add3A_556 = arith.addf %get3A_552, %get3A_555 : vector<16xf32>
        %get3A_557 = arith.index_cast %add3A_511 : i32 to index
        %get3A_558 = arith.constant 48 : index
        %get3A_559 = tpu.vector_load %arg13[%get3A_557, %get3A_558] {strides = array<i32>} : memref<256x64xf32, #tpu.memory_space<vmem>>, vector<16xf32>,
        %sub3A_560 = arith.subf %add3A_556, %get3A_559 : vector<16xf32>
        %abs3A_561 = math.absf %sub3A_560 : vector<16xf32>
        %add3A_562 = arith.addf %add3A_549, %abs3A_561 : vector<16xf32>
        %add3A_563 = arith.constant 7 : i32
        %add3A_564 = arith.addi %mul3A_193, %add3A_563 : i32
        %get3A_565 = arith.index_cast %add3A_564 : i32 to index
        %get3A_566 = arith.constant 0 : index
        %get3A_567 = tpu.vector_load %arg11[%get3A_565, %get3A_566] {strides = array<i32>} : memref<256x64xf32, #tpu.memory_space<vmem>>, vector<16xf32>,
        %get3A_568 = arith.index_cast %add3A_564 : i32 to index
        %get3A_569 = arith.constant 0 : index
        %get3A_570 = tpu.vector_load %arg12[%get3A_568, %get3A_569] {strides = array<i32>} : memref<256x64xf32, #tpu.memory_space<vmem>>, vector<16xf32>,
        %add3A_571 = arith.addf %get3A_567, %get3A_570 : vector<16xf32>
        %get3A_572 = arith.index_cast %add3A_564 : i32 to index
        %get3A_573 = arith.constant 0 : index
        %get3A_574 = tpu.vector_load %arg13[%get3A_572, %get3A_573] {strides = array<i32>} : memref<256x64xf32, #tpu.memory_space<vmem>>, vector<16xf32>,
        %sub3A_575 = arith.subf %add3A_571, %get3A_574 : vector<16xf32>
        %abs3A_576 = math.absf %sub3A_575 : vector<16xf32>
        %get3A_577 = arith.index_cast %add3A_564 : i32 to index
        %get3A_578 = arith.constant 16 : index
        %get3A_579 = tpu.vector_load %arg11[%get3A_577, %get3A_578] {strides = array<i32>} : memref<256x64xf32, #tpu.memory_space<vmem>>, vector<16xf32>,
        %get3A_580 = arith.index_cast %add3A_564 : i32 to index
        %get3A_581 = arith.constant 16 : index
        %get3A_582 = tpu.vector_load %arg12[%get3A_580, %get3A_581] {strides = array<i32>} : memref<256x64xf32, #tpu.memory_space<vmem>>, vector<16xf32>,
        %add3A_583 = arith.addf %get3A_579, %get3A_582 : vector<16xf32>
        %get3A_584 = arith.index_cast %add3A_564 : i32 to index
        %get3A_585 = arith.constant 16 : index
        %get3A_586 = tpu.vector_load %arg13[%get3A_584, %get3A_585] {strides = array<i32>} : memref<256x64xf32, #tpu.memory_space<vmem>>, vector<16xf32>,
        %sub3A_587 = arith.subf %add3A_583, %get3A_586 : vector<16xf32>
        %abs3A_588 = math.absf %sub3A_587 : vector<16xf32>
        %add3A_589 = arith.addf %abs3A_576, %abs3A_588 : vector<16xf32>
        %get3A_590 = arith.index_cast %add3A_564 : i32 to index
        %get3A_591 = arith.constant 32 : index
        %get3A_592 = tpu.vector_load %arg11[%get3A_590, %get3A_591] {strides = array<i32>} : memref<256x64xf32, #tpu.memory_space<vmem>>, vector<16xf32>,
        %get3A_593 = arith.index_cast %add3A_564 : i32 to index
        %get3A_594 = arith.constant 32 : index
        %get3A_595 = tpu.vector_load %arg12[%get3A_593, %get3A_594] {strides = array<i32>} : memref<256x64xf32, #tpu.memory_space<vmem>>, vector<16xf32>,
        %add3A_596 = arith.addf %get3A_592, %get3A_595 : vector<16xf32>
        %get3A_597 = arith.index_cast %add3A_564 : i32 to index
        %get3A_598 = arith.constant 32 : index
        %get3A_599 = tpu.vector_load %arg13[%get3A_597, %get3A_598] {strides = array<i32>} : memref<256x64xf32, #tpu.memory_space<vmem>>, vector<16xf32>,
        %sub3A_600 = arith.subf %add3A_596, %get3A_599 : vector<16xf32>
        %abs3A_601 = math.absf %sub3A_600 : vector<16xf32>
        %add3A_602 = arith.addf %add3A_589, %abs3A_601 : vector<16xf32>
        %get3A_603 = arith.index_cast %add3A_564 : i32 to index
        %get3A_604 = arith.constant 48 : index
        %get3A_605 = tpu.vector_load %arg11[%get3A_603, %get3A_604] {strides = array<i32>} : memref<256x64xf32, #tpu.memory_space<vmem>>, vector<16xf32>,
        %get3A_606 = arith.index_cast %add3A_564 : i32 to index
        %get3A_607 = arith.constant 48 : index
        %get3A_608 = tpu.vector_load %arg12[%get3A_606, %get3A_607] {strides = array<i32>} : memref<256x64xf32, #tpu.memory_space<vmem>>, vector<16xf32>,
        %add3A_609 = arith.addf %get3A_605, %get3A_608 : vector<16xf32>
        %get3A_610 = arith.index_cast %add3A_564 : i32 to index
        %get3A_611 = arith.constant 48 : index
        %get3A_612 = tpu.vector_load %arg13[%get3A_610, %get3A_611] {strides = array<i32>} : memref<256x64xf32, #tpu.memory_space<vmem>>, vector<16xf32>,
        %sub3A_613 = arith.subf %add3A_609, %get3A_612 : vector<16xf32>
        %abs3A_614 = math.absf %sub3A_613 : vector<16xf32>
        %add3A_615 = arith.addf %add3A_602, %abs3A_614 : vector<16xf32>
        %add3A_616 = arith.constant 8 : i32
        %add3A_617 = arith.addi %mul3A_193, %add3A_616 : i32
        %get3A_618 = arith.index_cast %add3A_617 : i32 to index
        %get3A_619 = arith.constant 0 : index
        %get3A_620 = tpu.vector_load %arg11[%get3A_618, %get3A_619] {strides = array<i32>} : memref<256x64xf32, #tpu.memory_space<vmem>>, vector<16xf32>,
        %get3A_621 = arith.index_cast %add3A_617 : i32 to index
        %get3A_622 = arith.constant 0 : index
        %get3A_623 = tpu.vector_load %arg12[%get3A_621, %get3A_622] {strides = array<i32>} : memref<256x64xf32, #tpu.memory_space<vmem>>, vector<16xf32>,
        %add3A_624 = arith.addf %get3A_620, %get3A_623 : vector<16xf32>
        %get3A_625 = arith.index_cast %add3A_617 : i32 to index
        %get3A_626 = arith.constant 0 : index
        %get3A_627 = tpu.vector_load %arg13[%get3A_625, %get3A_626] {strides = array<i32>} : memref<256x64xf32, #tpu.memory_space<vmem>>, vector<16xf32>,
        %sub3A_628 = arith.subf %add3A_624, %get3A_627 : vector<16xf32>
        %abs3A_629 = math.absf %sub3A_628 : vector<16xf32>
        %get3A_630 = arith.index_cast %add3A_617 : i32 to index
        %get3A_631 = arith.constant 16 : index
        %get3A_632 = tpu.vector_load %arg11[%get3A_630, %get3A_631] {strides = array<i32>} : memref<256x64xf32, #tpu.memory_space<vmem>>, vector<16xf32>,
        %get3A_633 = arith.index_cast %add3A_617 : i32 to index
        %get3A_634 = arith.constant 16 : index
        %get3A_635 = tpu.vector_load %arg12[%get3A_633, %get3A_634] {strides = array<i32>} : memref<256x64xf32, #tpu.memory_space<vmem>>, vector<16xf32>,
        %add3A_636 = arith.addf %get3A_632, %get3A_635 : vector<16xf32>
        %get3A_637 = arith.index_cast %add3A_617 : i32 to index
        %get3A_638 = arith.constant 16 : index
        %get3A_639 = tpu.vector_load %arg13[%get3A_637, %get3A_638] {strides = array<i32>} : memref<256x64xf32, #tpu.memory_space<vmem>>, vector<16xf32>,
        %sub3A_640 = arith.subf %add3A_636, %get3A_639 : vector<16xf32>
        %abs3A_641 = math.absf %sub3A_640 : vector<16xf32>
        %add3A_642 = arith.addf %abs3A_629, %abs3A_641 : vector<16xf32>
        %get3A_643 = arith.index_cast %add3A_617 : i32 to index
        %get3A_644 = arith.constant 32 : index
        %get3A_645 = tpu.vector_load %arg11[%get3A_643, %get3A_644] {strides = array<i32>} : memref<256x64xf32, #tpu.memory_space<vmem>>, vector<16xf32>,
        %get3A_646 = arith.index_cast %add3A_617 : i32 to index
        %get3A_647 = arith.constant 32 : index
        %get3A_648 = tpu.vector_load %arg12[%get3A_646, %get3A_647] {strides = array<i32>} : memref<256x64xf32, #tpu.memory_space<vmem>>, vector<16xf32>,
        %add3A_649 = arith.addf %get3A_645, %get3A_648 : vector<16xf32>
        %get3A_650 = arith.index_cast %add3A_617 : i32 to index
        %get3A_651 = arith.constant 32 : index
        %get3A_652 = tpu.vector_load %arg13[%get3A_650, %get3A_651] {strides = array<i32>} : memref<256x64xf32, #tpu.memory_space<vmem>>, vector<16xf32>,
        %sub3A_653 = arith.subf %add3A_649, %get3A_652 : vector<16xf32>
        %abs3A_654 = math.absf %sub3A_653 : vector<16xf32>
        %add3A_655 = arith.addf %add3A_642, %abs3A_654 : vector<16xf32>
        %get3A_656 = arith.index_cast %add3A_617 : i32 to index
        %get3A_657 = arith.constant 48 : index
        %get3A_658 = tpu.vector_load %arg11[%get3A_656, %get3A_657] {strides = array<i32>} : memref<256x64xf32, #tpu.memory_space<vmem>>, vector<16xf32>,
        %get3A_659 = arith.index_cast %add3A_617 : i32 to index
        %get3A_660 = arith.constant 48 : index
        %get3A_661 = tpu.vector_load %arg12[%get3A_659, %get3A_660] {strides = array<i32>} : memref<256x64xf32, #tpu.memory_space<vmem>>, vector<16xf32>,
        %add3A_662 = arith.addf %get3A_658, %get3A_661 : vector<16xf32>
        %get3A_663 = arith.index_cast %add3A_617 : i32 to index
        %get3A_664 = arith.constant 48 : index
        %get3A_665 = tpu.vector_load %arg13[%get3A_663, %get3A_664] {strides = array<i32>} : memref<256x64xf32, #tpu.memory_space<vmem>>, vector<16xf32>,
        %sub3A_666 = arith.subf %add3A_662, %get3A_665 : vector<16xf32>
        %abs3A_667 = math.absf %sub3A_666 : vector<16xf32>
        %add3A_668 = arith.addf %add3A_655, %abs3A_667 : vector<16xf32>
        %add3A_669 = arith.constant 9 : i32
        %add3A_670 = arith.addi %mul3A_193, %add3A_669 : i32
        %get3A_671 = arith.index_cast %add3A_670 : i32 to index
        %get3A_672 = arith.constant 0 : index
        %get3A_673 = tpu.vector_load %arg11[%get3A_671, %get3A_672] {strides = array<i32>} : memref<256x64xf32, #tpu.memory_space<vmem>>, vector<16xf32>,
        %get3A_674 = arith.index_cast %add3A_670 : i32 to index
        %get3A_675 = arith.constant 0 : index
        %get3A_676 = tpu.vector_load %arg12[%get3A_674, %get3A_675] {strides = array<i32>} : memref<256x64xf32, #tpu.memory_space<vmem>>, vector<16xf32>,
        %add3A_677 = arith.addf %get3A_673, %get3A_676 : vector<16xf32>
        %get3A_678 = arith.index_cast %add3A_670 : i32 to index
        %get3A_679 = arith.constant 0 : index
        %get3A_680 = tpu.vector_load %arg13[%get3A_678, %get3A_679] {strides = array<i32>} : memref<256x64xf32, #tpu.memory_space<vmem>>, vector<16xf32>,
        %sub3A_681 = arith.subf %add3A_677, %get3A_680 : vector<16xf32>
        %abs3A_682 = math.absf %sub3A_681 : vector<16xf32>
        %get3A_683 = arith.index_cast %add3A_670 : i32 to index
        %get3A_684 = arith.constant 16 : index
        %get3A_685 = tpu.vector_load %arg11[%get3A_683, %get3A_684] {strides = array<i32>} : memref<256x64xf32, #tpu.memory_space<vmem>>, vector<16xf32>,
        %get3A_686 = arith.index_cast %add3A_670 : i32 to index
        %get3A_687 = arith.constant 16 : index
        %get3A_688 = tpu.vector_load %arg12[%get3A_686, %get3A_687] {strides = array<i32>} : memref<256x64xf32, #tpu.memory_space<vmem>>, vector<16xf32>,
        %add3A_689 = arith.addf %get3A_685, %get3A_688 : vector<16xf32>
        %get3A_690 = arith.index_cast %add3A_670 : i32 to index
        %get3A_691 = arith.constant 16 : index
        %get3A_692 = tpu.vector_load %arg13[%get3A_690, %get3A_691] {strides = array<i32>} : memref<256x64xf32, #tpu.memory_space<vmem>>, vector<16xf32>,
        %sub3A_693 = arith.subf %add3A_689, %get3A_692 : vector<16xf32>
        %abs3A_694 = math.absf %sub3A_693 : vector<16xf32>
        %add3A_695 = arith.addf %abs3A_682, %abs3A_694 : vector<16xf32>
        %get3A_696 = arith.index_cast %add3A_670 : i32 to index
        %get3A_697 = arith.constant 32 : index
        %get3A_698 = tpu.vector_load %arg11[%get3A_696, %get3A_697] {strides = array<i32>} : memref<256x64xf32, #tpu.memory_space<vmem>>, vector<16xf32>,
        %get3A_699 = arith.index_cast %add3A_670 : i32 to index
        %get3A_700 = arith.constant 32 : index
        %get3A_701 = tpu.vector_load %arg12[%get3A_699, %get3A_700] {strides = array<i32>} : memref<256x64xf32, #tpu.memory_space<vmem>>, vector<16xf32>,
        %add3A_702 = arith.addf %get3A_698, %get3A_701 : vector<16xf32>
        %get3A_703 = arith.index_cast %add3A_670 : i32 to index
        %get3A_704 = arith.constant 32 : index
        %get3A_705 = tpu.vector_load %arg13[%get3A_703, %get3A_704] {strides = array<i32>} : memref<256x64xf32, #tpu.memory_space<vmem>>, vector<16xf32>,
        %sub3A_706 = arith.subf %add3A_702, %get3A_705 : vector<16xf32>
        %abs3A_707 = math.absf %sub3A_706 : vector<16xf32>
        %add3A_708 = arith.addf %add3A_695, %abs3A_707 : vector<16xf32>
        %get3A_709 = arith.index_cast %add3A_670 : i32 to index
        %get3A_710 = arith.constant 48 : index
        %get3A_711 = tpu.vector_load %arg11[%get3A_709, %get3A_710] {strides = array<i32>} : memref<256x64xf32, #tpu.memory_space<vmem>>, vector<16xf32>,
        %get3A_712 = arith.index_cast %add3A_670 : i32 to index
        %get3A_713 = arith.constant 48 : index
        %get3A_714 = tpu.vector_load %arg12[%get3A_712, %get3A_713] {strides = array<i32>} : memref<256x64xf32, #tpu.memory_space<vmem>>, vector<16xf32>,
        %add3A_715 = arith.addf %get3A_711, %get3A_714 : vector<16xf32>
        %get3A_716 = arith.index_cast %add3A_670 : i32 to index
        %get3A_717 = arith.constant 48 : index
        %get3A_718 = tpu.vector_load %arg13[%get3A_716, %get3A_717] {strides = array<i32>} : memref<256x64xf32, #tpu.memory_space<vmem>>, vector<16xf32>,
        %sub3A_719 = arith.subf %add3A_715, %get3A_718 : vector<16xf32>
        %abs3A_720 = math.absf %sub3A_719 : vector<16xf32>
        %add3A_721 = arith.addf %add3A_708, %abs3A_720 : vector<16xf32>
        %add3A_722 = arith.constant 10 : i32
        %add3A_723 = arith.addi %mul3A_193, %add3A_722 : i32
        %get3A_724 = arith.index_cast %add3A_723 : i32 to index
        %get3A_725 = arith.constant 0 : index
        %get3A_726 = tpu.vector_load %arg11[%get3A_724, %get3A_725] {strides = array<i32>} : memref<256x64xf32, #tpu.memory_space<vmem>>, vector<16xf32>,
        %get3A_727 = arith.index_cast %add3A_723 : i32 to index
        %get3A_728 = arith.constant 0 : index
        %get3A_729 = tpu.vector_load %arg12[%get3A_727, %get3A_728] {strides = array<i32>} : memref<256x64xf32, #tpu.memory_space<vmem>>, vector<16xf32>,
        %add3A_730 = arith.addf %get3A_726, %get3A_729 : vector<16xf32>
        %get3A_731 = arith.index_cast %add3A_723 : i32 to index
        %get3A_732 = arith.constant 0 : index
        %get3A_733 = tpu.vector_load %arg13[%get3A_731, %get3A_732] {strides = array<i32>} : memref<256x64xf32, #tpu.memory_space<vmem>>, vector<16xf32>,
        %sub3A_734 = arith.subf %add3A_730, %get3A_733 : vector<16xf32>
        %abs3A_735 = math.absf %sub3A_734 : vector<16xf32>
        %get3A_736 = arith.index_cast %add3A_723 : i32 to index
        %get3A_737 = arith.constant 16 : index
        %get3A_738 = tpu.vector_load %arg11[%get3A_736, %get3A_737] {strides = array<i32>} : memref<256x64xf32, #tpu.memory_space<vmem>>, vector<16xf32>,
        %get3A_739 = arith.index_cast %add3A_723 : i32 to index
        %get3A_740 = arith.constant 16 : index
        %get3A_741 = tpu.vector_load %arg12[%get3A_739, %get3A_740] {strides = array<i32>} : memref<256x64xf32, #tpu.memory_space<vmem>>, vector<16xf32>,
        %add3A_742 = arith.addf %get3A_738, %get3A_741 : vector<16xf32>
        %get3A_743 = arith.index_cast %add3A_723 : i32 to index
        %get3A_744 = arith.constant 16 : index
        %get3A_745 = tpu.vector_load %arg13[%get3A_743, %get3A_744] {strides = array<i32>} : memref<256x64xf32, #tpu.memory_space<vmem>>, vector<16xf32>,
        %sub3A_746 = arith.subf %add3A_742, %get3A_745 : vector<16xf32>
        %abs3A_747 = math.absf %sub3A_746 : vector<16xf32>
        %add3A_748 = arith.addf %abs3A_735, %abs3A_747 : vector<16xf32>
        %get3A_749 = arith.index_cast %add3A_723 : i32 to index
        %get3A_750 = arith.constant 32 : index
        %get3A_751 = tpu.vector_load %arg11[%get3A_749, %get3A_750] {strides = array<i32>} : memref<256x64xf32, #tpu.memory_space<vmem>>, vector<16xf32>,
        %get3A_752 = arith.index_cast %add3A_723 : i32 to index
        %get3A_753 = arith.constant 32 : index
        %get3A_754 = tpu.vector_load %arg12[%get3A_752, %get3A_753] {strides = array<i32>} : memref<256x64xf32, #tpu.memory_space<vmem>>, vector<16xf32>,
        %add3A_755 = arith.addf %get3A_751, %get3A_754 : vector<16xf32>
        %get3A_756 = arith.index_cast %add3A_723 : i32 to index
        %get3A_757 = arith.constant 32 : index
        %get3A_758 = tpu.vector_load %arg13[%get3A_756, %get3A_757] {strides = array<i32>} : memref<256x64xf32, #tpu.memory_space<vmem>>, vector<16xf32>,
        %sub3A_759 = arith.subf %add3A_755, %get3A_758 : vector<16xf32>
        %abs3A_760 = math.absf %sub3A_759 : vector<16xf32>
        %add3A_761 = arith.addf %add3A_748, %abs3A_760 : vector<16xf32>
        %get3A_762 = arith.index_cast %add3A_723 : i32 to index
        %get3A_763 = arith.constant 48 : index
        %get3A_764 = tpu.vector_load %arg11[%get3A_762, %get3A_763] {strides = array<i32>} : memref<256x64xf32, #tpu.memory_space<vmem>>, vector<16xf32>,
        %get3A_765 = arith.index_cast %add3A_723 : i32 to index
        %get3A_766 = arith.constant 48 : index
        %get3A_767 = tpu.vector_load %arg12[%get3A_765, %get3A_766] {strides = array<i32>} : memref<256x64xf32, #tpu.memory_space<vmem>>, vector<16xf32>,
        %add3A_768 = arith.addf %get3A_764, %get3A_767 : vector<16xf32>
        %get3A_769 = arith.index_cast %add3A_723 : i32 to index
        %get3A_770 = arith.constant 48 : index
        %get3A_771 = tpu.vector_load %arg13[%get3A_769, %get3A_770] {strides = array<i32>} : memref<256x64xf32, #tpu.memory_space<vmem>>, vector<16xf32>,
        %sub3A_772 = arith.subf %add3A_768, %get3A_771 : vector<16xf32>
        %abs3A_773 = math.absf %sub3A_772 : vector<16xf32>
        %add3A_774 = arith.addf %add3A_761, %abs3A_773 : vector<16xf32>
        %add3A_775 = arith.constant 11 : i32
        %add3A_776 = arith.addi %mul3A_193, %add3A_775 : i32
        %get3A_777 = arith.index_cast %add3A_776 : i32 to index
        %get3A_778 = arith.constant 0 : index
        %get3A_779 = tpu.vector_load %arg11[%get3A_777, %get3A_778] {strides = array<i32>} : memref<256x64xf32, #tpu.memory_space<vmem>>, vector<16xf32>,
        %get3A_780 = arith.index_cast %add3A_776 : i32 to index
        %get3A_781 = arith.constant 0 : index
        %get3A_782 = tpu.vector_load %arg12[%get3A_780, %get3A_781] {strides = array<i32>} : memref<256x64xf32, #tpu.memory_space<vmem>>, vector<16xf32>,
        %add3A_783 = arith.addf %get3A_779, %get3A_782 : vector<16xf32>
        %get3A_784 = arith.index_cast %add3A_776 : i32 to index
        %get3A_785 = arith.constant 0 : index
        %get3A_786 = tpu.vector_load %arg13[%get3A_784, %get3A_785] {strides = array<i32>} : memref<256x64xf32, #tpu.memory_space<vmem>>, vector<16xf32>,
        %sub3A_787 = arith.subf %add3A_783, %get3A_786 : vector<16xf32>
        %abs3A_788 = math.absf %sub3A_787 : vector<16xf32>
        %get3A_789 = arith.index_cast %add3A_776 : i32 to index
        %get3A_790 = arith.constant 16 : index
        %get3A_791 = tpu.vector_load %arg11[%get3A_789, %get3A_790] {strides = array<i32>} : memref<256x64xf32, #tpu.memory_space<vmem>>, vector<16xf32>,
        %get3A_792 = arith.index_cast %add3A_776 : i32 to index
        %get3A_793 = arith.constant 16 : index
        %get3A_794 = tpu.vector_load %arg12[%get3A_792, %get3A_793] {strides = array<i32>} : memref<256x64xf32, #tpu.memory_space<vmem>>, vector<16xf32>,
        %add3A_795 = arith.addf %get3A_791, %get3A_794 : vector<16xf32>
        %get3A_796 = arith.index_cast %add3A_776 : i32 to index
        %get3A_797 = arith.constant 16 : index
        %get3A_798 = tpu.vector_load %arg13[%get3A_796, %get3A_797] {strides = array<i32>} : memref<256x64xf32, #tpu.memory_space<vmem>>, vector<16xf32>,
        %sub3A_799 = arith.subf %add3A_795, %get3A_798 : vector<16xf32>
        %abs3A_800 = math.absf %sub3A_799 : vector<16xf32>
        %add3A_801 = arith.addf %abs3A_788, %abs3A_800 : vector<16xf32>
        %get3A_802 = arith.index_cast %add3A_776 : i32 to index
        %get3A_803 = arith.constant 32 : index
        %get3A_804 = tpu.vector_load %arg11[%get3A_802, %get3A_803] {strides = array<i32>} : memref<256x64xf32, #tpu.memory_space<vmem>>, vector<16xf32>,
        %get3A_805 = arith.index_cast %add3A_776 : i32 to index
        %get3A_806 = arith.constant 32 : index
        %get3A_807 = tpu.vector_load %arg12[%get3A_805, %get3A_806] {strides = array<i32>} : memref<256x64xf32, #tpu.memory_space<vmem>>, vector<16xf32>,
        %add3A_808 = arith.addf %get3A_804, %get3A_807 : vector<16xf32>
        %get3A_809 = arith.index_cast %add3A_776 : i32 to index
        %get3A_810 = arith.constant 32 : index
        %get3A_811 = tpu.vector_load %arg13[%get3A_809, %get3A_810] {strides = array<i32>} : memref<256x64xf32, #tpu.memory_space<vmem>>, vector<16xf32>,
        %sub3A_812 = arith.subf %add3A_808, %get3A_811 : vector<16xf32>
        %abs3A_813 = math.absf %sub3A_812 : vector<16xf32>
        %add3A_814 = arith.addf %add3A_801, %abs3A_813 : vector<16xf32>
        %get3A_815 = arith.index_cast %add3A_776 : i32 to index
        %get3A_816 = arith.constant 48 : index
        %get3A_817 = tpu.vector_load %arg11[%get3A_815, %get3A_816] {strides = array<i32>} : memref<256x64xf32, #tpu.memory_space<vmem>>, vector<16xf32>,
        %get3A_818 = arith.index_cast %add3A_776 : i32 to index
        %get3A_819 = arith.constant 48 : index
        %get3A_820 = tpu.vector_load %arg12[%get3A_818, %get3A_819] {strides = array<i32>} : memref<256x64xf32, #tpu.memory_space<vmem>>, vector<16xf32>,
        %add3A_821 = arith.addf %get3A_817, %get3A_820 : vector<16xf32>
        %get3A_822 = arith.index_cast %add3A_776 : i32 to index
        %get3A_823 = arith.constant 48 : index
        %get3A_824 = tpu.vector_load %arg13[%get3A_822, %get3A_823] {strides = array<i32>} : memref<256x64xf32, #tpu.memory_space<vmem>>, vector<16xf32>,
        %sub3A_825 = arith.subf %add3A_821, %get3A_824 : vector<16xf32>
        %abs3A_826 = math.absf %sub3A_825 : vector<16xf32>
        %add3A_827 = arith.addf %add3A_814, %abs3A_826 : vector<16xf32>
        %add3A_828 = arith.constant 12 : i32
        %add3A_829 = arith.addi %mul3A_193, %add3A_828 : i32
        %get3A_830 = arith.index_cast %add3A_829 : i32 to index
        %get3A_831 = arith.constant 0 : index
        %get3A_832 = tpu.vector_load %arg11[%get3A_830, %get3A_831] {strides = array<i32>} : memref<256x64xf32, #tpu.memory_space<vmem>>, vector<16xf32>,
        %get3A_833 = arith.index_cast %add3A_829 : i32 to index
        %get3A_834 = arith.constant 0 : index
        %get3A_835 = tpu.vector_load %arg12[%get3A_833, %get3A_834] {strides = array<i32>} : memref<256x64xf32, #tpu.memory_space<vmem>>, vector<16xf32>,
        %add3A_836 = arith.addf %get3A_832, %get3A_835 : vector<16xf32>
        %get3A_837 = arith.index_cast %add3A_829 : i32 to index
        %get3A_838 = arith.constant 0 : index
        %get3A_839 = tpu.vector_load %arg13[%get3A_837, %get3A_838] {strides = array<i32>} : memref<256x64xf32, #tpu.memory_space<vmem>>, vector<16xf32>,
        %sub3A_840 = arith.subf %add3A_836, %get3A_839 : vector<16xf32>
        %abs3A_841 = math.absf %sub3A_840 : vector<16xf32>
        %get3A_842 = arith.index_cast %add3A_829 : i32 to index
        %get3A_843 = arith.constant 16 : index
        %get3A_844 = tpu.vector_load %arg11[%get3A_842, %get3A_843] {strides = array<i32>} : memref<256x64xf32, #tpu.memory_space<vmem>>, vector<16xf32>,
        %get3A_845 = arith.index_cast %add3A_829 : i32 to index
        %get3A_846 = arith.constant 16 : index
        %get3A_847 = tpu.vector_load %arg12[%get3A_845, %get3A_846] {strides = array<i32>} : memref<256x64xf32, #tpu.memory_space<vmem>>, vector<16xf32>,
        %add3A_848 = arith.addf %get3A_844, %get3A_847 : vector<16xf32>
        %get3A_849 = arith.index_cast %add3A_829 : i32 to index
        %get3A_850 = arith.constant 16 : index
        %get3A_851 = tpu.vector_load %arg13[%get3A_849, %get3A_850] {strides = array<i32>} : memref<256x64xf32, #tpu.memory_space<vmem>>, vector<16xf32>,
        %sub3A_852 = arith.subf %add3A_848, %get3A_851 : vector<16xf32>
        %abs3A_853 = math.absf %sub3A_852 : vector<16xf32>
        %add3A_854 = arith.addf %abs3A_841, %abs3A_853 : vector<16xf32>
        %get3A_855 = arith.index_cast %add3A_829 : i32 to index
        %get3A_856 = arith.constant 32 : index
        %get3A_857 = tpu.vector_load %arg11[%get3A_855, %get3A_856] {strides = array<i32>} : memref<256x64xf32, #tpu.memory_space<vmem>>, vector<16xf32>,
        %get3A_858 = arith.index_cast %add3A_829 : i32 to index
        %get3A_859 = arith.constant 32 : index
        %get3A_860 = tpu.vector_load %arg12[%get3A_858, %get3A_859] {strides = array<i32>} : memref<256x64xf32, #tpu.memory_space<vmem>>, vector<16xf32>,
        %add3A_861 = arith.addf %get3A_857, %get3A_860 : vector<16xf32>
        %get3A_862 = arith.index_cast %add3A_829 : i32 to index
        %get3A_863 = arith.constant 32 : index
        %get3A_864 = tpu.vector_load %arg13[%get3A_862, %get3A_863] {strides = array<i32>} : memref<256x64xf32, #tpu.memory_space<vmem>>, vector<16xf32>,
        %sub3A_865 = arith.subf %add3A_861, %get3A_864 : vector<16xf32>
        %abs3A_866 = math.absf %sub3A_865 : vector<16xf32>
        %add3A_867 = arith.addf %add3A_854, %abs3A_866 : vector<16xf32>
        %get3A_868 = arith.index_cast %add3A_829 : i32 to index
        %get3A_869 = arith.constant 48 : index
        %get3A_870 = tpu.vector_load %arg11[%get3A_868, %get3A_869] {strides = array<i32>} : memref<256x64xf32, #tpu.memory_space<vmem>>, vector<16xf32>,
        %get3A_871 = arith.index_cast %add3A_829 : i32 to index
        %get3A_872 = arith.constant 48 : index
        %get3A_873 = tpu.vector_load %arg12[%get3A_871, %get3A_872] {strides = array<i32>} : memref<256x64xf32, #tpu.memory_space<vmem>>, vector<16xf32>,
        %add3A_874 = arith.addf %get3A_870, %get3A_873 : vector<16xf32>
        %get3A_875 = arith.index_cast %add3A_829 : i32 to index
        %get3A_876 = arith.constant 48 : index
        %get3A_877 = tpu.vector_load %arg13[%get3A_875, %get3A_876] {strides = array<i32>} : memref<256x64xf32, #tpu.memory_space<vmem>>, vector<16xf32>,
        %sub3A_878 = arith.subf %add3A_874, %get3A_877 : vector<16xf32>
        %abs3A_879 = math.absf %sub3A_878 : vector<16xf32>
        %add3A_880 = arith.addf %add3A_867, %abs3A_879 : vector<16xf32>
        %add3A_881 = arith.constant 13 : i32
        %add3A_882 = arith.addi %mul3A_193, %add3A_881 : i32
        %get3A_883 = arith.index_cast %add3A_882 : i32 to index
        %get3A_884 = arith.constant 0 : index
        %get3A_885 = tpu.vector_load %arg11[%get3A_883, %get3A_884] {strides = array<i32>} : memref<256x64xf32, #tpu.memory_space<vmem>>, vector<16xf32>,
        %get3A_886 = arith.index_cast %add3A_882 : i32 to index
        %get3A_887 = arith.constant 0 : index
        %get3A_888 = tpu.vector_load %arg12[%get3A_886, %get3A_887] {strides = array<i32>} : memref<256x64xf32, #tpu.memory_space<vmem>>, vector<16xf32>,
        %add3A_889 = arith.addf %get3A_885, %get3A_888 : vector<16xf32>
        %get3A_890 = arith.index_cast %add3A_882 : i32 to index
        %get3A_891 = arith.constant 0 : index
        %get3A_892 = tpu.vector_load %arg13[%get3A_890, %get3A_891] {strides = array<i32>} : memref<256x64xf32, #tpu.memory_space<vmem>>, vector<16xf32>,
        %sub3A_893 = arith.subf %add3A_889, %get3A_892 : vector<16xf32>
        %abs3A_894 = math.absf %sub3A_893 : vector<16xf32>
        %get3A_895 = arith.index_cast %add3A_882 : i32 to index
        %get3A_896 = arith.constant 16 : index
        %get3A_897 = tpu.vector_load %arg11[%get3A_895, %get3A_896] {strides = array<i32>} : memref<256x64xf32, #tpu.memory_space<vmem>>, vector<16xf32>,
        %get3A_898 = arith.index_cast %add3A_882 : i32 to index
        %get3A_899 = arith.constant 16 : index
        %get3A_900 = tpu.vector_load %arg12[%get3A_898, %get3A_899] {strides = array<i32>} : memref<256x64xf32, #tpu.memory_space<vmem>>, vector<16xf32>,
        %add3A_901 = arith.addf %get3A_897, %get3A_900 : vector<16xf32>
        %get3A_902 = arith.index_cast %add3A_882 : i32 to index
        %get3A_903 = arith.constant 16 : index
        %get3A_904 = tpu.vector_load %arg13[%get3A_902, %get3A_903] {strides = array<i32>} : memref<256x64xf32, #tpu.memory_space<vmem>>, vector<16xf32>,
        %sub3A_905 = arith.subf %add3A_901, %get3A_904 : vector<16xf32>
        %abs3A_906 = math.absf %sub3A_905 : vector<16xf32>
        %add3A_907 = arith.addf %abs3A_894, %abs3A_906 : vector<16xf32>
        %get3A_908 = arith.index_cast %add3A_882 : i32 to index
        %get3A_909 = arith.constant 32 : index
        %get3A_910 = tpu.vector_load %arg11[%get3A_908, %get3A_909] {strides = array<i32>} : memref<256x64xf32, #tpu.memory_space<vmem>>, vector<16xf32>,
        %get3A_911 = arith.index_cast %add3A_882 : i32 to index
        %get3A_912 = arith.constant 32 : index
        %get3A_913 = tpu.vector_load %arg12[%get3A_911, %get3A_912] {strides = array<i32>} : memref<256x64xf32, #tpu.memory_space<vmem>>, vector<16xf32>,
        %add3A_914 = arith.addf %get3A_910, %get3A_913 : vector<16xf32>
        %get3A_915 = arith.index_cast %add3A_882 : i32 to index
        %get3A_916 = arith.constant 32 : index
        %get3A_917 = tpu.vector_load %arg13[%get3A_915, %get3A_916] {strides = array<i32>} : memref<256x64xf32, #tpu.memory_space<vmem>>, vector<16xf32>,
        %sub3A_918 = arith.subf %add3A_914, %get3A_917 : vector<16xf32>
        %abs3A_919 = math.absf %sub3A_918 : vector<16xf32>
        %add3A_920 = arith.addf %add3A_907, %abs3A_919 : vector<16xf32>
        %get3A_921 = arith.index_cast %add3A_882 : i32 to index
        %get3A_922 = arith.constant 48 : index
        %get3A_923 = tpu.vector_load %arg11[%get3A_921, %get3A_922] {strides = array<i32>} : memref<256x64xf32, #tpu.memory_space<vmem>>, vector<16xf32>,
        %get3A_924 = arith.index_cast %add3A_882 : i32 to index
        %get3A_925 = arith.constant 48 : index
        %get3A_926 = tpu.vector_load %arg12[%get3A_924, %get3A_925] {strides = array<i32>} : memref<256x64xf32, #tpu.memory_space<vmem>>, vector<16xf32>,
        %add3A_927 = arith.addf %get3A_923, %get3A_926 : vector<16xf32>
        %get3A_928 = arith.index_cast %add3A_882 : i32 to index
        %get3A_929 = arith.constant 48 : index
        %get3A_930 = tpu.vector_load %arg13[%get3A_928, %get3A_929] {strides = array<i32>} : memref<256x64xf32, #tpu.memory_space<vmem>>, vector<16xf32>,
        %sub3A_931 = arith.subf %add3A_927, %get3A_930 : vector<16xf32>
        %abs3A_932 = math.absf %sub3A_931 : vector<16xf32>
        %add3A_933 = arith.addf %add3A_920, %abs3A_932 : vector<16xf32>
        %add3A_934 = arith.constant 14 : i32
        %add3A_935 = arith.addi %mul3A_193, %add3A_934 : i32
        %get3A_936 = arith.index_cast %add3A_935 : i32 to index
        %get3A_937 = arith.constant 0 : index
        %get3A_938 = tpu.vector_load %arg11[%get3A_936, %get3A_937] {strides = array<i32>} : memref<256x64xf32, #tpu.memory_space<vmem>>, vector<16xf32>,
        %get3A_939 = arith.index_cast %add3A_935 : i32 to index
        %get3A_940 = arith.constant 0 : index
        %get3A_941 = tpu.vector_load %arg12[%get3A_939, %get3A_940] {strides = array<i32>} : memref<256x64xf32, #tpu.memory_space<vmem>>, vector<16xf32>,
        %add3A_942 = arith.addf %get3A_938, %get3A_941 : vector<16xf32>
        %get3A_943 = arith.index_cast %add3A_935 : i32 to index
        %get3A_944 = arith.constant 0 : index
        %get3A_945 = tpu.vector_load %arg13[%get3A_943, %get3A_944] {strides = array<i32>} : memref<256x64xf32, #tpu.memory_space<vmem>>, vector<16xf32>,
        %sub3A_946 = arith.subf %add3A_942, %get3A_945 : vector<16xf32>
        %abs3A_947 = math.absf %sub3A_946 : vector<16xf32>
        %get3A_948 = arith.index_cast %add3A_935 : i32 to index
        %get3A_949 = arith.constant 16 : index
        %get3A_950 = tpu.vector_load %arg11[%get3A_948, %get3A_949] {strides = array<i32>} : memref<256x64xf32, #tpu.memory_space<vmem>>, vector<16xf32>,
        %get3A_951 = arith.index_cast %add3A_935 : i32 to index
        %get3A_952 = arith.constant 16 : index
        %get3A_953 = tpu.vector_load %arg12[%get3A_951, %get3A_952] {strides = array<i32>} : memref<256x64xf32, #tpu.memory_space<vmem>>, vector<16xf32>,
        %add3A_954 = arith.addf %get3A_950, %get3A_953 : vector<16xf32>
        %get3A_955 = arith.index_cast %add3A_935 : i32 to index
        %get3A_956 = arith.constant 16 : index
        %get3A_957 = tpu.vector_load %arg13[%get3A_955, %get3A_956] {strides = array<i32>} : memref<256x64xf32, #tpu.memory_space<vmem>>, vector<16xf32>,
        %sub3A_958 = arith.subf %add3A_954, %get3A_957 : vector<16xf32>
        %abs3A_959 = math.absf %sub3A_958 : vector<16xf32>
        %add3A_960 = arith.addf %abs3A_947, %abs3A_959 : vector<16xf32>
        %get3A_961 = arith.index_cast %add3A_935 : i32 to index
        %get3A_962 = arith.constant 32 : index
        %get3A_963 = tpu.vector_load %arg11[%get3A_961, %get3A_962] {strides = array<i32>} : memref<256x64xf32, #tpu.memory_space<vmem>>, vector<16xf32>,
        %get3A_964 = arith.index_cast %add3A_935 : i32 to index
        %get3A_965 = arith.constant 32 : index
        %get3A_966 = tpu.vector_load %arg12[%get3A_964, %get3A_965] {strides = array<i32>} : memref<256x64xf32, #tpu.memory_space<vmem>>, vector<16xf32>,
        %add3A_967 = arith.addf %get3A_963, %get3A_966 : vector<16xf32>
        %get3A_968 = arith.index_cast %add3A_935 : i32 to index
        %get3A_969 = arith.constant 32 : index
        %get3A_970 = tpu.vector_load %arg13[%get3A_968, %get3A_969] {strides = array<i32>} : memref<256x64xf32, #tpu.memory_space<vmem>>, vector<16xf32>,
        %sub3A_971 = arith.subf %add3A_967, %get3A_970 : vector<16xf32>
        %abs3A_972 = math.absf %sub3A_971 : vector<16xf32>
        %add3A_973 = arith.addf %add3A_960, %abs3A_972 : vector<16xf32>
        %get3A_974 = arith.index_cast %add3A_935 : i32 to index
        %get3A_975 = arith.constant 48 : index
        %get3A_976 = tpu.vector_load %arg11[%get3A_974, %get3A_975] {strides = array<i32>} : memref<256x64xf32, #tpu.memory_space<vmem>>, vector<16xf32>,
        %get3A_977 = arith.index_cast %add3A_935 : i32 to index
        %get3A_978 = arith.constant 48 : index
        %get3A_979 = tpu.vector_load %arg12[%get3A_977, %get3A_978] {strides = array<i32>} : memref<256x64xf32, #tpu.memory_space<vmem>>, vector<16xf32>,
        %add3A_980 = arith.addf %get3A_976, %get3A_979 : vector<16xf32>
        %get3A_981 = arith.index_cast %add3A_935 : i32 to index
        %get3A_982 = arith.constant 48 : index
        %get3A_983 = tpu.vector_load %arg13[%get3A_981, %get3A_982] {strides = array<i32>} : memref<256x64xf32, #tpu.memory_space<vmem>>, vector<16xf32>,
        %sub3A_984 = arith.subf %add3A_980, %get3A_983 : vector<16xf32>
        %abs3A_985 = math.absf %sub3A_984 : vector<16xf32>
        %add3A_986 = arith.addf %add3A_973, %abs3A_985 : vector<16xf32>
        %add3A_987 = arith.constant 15 : i32
        %add3A_988 = arith.addi %mul3A_193, %add3A_987 : i32
        %get3A_989 = arith.index_cast %add3A_988 : i32 to index
        %get3A_990 = arith.constant 0 : index
        %get3A_991 = tpu.vector_load %arg11[%get3A_989, %get3A_990] {strides = array<i32>} : memref<256x64xf32, #tpu.memory_space<vmem>>, vector<16xf32>,
        %get3A_992 = arith.index_cast %add3A_988 : i32 to index
        %get3A_993 = arith.constant 0 : index
        %get3A_994 = tpu.vector_load %arg12[%get3A_992, %get3A_993] {strides = array<i32>} : memref<256x64xf32, #tpu.memory_space<vmem>>, vector<16xf32>,
        %add3A_995 = arith.addf %get3A_991, %get3A_994 : vector<16xf32>
        %get3A_996 = arith.index_cast %add3A_988 : i32 to index
        %get3A_997 = arith.constant 0 : index
        %get3A_998 = tpu.vector_load %arg13[%get3A_996, %get3A_997] {strides = array<i32>} : memref<256x64xf32, #tpu.memory_space<vmem>>, vector<16xf32>,
        %sub3A_999 = arith.subf %add3A_995, %get3A_998 : vector<16xf32>
        %abs3A_1000 = math.absf %sub3A_999 : vector<16xf32>
        %get3A_1001 = arith.index_cast %add3A_988 : i32 to index
        %get3A_1002 = arith.constant 16 : index
        %get3A_1003 = tpu.vector_load %arg11[%get3A_1001, %get3A_1002] {strides = array<i32>} : memref<256x64xf32, #tpu.memory_space<vmem>>, vector<16xf32>,
        %get3A_1004 = arith.index_cast %add3A_988 : i32 to index
        %get3A_1005 = arith.constant 16 : index
        %get3A_1006 = tpu.vector_load %arg12[%get3A_1004, %get3A_1005] {strides = array<i32>} : memref<256x64xf32, #tpu.memory_space<vmem>>, vector<16xf32>,
        %add3A_1007 = arith.addf %get3A_1003, %get3A_1006 : vector<16xf32>
        %get3A_1008 = arith.index_cast %add3A_988 : i32 to index
        %get3A_1009 = arith.constant 16 : index
        %get3A_1010 = tpu.vector_load %arg13[%get3A_1008, %get3A_1009] {strides = array<i32>} : memref<256x64xf32, #tpu.memory_space<vmem>>, vector<16xf32>,
        %sub3A_1011 = arith.subf %add3A_1007, %get3A_1010 : vector<16xf32>
        %abs3A_1012 = math.absf %sub3A_1011 : vector<16xf32>
        %add3A_1013 = arith.addf %abs3A_1000, %abs3A_1012 : vector<16xf32>
        %get3A_1014 = arith.index_cast %add3A_988 : i32 to index
        %get3A_1015 = arith.constant 32 : index
        %get3A_1016 = tpu.vector_load %arg11[%get3A_1014, %get3A_1015] {strides = array<i32>} : memref<256x64xf32, #tpu.memory_space<vmem>>, vector<16xf32>,
        %get3A_1017 = arith.index_cast %add3A_988 : i32 to index
        %get3A_1018 = arith.constant 32 : index
        %get3A_1019 = tpu.vector_load %arg12[%get3A_1017, %get3A_1018] {strides = array<i32>} : memref<256x64xf32, #tpu.memory_space<vmem>>, vector<16xf32>,
        %add3A_1020 = arith.addf %get3A_1016, %get3A_1019 : vector<16xf32>
        %get3A_1021 = arith.index_cast %add3A_988 : i32 to index
        %get3A_1022 = arith.constant 32 : index
        %get3A_1023 = tpu.vector_load %arg13[%get3A_1021, %get3A_1022] {strides = array<i32>} : memref<256x64xf32, #tpu.memory_space<vmem>>, vector<16xf32>,
        %sub3A_1024 = arith.subf %add3A_1020, %get3A_1023 : vector<16xf32>
        %abs3A_1025 = math.absf %sub3A_1024 : vector<16xf32>
        %add3A_1026 = arith.addf %add3A_1013, %abs3A_1025 : vector<16xf32>
        %get3A_1027 = arith.index_cast %add3A_988 : i32 to index
        %get3A_1028 = arith.constant 48 : index
        %get3A_1029 = tpu.vector_load %arg11[%get3A_1027, %get3A_1028] {strides = array<i32>} : memref<256x64xf32, #tpu.memory_space<vmem>>, vector<16xf32>,
        %get3A_1030 = arith.index_cast %add3A_988 : i32 to index
        %get3A_1031 = arith.constant 48 : index
        %get3A_1032 = tpu.vector_load %arg12[%get3A_1030, %get3A_1031] {strides = array<i32>} : memref<256x64xf32, #tpu.memory_space<vmem>>, vector<16xf32>,
        %add3A_1033 = arith.addf %get3A_1029, %get3A_1032 : vector<16xf32>
        %get3A_1034 = arith.index_cast %add3A_988 : i32 to index
        %get3A_1035 = arith.constant 48 : index
        %get3A_1036 = tpu.vector_load %arg13[%get3A_1034, %get3A_1035] {strides = array<i32>} : memref<256x64xf32, #tpu.memory_space<vmem>>, vector<16xf32>,
        %sub3A_1037 = arith.subf %add3A_1033, %get3A_1036 : vector<16xf32>
        %abs3A_1038 = math.absf %sub3A_1037 : vector<16xf32>
        %add3A_1039 = arith.addf %add3A_1026, %abs3A_1038 : vector<16xf32>
        %reshape3A = vector.shape_cast %and3A_99 : vector<16xi32> to vector<16x1xi32>
        %gather3A = vector.shape_cast %reshape3A : vector<16x1xi32> to vector<16xi32>
        %gather3A_1040 = tpu.dynamic_gather %add3A_244[%gather3A] in [0] : vector<16xf32>, vector<16xi32> -> vector<16xf32>
        %add3A_1041 = arith.addf %add3A_244, %gather3A_1040 : vector<16xf32>
        %reshape3A_1042 = vector.shape_cast %and3A_99 : vector<16xi32> to vector<16x1xi32>
        %gather3A_1043 = vector.shape_cast %reshape3A_1042 : vector<16x1xi32> to vector<16xi32>
        %gather3A_1044 = tpu.dynamic_gather %add3A_297[%gather3A_1043] in [0] : vector<16xf32>, vector<16xi32> -> vector<16xf32>
        %add3A_1045 = arith.addf %add3A_297, %gather3A_1044 : vector<16xf32>
        %reshape3A_1046 = vector.shape_cast %and3A_122 : vector<16xi32> to vector<16x1xi32>
        %gather3A_1047 = vector.shape_cast %reshape3A_1046 : vector<16x1xi32> to vector<16xi32>
        %gather3A_1048 = tpu.dynamic_gather %add3A_1045[%gather3A_1047] in [0] : vector<16xf32>, vector<16xi32> -> vector<16xf32>
        %sub3A_1049 = arith.subf %gather3A_1048, %add3A_1041 : vector<16xf32>
        %mul3A_1050 = arith.mulf %sub3A_1049, %convert_element_type3A : vector<16xf32>
        %add3A_1051 = arith.addf %add3A_1041, %mul3A_1050 : vector<16xf32>
        %reshape3A_1052 = vector.shape_cast %and3A_99 : vector<16xi32> to vector<16x1xi32>
        %gather3A_1053 = vector.shape_cast %reshape3A_1052 : vector<16x1xi32> to vector<16xi32>
        %gather3A_1054 = tpu.dynamic_gather %add3A_350[%gather3A_1053] in [0] : vector<16xf32>, vector<16xi32> -> vector<16xf32>
        %add3A_1055 = arith.addf %add3A_350, %gather3A_1054 : vector<16xf32>
        %reshape3A_1056 = vector.shape_cast %and3A_99 : vector<16xi32> to vector<16x1xi32>
        %gather3A_1057 = vector.shape_cast %reshape3A_1056 : vector<16x1xi32> to vector<16xi32>
        %gather3A_1058 = tpu.dynamic_gather %add3A_403[%gather3A_1057] in [0] : vector<16xf32>, vector<16xi32> -> vector<16xf32>
        %add3A_1059 = arith.addf %add3A_403, %gather3A_1058 : vector<16xf32>
        %reshape3A_1060 = vector.shape_cast %and3A_122 : vector<16xi32> to vector<16x1xi32>
        %gather3A_1061 = vector.shape_cast %reshape3A_1060 : vector<16x1xi32> to vector<16xi32>
        %gather3A_1062 = tpu.dynamic_gather %add3A_1059[%gather3A_1061] in [0] : vector<16xf32>, vector<16xi32> -> vector<16xf32>
        %sub3A_1063 = arith.subf %gather3A_1062, %add3A_1055 : vector<16xf32>
        %mul3A_1064 = arith.mulf %sub3A_1063, %convert_element_type3A : vector<16xf32>
        %add3A_1065 = arith.addf %add3A_1055, %mul3A_1064 : vector<16xf32>
        %reshape3A_1066 = vector.shape_cast %and3A_99 : vector<16xi32> to vector<16x1xi32>
        %gather3A_1067 = vector.shape_cast %reshape3A_1066 : vector<16x1xi32> to vector<16xi32>
        %gather3A_1068 = tpu.dynamic_gather %add3A_456[%gather3A_1067] in [0] : vector<16xf32>, vector<16xi32> -> vector<16xf32>
        %add3A_1069 = arith.addf %add3A_456, %gather3A_1068 : vector<16xf32>
        %reshape3A_1070 = vector.shape_cast %and3A_99 : vector<16xi32> to vector<16x1xi32>
        %gather3A_1071 = vector.shape_cast %reshape3A_1070 : vector<16x1xi32> to vector<16xi32>
        %gather3A_1072 = tpu.dynamic_gather %add3A_509[%gather3A_1071] in [0] : vector<16xf32>, vector<16xi32> -> vector<16xf32>
        %add3A_1073 = arith.addf %add3A_509, %gather3A_1072 : vector<16xf32>
        %reshape3A_1074 = vector.shape_cast %and3A_122 : vector<16xi32> to vector<16x1xi32>
        %gather3A_1075 = vector.shape_cast %reshape3A_1074 : vector<16x1xi32> to vector<16xi32>
        %gather3A_1076 = tpu.dynamic_gather %add3A_1073[%gather3A_1075] in [0] : vector<16xf32>, vector<16xi32> -> vector<16xf32>
        %sub3A_1077 = arith.subf %gather3A_1076, %add3A_1069 : vector<16xf32>
        %mul3A_1078 = arith.mulf %sub3A_1077, %convert_element_type3A : vector<16xf32>
        %add3A_1079 = arith.addf %add3A_1069, %mul3A_1078 : vector<16xf32>
        %reshape3A_1080 = vector.shape_cast %and3A_99 : vector<16xi32> to vector<16x1xi32>
        %gather3A_1081 = vector.shape_cast %reshape3A_1080 : vector<16x1xi32> to vector<16xi32>
        %gather3A_1082 = tpu.dynamic_gather %add3A_562[%gather3A_1081] in [0] : vector<16xf32>, vector<16xi32> -> vector<16xf32>
        %add3A_1083 = arith.addf %add3A_562, %gather3A_1082 : vector<16xf32>
        %reshape3A_1084 = vector.shape_cast %and3A_99 : vector<16xi32> to vector<16x1xi32>
        %gather3A_1085 = vector.shape_cast %reshape3A_1084 : vector<16x1xi32> to vector<16xi32>
        %gather3A_1086 = tpu.dynamic_gather %add3A_615[%gather3A_1085] in [0] : vector<16xf32>, vector<16xi32> -> vector<16xf32>
        %add3A_1087 = arith.addf %add3A_615, %gather3A_1086 : vector<16xf32>
        %reshape3A_1088 = vector.shape_cast %and3A_122 : vector<16xi32> to vector<16x1xi32>
        %gather3A_1089 = vector.shape_cast %reshape3A_1088 : vector<16x1xi32> to vector<16xi32>
        %gather3A_1090 = tpu.dynamic_gather %add3A_1087[%gather3A_1089] in [0] : vector<16xf32>, vector<16xi32> -> vector<16xf32>
        %sub3A_1091 = arith.subf %gather3A_1090, %add3A_1083 : vector<16xf32>
        %mul3A_1092 = arith.mulf %sub3A_1091, %convert_element_type3A : vector<16xf32>
        %add3A_1093 = arith.addf %add3A_1083, %mul3A_1092 : vector<16xf32>
        %reshape3A_1094 = vector.shape_cast %and3A_99 : vector<16xi32> to vector<16x1xi32>
        %gather3A_1095 = vector.shape_cast %reshape3A_1094 : vector<16x1xi32> to vector<16xi32>
        %gather3A_1096 = tpu.dynamic_gather %add3A_668[%gather3A_1095] in [0] : vector<16xf32>, vector<16xi32> -> vector<16xf32>
        %add3A_1097 = arith.addf %add3A_668, %gather3A_1096 : vector<16xf32>
        %reshape3A_1098 = vector.shape_cast %and3A_99 : vector<16xi32> to vector<16x1xi32>
        %gather3A_1099 = vector.shape_cast %reshape3A_1098 : vector<16x1xi32> to vector<16xi32>
        %gather3A_1100 = tpu.dynamic_gather %add3A_721[%gather3A_1099] in [0] : vector<16xf32>, vector<16xi32> -> vector<16xf32>
        %add3A_1101 = arith.addf %add3A_721, %gather3A_1100 : vector<16xf32>
        %reshape3A_1102 = vector.shape_cast %and3A_122 : vector<16xi32> to vector<16x1xi32>
        %gather3A_1103 = vector.shape_cast %reshape3A_1102 : vector<16x1xi32> to vector<16xi32>
        %gather3A_1104 = tpu.dynamic_gather %add3A_1101[%gather3A_1103] in [0] : vector<16xf32>, vector<16xi32> -> vector<16xf32>
        %sub3A_1105 = arith.subf %gather3A_1104, %add3A_1097 : vector<16xf32>
        %mul3A_1106 = arith.mulf %sub3A_1105, %convert_element_type3A : vector<16xf32>
        %add3A_1107 = arith.addf %add3A_1097, %mul3A_1106 : vector<16xf32>
        %reshape3A_1108 = vector.shape_cast %and3A_99 : vector<16xi32> to vector<16x1xi32>
        %gather3A_1109 = vector.shape_cast %reshape3A_1108 : vector<16x1xi32> to vector<16xi32>
        %gather3A_1110 = tpu.dynamic_gather %add3A_774[%gather3A_1109] in [0] : vector<16xf32>, vector<16xi32> -> vector<16xf32>
        %add3A_1111 = arith.addf %add3A_774, %gather3A_1110 : vector<16xf32>
        %reshape3A_1112 = vector.shape_cast %and3A_99 : vector<16xi32> to vector<16x1xi32>
        %gather3A_1113 = vector.shape_cast %reshape3A_1112 : vector<16x1xi32> to vector<16xi32>
        %gather3A_1114 = tpu.dynamic_gather %add3A_827[%gather3A_1113] in [0] : vector<16xf32>, vector<16xi32> -> vector<16xf32>
        %add3A_1115 = arith.addf %add3A_827, %gather3A_1114 : vector<16xf32>
        %reshape3A_1116 = vector.shape_cast %and3A_122 : vector<16xi32> to vector<16x1xi32>
        %gather3A_1117 = vector.shape_cast %reshape3A_1116 : vector<16x1xi32> to vector<16xi32>
        %gather3A_1118 = tpu.dynamic_gather %add3A_1115[%gather3A_1117] in [0] : vector<16xf32>, vector<16xi32> -> vector<16xf32>
        %sub3A_1119 = arith.subf %gather3A_1118, %add3A_1111 : vector<16xf32>
        %mul3A_1120 = arith.mulf %sub3A_1119, %convert_element_type3A : vector<16xf32>
        %add3A_1121 = arith.addf %add3A_1111, %mul3A_1120 : vector<16xf32>
        %reshape3A_1122 = vector.shape_cast %and3A_99 : vector<16xi32> to vector<16x1xi32>
        %gather3A_1123 = vector.shape_cast %reshape3A_1122 : vector<16x1xi32> to vector<16xi32>
        %gather3A_1124 = tpu.dynamic_gather %add3A_880[%gather3A_1123] in [0] : vector<16xf32>, vector<16xi32> -> vector<16xf32>
        %add3A_1125 = arith.addf %add3A_880, %gather3A_1124 : vector<16xf32>
        %reshape3A_1126 = vector.shape_cast %and3A_99 : vector<16xi32> to vector<16x1xi32>
        %gather3A_1127 = vector.shape_cast %reshape3A_1126 : vector<16x1xi32> to vector<16xi32>
        %gather3A_1128 = tpu.dynamic_gather %add3A_933[%gather3A_1127] in [0] : vector<16xf32>, vector<16xi32> -> vector<16xf32>
        %add3A_1129 = arith.addf %add3A_933, %gather3A_1128 : vector<16xf32>
        %reshape3A_1130 = vector.shape_cast %and3A_122 : vector<16xi32> to vector<16x1xi32>
        %gather3A_1131 = vector.shape_cast %reshape3A_1130 : vector<16x1xi32> to vector<16xi32>
        %gather3A_1132 = tpu.dynamic_gather %add3A_1129[%gather3A_1131] in [0] : vector<16xf32>, vector<16xi32> -> vector<16xf32>
        %sub3A_1133 = arith.subf %gather3A_1132, %add3A_1125 : vector<16xf32>
        %mul3A_1134 = arith.mulf %sub3A_1133, %convert_element_type3A : vector<16xf32>
        %add3A_1135 = arith.addf %add3A_1125, %mul3A_1134 : vector<16xf32>
        %reshape3A_1136 = vector.shape_cast %and3A_99 : vector<16xi32> to vector<16x1xi32>
        %gather3A_1137 = vector.shape_cast %reshape3A_1136 : vector<16x1xi32> to vector<16xi32>
        %gather3A_1138 = tpu.dynamic_gather %add3A_986[%gather3A_1137] in [0] : vector<16xf32>, vector<16xi32> -> vector<16xf32>
        %add3A_1139 = arith.addf %add3A_986, %gather3A_1138 : vector<16xf32>
        %reshape3A_1140 = vector.shape_cast %and3A_99 : vector<16xi32> to vector<16x1xi32>
        %gather3A_1141 = vector.shape_cast %reshape3A_1140 : vector<16x1xi32> to vector<16xi32>
        %gather3A_1142 = tpu.dynamic_gather %add3A_1039[%gather3A_1141] in [0] : vector<16xf32>, vector<16xi32> -> vector<16xf32>
        %add3A_1143 = arith.addf %add3A_1039, %gather3A_1142 : vector<16xf32>
        %reshape3A_1144 = vector.shape_cast %and3A_122 : vector<16xi32> to vector<16x1xi32>
        %gather3A_1145 = vector.shape_cast %reshape3A_1144 : vector<16x1xi32> to vector<16xi32>
        %gather3A_1146 = tpu.dynamic_gather %add3A_1143[%gather3A_1145] in [0] : vector<16xf32>, vector<16xi32> -> vector<16xf32>
        %sub3A_1147 = arith.subf %gather3A_1146, %add3A_1139 : vector<16xf32>
        %mul3A_1148 = arith.mulf %sub3A_1147, %convert_element_type3A : vector<16xf32>
        %add3A_1149 = arith.addf %add3A_1139, %mul3A_1148 : vector<16xf32>
        %reshape3A_1150 = vector.shape_cast %and3A_105 : vector<16xi32> to vector<16x1xi32>
        %gather3A_1151 = vector.shape_cast %reshape3A_1150 : vector<16x1xi32> to vector<16xi32>
        %gather3A_1152 = tpu.dynamic_gather %add3A_1051[%gather3A_1151] in [0] : vector<16xf32>, vector<16xi32> -> vector<16xf32>
        %add3A_1153 = arith.addf %add3A_1051, %gather3A_1152 : vector<16xf32>
        %reshape3A_1154 = vector.shape_cast %and3A_105 : vector<16xi32> to vector<16x1xi32>
        %gather3A_1155 = vector.shape_cast %reshape3A_1154 : vector<16x1xi32> to vector<16xi32>
        %gather3A_1156 = tpu.dynamic_gather %add3A_1065[%gather3A_1155] in [0] : vector<16xf32>, vector<16xi32> -> vector<16xf32>
        %add3A_1157 = arith.addf %add3A_1065, %gather3A_1156 : vector<16xf32>
        %reshape3A_1158 = vector.shape_cast %and3A_128 : vector<16xi32> to vector<16x1xi32>
        %gather3A_1159 = vector.shape_cast %reshape3A_1158 : vector<16x1xi32> to vector<16xi32>
        %gather3A_1160 = tpu.dynamic_gather %add3A_1157[%gather3A_1159] in [0] : vector<16xf32>, vector<16xi32> -> vector<16xf32>
        %sub3A_1161 = arith.subf %gather3A_1160, %add3A_1153 : vector<16xf32>
        %mul3A_1162 = arith.mulf %sub3A_1161, %convert_element_type3A_152 : vector<16xf32>
        %add3A_1163 = arith.addf %add3A_1153, %mul3A_1162 : vector<16xf32>
        %reshape3A_1164 = vector.shape_cast %and3A_105 : vector<16xi32> to vector<16x1xi32>
        %gather3A_1165 = vector.shape_cast %reshape3A_1164 : vector<16x1xi32> to vector<16xi32>
        %gather3A_1166 = tpu.dynamic_gather %add3A_1079[%gather3A_1165] in [0] : vector<16xf32>, vector<16xi32> -> vector<16xf32>
        %add3A_1167 = arith.addf %add3A_1079, %gather3A_1166 : vector<16xf32>
        %reshape3A_1168 = vector.shape_cast %and3A_105 : vector<16xi32> to vector<16x1xi32>
        %gather3A_1169 = vector.shape_cast %reshape3A_1168 : vector<16x1xi32> to vector<16xi32>
        %gather3A_1170 = tpu.dynamic_gather %add3A_1093[%gather3A_1169] in [0] : vector<16xf32>, vector<16xi32> -> vector<16xf32>
        %add3A_1171 = arith.addf %add3A_1093, %gather3A_1170 : vector<16xf32>
        %reshape3A_1172 = vector.shape_cast %and3A_128 : vector<16xi32> to vector<16x1xi32>
        %gather3A_1173 = vector.shape_cast %reshape3A_1172 : vector<16x1xi32> to vector<16xi32>
        %gather3A_1174 = tpu.dynamic_gather %add3A_1171[%gather3A_1173] in [0] : vector<16xf32>, vector<16xi32> -> vector<16xf32>
        %sub3A_1175 = arith.subf %gather3A_1174, %add3A_1167 : vector<16xf32>
        %mul3A_1176 = arith.mulf %sub3A_1175, %convert_element_type3A_152 : vector<16xf32>
        %add3A_1177 = arith.addf %add3A_1167, %mul3A_1176 : vector<16xf32>
        %reshape3A_1178 = vector.shape_cast %and3A_105 : vector<16xi32> to vector<16x1xi32>
        %gather3A_1179 = vector.shape_cast %reshape3A_1178 : vector<16x1xi32> to vector<16xi32>
        %gather3A_1180 = tpu.dynamic_gather %add3A_1107[%gather3A_1179] in [0] : vector<16xf32>, vector<16xi32> -> vector<16xf32>
        %add3A_1181 = arith.addf %add3A_1107, %gather3A_1180 : vector<16xf32>
        %reshape3A_1182 = vector.shape_cast %and3A_105 : vector<16xi32> to vector<16x1xi32>
        %gather3A_1183 = vector.shape_cast %reshape3A_1182 : vector<16x1xi32> to vector<16xi32>
        %gather3A_1184 = tpu.dynamic_gather %add3A_1121[%gather3A_1183] in [0] : vector<16xf32>, vector<16xi32> -> vector<16xf32>
        %add3A_1185 = arith.addf %add3A_1121, %gather3A_1184 : vector<16xf32>
        %reshape3A_1186 = vector.shape_cast %and3A_128 : vector<16xi32> to vector<16x1xi32>
        %gather3A_1187 = vector.shape_cast %reshape3A_1186 : vector<16x1xi32> to vector<16xi32>
        %gather3A_1188 = tpu.dynamic_gather %add3A_1185[%gather3A_1187] in [0] : vector<16xf32>, vector<16xi32> -> vector<16xf32>
        %sub3A_1189 = arith.subf %gather3A_1188, %add3A_1181 : vector<16xf32>
        %mul3A_1190 = arith.mulf %sub3A_1189, %convert_element_type3A_152 : vector<16xf32>
        %add3A_1191 = arith.addf %add3A_1181, %mul3A_1190 : vector<16xf32>
        %reshape3A_1192 = vector.shape_cast %and3A_105 : vector<16xi32> to vector<16x1xi32>
        %gather3A_1193 = vector.shape_cast %reshape3A_1192 : vector<16x1xi32> to vector<16xi32>
        %gather3A_1194 = tpu.dynamic_gather %add3A_1135[%gather3A_1193] in [0] : vector<16xf32>, vector<16xi32> -> vector<16xf32>
        %add3A_1195 = arith.addf %add3A_1135, %gather3A_1194 : vector<16xf32>
        %reshape3A_1196 = vector.shape_cast %and3A_105 : vector<16xi32> to vector<16x1xi32>
        %gather3A_1197 = vector.shape_cast %reshape3A_1196 : vector<16x1xi32> to vector<16xi32>
        %gather3A_1198 = tpu.dynamic_gather %add3A_1149[%gather3A_1197] in [0] : vector<16xf32>, vector<16xi32> -> vector<16xf32>
        %add3A_1199 = arith.addf %add3A_1149, %gather3A_1198 : vector<16xf32>
        %reshape3A_1200 = vector.shape_cast %and3A_128 : vector<16xi32> to vector<16x1xi32>
        %gather3A_1201 = vector.shape_cast %reshape3A_1200 : vector<16x1xi32> to vector<16xi32>
        %gather3A_1202 = tpu.dynamic_gather %add3A_1199[%gather3A_1201] in [0] : vector<16xf32>, vector<16xi32> -> vector<16xf32>
        %sub3A_1203 = arith.subf %gather3A_1202, %add3A_1195 : vector<16xf32>
        %mul3A_1204 = arith.mulf %sub3A_1203, %convert_element_type3A_152 : vector<16xf32>
        %add3A_1205 = arith.addf %add3A_1195, %mul3A_1204 : vector<16xf32>
        %reshape3A_1206 = vector.shape_cast %and3A_111 : vector<16xi32> to vector<16x1xi32>
        %gather3A_1207 = vector.shape_cast %reshape3A_1206 : vector<16x1xi32> to vector<16xi32>
        %gather3A_1208 = tpu.dynamic_gather %add3A_1163[%gather3A_1207] in [0] : vector<16xf32>, vector<16xi32> -> vector<16xf32>
        %add3A_1209 = arith.addf %add3A_1163, %gather3A_1208 : vector<16xf32>
        %reshape3A_1210 = vector.shape_cast %and3A_111 : vector<16xi32> to vector<16x1xi32>
        %gather3A_1211 = vector.shape_cast %reshape3A_1210 : vector<16x1xi32> to vector<16xi32>
        %gather3A_1212 = tpu.dynamic_gather %add3A_1177[%gather3A_1211] in [0] : vector<16xf32>, vector<16xi32> -> vector<16xf32>
        %add3A_1213 = arith.addf %add3A_1177, %gather3A_1212 : vector<16xf32>
        %reshape3A_1214 = vector.shape_cast %and3A_134 : vector<16xi32> to vector<16x1xi32>
        %gather3A_1215 = vector.shape_cast %reshape3A_1214 : vector<16x1xi32> to vector<16xi32>
        %gather3A_1216 = tpu.dynamic_gather %add3A_1213[%gather3A_1215] in [0] : vector<16xf32>, vector<16xi32> -> vector<16xf32>
        %sub3A_1217 = arith.subf %gather3A_1216, %add3A_1209 : vector<16xf32>
        %mul3A_1218 = arith.mulf %sub3A_1217, %convert_element_type3A_159 : vector<16xf32>
        %add3A_1219 = arith.addf %add3A_1209, %mul3A_1218 : vector<16xf32>
        %reshape3A_1220 = vector.shape_cast %and3A_111 : vector<16xi32> to vector<16x1xi32>
        %gather3A_1221 = vector.shape_cast %reshape3A_1220 : vector<16x1xi32> to vector<16xi32>
        %gather3A_1222 = tpu.dynamic_gather %add3A_1191[%gather3A_1221] in [0] : vector<16xf32>, vector<16xi32> -> vector<16xf32>
        %add3A_1223 = arith.addf %add3A_1191, %gather3A_1222 : vector<16xf32>
        %reshape3A_1224 = vector.shape_cast %and3A_111 : vector<16xi32> to vector<16x1xi32>
        %gather3A_1225 = vector.shape_cast %reshape3A_1224 : vector<16x1xi32> to vector<16xi32>
        %gather3A_1226 = tpu.dynamic_gather %add3A_1205[%gather3A_1225] in [0] : vector<16xf32>, vector<16xi32> -> vector<16xf32>
        %add3A_1227 = arith.addf %add3A_1205, %gather3A_1226 : vector<16xf32>
        %reshape3A_1228 = vector.shape_cast %and3A_134 : vector<16xi32> to vector<16x1xi32>
        %gather3A_1229 = vector.shape_cast %reshape3A_1228 : vector<16x1xi32> to vector<16xi32>
        %gather3A_1230 = tpu.dynamic_gather %add3A_1227[%gather3A_1229] in [0] : vector<16xf32>, vector<16xi32> -> vector<16xf32>
        %sub3A_1231 = arith.subf %gather3A_1230, %add3A_1223 : vector<16xf32>
        %mul3A_1232 = arith.mulf %sub3A_1231, %convert_element_type3A_159 : vector<16xf32>
        %add3A_1233 = arith.addf %add3A_1223, %mul3A_1232 : vector<16xf32>
        %reshape3A_1234 = vector.shape_cast %and3A_117 : vector<16xi32> to vector<16x1xi32>
        %gather3A_1235 = vector.shape_cast %reshape3A_1234 : vector<16x1xi32> to vector<16xi32>
        %gather3A_1236 = tpu.dynamic_gather %add3A_1219[%gather3A_1235] in [0] : vector<16xf32>, vector<16xi32> -> vector<16xf32>
        %add3A_1237 = arith.addf %add3A_1219, %gather3A_1236 : vector<16xf32>
        %reshape3A_1238 = vector.shape_cast %and3A_117 : vector<16xi32> to vector<16x1xi32>
        %gather3A_1239 = vector.shape_cast %reshape3A_1238 : vector<16x1xi32> to vector<16xi32>
        %gather3A_1240 = tpu.dynamic_gather %add3A_1233[%gather3A_1239] in [0] : vector<16xf32>, vector<16xi32> -> vector<16xf32>
        %add3A_1241 = arith.addf %add3A_1233, %gather3A_1240 : vector<16xf32>
        %reshape3A_1242 = vector.shape_cast %and3A_140 : vector<16xi32> to vector<16x1xi32>
        %gather3A_1243 = vector.shape_cast %reshape3A_1242 : vector<16x1xi32> to vector<16xi32>
        %gather3A_1244 = tpu.dynamic_gather %add3A_1241[%gather3A_1243] in [0] : vector<16xf32>, vector<16xi32> -> vector<16xf32>
        %sub3A_1245 = arith.subf %gather3A_1244, %add3A_1237 : vector<16xf32>
        %mul3A_1246 = arith.mulf %sub3A_1245, %convert_element_type3A_166 : vector<16xf32>
        %add3A_1247 = arith.addf %add3A_1237, %mul3A_1246 : vector<16xf32>
        %reshape3A_1248 = vector.shape_cast %or3A_191 : vector<16xi32> to vector<16x1xi32>
        %gather3A_1249 = vector.shape_cast %reshape3A_1248 : vector<16x1xi32> to vector<16xi32>
        %gather3A_1250 = tpu.dynamic_gather %add3A_1247[%gather3A_1249] in [0] : vector<16xf32>, vector<16xi32> -> vector<16xf32>
        %add3A_1251 = arith.addi %mul3A_10, %mul3A_193 : i32
        %swap3A = arith.index_cast %add3A_1251 : i32 to index
        %swap3A_1252 = tpu.vector_load %arg14[%swap3A] {strides = array<i32>} : memref<512xf32, #tpu.memory_space<vmem>>, vector<16xf32>,
        tpu.vector_store %arg14[%swap3A], %gather3A_1250 {strides = array<i32>} : memref<512xf32, #tpu.memory_space<vmem>>, vector<16xf32>,
      }
      %scan3A_93 = arith.constant 16 : i32
    }
    %scan3A_7 = arith.constant 2 : i32
    "tpu.region"() ({
      %run_scoped3A = tpu.sem_alloc : memref<!tpu.dma_semaphore, #tpu.memory_space<semaphore_mem>>
      %dma_start3A = tpu.memref_slice %arg7[%mul3A_2] : memref<16384xf32, #tpu.memory_space<hbm>> -> memref<512xf32, #tpu.memory_space<hbm>>
      %dma_start3A_8 = tpu.memref_slice %arg7[%mul3A_2] : memref<16384xf32, #tpu.memory_space<hbm>> -> memref<512xf32, #tpu.memory_space<hbm>>
      tpu.enqueue_dma source(%arg14 : memref<512xf32, #tpu.memory_space<vmem>>) target(%dma_start3A_8 : memref<512xf32, #tpu.memory_space<hbm>>) target_semaphore(%run_scoped3A : memref<!tpu.dma_semaphore, #tpu.memory_space<semaphore_mem>>)
      %dma_wait3A = tpu.memref_slice %arg7[%mul3A_2] : memref<16384xf32, #tpu.memory_space<hbm>> -> memref<512xf32, #tpu.memory_space<hbm>>
      %dma_wait3A_9 = tpu.memref_slice %arg7[%mul3A_2] : memref<16384xf32, #tpu.memory_space<hbm>> -> memref<512xf32, #tpu.memory_space<hbm>>
      tpu.wait_dma2 semaphore(%run_scoped3A : memref<!tpu.dma_semaphore, #tpu.memory_space<semaphore_mem>>) src(%arg14 : memref<512xf32, #tpu.memory_space<vmem>>) dst(%dma_wait3A_9 : memref<512xf32, #tpu.memory_space<hbm>>)
      tpu.yield
    }) : () -> ()
    return
  }
}

</mosaic_0001>

<sc_bundles>
// kernel: kernel.3.cloned.1.call-start
scs
__scs_entry_jumppad:
0x0: {  	(pc) =	sbr.rel $0x88, $3  }
0x1: {  	(tag) =	ssettag $0x0;
	lr =	simm.s32 $0x1  }
0x2: {  	[smem:$0x3F9C] =	sst lr;
	_ =	strace $0xD0000000  }
0x3: {  	_ = 	snop  }
0x4: {  	_ = 	snop  }
0x5: {  	_ = 	snop  }
0x6: {  	_ = 	snop  }
0x7: {  	_ = 	snop  }
__scs_overlays_trampoline_lowered:
0x8: {  	[smem:$0x3FAB] =	sst s0  }
0x9: {  	[smem:$0x3FAC] =	sst s1  }
0xa: {  	[smem:$0x3FAD] =	sst s2  }
0xb: {  	[smem:$0x3FAE] =	sst s3  }
0xc: {  	[smem:$0x3FAF] =	sst s4  }
0xd: {  	[smem:$0x3FB0] =	sst s5  }
0xe: {  	[smem:$0x3FB1] =	sst s6  }
0xf: {  	[smem:$0x3FB2] =	sst s7  }
0x10: {  	[smem:$0x3FB3] =	sst s8  }
0x11: {  	[smem:$0x3FB4] =	sst s9;
	s0 =	simm.s32 @!p0 $0x0  }
0x12: {  	s1 =	sld [smem:$0x3F9A];
	s0 =	simm.s32 @p0 $0x1  }
0x13: {  	[smem:$0x3FB5] =	sst s0;
	s0 =	simm.s32 @!p1 $0x0  }
0x14: {  	s2 =	sld [smem:$0x3F99];
	s0 =	simm.s32 @p1 $0x1  }
0x15: {  	[smem:$0x3FB6] =	sst s0;
	s0 =	simm.s32 @!p2 $0x0  }
0x16: {  	s3 =	sld [smem:$0x3FDB];
	s0 =	simm.s32 @p2 $0x1  }
0x17: {  	s4 =	simm.s32 $0x1BF5;
	[smem:$0x3FB8] =	sst s0  }
0x18: {  	s0 =	sld [smem:$0x3F9B];
	_ =	swait.ge [sflag:s4], $0x0  }
0x19: {  	s7 =	sld [smem:$0x3F9C]  }
0x1a: {  	s8 =	sadd.s32 $0xFFFFE003, lr  }
0x1b: {  	s9 =	sadd.s32 $0xFFFFFEF7, lr;
	s5 =	simm.s32 $0xFFFFFFFF;
	p2 =	slt.u32 s8, $0xFFFFF086  }
0x1c: {  	p1 =	slt.u32 s9, $0xF7A;
	s5 =	simm.s32 @!p2 $0x0  }
0x1d: {  	s5 =	simm.s32 @p1 $0x1;
	p0 =	seq.s32 s7, s2  }
0x1e: {  	s7 =	smul.u32 @!p0 $0xF7A, s2;
	p2 =	seq.s32 @!p0 s5, $0x0  }
0x1f: {  	s9 =	smul.u32 $0xF7A, s1;
	s8 =	simm.s32 @!p0 $0x1BF5;
	p2 =	por !p2, p0  }
0x20: {  	[sflag:s8] =	ssyncset.s32 @!p0 $0xFFFFF086;
	s6 =	sadd.s32 @!p0 s3, s7;
	s7 =	simm.s32 @!p0 $0x108  }
0x21: {  	s3 =	sadd.s32 s3, s9;
	s6 =	sadd.s32 @!p0 $0x88, s6;
	s7 =	simm.s32 @p2 $0x1082  }
0x22: {  	[simem:s7], [sflag:s8] =	dma.local @!p0 [hbm:s6], $0xF7A  }
0x23: {  	s9 =	sor.u32 $0xD0000000, s2;
	s6 =	simm.s32 $0x108;
	_ =	swait.ge @!p0 [sflag:s8], $0x0  }
0x24: {  	s3 =	sadd.s32 $0x88, s3;
	s6 =	simm.s32 @!p1 $0x1082;
	[sflag:s4] =	ssyncset.s32 $0xFFFFF086  }
0x25: {  	[simem:s6], [sflag:s4] =	dma.local [hbm:s3], $0xF7A  }
0x26: {  	[smem:$0x3F9C] =	sst s1;
	(tag) =	ssettag s2;
	_ =	strace s9  }
0x27: {  	s1 =	sld [smem:$0x3FAC]  }
0x28: {  	s2 =	sld [smem:$0x3FAD]  }
0x29: {  	s4 =	sld [smem:$0x3FAF]  }
0x2a: {  	p0 =	seq.s32 s5, $0x0;
	s5 =	sld [smem:$0x3FB0]  }
0x2b: {  	s6 =	sld [smem:$0x3FB1]  }
0x2c: {  	s7 =	sld [smem:$0x3FB2]  }
0x2d: {  	s3 =	simm.s32 $0x108;
	s8 =	sld [smem:$0x3FB3]  }
0x2e: {  	s3 =	simm.s32 @!p0 $0x1082;
	s9 =	sld [smem:$0x3FB4]  }
0x2f: {  	lr =	sadd.s32 s0, s3;
	s0 =	sld [smem:$0x3FAB]  }
0x30: {  	s3 =	sld [smem:$0x3FAE]  }
0x31: {  	[smem:$0x3FB7] =	sst s10  }
0x32: {  	s10 =	sld [smem:$0x3FB5];
	_ =	sdelay $0x3  }
0x33: {  	p0 =	seq.s32 s10, $0x1;
	s10 =	sld [smem:$0x3FB7];
	_ =	sdelay $0x3  }
0x34: {  	[smem:$0x3FB7] =	sst s10  }
0x35: {  	s10 =	sld [smem:$0x3FB6];
	_ =	sdelay $0x3  }
0x36: {  	p1 =	seq.s32 s10, $0x1;
	s10 =	sld [smem:$0x3FB7];
	_ =	sdelay $0x3  }
0x37: {  	[smem:$0x3FB7] =	sst s10  }
0x38: {  	s10 =	sld [smem:$0x3FB8]  }
0x39: {  	_ = 	snop;
	(pc) =	sbr.ind lr, $3  }
0x3a: {  	_ = 	snop  }
0x3b: {  	_ = 	snop  }
0x3c: {  	p2 =	seq.s32 s10, $0x1;
	s10 =	sld [smem:$0x3FB7]  }
0x3d: {  	_ =	shalt  }
0x3e: {  	_ =	shalt  }
0x3f: {  	_ =	shalt  }
0x40: {  	_ =	shalt  }
0x41: {  	_ =	shalt  }
0x42: {  	_ =	shalt  }
0x43: {  	_ =	shalt  }
0x44: {  	_ =	shalt  }
0x45: {  	_ =	shalt  }
0x46: {  	_ =	shalt  }
0x47: {  	_ =	shalt  }
0x48: {  	_ =	shalt  }
0x49: {  	_ =	shalt  }
0x4a: {  	_ =	shalt  }
0x4b: {  	_ =	shalt  }
0x4c: {  	_ =	shalt  }
0x4d: {  	_ =	shalt  }
0x4e: {  	_ =	shalt  }
0x4f: {  	_ =	shalt  }
0x50: {  	_ =	shalt  }
0x51: {  	_ =	shalt  }
0x52: {  	_ =	shalt  }
0x53: {  	_ =	shalt  }
0x54: {  	_ =	shalt  }
0x55: {  	_ =	shalt  }
0x56: {  	_ =	shalt  }
0x57: {  	_ =	shalt  }
0x58: {  	_ =	shalt  }
0x59: {  	_ =	shalt  }
0x5a: {  	_ =	shalt  }
0x5b: {  	_ =	shalt  }
0x5c: {  	_ =	shalt  }
0x5d: {  	_ =	shalt  }
0x5e: {  	_ =	shalt  }
0x5f: {  	_ =	shalt  }
0x60: {  	_ =	shalt  }
0x61: {  	_ =	shalt  }
0x62: {  	_ =	shalt  }
0x63: {  	_ =	shalt  }
0x64: {  	_ =	shalt  }
0x65: {  	_ =	shalt  }
0x66: {  	_ =	shalt  }
0x67: {  	_ =	shalt  }
0x68: {  	_ =	shalt  }
0x69: {  	_ =	shalt  }
0x6a: {  	_ =	shalt  }
0x6b: {  	_ =	shalt  }
0x6c: {  	_ =	shalt  }
0x6d: {  	_ =	shalt  }
0x6e: {  	_ =	shalt  }
0x6f: {  	_ =	shalt  }
0x70: {  	_ =	shalt  }
0x71: {  	_ =	shalt  }
0x72: {  	_ =	shalt  }
0x73: {  	_ =	shalt  }
0x74: {  	_ =	shalt  }
0x75: {  	_ =	shalt  }
0x76: {  	_ =	shalt  }
0x77: {  	_ =	shalt  }
0x78: {  	_ =	shalt  }
0x79: {  	_ =	shalt  }
0x7a: {  	_ =	shalt  }
0x7b: {  	_ =	shalt  }
0x7c: {  	_ =	shalt  }
0x7d: {  	_ =	shalt  }
0x7e: {  	_ =	shalt  }
0x7f: {  	_ =	shalt  }
0x80: {  	_ =	shalt  }
0x81: {  	_ =	shalt  }
0x82: {  	_ =	shalt  }
0x83: {  	_ =	shalt  }
0x84: {  	_ =	shalt  }
0x85: {  	_ =	shalt  }
0x86: {  	_ =	shalt  }
0x87: {  	_ =	shalt  }
.Lfunc_end0:
.L_simem_size_0:
called_computation_lowered:
.L_overlay_start_0:
0x88: {  	s2 =	sld [smem:$0x3FD9]  }
0x89: {  	s3 =	sld [smem:$0x3FFE];
	_ =	sdelay $0x1  }
0x8a: {  	s1 =	srdreg.scid  }
0x8b: {  	s0 =	sand.u32 $0x1, s1  }
0x8c: {  	s17 =	sshll.u32 s0, $0xA;
	s2 =	sadd.s32 s3, s2  }
0x8d: {  	s2 =	sadd.s32 s2, s17  }
0x8e: {  	[smem:$0x3FC3] =	sst s2  }
0x8f: {  	_ = 	snop  }
0x90: {  	s2 =	sld [smem:$0x3FC9]  }
0x91: {  	s18 =	sld [smem:$0x3FC8]  }
0x92: {  	s4 =	sld [smem:$0x3FC7]  }
0x93: {  	s5 =	sld [smem:$0x3FD0];
	(tm) =	ssettm $0x1  }
0x94: {  	s6 =	sld [smem:$0x3FFB];
	_ =	sdelay $0x3  }
0x95: {  	_ =	strace s6  }
0x96: {  	s6 =	sld [smem:$0x3FFC];
	_ =	sdelay $0x3  }
0x97: {  	_ =	strace s6  }
0x98: {  	s6 =	sld [smem:$0x3FFD];
	_ =	sdelay $0x3  }
0x99: {  	_ =	strace s6  }
0x9a: {  	_ =	strace $0x8FFFFFFF  }
0x9b: {  	s19 =	sld [smem:$0x3FDB];
	_ =	sdelay $0x1  }
0x9c: {  	s7 =	simm.s32 $_scs_section_size  }
0x9d: {  	s8 =	simm.s32 $_size__tile_overlayer_lowered;
	s9 =	simm.s32 $_tile_overlayer_lowered  }
0x9e: {  	s22 =	simm.s32 $0x1BFF;
	s21 =	sshll.u32 s9, $0x1;
	s6 =	sadd.s32 s7, s19  }
0x9f: {  	s10 =	simm.s32 $0x0;
	s20 =	sshll.u32 s8, $0x1;
	s8 =	sadd.s32 s21, s6  }
0xa0: {  	[timem:s10], [sflag:s22] =	dma.local [hbm:s8], s20  }
0xa1: {  	_ =	swait.ge [sflag:s22], s20  }
0xa2: {  	s7 =	ssub.s32 $0x0, s20;
	[sflag:s22] =	ssyncset.done $0x0  }
0xa3: {  	[sflag:s22] =	ssyncadd.s32 s7;
	_ =	sdelay $0x1  }
0xa4: {  	s23 =	simm.s32 $0x1B8B  }
0xa5: {  	_ =	swait.ge [sflag:s23], $0x1  }
0xa6: {  	[sflag:s23] =	ssyncset.done $0x0  }
0xa7: {  	s25 =	simm.s32 $0x1B8E;
	s24 =	sld [smem:$0x3FFE];
	[sflag:s23] =	ssyncadd.s32 $0xFFFFFFFF  }
0xa8: {  	s26 =	simm.s32 $execute0_lowered;
	[smem:$0x3FD2] =	sst s25  }
0xa9: {  	s8 =	sshll.u32 s26, $0x1;
	_ =	strace $0x80000046;
	[dreg:$0x1] =	wrdreg $0xFFFFFFFF  }
0xaa: {  	s28 =	simm.s32 $_size_execute0_lowered;
	s6 =	sadd.s32 s6, s8;
	[dreg:$0x0] =	wrdreg $0x0  }
0xab: {  	s8 =	sshll.u32 s28, $0x1;
	[dreg:$0x2] =	wrdreg s6  }
0xac: {  	[dreg:$0x3] =	wrdreg s8  }
0xad: {  	[dreg:$0x4] =	wrdreg $0xC0  }
0xae: {  	_ =	task [dreg:s10], $0x5FFFF  }
0xaf: {  	[dreg:$0x1] =	wrdreg $0xFFFFFFFF  }
0xb0: {  	[dreg:$0x0] =	wrdreg $0x60  }
0xb1: {  	[dreg:$0x2] =	wrdreg s24  }
0xb2: {  	[dreg:$0x3] =	wrdreg s2  }
0xb3: {  	[dreg:$0x4] =	wrdreg s18  }
0xb4: {  	[dreg:$0x5] =	wrdreg s4  }
0xb5: {  	[dreg:$0x6] =	wrdreg s5  }
0xb6: {  	[dreg:$0x7] =	wrdreg $0x9  }
0xb7: {  	_ =	task.clear_ibuf [dreg:s10], $0x8FFFF;
	_ =	strace $0x90000046  }
0xb8: {  	s29 =	simm.s32 $0x9;
	_ =	strace $0x80000048  }
0xb9: {  	_ =	swait.ge [sflag:s29], $0x1  }
0xba: {  	[sflag:s29] =	ssyncadd.s32 $0xFFFFFFFF  }
0xbb: {  	_ =	strace $0x90000048  }
0xbc: {  	_ =	sfence  }
0xbd: {  	s30 =	sld [smem:$0x0];
	_ =	sdelay $0x2  }
0xbe: {  	s31 =	sshll.u32 s1, $0xD;
	s1 =	sshrl.u32 s1, $0x2  }
0xbf: {  	s3 =	sand.u32 $0x4000, s31;
	s1 =	sadd.s32 s1, s30  }
0xc0: {  	s0 =	sor.u32 s3, s0;
	s1 =	sshll.u32 s1, $0x11  }
0xc1: {  	s0 =	sor.u32 s1, s0  }
0xc2: {  	s0 =	sadd.s32 $0x8F2B, s0  }
0xc3: {  	[sflag:s0] =	ssyncadd.remote.s32 $0x1  }
0xc4: {  	_ =	sfence.sel $0xFFFF  }
0xc5: {  	[dreg:$0x0] =	wrdreg $0xFFFFFFFF;
	(pc) =	sbr.abs _section_cstart, $3  }
0xc6: {  	[dreg:$0x1] =	wrdreg $0xFFFFFFFF  }
0xc7: {  	_ =	task.clear_ibuf [dreg:s10], $0x2FFFF;
	_ =	strace $0x9FFFFFFF  }
0xc8: {  	(tm) =	ssettm $0x7FFFFFFF  }
0xc9: {  	_ =	shalt  }
tec
execute0_lowered:
.L_overlay_start_1:
0x0: {  	(tag) =	ssettag $0x1  }
0x1: {  	v0 =	vimm.s32 $0xFEDCBA98;
	v1 =	vimm.s32 $0x76543210  }
0x2: {  	vm0 =	vcmask $0x1F00;
	v2 =	vimm.s32 $0x3210FEDC;
	v3 =	vimm.s32 $0xBA987654  }
0x3: {  	v4 =	vimm.f32 $1.000000000e+00;
	vm14 =	vcmask $0xF00;
	v49 =	vimm.s32 $0x10FEDCBA  }
0x4: {  	v5 =	vimm.s32 $0x98765432;
	vm15 =	vcmask $0x2F20;
	v52 =	vimm.s32 $0xDCBA9876  }
0x5: {  	v53 =	vimm.s32 $0x543210FE;
	vm4 =	vcmask $0x700;
	vm5 =	vcmask $0x1710  }
0x6: {  	v8 =	vimm.s32 $0xFEDCBA9;
	v9 =	vimm.s32 $0x87654321;
	vm6 =	vcmask $0x2720  }
0x7: {  	vm7 =	vcmask $0x3730;
	v56 =	vimm.s32 $0xEDCBA987;
	vm8 =	vcmask $0x300  }
0x8: {  	vm9 =	vcmask $0xB08;
	v59 =	vimm.s32 $0x6543210F;
	vm10 =	vcmask $0x1310  }
0x9: {  	vm11 =	vcmask $0x1B18;
	vm12 =	vcmask $0x2320;
	vm13 =	vcmask $0x2B28  }
0xa: {  	v60 =	vimm.s32 $0xF7B3D591;
	v61 =	vimm.s32 $0xE6A2C480;
	v0 =	vunpack.c.l.s4.s8 v0  }
0xb: {  	v1 =	vunpack.c.l.s4.s8 v1;
	v2 =	vunpack.c.l.s4.s8 v2;
	v3 =	vunpack.c.l.s4.s8 v3  }
0xc: {  	v57 =	vsel vm0, $0x0, v4;
	v48 =	vsel vm14, $0x0, v4;
	v5 =	vunpack.c.l.s4.s8 v5  }
0xd: {  	v7 =	vsel vm4, $0x0, v4;
	v8 =	vunpack.c.l.s4.s8 v8;
	v9 =	vunpack.c.l.s4.s8 v9  }
0xe: {  	v4 =	vsel vm8, $0x0, v4;
	vm14 =	vcmask $0x3330;
	v10 =	vsel vm15, $0x0, v48  }
0xf: {  	v7 =	vsel vm5, $0x0, v7;
	v4 =	vsel vm9, $0x0, v4;
	vm15 =	vcmask $0x3B38  }
0x10: {  	v0 =	vunpack.c.0.s8.s32 v0;
	v1 =	vunpack.c.0.s8.s32 v1;
	v46 =	vunpack.c.0.s8.s32 v2  }
0x11: {  	v47 =	vunpack.c.0.s8.s32 v3;
	v3 =	vunpack.c.l.s4.s8 v49;
	v51 =	vunpack.c.0.s8.s32 v5  }
0x12: {  	s0 =	rddreg [dreg:$0x0];
	v5 =	vunpack.c.l.s4.s8 v53;
	v7 =	vsel vm6, $0x0, v7;
	v8 =	vunpack.c.0.s8.s32 v8  }
0x13: {  	s2 =	rddreg [dreg:$0x1];
	v9 =	vunpack.c.0.s8.s32 v9;
	v4 =	vsel vm10, $0x0, v4;
	v11 =	vsel vm7, $0x0, v7  }
0x14: {  	s4 =	rddreg [dreg:$0x2];
	v7 =	vunpack.c.l.s4.s8 v59;
	v4 =	vsel vm11, $0x0, v4;
	v0 =	vand.u32 $0xF, v0  }
0x15: {  	s5 =	rddreg [dreg:$0x3];
	s1 =	simm.s32 $0x0;
	v6 =	vcombine.low v47, v46;
	v50 =	vunpack.c.0.s8.s32 v3;
	v3 =	vunpack.c.l.s4.s8 v52  }
0x16: {  	[smem:$0x7FF] =	sst s1;
	v5 =	vunpack.c.0.s8.s32 v5;
	v55 =	vcombine.low v9, v8;
	v4 =	vsel vm12, $0x0, v4  }
0x17: {  	s6 =	rddreg [dreg:$0x4];
	_ =	strace $0x80000047;
	[tilespmem:$0x1FF50] =	vst v57;
	v8 =	vunpack.c.l.s4.s8 v60;
	v9 =	vunpack.c.l.s4.s8 v61;
	v58 =	vcombine.low v0, v1  }
0x18: {  	s3 =	srdreg.scid;
	[tilespmem:$0x1FF60] =	vst v10;
	v0 =	vcombine.low v46, v47;
	v4 =	vsel vm13, $0x0, v4;
	v3 =	vunpack.c.0.s8.s32 v3  }
0x19: {  	s8 =	stileid.u32;
	s3 =	sand.u32 $0x1, s3;
	[tilespmem:$0x1FF70] =	vst v11;
	v1 =	vcombine.low v51, v50;
	v4 =	vsel vm14, $0x0, v4;
	v59 =	vand.u32 $0xF, v6  }
0x1a: {  	s8 =	sshll.u32 s8, $0x7;
	s9 =	sshll.u32 s3, $0x6;
	v62 =	vunpack.c.0.s8.s32 v8;
	v63 =	vunpack.c.0.s8.s32 v9;
	v12 =	vsel vm15, $0x0, v4;
	[tilespmem:$0x1FFA0] =	vst v59  }
0x1b: {  	s8 =	sor.u32 s9, s8;
	v0 =	vand.u32 $0xF, v0;
	v54 =	vcombine.low v5, v3;
	v5 =	vunpack.c.l.s4.s8 v56;
	[tilespmem:$0x1FF90] =	vst v12  }
0x1c: {  	s13 =	sadd.s32 $0x400, s0;
	s2 =	sadd.s32 s2, s8;
	v7 =	vunpack.c.0.s8.s32 v7;
	v1 =	vand.u32 $0xF, v1;
	[tilespmem:$0x1FFB0] =	vst v0  }
0x1d: {  	s7 =	ssub.s32 $0x2, s3;
	s29 =	sadd.s32 s4, s8;
	[smem:$0x7F9] =	sst s2;
	v3 =	vand.u32 $0xF, v55;
	v4 =	vcombine.low v63, v62;
	[tilespmem:$0x1FFC0] =	vst v1;
	v5 =	vunpack.c.0.s8.s32 v5  }
0x1e: {  	s10 =	sshrl.u32 s7, $0x1;
	s30 =	sadd.s32 s5, s8;
	[smem:$0x7FA] =	sst s29;
	[tilespmem:$0x1FFE0] =	vst v3  }
0x1f: {  	s28 =	ssub.s32 s7, s10;
	s31 =	sadd.s32 s6, s8;
	[smem:$0x7FB] =	sst s30;
	v2 =	vand.u32 $0xF, v54;
	[tilespmem:$0x1FFF0] =	vst v4;
	v7 =	vcombine.low v7, v5  }
0x20: {  	s3 =	sadd.s32 $0x4400, s0;
	[smem:$0x7FC] =	sst s31;
	s0 =	smax.u32 s28, $0x1;
	[tilespmem:$0x1FFD0] =	vst v2  }
0x21: {  	s4 =	simm.s32 $0x0;
	s2 =	simm.s32 $0x7;
	[smem:$0x7FD] =	sst s0;
	[tilespmem:$0x1FF80] =	vst v7  }
.LBB2_1:
0x22: {  	s0 =	sld [smem:$0x7F9];
	_ =	sdelay $0x1  }
0x23: {  	[smem:$0x7F8] =	sst s4  }
0x24: {  	[tilespmem:s1], [sflag:$0x7] =	stream.linear.gather [hbm4b:s0+s1], $0x200, $0x38;
	[tilespmem:$0x18800] =	vst v63  }
0x25: {  	_ =	swait.ge [sflag:s2], $0x200  }
0x26: {  	s28 =	sld [smem:$0x7FA]  }
0x27: {  	[sflag:s2] =	ssyncset.done $0x0  }
0x28: {  	s29 =	simm.s32 $0x200;
	[sflag:s2] =	ssyncadd.s32 $0xFFFFFE00  }
0x29: {  	[tilespmem:s29], [sflag:$0x7] =	stream.linear.gather [hbm4b:s28+s1], $0x200, $0x38;
	[tilespmem:$0x18800] =	vst v63  }
0x2a: {  	_ =	swait.ge [sflag:s2], $0x200  }
0x2b: {  	s30 =	sld [smem:$0x7FB]  }
0x2c: {  	[sflag:s2] =	ssyncset.done $0x0  }
0x2d: {  	s31 =	simm.s32 $0x400;
	[sflag:s2] =	ssyncadd.s32 $0xFFFFFE00  }
0x2e: {  	[tilespmem:s31], [sflag:$0x7] =	stream.linear.gather [hbm4b:s30+s1], $0x200, $0x38;
	[tilespmem:$0x18800] =	vst v63  }
0x2f: {  	_ =	swait.ge [sflag:s2], $0x200  }
0x30: {  	[sflag:s2] =	ssyncset.done $0x0  }
0x31: {  	p1 =	por $0x1, $0x1;
	s0 =	simm.s32 $0x0;
	[sflag:s2] =	ssyncadd.s32 $0xFFFFFE00  }
.LBB2_2:
0x32: {  	s25 =	sshll.u32 s0, $0x2  }
0x33: {  	[smem:$0x7F7] =	sst s0;
	s0 =	sshra.s32 s25, $0x2  }
0x34: {  	s2 =	sadd.s32 $0x200, s0;
	v0 =	vld [tilespmem:s0+$0x0]  }
0x35: {  	v1 =	vld [tilespmem:s2+$0x0];
	_ =	sdelay $0x1  }
0x36: {  	s4 =	sadd.s32 $0x400, s0  }
0x37: {  	v2 =	vld [tilespmem:s4+$0x0]  }
0x38: {  	v14 =	vshll.u32 v0, $0x4  }
0x39: {  	v13 =	vshll.u32 v1, $0x4;
	(v2sf) =	vpush v14, $0x0  }
0x3a: {  	(v2sf) =	vpush v13, $0x0;
	_ =	sdelay $0x1  }
0x3b: {  	v12 =	vshll.u32 v2, $0x4  }
0x3c: {  	(v2sf) =	vpush v12, $0x0  }
0x3d: {  	(v2sf) =	vpush v14, $0x1;
	_ =	sdelay $0x1  }
0x3e: {  	(v2sf) =	vpush v13, $0x1  }
0x3f: {  	(v2sf) =	vpush v12, $0x1;
	_ =	sdelay $0x2  }
0x40: {  	s18 =	simm.s32 $0x2000;
	s21 =	simm.s32 $0x0  }
0x41: {  	s7 =	simm.s32 $0x10600;
	s6 =	simm.s32 $0x8780;
	s5 =	simm.s32 $0x980;
	(v2sf) =	vpush v14, $0x2  }
0x42: {  	s26 =	simm.s32 $0x600;
	s8 =	simm.s32 $0x8600;
	s11 =	simm.s32 $0x10680  }
0x43: {  	s19 =	simm.s32 $0x8680;
	s24 =	simm.s32 $0x700;
	p0 =	por p1, p1;
	(v2sf) =	vpush v13, $0x2  }
0x44: {  	s14 =	sadd.s32 $0x10, s2;
	s15 =	sadd.s32 $0x10, s4;
	s9 =	spop (v2sf)  }
0x45: {  	s4 =	simm.s32 $0xA00;
	s9 =	sand.u32 $0x1FFFFFF0, s9;
	s10 =	spop (v2sf)  }
0x46: {  	s2 =	simm.s32 $0xA80;
	s9 =	sadd.s32 s3, s9;
	s10 =	sand.u32 $0x1FFFFFF0, s10  }
0x47: {  	(v2sf) =	vpush v12, $0x2;
	[tilespmem:s26], [sflag:$0x1] =	stream.linear.gather [hbm4b:s9+s1], $0x80, $0x38;
	[tilespmem:$0x18800] =	vst v63  }
0x48: {  	s12 =	spop (v2sf);
	s9 =	simm.s32 $0x780;
	s28 =	sadd.s32 s13, s10  }
0x49: {  	(v2sf) =	vpush v14, $0x3;
	s29 =	sand.u32 $0x1FFFFFF0, s12;
	s30 =	spop (v2sf);
	s26 =	simm.s32 $0x8700  }
0x4a: {  	(v2sf) =	vpush v13, $0x3;
	[tilespmem:s8], [sflag:$0x3] =	stream.linear.gather [hbm4b:s28+s1], $0x80, $0x38;
	[tilespmem:$0x18800] =	vst v63  }
0x4b: {  	s10 =	sand.u32 $0x1FFFFFF0, s30;
	s31 =	spop (v2sf);
	s8 =	sadd.s32 s3, s29  }
0x4c: {  	(v2sf) =	vpush v12, $0x3;
	s16 =	sadd.s32 s3, s10;
	s17 =	sand.u32 $0x1FFFFFF0, s31;
	s20 =	spop (v2sf)  }
0x4d: {  	(v2sf) =	vpush v14, $0x4;
	[tilespmem:s7], [sflag:$0x5] =	stream.linear.gather [hbm4b:s8+s1], $0x80, $0x38;
	[tilespmem:$0x18800] =	vst v63  }
0x4e: {  	s29 =	simm.s32 $0x10700;
	s10 =	sadd.s32 s13, s17;
	s8 =	simm.s32 $0x680  }
0x4f: {  	(v2sf) =	vpush v13, $0x4;
	[tilespmem:s8], [sflag:$0x2] =	stream.linear.gather [hbm4b:s16+s1], $0x80, $0x38;
	[tilespmem:$0x18800] =	vst v63  }
0x50: {  	s22 =	spop (v2sf);
	s17 =	simm.s32 $0x8800;
	(v2sf) =	vpush v12, $0x4;
	s8 =	sand.u32 $0x1FFFFFF0, s20  }
0x51: {  	[tilespmem:s19], [sflag:$0x4] =	stream.linear.gather [hbm4b:s10+s1], $0x80, $0x38;
	[tilespmem:$0x18800] =	vst v63  }
0x52: {  	s23 =	spop (v2sf);
	s8 =	sadd.s32 s3, s8;
	s10 =	sand.u32 $0x1FFFFFF0, s22  }
0x53: {  	[tilespmem:s11], [sflag:$0x6] =	stream.linear.gather [hbm4b:s8+s1], $0x80, $0x38;
	[tilespmem:$0x18800] =	vst v63  }
0x54: {  	s7 =	simm.s32 $0x10780;
	s25 =	sand.u32 $0x1FFFFFF0, s23;
	(v2sf) =	vpush v14, $0x5;
	s10 =	sadd.s32 s3, s10  }
0x55: {  	[tilespmem:s24], [sflag:$0x1] =	stream.linear.gather [hbm4b:s10+s1], $0x80, $0x38;
	[tilespmem:$0x18800] =	vst v63  }
0x56: {  	s22 =	simm.s32 $0x800;
	s11 =	sadd.s32 s13, s25;
	s28 =	spop (v2sf)  }
0x57: {  	[tilespmem:s26], [sflag:$0x3] =	stream.linear.gather [hbm4b:s11+s1], $0x80, $0x38;
	[tilespmem:$0x18800] =	vst v63  }
0x58: {  	(v2sf) =	vpush v13, $0x5;
	s8 =	simm.s32 $0x8880;
	s10 =	sand.u32 $0x1FFFFFF0, s28;
	s30 =	spop (v2sf)  }
0x59: {  	s10 =	sadd.s32 s3, s10;
	s11 =	sand.u32 $0x1FFFFFF0, s30;
	s31 =	spop (v2sf)  }
0x5a: {  	[tilespmem:s29], [sflag:$0x5] =	stream.linear.gather [hbm4b:s10+s1], $0x80, $0x38;
	[tilespmem:$0x18800] =	vst v63  }
0x5b: {  	s25 =	simm.s32 $0x10800;
	s11 =	sadd.s32 s3, s11;
	s16 =	spop (v2sf)  }
0x5c: {  	(v2sf) =	vpush v12, $0x5;
	s12 =	sand.u32 $0x1FFFFFF0, s31;
	s10 =	sand.u32 $0x1FFFFFF0, s16;
	s19 =	spop (v2sf)  }
0x5d: {  	(v2sf) =	vpush v14, $0x6;
	[tilespmem:s9], [sflag:$0x2] =	stream.linear.gather [hbm4b:s11+s1], $0x80, $0x38;
	[tilespmem:$0x18800] =	vst v63  }
0x5e: {  	s9 =	simm.s32 $0x10A80;
	s11 =	sadd.s32 s13, s12;
	s20 =	spop (v2sf)  }
0x5f: {  	s10 =	sadd.s32 s3, s10;
	s24 =	sand.u32 $0x1FFFFFF0, s20;
	s26 =	spop (v2sf)  }
0x60: {  	(v2sf) =	vpush v13, $0x6;
	[tilespmem:s6], [sflag:$0x4] =	stream.linear.gather [hbm4b:s11+s1], $0x80, $0x38;
	[tilespmem:$0x18800] =	vst v63  }
0x61: {  	(v2sf) =	vpush v12, $0x6;
	s20 =	simm.s32 $0x10880;
	s11 =	sand.u32 $0x1FFFFFF0, s19;
	s28 =	sadd.s32 s13, s24  }
0x62: {  	[tilespmem:s7], [sflag:$0x6] =	stream.linear.gather [hbm4b:s10+s1], $0x80, $0x38;
	[tilespmem:$0x18800] =	vst v63  }
0x63: {  	(v2sf) =	vpush v14, $0x7;
	s29 =	sand.u32 $0x1FFFFFF0, s26;
	s30 =	spop (v2sf);
	s23 =	sadd.s32 s3, s11  }
0x64: {  	[tilespmem:s22], [sflag:$0x1] =	stream.linear.gather [hbm4b:s23+s1], $0x80, $0x38;
	[tilespmem:$0x18800] =	vst v63  }
0x65: {  	(v2sf) =	vpush v13, $0x7;
	s24 =	simm.s32 $0x900;
	s6 =	sadd.s32 s3, s29;
	s11 =	sand.u32 $0x1FFFFFF0, s30  }
0x66: {  	[tilespmem:s17], [sflag:$0x3] =	stream.linear.gather [hbm4b:s28+s1], $0x80, $0x38;
	[tilespmem:$0x18800] =	vst v63  }
0x67: {  	s31 =	spop (v2sf);
	(v2sf) =	vpush v12, $0x7;
	s29 =	simm.s32 $0x10900;
	s7 =	simm.s32 $0xB00  }
0x68: {  	[tilespmem:s25], [sflag:$0x5] =	stream.linear.gather [hbm4b:s6+s1], $0x80, $0x38;
	[tilespmem:$0x18800] =	vst v63  }
0x69: {  	s10 =	simm.s32 $0x880;
	s11 =	sadd.s32 s3, s11;
	s16 =	sand.u32 $0x1FFFFFF0, s31;
	(v2sf) =	vpush v14, $0x8  }
0x6a: {  	[tilespmem:s10], [sflag:$0x2] =	stream.linear.gather [hbm4b:s11+s1], $0x80, $0x38;
	[tilespmem:$0x18800] =	vst v63  }
0x6b: {  	s17 =	simm.s32 $0x8900;
	s19 =	spop (v2sf);
	s11 =	sadd.s32 s13, s16  }
0x6c: {  	s16 =	simm.s32 $0x8980;
	s10 =	sand.u32 $0x1FFFFFF0, s19;
	s22 =	spop (v2sf)  }
0x6d: {  	(v2sf) =	vpush v13, $0x8;
	[tilespmem:s8], [sflag:$0x4] =	stream.linear.gather [hbm4b:s11+s1], $0x80, $0x38;
	[tilespmem:$0x18800] =	vst v63  }
0x6e: {  	s19 =	simm.s32 $0x10980;
	s10 =	sadd.s32 s3, s10;
	s11 =	sand.u32 $0x1FFFFFF0, s22  }
0x6f: {  	(v2sf) =	vpush v12, $0x8;
	s23 =	spop (v2sf);
	s8 =	simm.s32 $0x8B00;
	s25 =	sadd.s32 s3, s11  }
0x70: {  	(v2sf) =	vpush v14, $0x9;
	s26 =	sand.u32 $0x1FFFFFF0, s23;
	s28 =	spop (v2sf);
	s23 =	simm.s32 $0x8A00  }
0x71: {  	[tilespmem:s20], [sflag:$0x6] =	stream.linear.gather [hbm4b:s10+s1], $0x80, $0x38;
	[tilespmem:$0x18800] =	vst v63  }
0x72: {  	(v2sf) =	vpush v13, $0x9;
	s11 =	sadd.s32 s13, s26;
	s10 =	sand.u32 $0x1FFFFFF0, s28;
	s30 =	spop (v2sf)  }
0x73: {  	(v2sf) =	vpush v12, $0x9;
	[tilespmem:s24], [sflag:$0x1] =	stream.linear.gather [hbm4b:s25+s1], $0x80, $0x38;
	[tilespmem:$0x18800] =	vst v63  }
0x74: {  	s26 =	simm.s32 $0x10A00;
	s10 =	sadd.s32 s3, s10;
	s31 =	spop (v2sf)  }
0x75: {  	(v2sf) =	vpush v14, $0xA;
	[tilespmem:s17], [sflag:$0x3] =	stream.linear.gather [hbm4b:s11+s1], $0x80, $0x38;
	[tilespmem:$0x18800] =	vst v63  }
0x76: {  	s12 =	sand.u32 $0x1FFFFFF0, s31;
	s11 =	sand.u32 $0x1FFFFFF0, s30;
	s17 =	spop (v2sf)  }
0x77: {  	[tilespmem:s29], [sflag:$0x5] =	stream.linear.gather [hbm4b:s10+s1], $0x80, $0x38;
	[tilespmem:$0x18800] =	vst v63  }
0x78: {  	(v2sf) =	vpush v13, $0xA;
	s11 =	sadd.s32 s3, s11;
	s6 =	sand.u32 $0x1FFFFFF0, s17;
	s20 =	spop (v2sf)  }
0x79: {  	[tilespmem:s5], [sflag:$0x2] =	stream.linear.gather [hbm4b:s11+s1], $0x80, $0x38;
	[tilespmem:$0x18800] =	vst v63  }
0x7a: {  	s17 =	simm.s32 $0xC80;
	s10 =	simm.s32 $0x8A80;
	s11 =	sadd.s32 s13, s12  }
0x7b: {  	[tilespmem:s16], [sflag:$0x4] =	stream.linear.gather [hbm4b:s11+s1], $0x80, $0x38;
	[tilespmem:$0x18800] =	vst v63  }
0x7c: {  	s6 =	sadd.s32 s3, s6;
	s11 =	sand.u32 $0x1FFFFFF0, s20;
	s22 =	spop (v2sf)  }
0x7d: {  	[tilespmem:s19], [sflag:$0x6] =	stream.linear.gather [hbm4b:s6+s1], $0x80, $0x38;
	[tilespmem:$0x18800] =	vst v63  }
0x7e: {  	(v2sf) =	vpush v12, $0xA;
	s16 =	simm.s32 $0x8D80;
	s24 =	sadd.s32 s3, s11;
	s28 =	spop (v2sf)  }
0x7f: {  	s25 =	sand.u32 $0x1FFFFFF0, s22;
	s30 =	sand.u32 $0x1FFFFFF0, s28;
	s31 =	spop (v2sf)  }
0x80: {  	(v2sf) =	vpush v14, $0xB;
	[tilespmem:s4], [sflag:$0x1] =	stream.linear.gather [hbm4b:s24+s1], $0x80, $0x38;
	[tilespmem:$0x18800] =	vst v63  }
0x81: {  	(v2sf) =	vpush v13, $0xB;
	s29 =	sadd.s32 s13, s25;
	s5 =	sadd.s32 s3, s30;
	s6 =	spop (v2sf)  }
0x82: {  	s11 =	sand.u32 $0x1FFFFFF0, s31;
	s31 =	simm.s32 $0xB80;
	s12 =	spop (v2sf)  }
0x83: {  	(v2sf) =	vpush v12, $0xB;
	[tilespmem:s23], [sflag:$0x3] =	stream.linear.gather [hbm4b:s29+s1], $0x80, $0x38;
	[tilespmem:$0x18800] =	vst v63  }
0x84: {  	s11 =	sadd.s32 s3, s11;
	s4 =	sand.u32 $0x1FFFFFF0, s12;
	s19 =	spop (v2sf)  }
0x85: {  	(v2sf) =	vpush v14, $0xC;
	s23 =	simm.s32 $0x10B80;
	s29 =	simm.s32 $0x10B00;
	s20 =	sadd.s32 s3, s4  }
0x86: {  	[tilespmem:s26], [sflag:$0x5] =	stream.linear.gather [hbm4b:s5+s1], $0x80, $0x38;
	[tilespmem:$0x18800] =	vst v63  }
0x87: {  	s24 =	spop (v2sf);
	s26 =	sadd.s32 $0x10, s0;
	s0 =	sand.u32 $0x1FFFFFF0, s6  }
0x88: {  	[tilespmem:s2], [sflag:$0x2] =	stream.linear.gather [hbm4b:s11+s1], $0x80, $0x38;
	[tilespmem:$0x18800] =	vst v63  }
0x89: {  	(v2sf) =	vpush v13, $0xC;
	s22 =	sand.u32 $0x1FFFFFF0, s19;
	s5 =	sand.u32 $0x1FFFFFF0, s24;
	s0 =	sadd.s32 s13, s0  }
0x8a: {  	[tilespmem:s10], [sflag:$0x4] =	stream.linear.gather [hbm4b:s0+s1], $0x80, $0x38;
	[tilespmem:$0x18800] =	vst v63  }
0x8b: {  	(v2sf) =	vpush v12, $0xC;
	s4 =	sadd.s32 s3, s22;
	s5 =	sadd.s32 s13, s5;
	s2 =	simm.s32 $0x8C00  }
0x8c: {  	[tilespmem:s9], [sflag:$0x6] =	stream.linear.gather [hbm4b:s20+s1], $0x80, $0x38;
	[tilespmem:$0x18800] =	vst v63  }
0x8d: {  	s25 =	spop (v2sf);
	s10 =	simm.s32 $0x10D00;
	s0 =	simm.s32 $0x8D00  }
0x8e: {  	[tilespmem:s7], [sflag:$0x1] =	stream.linear.gather [hbm4b:s4+s1], $0x80, $0x38;
	[tilespmem:$0x18800] =	vst v63  }
0x8f: {  	(v2sf) =	vpush v14, $0xD;
	s9 =	simm.s32 $0x8B80;
	s4 =	simm.s32 $0xC00;
	s28 =	spop (v2sf)  }
0x90: {  	s7 =	sand.u32 $0x1FFFFFF0, s25;
	s30 =	sand.u32 $0x1FFFFFF0, s28;
	s6 =	spop (v2sf)  }
0x91: {  	(v2sf) =	vpush v13, $0xD;
	[tilespmem:s8], [sflag:$0x3] =	stream.linear.gather [hbm4b:s5+s1], $0x80, $0x38;
	[tilespmem:$0x18800] =	vst v63  }
0x92: {  	s7 =	sadd.s32 s3, s7;
	s8 =	sadd.s32 s3, s30;
	s11 =	spop (v2sf)  }
0x93: {  	[tilespmem:s29], [sflag:$0x5] =	stream.linear.gather [hbm4b:s7+s1], $0x80, $0x38;
	[tilespmem:$0x18800] =	vst v63  }
0x94: {  	s30 =	simm.s32 $0x10C00;
	s12 =	spop (v2sf);
	s7 =	sand.u32 $0x1FFFFFF0, s6  }
0x95: {  	[tilespmem:s31], [sflag:$0x2] =	stream.linear.gather [hbm4b:s8+s1], $0x80, $0x38;
	[tilespmem:$0x18800] =	vst v63  }
0x96: {  	s20 =	sand.u32 $0x1FFFFFF0, s12;
	s7 =	sadd.s32 s13, s7;
	s8 =	sand.u32 $0x1FFFFFF0, s11  }
0x97: {  	[tilespmem:s9], [sflag:$0x4] =	stream.linear.gather [hbm4b:s7+s1], $0x80, $0x38;
	[tilespmem:$0x18800] =	vst v63  }
0x98: {  	s22 =	spop (v2sf);
	s12 =	simm.s32 $0x8C80;
	s19 =	sadd.s32 s3, s8  }
0x99: {  	[tilespmem:s23], [sflag:$0x6] =	stream.linear.gather [hbm4b:s19+s1], $0x80, $0x38;
	[tilespmem:$0x18800] =	vst v63  }
0x9a: {  	(v2sf) =	vpush v12, $0xD;
	s24 =	sand.u32 $0x1FFFFFF0, s22;
	s25 =	spop (v2sf);
	s23 =	sadd.s32 s3, s20  }
0x9b: {  	(v2sf) =	vpush v14, $0xE;
	[tilespmem:s4], [sflag:$0x1] =	stream.linear.gather [hbm4b:s23+s1], $0x80, $0x38;
	[tilespmem:$0x18800] =	vst v63  }
0x9c: {  	(v2sf) =	vpush v13, $0xE;
	s28 =	sadd.s32 s13, s24;
	s29 =	sand.u32 $0x1FFFFFF0, s25;
	s11 =	simm.s32 $0x10C80  }
0x9d: {  	(v2sf) =	vpush v12, $0xE;
	[tilespmem:s2], [sflag:$0x3] =	stream.linear.gather [hbm4b:s28+s1], $0x80, $0x38;
	[tilespmem:$0x18800] =	vst v63  }
0x9e: {  	(v2sf) =	vpush v14, $0xF;
	s9 =	simm.s32 $0xD80;
	s31 =	spop (v2sf);
	s4 =	sadd.s32 s3, s29  }
0x9f: {  	(v2sf) =	vpush v13, $0xF;
	[tilespmem:s30], [sflag:$0x5] =	stream.linear.gather [hbm4b:s4+s1], $0x80, $0x38;
	[tilespmem:$0x18800] =	vst v63  }
0xa0: {  	(v2sf) =	vpush v12, $0xF;
	s2 =	simm.s32 $0xD00;
	s5 =	spop (v2sf);
	s4 =	sand.u32 $0x1FFFFFF0, s31  }
.LBB2_3:
0xa1: {  	_ =	sdelay $0x3  }
0xa2: {  	s4 =	sadd.s32 s3, s4;
	s5 =	sand.u32 $0x1FFFFFF0, s5  }
0xa3: {  	[tilespmem:s17], [sflag:$0x2] =	stream.linear.gather [hbm4b:s4+s1], $0x80, $0x38;
	[tilespmem:$0x18800] =	vst v63  }
0xa4: {  	s22 =	sadd.s32 s13, s5  }
0xa5: {  	[tilespmem:s12], [sflag:$0x4] =	stream.linear.gather [hbm4b:s22+s1], $0x80, $0x38;
	[tilespmem:$0x18800] =	vst v63  }
0xa6: {  	s7 =	spop (v2sf)  }
0xa7: {  	s23 =	sand.u32 $0x1FFFFFF0, s7;
	s6 =	spop (v2sf)  }
0xa8: {  	s24 =	sadd.s32 s3, s23;
	s25 =	sand.u32 $0x1FFFFFF0, s6;
	s28 =	spop (v2sf)  }
0xa9: {  	[tilespmem:s11], [sflag:$0x6] =	stream.linear.gather [hbm4b:s24+s1], $0x80, $0x38;
	[tilespmem:$0x18800] =	vst v63  }
0xaa: {  	s8 =	smov.u32 s18;
	s29 =	sadd.s32 s3, s25;
	s30 =	sand.u32 $0x1FFFFFF0, s28  }
0xab: {  	s31 =	spop (v2sf);
	s25 =	sadd.s32 $0x10D80, s21;
	s21 =	sshra.s32 s8, $0x2  }
0xac: {  	s5 =	sadd.s32 s13, s30;
	s7 =	sand.u32 $0x1FFFFFF0, s31;
	s11 =	spop (v2sf)  }
0xad: {  	s30 =	sadd.s32 $0x8780, s21;
	s31 =	sadd.s32 $0x980, s21;
	s6 =	sadd.s32 $0x8800, s21  }
0xae: {  	[tilespmem:s2], [sflag:$0x1] =	stream.linear.gather [hbm4b:s29+s1], $0x80, $0x38;
	[tilespmem:$0x18800] =	vst v63  }
0xaf: {  	s8 =	sadd.s32 $0xB00, s21;
	s12 =	sadd.s32 s3, s7;
	[dreg:$0x1e] =	wrdreg s30  }
0xb0: {  	[tilespmem:s0], [sflag:$0x3] =	stream.linear.gather [hbm4b:s5+s1], $0x80, $0x38;
	[tilespmem:$0x18800] =	vst v63  }
0xb1: {  	s17 =	sand.u32 $0x1FFFFFF0, s11;
	s19 =	spop (v2sf);
	[dreg:$0x12] =	wrdreg s31  }
0xb2: {  	[tilespmem:s10], [sflag:$0x5] =	stream.linear.gather [hbm4b:s12+s1], $0x80, $0x38;
	[tilespmem:$0x18800] =	vst v63  }
0xb3: {  	s20 =	sadd.s32 s3, s17;
	s22 =	sand.u32 $0x1FFFFFF0, s19;
	s23 =	spop (v2sf)  }
0xb4: {  	[tilespmem:s9], [sflag:$0x2] =	stream.linear.gather [hbm4b:s20+s1], $0x80, $0x38;
	[tilespmem:$0x18800] =	vst v63  }
0xb5: {  	[dreg:$0x1d] =	wrdreg s6;
	s24 =	sadd.s32 s13, s22;
	s4 =	sand.u32 $0x1FFFFFF0, s23  }
0xb6: {  	[tilespmem:s16], [sflag:$0x4] =	stream.linear.gather [hbm4b:s24+s1], $0x80, $0x38;
	[tilespmem:$0x18800] =	vst v63  }
0xb7: {  	s2 =	sadd.s32 $0xA80, s21;
	[dreg:$0xa] =	wrdreg s8;
	s29 =	sadd.s32 s3, s4  }
0xb8: {  	[tilespmem:s25], [sflag:$0x6] =	stream.linear.gather [hbm4b:s29+s1], $0x80, $0x38;
	[tilespmem:$0x18800] =	vst v63  }
0xb9: {  	s7 =	sadd.s32 $0x10800, s21;
	[dreg:$0xd] =	wrdreg s2;
	v0 =	vld [tilespmem:s26+$0x0]  }
0xba: {  	p1 =	sne.s32 s18, $0x1E000;
	s11 =	sadd.s32 $0x8A80, s21;
	[dreg:$0x1a] =	wrdreg s7;
	v1 =	vld [tilespmem:s14+$0x0]  }
0xbb: {  	s28 =	sadd.s32 $0x2000, s18;
	s31 =	sadd.s32 $0x10880, s21;
	[dreg:$0xf] =	wrdreg s11;
	v2 =	vld [tilespmem:s15+$0x0]  }
0xbc: {  	s18 =	sadd.s32 $0x10680, s21;
	s6 =	sadd.s32 $0x10900, s21;
	[dreg:$0x1b] =	wrdreg s31  }
0xbd: {  	s30 =	sadd.s32 $0x8600, s21;
	s8 =	sadd.s32 $0xD80, s21;
	[dreg:$0x18] =	wrdreg s6  }
0xbe: {  	s17 =	sadd.s32 $0x10A00, s21;
	s2 =	simm.s32 $0x0;
	[dreg:$0x1c] =	wrdreg s8;
	v14 =	vshll.u32 v0, $0x4  }
0xbf: {  	s19 =	sadd.s32 $0x880, s21;
	s7 =	sadd.s32 $0x8C00, s21;
	[dreg:$0x11] =	wrdreg s17;
	v13 =	vshll.u32 v1, $0x4;
	(v2sf) =	vpush v14, $0x0  }
0xc0: {  	s6 =	sadd.s32 $0x8680, s21;
	s11 =	sadd.s32 $0xC00, s21;
	[dreg:$0x1f] =	wrdreg s19;
	v12 =	vshll.u32 v2, $0x4;
	(v2sf) =	vpush v13, $0x0  }
0xc1: {  	s5 =	sadd.s32 $0x10A80, s21;
	s22 =	sadd.s32 $0x800, s21;
	[dreg:$0x6] =	wrdreg s7;
	(v2sf) =	vpush v12, $0x0  }
0xc2: {  	s23 =	sadd.s32 $0x8980, s21;
	s17 =	sadd.s32 $0xC80, s21;
	[dreg:$0x7] =	wrdreg s11  }
0xc3: {  	s19 =	sadd.s32 $0x10700, s21;
	s0 =	sadd.s32 $0x8D00, s21;
	[dreg:$0xb] =	wrdreg s5  }
0xc4: {  	s7 =	sadd.s32 $0xD00, s21;
	s4 =	sadd.s32 $0x8880, s21;
	[dreg:$0x16] =	wrdreg s23;
	(v2sf) =	vpush v14, $0x1  }
0xc5: {  	s11 =	sadd.s32 $0x10C80, s21;
	s23 =	sadd.s32 $0xB80, s21;
	[dreg:$0x19] =	wrdreg s4  }
0xc6: {  	s5 =	sadd.s32 $0x680, s21;
	s10 =	sadd.s32 $0x8B00, s21;
	[dreg:$0xe] =	wrdreg s23  }
0xc7: {  	s12 =	sadd.s32 $0x600, s21;
	s4 =	sadd.s32 $0x700, s21;
	[dreg:$0x8] =	wrdreg s10;
	(v2sf) =	vpush v13, $0x1  }
0xc8: {  	s10 =	sadd.s32 $0x10D00, s21;
	s20 =	sadd.s32 $0x780, s21;
	s9 =	sadd.s32 $0x8900, s21  }
0xc9: {  	[dreg:$0x17] =	wrdreg s9;
	s9 =	sadd.s32 $0x10B80, s21;
	s24 =	sadd.s32 $0x8700, s21;
	(v2sf) =	vpush v12, $0x1  }
0xca: {  	s16 =	sadd.s32 $0x8A00, s21;
	[dreg:$0x9] =	wrdreg s9;
	s9 =	sadd.s32 $0x900, s21  }
0xcb: {  	[dreg:$0x13] =	wrdreg s16;
	s16 =	sadd.s32 $0x8D80, s21;
	s29 =	sadd.s32 $0x10600, s21;
	(v2sf) =	vpush v14, $0x2  }
0xcc: {  	s1 =	sadd.s32 $0xA00, s21;
	s25 =	sadd.s32 $0x10980, s21;
	s14 =	sadd.s32 $0x10, s14  }
0xcd: {  	s15 =	sadd.s32 $0x10, s15;
	[dreg:$0x10] =	wrdreg s1;
	s1 =	smov.u32 s28;
	(v2sf) =	vpush v13, $0x2  }
0xce: {  	s28 =	sadd.s32 $0x10780, s21;
	[dreg:$0x15] =	wrdreg s25;
	s31 =	spop (v2sf)  }
0xcf: {  	s25 =	sadd.s32 $0x8B80, s21;
	(v2sf) =	vpush v12, $0x2;
	s31 =	sand.u32 $0x1FFFFFF0, s31;
	s23 =	spop (v2sf)  }
0xd0: {  	[dreg:$0xc] =	wrdreg s25;
	s31 =	sadd.s32 s3, s31;
	s25 =	spop (v2sf)  }
0xd1: {  	(v2sf) =	vpush v14, $0x3;
	[tilespmem:s12], [sflag:$0x1] =	stream.linear.gather [hbm4b:s31+s2], $0x80, $0x38;
	[tilespmem:$0x18800] =	vst v63  }
0xd2: {  	s26 =	sadd.s32 $0x10, s26;
	s23 =	sand.u32 $0x1FFFFFF0, s23;
	s25 =	sand.u32 $0x1FFFFFF0, s25  }
0xd3: {  	s12 =	sadd.s32 $0x8C80, s21;
	s8 =	spop (v2sf);
	(v2sf) =	vpush v13, $0x3;
	s23 =	sadd.s32 s13, s23  }
0xd4: {  	s31 =	sand.u32 $0x1FFFFFF0, s8;
	s8 =	sadd.s32 $0x10B00, s21;
	s25 =	sadd.s32 s3, s25  }
0xd5: {  	(v2sf) =	vpush v12, $0x3;
	[tilespmem:s30], [sflag:$0x3] =	stream.linear.gather [hbm4b:s23+s2], $0x80, $0x38;
	[tilespmem:$0x18800] =	vst v63  }
0xd6: {  	[dreg:$0x14] =	wrdreg s8;
	s30 =	sadd.s32 $0x10C00, s21;
	s8 =	spop (v2sf)  }
0xd7: {  	[tilespmem:s29], [sflag:$0x5] =	stream.linear.gather [hbm4b:s25+s2], $0x80, $0x38;
	[tilespmem:$0x18800] =	vst v63  }
0xd8: {  	(v2sf) =	vpush v14, $0x4;
	s31 =	sadd.s32 s3, s31;
	s25 =	sand.u32 $0x1FFFFFF0, s8;
	s8 =	spop (v2sf)  }
0xd9: {  	(v2sf) =	vpush v13, $0x4;
	[tilespmem:s5], [sflag:$0x2] =	stream.linear.gather [hbm4b:s31+s2], $0x80, $0x38;
	[tilespmem:$0x18800] =	vst v63  }
0xda: {  	s25 =	sadd.s32 s13, s25;
	s31 =	sand.u32 $0x1FFFFFF0, s8;
	s8 =	spop (v2sf)  }
0xdb: {  	(v2sf) =	vpush v12, $0x4;
	[tilespmem:s6], [sflag:$0x4] =	stream.linear.gather [hbm4b:s25+s2], $0x80, $0x38;
	[tilespmem:$0x18800] =	vst v63  }
0xdc: {  	s29 =	sadd.s32 s3, s31;
	s31 =	sand.u32 $0x1FFFFFF0, s8;
	s8 =	spop (v2sf)  }
0xdd: {  	(v2sf) =	vpush v14, $0x5;
	[tilespmem:s18], [sflag:$0x6] =	stream.linear.gather [hbm4b:s29+s2], $0x80, $0x38;
	[tilespmem:$0x18800] =	vst v63  }
0xde: {  	s25 =	sadd.s32 s3, s31;
	s29 =	sand.u32 $0x1FFFFFF0, s8;
	s31 =	spop (v2sf)  }
0xdf: {  	[tilespmem:s4], [sflag:$0x1] =	stream.linear.gather [hbm4b:s25+s2], $0x80, $0x38;
	[tilespmem:$0x18800] =	vst v63  }
0xe0: {  	s8 =	sadd.s32 s13, s29;
	s23 =	sand.u32 $0x1FFFFFF0, s31;
	s25 =	spop (v2sf)  }
0xe1: {  	(v2sf) =	vpush v13, $0x5;
	[tilespmem:s24], [sflag:$0x3] =	stream.linear.gather [hbm4b:s8+s2], $0x80, $0x38;
	[tilespmem:$0x18800] =	vst v63  }
0xe2: {  	s18 =	smov.u32 s1;
	s29 =	sadd.s32 s3, s23;
	s1 =	spop (v2sf)  }
0xe3: {  	[tilespmem:s19], [sflag:$0x5] =	stream.linear.gather [hbm4b:s29+s2], $0x80, $0x38;
	[tilespmem:$0x18800] =	vst v63  }
0xe4: {  	(v2sf) =	vpush v12, $0x5;
	s31 =	sand.u32 $0x1FFFFFF0, s25;
	s25 =	rddreg [dreg:$0x1e];
	s19 =	spop (v2sf)  }
0xe5: {  	s5 =	sadd.s32 s3, s31;
	s8 =	sand.u32 $0x1FFFFFF0, s1;
	s23 =	sand.u32 $0x1FFFFFF0, s19  }
0xe6: {  	(v2sf) =	vpush v14, $0x6;
	[tilespmem:s20], [sflag:$0x2] =	stream.linear.gather [hbm4b:s5+s2], $0x80, $0x38;
	[tilespmem:$0x18800] =	vst v63  }
0xe7: {  	(v2sf) =	vpush v13, $0x6;
	s24 =	spop (v2sf);
	s20 =	sadd.s32 s13, s8;
	s29 =	sadd.s32 s3, s23  }
0xe8: {  	s31 =	sand.u32 $0x1FFFFFF0, s24;
	s24 =	rddreg [dreg:$0x1d];
	s1 =	spop (v2sf)  }
0xe9: {  	(v2sf) =	vpush v12, $0x6;
	[tilespmem:s25], [sflag:$0x4] =	stream.linear.gather [hbm4b:s20+s2], $0x80, $0x38;
	[tilespmem:$0x18800] =	vst v63  }
0xea: {  	s5 =	sadd.s32 s3, s31;
	s31 =	rddreg [dreg:$0x1a];
	s19 =	spop (v2sf)  }
0xeb: {  	[tilespmem:s28], [sflag:$0x6] =	stream.linear.gather [hbm4b:s29+s2], $0x80, $0x38;
	[tilespmem:$0x18800] =	vst v63  }
0xec: {  	(v2sf) =	vpush v14, $0x7;
	s8 =	sand.u32 $0x1FFFFFF0, s1;
	s1 =	simm.s32 $0x0;
	s23 =	spop (v2sf)  }
0xed: {  	[tilespmem:s22], [sflag:$0x1] =	stream.linear.gather [hbm4b:s5+s2], $0x80, $0x38;
	[tilespmem:$0x18800] =	vst v63  }
0xee: {  	(v2sf) =	vpush v13, $0x7;
	s20 =	sadd.s32 s13, s8;
	s28 =	sand.u32 $0x1FFFFFF0, s23;
	s22 =	sand.u32 $0x1FFFFFF0, s19  }
0xef: {  	[tilespmem:s24], [sflag:$0x3] =	stream.linear.gather [hbm4b:s20+s2], $0x80, $0x38;
	[tilespmem:$0x18800] =	vst v63  }
0xf0: {  	(v2sf) =	vpush v12, $0x7;
	s19 =	rddreg [dreg:$0x1f];
	s25 =	sadd.s32 s3, s22;
	s29 =	spop (v2sf)  }
0xf1: {  	[tilespmem:s31], [sflag:$0x5] =	stream.linear.gather [hbm4b:s25+s2], $0x80, $0x38;
	[tilespmem:$0x18800] =	vst v63  }
0xf2: {  	s5 =	sadd.s32 s3, s28;
	s24 =	rddreg [dreg:$0x19];
	s6 =	sand.u32 $0x1FFFFFF0, s29  }
0xf3: {  	s31 =	rddreg [dreg:$0x1b];
	s8 =	spop (v2sf);
	s20 =	sadd.s32 s13, s6  }
0xf4: {  	(v2sf) =	vpush v14, $0x8;
	[tilespmem:s19], [sflag:$0x2] =	stream.linear.gather [hbm4b:s5+s2], $0x80, $0x38;
	[tilespmem:$0x18800] =	vst v63  }
0xf5: {  	s2 =	smov.u32 s7;
	s22 =	sand.u32 $0x1FFFFFF0, s8;
	s23 =	spop (v2sf)  }
0xf6: {  	(v2sf) =	vpush v13, $0x8;
	s25 =	sadd.s32 s3, s22;
	s28 =	sand.u32 $0x1FFFFFF0, s23;
	s29 =	spop (v2sf)  }
0xf7: {  	[tilespmem:s24], [sflag:$0x4] =	stream.linear.gather [hbm4b:s20+s1], $0x80, $0x38;
	[tilespmem:$0x18800] =	vst v63  }
0xf8: {  	s7 =	sadd.s32 s3, s28;
	s8 =	sand.u32 $0x1FFFFFF0, s29;
	s19 =	spop (v2sf)  }
0xf9: {  	(v2sf) =	vpush v12, $0x8;
	s24 =	rddreg [dreg:$0x17];
	s20 =	sadd.s32 s13, s8;
	s22 =	sand.u32 $0x1FFFFFF0, s19  }
0xfa: {  	(v2sf) =	vpush v14, $0x9;
	[tilespmem:s31], [sflag:$0x6] =	stream.linear.gather [hbm4b:s25+s1], $0x80, $0x38;
	[tilespmem:$0x18800] =	vst v63  }
0xfb: {  	(v2sf) =	vpush v13, $0x9;
	s19 =	rddreg [dreg:$0x12];
	s23 =	spop (v2sf);
	s25 =	sadd.s32 s3, s22  }
0xfc: {  	[tilespmem:s9], [sflag:$0x1] =	stream.linear.gather [hbm4b:s7+s1], $0x80, $0x38;
	[tilespmem:$0x18800] =	vst v63  }
0xfd: {  	(v2sf) =	vpush v12, $0x9;
	s31 =	rddreg [dreg:$0x18];
	s28 =	sand.u32 $0x1FFFFFF0, s23;
	s29 =	spop (v2sf)  }
0xfe: {  	[tilespmem:s24], [sflag:$0x3] =	stream.linear.gather [hbm4b:s20+s1], $0x80, $0x38;
	[tilespmem:$0x18800] =	vst v63  }
0xff: {  	s9 =	rddreg [dreg:$0x1c];
	s6 =	sand.u32 $0x1FFFFFF0, s29;
	s8 =	spop (v2sf)  }
0x100: {  	[tilespmem:s31], [sflag:$0x5] =	stream.linear.gather [hbm4b:s25+s1], $0x80, $0x38;
	[tilespmem:$0x18800] =	vst v63  }
0x101: {  	(v2sf) =	vpush v14, $0xA;
	s5 =	sadd.s32 s3, s28;
	s20 =	sadd.s32 s13, s6;
	s22 =	sand.u32 $0x1FFFFFF0, s8  }
0x102: {  	(v2sf) =	vpush v13, $0xA;
	[tilespmem:s19], [sflag:$0x2] =	stream.linear.gather [hbm4b:s5+s1], $0x80, $0x38;
	[tilespmem:$0x18800] =	vst v63  }
0x103: {  	s24 =	rddreg [dreg:$0x16];
	s25 =	sadd.s32 s3, s22;
	s23 =	spop (v2sf)  }
0x104: {  	[tilespmem:s24], [sflag:$0x4] =	stream.linear.gather [hbm4b:s20+s1], $0x80, $0x38;
	[tilespmem:$0x18800] =	vst v63  }
0x105: {  	s31 =	rddreg [dreg:$0x15];
	s28 =	sand.u32 $0x1FFFFFF0, s23;
	s29 =	spop (v2sf)  }
0x106: {  	(v2sf) =	vpush v12, $0xA;
	s19 =	rddreg [dreg:$0x10];
	s5 =	sadd.s32 s3, s28;
	s6 =	sand.u32 $0x1FFFFFF0, s29  }
0x107: {  	[tilespmem:s31], [sflag:$0x6] =	stream.linear.gather [hbm4b:s25+s1], $0x80, $0x38;
	[tilespmem:$0x18800] =	vst v63  }
0x108: {  	(v2sf) =	vpush v14, $0xB;
	s24 =	rddreg [dreg:$0x13];
	s8 =	spop (v2sf);
	s20 =	sadd.s32 s13, s6  }
0x109: {  	s22 =	sand.u32 $0x1FFFFFF0, s8;
	s23 =	spop (v2sf);
	s31 =	rddreg [dreg:$0x11]  }
0x10a: {  	(v2sf) =	vpush v13, $0xB;
	s25 =	sadd.s32 s3, s22;
	s28 =	sand.u32 $0x1FFFFFF0, s23;
	s29 =	spop (v2sf)  }
0x10b: {  	[tilespmem:s19], [sflag:$0x1] =	stream.linear.gather [hbm4b:s5+s1], $0x80, $0x38;
	[tilespmem:$0x18800] =	vst v63  }
0x10c: {  	s5 =	sadd.s32 s3, s28;
	s6 =	sand.u32 $0x1FFFFFF0, s29;
	s8 =	spop (v2sf)  }
0x10d: {  	[tilespmem:s24], [sflag:$0x3] =	stream.linear.gather [hbm4b:s20+s1], $0x80, $0x38;
	[tilespmem:$0x18800] =	vst v63  }
0x10e: {  	(v2sf) =	vpush v12, $0xB;
	s19 =	rddreg [dreg:$0xd];
	s20 =	sadd.s32 s13, s6;
	s22 =	sand.u32 $0x1FFFFFF0, s8  }
0x10f: {  	[tilespmem:s31], [sflag:$0x5] =	stream.linear.gather [hbm4b:s25+s1], $0x80, $0x38;
	[tilespmem:$0x18800] =	vst v63  }
0x110: {  	(v2sf) =	vpush v14, $0xC;
	s24 =	rddreg [dreg:$0xf];
	s23 =	spop (v2sf);
	s25 =	sadd.s32 s3, s22  }
0x111: {  	s28 =	sand.u32 $0x1FFFFFF0, s23;
	s29 =	spop (v2sf);
	s31 =	rddreg [dreg:$0xb]  }
0x112: {  	[tilespmem:s19], [sflag:$0x2] =	stream.linear.gather [hbm4b:s5+s1], $0x80, $0x38;
	[tilespmem:$0x18800] =	vst v63  }
0x113: {  	s6 =	sand.u32 $0x1FFFFFF0, s29;
	s5 =	sadd.s32 s3, s28;
	s19 =	rddreg [dreg:$0xa]  }
0x114: {  	(v2sf) =	vpush v13, $0xC;
	[tilespmem:s24], [sflag:$0x4] =	stream.linear.gather [hbm4b:s20+s1], $0x80, $0x38;
	[tilespmem:$0x18800] =	vst v63  }
0x115: {  	s20 =	sadd.s32 s13, s6;
	s24 =	rddreg [dreg:$0x8];
	s8 =	spop (v2sf)  }
0x116: {  	(v2sf) =	vpush v12, $0xC;
	[tilespmem:s31], [sflag:$0x6] =	stream.linear.gather [hbm4b:s25+s1], $0x80, $0x38;
	[tilespmem:$0x18800] =	vst v63  }
0x117: {  	(v2sf) =	vpush v14, $0xD;
	s22 =	sand.u32 $0x1FFFFFF0, s8;
	s31 =	rddreg [dreg:$0x14];
	s23 =	spop (v2sf)  }
0x118: {  	[tilespmem:s19], [sflag:$0x1] =	stream.linear.gather [hbm4b:s5+s1], $0x80, $0x38;
	[tilespmem:$0x18800] =	vst v63  }
0x119: {  	(v2sf) =	vpush v13, $0xD;
	s25 =	sadd.s32 s3, s22;
	s28 =	sand.u32 $0x1FFFFFF0, s23;
	s29 =	spop (v2sf)  }
0x11a: {  	[tilespmem:s24], [sflag:$0x3] =	stream.linear.gather [hbm4b:s20+s1], $0x80, $0x38;
	[tilespmem:$0x18800] =	vst v63  }
0x11b: {  	s7 =	sadd.s32 s3, s28;
	s8 =	sand.u32 $0x1FFFFFF0, s29;
	s20 =	rddreg [dreg:$0xe]  }
0x11c: {  	[tilespmem:s31], [sflag:$0x5] =	stream.linear.gather [hbm4b:s25+s1], $0x80, $0x38;
	[tilespmem:$0x18800] =	vst v63  }
0x11d: {  	s19 =	spop (v2sf);
	s22 =	sadd.s32 s13, s8;
	s8 =	rddreg [dreg:$0x9]  }
0x11e: {  	[tilespmem:s20], [sflag:$0x2] =	stream.linear.gather [hbm4b:s7+s1], $0x80, $0x38;
	[tilespmem:$0x18800] =	vst v63  }
0x11f: {  	s23 =	sand.u32 $0x1FFFFFF0, s19;
	s24 =	spop (v2sf);
	s25 =	rddreg [dreg:$0xc]  }
0x120: {  	[tilespmem:s25], [sflag:$0x4] =	stream.linear.gather [hbm4b:s22+s1], $0x80, $0x38;
	[tilespmem:$0x18800] =	vst v63  }
0x121: {  	s28 =	sadd.s32 s3, s23;
	s29 =	sand.u32 $0x1FFFFFF0, s24;
	s23 =	rddreg [dreg:$0x7]  }
0x122: {  	[tilespmem:s8], [sflag:$0x6] =	stream.linear.gather [hbm4b:s28+s1], $0x80, $0x38;
	[tilespmem:$0x18800] =	vst v63  }
0x123: {  	(v2sf) =	vpush v12, $0xD;
	s31 =	spop (v2sf);
	s19 =	sadd.s32 s3, s29;
	s29 =	rddreg [dreg:$0x6]  }
0x124: {  	(v2sf) =	vpush v14, $0xE;
	[tilespmem:s23], [sflag:$0x1] =	stream.linear.gather [hbm4b:s19+s1], $0x80, $0x38;
	[tilespmem:$0x18800] =	vst v63  }
.Ltmp0:
0x125: {  	(v2sf) =	vpush v13, $0xE;
	s20 =	sand.u32 $0x1FFFFFF0, s31;
	s22 =	spop (v2sf);
	(pc) =	sbr.rel @p1 .LBB2_3-.Ltmp0, $4  }
0x126: {  	(v2sf) =	vpush v12, $0xE;
	s24 =	sadd.s32 s13, s20;
	s25 =	sand.u32 $0x1FFFFFF0, s22;
	s28 =	spop (v2sf)  }
0x127: {  	(v2sf) =	vpush v14, $0xF;
	[tilespmem:s29], [sflag:$0x3] =	stream.linear.gather [hbm4b:s24+s1], $0x80, $0x38;
	[tilespmem:$0x18800] =	vst v63  }
0x128: {  	(v2sf) =	vpush v13, $0xF;
	s31 =	sadd.s32 s3, s25;
	s4 =	sand.u32 $0x1FFFFFF0, s28;
	s5 =	spop (v2sf)  }
0x129: {  	(v2sf) =	vpush v12, $0xF;
	[tilespmem:s30], [sflag:$0x5] =	stream.linear.gather [hbm4b:s31+s1], $0x80, $0x38;
	[tilespmem:$0x18800] =	vst v63  }
0x12a: {  	_ =	sdelay $0x3  }
0x12b: {  	s4 =	sadd.s32 s3, s4;
	s5 =	sand.u32 $0x1FFFFFF0, s5  }
0x12c: {  	[tilespmem:s17], [sflag:$0x2] =	stream.linear.gather [hbm4b:s4+s1], $0x80, $0x38;
	[tilespmem:$0x18800] =	vst v63  }
0x12d: {  	s22 =	sadd.s32 s13, s5  }
0x12e: {  	[tilespmem:s12], [sflag:$0x4] =	stream.linear.gather [hbm4b:s22+s1], $0x80, $0x38;
	[tilespmem:$0x18800] =	vst v63  }
0x12f: {  	s6 =	spop (v2sf)  }
0x130: {  	s23 =	sand.u32 $0x1FFFFFF0, s6;
	s24 =	spop (v2sf)  }
0x131: {  	s25 =	sadd.s32 s3, s23;
	s26 =	sand.u32 $0x1FFFFFF0, s24;
	s28 =	spop (v2sf)  }
0x132: {  	[tilespmem:s11], [sflag:$0x6] =	stream.linear.gather [hbm4b:s25+s1], $0x80, $0x38;
	[tilespmem:$0x18800] =	vst v63  }
0x133: {  	s29 =	sadd.s32 s3, s26;
	s30 =	sand.u32 $0x1FFFFFF0, s28;
	s31 =	spop (v2sf)  }
0x134: {  	[tilespmem:s2], [sflag:$0x1] =	stream.linear.gather [hbm4b:s29+s1], $0x80, $0x38;
	[tilespmem:$0x18800] =	vst v63  }
0x135: {  	s7 =	sadd.s32 s13, s30;
	s8 =	sand.u32 $0x1FFFFFF0, s31;
	s11 =	spop (v2sf)  }
0x136: {  	[tilespmem:s0], [sflag:$0x3] =	stream.linear.gather [hbm4b:s7+s1], $0x80, $0x38;
	[tilespmem:$0x18800] =	vst v63  }
0x137: {  	s12 =	sadd.s32 s3, s8;
	s14 =	sand.u32 $0x1FFFFFF0, s11;
	s15 =	spop (v2sf)  }
0x138: {  	[tilespmem:s10], [sflag:$0x5] =	stream.linear.gather [hbm4b:s12+s1], $0x80, $0x38;
	[tilespmem:$0x18800] =	vst v63  }
0x139: {  	s17 =	sadd.s32 s3, s14;
	s18 =	sand.u32 $0x1FFFFFF0, s15;
	s19 =	spop (v2sf)  }
0x13a: {  	[tilespmem:s9], [sflag:$0x2] =	stream.linear.gather [hbm4b:s17+s1], $0x80, $0x38;
	[tilespmem:$0x18800] =	vst v63  }
0x13b: {  	s20 =	sadd.s32 s13, s18;
	s22 =	sand.u32 $0x1FFFFFF0, s19  }
0x13c: {  	[tilespmem:s16], [sflag:$0x4] =	stream.linear.gather [hbm4b:s20+s1], $0x80, $0x38;
	[tilespmem:$0x18800] =	vst v63  }
0x13d: {  	s23 =	sadd.s32 $0x10D80, s21;
	s24 =	simm.s32 $0x1;
	s2 =	sadd.s32 s3, s22  }
0x13e: {  	[tilespmem:s23], [sflag:$0x6] =	stream.linear.gather [hbm4b:s2+s1], $0x80, $0x38;
	[tilespmem:$0x18800] =	vst v63  }
0x13f: {  	_ =	swait.ge [sflag:s24], $0x4000  }
0x140: {  	[sflag:s24] =	ssyncset.done $0x0  }
0x141: {  	s25 =	simm.s32 $0x2;
	[sflag:s24] =	ssyncadd.s32 $0xFFFFC000  }
0x142: {  	_ =	swait.ge [sflag:s25], $0x4000  }
0x143: {  	[sflag:s25] =	ssyncset.done $0x0  }
0x144: {  	s26 =	simm.s32 $0x3;
	[sflag:s25] =	ssyncadd.s32 $0xFFFFC000  }
0x145: {  	_ =	swait.ge [sflag:s26], $0x4000  }
0x146: {  	[sflag:s26] =	ssyncset.done $0x0  }
0x147: {  	s28 =	simm.s32 $0x4;
	[sflag:s26] =	ssyncadd.s32 $0xFFFFC000  }
0x148: {  	_ =	swait.ge [sflag:s28], $0x4000  }
0x149: {  	[sflag:s28] =	ssyncset.done $0x0  }
0x14a: {  	s29 =	simm.s32 $0x5;
	[sflag:s28] =	ssyncadd.s32 $0xFFFFC000  }
0x14b: {  	_ =	swait.ge [sflag:s29], $0x4000  }
0x14c: {  	[sflag:s29] =	ssyncset.done $0x0  }
0x14d: {  	s30 =	simm.s32 $0x6;
	[sflag:s29] =	ssyncadd.s32 $0xFFFFC000  }
0x14e: {  	_ =	swait.ge [sflag:s30], $0x4000  }
0x14f: {  	[sflag:s30] =	ssyncset.done $0x0  }
0x150: {  	s21 =	simm.s32 $0x10A00;
	[sflag:s30] =	ssyncadd.s32 $0xFFFFC000  }
0x151: {  	v0 =	vld [tilespmem:s21+$0xFFFFFD20];
	_ =	sdelay $0x4  }
0x152: {  	[tilespmem:$0x1FD30] =	vst v0;
	v0 =	vld [tilespmem:s21+$0xFFFFFDB0];
	_ =	sdelay $0x4  }
0x153: {  	[tilespmem:$0x1FD40] =	vst v0;
	v0 =	vld [tilespmem:s21+$0xFFFFFE20];
	_ =	sdelay $0x4  }
0x154: {  	[tilespmem:$0x1FD50] =	vst v0;
	v0 =	vld [tilespmem:s21+$0xFFFFFF30];
	_ =	sdelay $0x4  }
0x155: {  	[tilespmem:$0x1FD60] =	vst v0;
	v0 =	vld [tilespmem:s21+$0x20];
	_ =	sdelay $0x4  }
0x156: {  	[tilespmem:$0x1FD70] =	vst v0;
	v0 =	vld [tilespmem:s21+$0xB0];
	_ =	sdelay $0x4  }
0x157: {  	[tilespmem:$0x1FD80] =	vst v0;
	v0 =	vld [tilespmem:s21+$0x130];
	_ =	sdelay $0x4  }
0x158: {  	[tilespmem:$0x1FD90] =	vst v0;
	v0 =	vld [tilespmem:s21+$0x230];
	_ =	sdelay $0x4  }
0x159: {  	[tilespmem:$0x1FDE0] =	vst v0;
	v0 =	vld [tilespmem:s21+$0xFFFFFD00];
	_ =	sdelay $0x4  }
0x15a: {  	[tilespmem:$0x1FDA0] =	vst v0;
	v0 =	vld [tilespmem:s21+$0xFFFFFD10];
	_ =	sdelay $0x4  }
0x15b: {  	[tilespmem:$0x1FDB0] =	vst v0;
	v0 =	vld [tilespmem:s21+$0xFFFFFDA0];
	_ =	sdelay $0x4  }
0x15c: {  	[tilespmem:$0x1FE30] =	vst v0;
	v0 =	vld [tilespmem:s21+$0xFFFFFE00]  }
0x15d: {  	v35 =	vld [tilespmem:s21+$0xFFFFFC30]  }
0x15e: {  	s23 =	simm.s32 $0xA00;
	v30 =	vld [tilespmem:s21+$0xFFFFFC20]  }
0x15f: {  	s22 =	simm.s32 $0x8A00;
	v31 =	vld [tilespmem:s23+$0xFFFFFC30]  }
0x160: {  	v34 =	vld [tilespmem:s22+$0xFFFFFC30]  }
0x161: {  	[tilespmem:$0x1FDC0] =	vst v0;
	v0 =	vld [tilespmem:s21+$0xFFFFFE10]  }
0x162: {  	v43 =	vld [tilespmem:s21+$0xFFFFFCB0]  }
0x163: {  	v45 =	vld [tilespmem:s21+$0xFFFFFD30]  }
0x164: {  	v39 =	vld [tilespmem:s21+$0xFFFFFE30]  }
0x165: {  	v41 =	vld [tilespmem:s21+$0x30]  }
0x166: {  	[tilespmem:$0x1FDD0] =	vst v0;
	v0 =	vld [tilespmem:s21+$0xFFFFFEA0]  }
0x167: {  	v40 =	vld [tilespmem:s21+$0xFFFFFC00]  }
0x168: {  	v48 =	vld [tilespmem:s21+$0xFFFFFC10]  }
0x169: {  	v36 =	vld [tilespmem:s23+$0xFFFFFC20]  }
0x16a: {  	v49 =	vld [tilespmem:s22+$0xFFFFFC20]  }
0x16b: {  	[tilespmem:$0x1FE80] =	vst v0;
	v0 =	vld [tilespmem:s21+$0xFFFFFF20]  }
0x16c: {  	v50 =	vld [tilespmem:s21+$0xFFFFFCA0]  }
0x16d: {  	v51 =	vld [tilespmem:s23+$0xFFFFFCB0]  }
0x16e: {  	v52 =	vld [tilespmem:s22+$0xFFFFFCB0]  }
0x16f: {  	v53 =	vld [tilespmem:s23+$0xFFFFFD30]  }
0x170: {  	[tilespmem:$0x1FE90] =	vst v0;
	v0 =	vld [tilespmem:s21+$0xFFFFFFB0]  }
0x171: {  	v54 =	vld [tilespmem:s22+$0xFFFFFD30]  }
0x172: {  	v56 =	vld [tilespmem:s23+$0xFFFFFE30]  }
0x173: {  	v55 =	vld [tilespmem:s22+$0xFFFFFE30]  }
0x174: {  	v42 =	vld [tilespmem:s21+$0xFFFFFEB0]  }
0x175: {  	[tilespmem:$0x1FEA0] =	vst v0;
	v0 =	vld [tilespmem:s21+$0x0]  }
0x176: {  	v57 =	vld [tilespmem:s23+$0x30]  }
0x177: {  	v44 =	vld [tilespmem:s21+$0xFFFFFE80]  }
0x178: {  	v59 =	vld [tilespmem:s22+$0x30]  }
0x179: {  	v18 =	vld [tilespmem:s22+$0xFFFFFC00]  }
0x17a: {  	[tilespmem:$0x1FDF0] =	vst v0;
	v0 =	vld [tilespmem:s21+$0x10]  }
0x17b: {  	v60 =	vld [tilespmem:s23+$0xFFFFFC00]  }
0x17c: {  	[tilespmem:$0x1FEF0] =	vst v44;
	v44 =	vld [tilespmem:s21+$0xFFFFFE90]  }
0x17d: {  	v61 =	vld [tilespmem:s23+$0xFFFFFC10]  }
0x17e: {  	v62 =	vld [tilespmem:s22+$0xFFFFFC10]  }
0x17f: {  	[tilespmem:$0x1FE00] =	vst v0;
	v0 =	vld [tilespmem:s21+$0xA0]  }
0x180: {  	v63 =	vld [tilespmem:s21+$0xFFFFFC80]  }
0x181: {  	[tilespmem:$0x1FF00] =	vst v44;
	v44 =	vld [tilespmem:s23+$0xFFFFFEA0]  }
0x182: {  	v6 =	vld [tilespmem:s21+$0xFFFFFC90]  }
0x183: {  	v5 =	vld [tilespmem:s23+$0xFFFFFCA0]  }
0x184: {  	[tilespmem:$0x1FEB0] =	vst v0;
	v0 =	vld [tilespmem:s21+$0x120]  }
0x185: {  	v4 =	vld [tilespmem:s22+$0xFFFFFCA0]  }
0x186: {  	[tilespmem:$0x1FE40] =	vst v44;
	v44 =	vld [tilespmem:s22+$0xFFFFFEA0]  }
0x187: {  	v27 =	vld [tilespmem:s23+$0xFFFFFD20]  }
0x188: {  	v25 =	vld [tilespmem:s22+$0xFFFFFD20]  }
0x189: {  	[tilespmem:$0x1FEC0] =	vst v0;
	v0 =	vld [tilespmem:s21+$0x1B0]  }
0x18a: {  	v24 =	vld [tilespmem:s23+$0xFFFFFDB0]  }
0x18b: {  	[tilespmem:$0x1FE50] =	vst v44;
	v44 =	vld [tilespmem:s21+$0xFFFFFF00]  }
0x18c: {  	v23 =	vld [tilespmem:s22+$0xFFFFFDB0]  }
0x18d: {  	v16 =	vld [tilespmem:s23+$0xFFFFFE20]  }
0x18e: {  	[tilespmem:$0x1FED0] =	vst v0;
	v0 =	vld [tilespmem:s21+$0x220]  }
0x18f: {  	v15 =	vld [tilespmem:s22+$0xFFFFFE20]  }
0x190: {  	[tilespmem:$0x1FF10] =	vst v44;
	v44 =	vld [tilespmem:s21+$0xFFFFFF10]  }
0x191: {  	v19 =	vld [tilespmem:s23+$0xFFFFFEB0]  }
0x192: {  	v17 =	vld [tilespmem:s22+$0xFFFFFEB0]  }
0x193: {  	[tilespmem:$0x1FEE0] =	vst v0;
	v0 =	vld [tilespmem:s21+$0x2B0]  }
0x194: {  	v33 =	vld [tilespmem:s23+$0xFFFFFF30]  }
0x195: {  	[tilespmem:$0x1FF20] =	vst v44;
	v44 =	vld [tilespmem:s23+$0xFFFFFF20]  }
0x196: {  	v32 =	vld [tilespmem:s22+$0xFFFFFF30]  }
0x197: {  	v26 =	vld [tilespmem:s23+$0x20]  }
0x198: {  	[tilespmem:$0x1FF30] =	vst v0;
	v0 =	vld [tilespmem:s21+$0x330]  }
0x199: {  	v1 =	vld [tilespmem:s23+$0xFFFFFC80]  }
0x19a: {  	v60 =	vadd.f32 v18, v60;
	v61 =	vadd.f32 v62, v61;
	[tilespmem:$0x1FE60] =	vst v44;
	v44 =	vld [tilespmem:s22+$0xFFFFFF20]  }
0x19b: {  	v3 =	vld [tilespmem:s23+$0xFFFFFC90];
	v49 =	vadd.f32 v49, v36  }
0x19c: {  	v2 =	vld [tilespmem:s22+$0xFFFFFC90];
	v60 =	vsub.f32 v60, v40;
	v48 =	vsub.f32 v61, v48  }
0x19d: {  	v31 =	vadd.f32 v34, v31;
	[tilespmem:$0x1FF40] =	vst v0;
	v0 =	vld [tilespmem:s22+$0xFFFFFC80]  }
0x19e: {  	v21 =	vld [tilespmem:s22+$0x20];
	v30 =	vsub.f32 v49, v30;
	v34 =	vand.u32 $0x7FFFFFFF, v60;
	v48 =	vand.u32 $0x7FFFFFFF, v48  }
0x19f: {  	v22 =	vld [tilespmem:s23+$0xB0];
	v34 =	vadd.f32 v48, v34;
	[tilespmem:$0x1FE70] =	vst v44;
	v44 =	vadd.f32 v52, v51  }
0x1a0: {  	v20 =	vld [tilespmem:s22+$0xB0];
	v31 =	vsub.f32 v31, v35;
	v30 =	vand.u32 $0x7FFFFFFF, v30  }
0x1a1: {  	v29 =	vld [tilespmem:s23+$0x130];
	v43 =	vsub.f32 v44, v43;
	v44 =	vadd.f32 v30, v34  }
0x1a2: {  	v28 =	vld [tilespmem:s22+$0x130];
	v2 =	vadd.f32 v2, v3;
	v0 =	vadd.f32 v0, v1;
	v1 =	vand.u32 $0x7FFFFFFF, v31  }
0x1a3: {  	v38 =	vld [tilespmem:s23+$0x230];
	v3 =	vadd.f32 v4, v5;
	v1 =	vadd.f32 v1, v44  }
0x1a4: {  	v37 =	vld [tilespmem:s22+$0x230];
	v2 =	vsub.f32 v2, v6;
	v0 =	vsub.f32 v0, v63  }
0x1a5: {  	v8 =	vld [tilespmem:s23+$0xFFFFFD00];
	v6 =	vperm.xlane v1, v58  }
0x1a6: {  	v7 =	vld [tilespmem:s22+$0xFFFFFD00];
	v3 =	vsub.f32 v3, v50;
	v2 =	vand.u32 $0x7FFFFFFF, v2;
	v0 =	vand.u32 $0x7FFFFFFF, v0  }
0x1a7: {  	v0 =	vadd.f32 v2, v0;
	v63 =	vadd.f32 v6, v1;
	v6 =	vld [tilespmem:$0x1FD30]  }
0x1a8: {  	v10 =	vld [tilespmem:s23+$0xFFFFFD10];
	v5 =	vadd.f32 v59, v57;
	v2 =	vand.u32 $0x7FFFFFFF, v3  }
0x1a9: {  	v9 =	vld [tilespmem:s22+$0xFFFFFD10];
	v0 =	vadd.f32 v2, v0  }
0x1aa: {  	v11 =	vld [tilespmem:s21+$0xFFFFFD80];
	v41 =	vsub.f32 v5, v41;
	v5 =	vand.u32 $0x7FFFFFFF, v43;
	v2 =	vadd.f32 v25, v27  }
0x1ab: {  	v46 =	vld [tilespmem:s23+$0xFFFFFDA0];
	v5 =	vadd.f32 v5, v0  }
0x1ac: {  	v0 =	vadd.f32 v17, v19;
	v17 =	vsub.f32 v2, v6;
	v2 =	vld [tilespmem:$0x1FD40]  }
0x1ad: {  	v47 =	vld [tilespmem:s22+$0xFFFFFDA0]  }
0x1ae: {  	v14 =	vld [tilespmem:s23+$0xFFFFFE00]  }
0x1af: {  	v13 =	vld [tilespmem:s23+$0xFFFFFE10];
	v3 =	vadd.f32 v23, v24  }
0x1b0: {  	v12 =	vld [tilespmem:s22+$0xFFFFFE10]  }
0x1b1: {  	v62 =	vadd.f32 v54, v53;
	v19 =	vsub.f32 v3, v2;
	v2 =	vld [tilespmem:$0x1FD50]  }
0x1b2: {  	[tilespmem:$0x1FE10] =	vst v11;
	v11 =	vld [tilespmem:s21+$0xFFFFFD90];
	v4 =	vadd.f32 v55, v56  }
0x1b3: {  	v18 =	vld [tilespmem:s21+$0xFFFFFFA0];
	v53 =	vsub.f32 v62, v45  }
0x1b4: {  	v36 =	vld [tilespmem:s23+$0xFFFFFFB0];
	v62 =	vsub.f32 v4, v39;
	v4 =	vadd.f32 v15, v16  }
0x1b5: {  	v54 =	vld [tilespmem:s22+$0x120]  }
0x1b6: {  	v57 =	vld [tilespmem:$0x1FF50];
	v24 =	vsub.f32 v4, v2;
	v2 =	vperm.xlane v5, v58  }
0x1b7: {  	v59 =	vld [tilespmem:s23+$0xFFFFFD90]  }
0x1b8: {  	v7 =	vadd.f32 v7, v8;
	v2 =	vadd.f32 v2, v5;
	v5 =	vld [tilespmem:$0x1FD60]  }
0x1b9: {  	v8 =	vadd.f32 v9, v10;
	v10 =	vadd.f32 v37, v38;
	v37 =	vld [tilespmem:s22+$0xFFFFFE90]  }
0x1ba: {  	v38 =	vld [tilespmem:s22+$0xFFFFFF00]  }
0x1bb: {  	v40 =	vld [tilespmem:s22+$0xFFFFFFB0];
	v3 =	vadd.f32 v32, v33  }
0x1bc: {  	v61 =	vld [tilespmem:s23+$0x0]  }
0x1bd: {  	v15 =	vsub.f32 v3, v5;
	v3 =	vld [tilespmem:$0x1FD70]  }
0x1be: {  	v35 =	vld [tilespmem:s22+$0x10]  }
0x1bf: {  	v9 =	vld [tilespmem:$0x1FD90]  }
0x1c0: {  	v45 =	vld [tilespmem:s23+$0xA0];
	v6 =	vadd.f32 v21, v26  }
0x1c1: {  	v20 =	vadd.f32 v20, v22;
	v49 =	vld [tilespmem:s23+$0x120]  }
0x1c2: {  	v16 =	vld [tilespmem:s22+$0x1B0];
	v22 =	vsub.f32 v6, v3;
	v3 =	vadd.f32 v28, v29  }
0x1c3: {  	v39 =	vld [tilespmem:s21+$0x210]  }
0x1c4: {  	v23 =	vsub.f32 v3, v9;
	v3 =	vld [tilespmem:$0x1FDA0]  }
0x1c5: {  	v50 =	vld [tilespmem:s22+$0xFFFFFFA0]  }
0x1c6: {  	v60 =	vld [tilespmem:s22+$0x0]  }
0x1c7: {  	[tilespmem:$0x1FE20] =	vst v11;
	v11 =	vld [tilespmem:s22+$0xFFFFFE00]  }
0x1c8: {  	v48 =	vld [tilespmem:s22+$0xA0]  }
0x1c9: {  	v3 =	vsub.f32 v7, v3;
	v7 =	vld [tilespmem:$0x1FDB0]  }
0x1ca: {  	v52 =	vld [tilespmem:s23+$0x10]  }
0x1cb: {  	v51 =	vld [tilespmem:s21+$0x100];
	v2 =	vperm.xlane v2, v58  }
0x1cc: {  	v29 =	vld [tilespmem:$0x1FDD0]  }
0x1cd: {  	v30 =	vld [tilespmem:s21+$0x80];
	v2 =	vsub.f32 v2, v63  }
0x1ce: {  	v9 =	vadd.f32 v12, v13;
	v13 =	vld [tilespmem:$0x1FDC0];
	v7 =	vsub.f32 v8, v7  }
0x1cf: {  	v34 =	vld [tilespmem:s21+$0x90];
	v3 =	vand.u32 $0x7FFFFFFF, v3  }
0x1d0: {  	v43 =	vld [tilespmem:s21+$0x200];
	v8 =	vadd.f32 v11, v14;
	v14 =	vmul.f32 v57, v2;
	v2 =	vand.u32 $0x7FFFFFFF, v7  }
0x1d1: {  	v9 =	vsub.f32 v9, v29;
	v29 =	vadd.f32 v2, v3;
	v2 =	vld [tilespmem:$0x1FDE0]  }
0x1d2: {  	v35 =	vadd.f32 v35, v52;
	v52 =	vld [tilespmem:s23+$0x90]  }
0x1d3: {  	v55 =	vld [tilespmem:$0x1FE30];
	v8 =	vsub.f32 v8, v13  }
0x1d4: {  	v13 =	vld [tilespmem:s23+$0xFFFFFD80]  }
0x1d5: {  	v9 =	vand.u32 $0x7FFFFFFF, v9;
	v7 =	vld [tilespmem:s22+$0xFFFFFD80];
	v3 =	vadd.f32 v14, v63;
	v8 =	vand.u32 $0x7FFFFFFF, v8  }
0x1d6: {  	v14 =	vld [tilespmem:s22+$0xFFFFFD90];
	v8 =	vadd.f32 v9, v8;
	v2 =	vsub.f32 v10, v2;
	v10 =	vand.u32 $0x7FFFFFFF, v17  }
0x1d7: {  	v9 =	vadd.f32 v60, v61;
	v61 =	vld [tilespmem:$0x1FE10];
	v10 =	vadd.f32 v10, v29  }
0x1d8: {  	v60 =	vand.u32 $0x7FFFFFFF, v62;
	v62 =	vld [tilespmem:$0x1FE20];
	v17 =	vand.u32 $0x7FFFFFFF, v53  }
0x1d9: {  	v31 =	vld [tilespmem:s21+$0x110];
	v17 =	vadd.f32 v17, v10;
	v10 =	vand.u32 $0x7FFFFFFF, v24  }
0x1da: {  	v8 =	vadd.f32 v10, v8;
	v10 =	vld [tilespmem:$0x1FDF0]  }
0x1db: {  	v1 =	vld [tilespmem:s21+$0x1A0];
	v7 =	vadd.f32 v7, v13;
	v13 =	vadd.f32 v14, v59  }
0x1dc: {  	v25 =	vld [tilespmem:s23+$0x1B0];
	v14 =	vadd.f32 v47, v46  }
0x1dd: {  	v27 =	vld [tilespmem:s23+$0x220];
	v7 =	vsub.f32 v7, v61;
	v13 =	vsub.f32 v13, v62  }
0x1de: {  	v21 =	vld [tilespmem:s22+$0x220];
	v14 =	vsub.f32 v14, v55  }
0x1df: {  	v7 =	vand.u32 $0x7FFFFFFF, v7;
	v13 =	vand.u32 $0x7FFFFFFF, v13;
	v9 =	vsub.f32 v9, v10;
	v10 =	vld [tilespmem:$0x1FE00]  }
0x1e0: {  	v26 =	vld [tilespmem:s23+$0x2B0];
	v7 =	vadd.f32 v13, v7  }
0x1e1: {  	v0 =	vsub.f32 v0, v42;
	v42 =	vld [tilespmem:s22+$0x2A0];
	v14 =	vand.u32 $0x7FFFFFFF, v14;
	v59 =	vperm.xlane v17, v58  }
0x1e2: {  	v7 =	vadd.f32 v14, v7;
	v14 =	vld [tilespmem:$0x1FE40]  }
0x1e3: {  	v46 =	vadd.f32 v59, v17;
	v17 =	vld [tilespmem:$0x1FE50]  }
0x1e4: {  	v33 =	vld [tilespmem:s22+$0xFFFFFE80];
	v10 =	vsub.f32 v35, v10  }
0x1e5: {  	v32 =	vld [tilespmem:s23+$0xFFFFFF10];
	v8 =	vadd.f32 v60, v8  }
0x1e6: {  	v60 =	vld [tilespmem:$0x1FE80];
	v9 =	vand.u32 $0x7FFFFFFF, v9;
	v10 =	vand.u32 $0x7FFFFFFF, v10  }
0x1e7: {  	v5 =	vld [tilespmem:$0x1FD80];
	v13 =	vand.u32 $0x7FFFFFFF, v22;
	v22 =	vperm.xlane v8, v58;
	v56 =	vadd.f32 v10, v9  }
0x1e8: {  	v14 =	vadd.f32 v17, v14;
	v17 =	vld [tilespmem:$0x1FE60]  }
0x1e9: {  	v19 =	vand.u32 $0x7FFFFFFF, v19;
	v44 =	vadd.f32 v13, v56;
	v13 =	vadd.f32 v22, v8;
	v22 =	vld [tilespmem:$0x1FE70]  }
0x1ea: {  	v4 =	vld [tilespmem:s21+$0x2A0];
	v7 =	vadd.f32 v19, v7  }
0x1eb: {  	v19 =	vadd.f32 v40, v36;
	v36 =	vsub.f32 v14, v60;
	v14 =	vld [tilespmem:$0x1FE90]  }
0x1ec: {  	v28 =	vld [tilespmem:s22+$0x2B0]  }
0x1ed: {  	v6 =	vsub.f32 v20, v5;
	v5 =	vld [tilespmem:s21+$0x320]  }
0x1ee: {  	v20 =	vld [tilespmem:s23+$0x330];
	v17 =	vadd.f32 v22, v17  }
0x1ef: {  	v63 =	vld [tilespmem:s22+$0xFFFFFF10]  }
0x1f0: {  	v8 =	vand.u32 $0x7FFFFFFF, v41;
	v53 =	vsub.f32 v17, v14;
	v14 =	vld [tilespmem:$0x1FEA0]  }
0x1f1: {  	v12 =	vld [tilespmem:s21+$0x3B0];
	v8 =	vadd.f32 v8, v44  }
0x1f2: {  	v26 =	vadd.f32 v28, v26;
	v28 =	vld [tilespmem:s23+$0x210]  }
0x1f3: {  	v11 =	vld [tilespmem:s22+$0x330];
	v22 =	vperm.xlane v8, v58  }
0x1f4: {  	v47 =	vld [tilespmem:s23+$0xFFFFFFA0];
	v32 =	vadd.f32 v63, v32  }
0x1f5: {  	v63 =	vld [tilespmem:s22+$0x200];
	v17 =	vsub.f32 v19, v14;
	v14 =	vadd.f32 v22, v8;
	v8 =	vperm.xlane v7, v58  }
0x1f6: {  	v29 =	vld [tilespmem:s23+$0xFFFFFE80]  }
0x1f7: {  	v16 =	vadd.f32 v16, v25;
	v25 =	vadd.f32 v8, v7;
	v7 =	vld [tilespmem:$0x1FEB0]  }
0x1f8: {  	v62 =	vld [tilespmem:s22+$0x110]  }
0x1f9: {  	v55 =	vld [tilespmem:$0x1FF10]  }
0x1fa: {  	v61 =	vadd.f32 v54, v49;
	v49 =	vld [tilespmem:s22+$0xFFFFFF90];
	v22 =	vadd.f32 v48, v45  }
0x1fb: {  	v24 =	vld [tilespmem:s23+$0xFFFFFE90]  }
0x1fc: {  	v54 =	vsub.f32 v22, v7;
	v22 =	vadd.f32 v21, v27;
	v21 =	vld [tilespmem:$0x1FED0]  }
0x1fd: {  	v40 =	vld [tilespmem:s22+$0x90]  }
0x1fe: {  	v35 =	vld [tilespmem:s23+$0xFFFFFF00]  }
0x1ff: {  	v60 =	vld [tilespmem:s22+$0x210]  }
0x200: {  	v9 =	vld [tilespmem:s21+$0xFFFFFF80]  }
0x201: {  	v21 =	vsub.f32 v16, v21;
	v16 =	vadd.f32 v37, v24;
	v24 =	vld [tilespmem:$0x1FEE0]  }
0x202: {  	v10 =	vld [tilespmem:s21+$0xFFFFFF90]  }
0x203: {  	v41 =	vld [tilespmem:s23+$0x80]  }
0x204: {  	v56 =	vld [tilespmem:s23+$0x100]  }
0x205: {  	v28 =	vadd.f32 v60, v28;
	v60 =	vld [tilespmem:s22+$0x190]  }
0x206: {  	v37 =	vsub.f32 v22, v24;
	v22 =	vld [tilespmem:$0x1FEF0]  }
0x207: {  	v24 =	vperm.xlane v25, v58;
	v25 =	vld [tilespmem:$0x1FF00]  }
0x208: {  	v48 =	vld [tilespmem:s23+$0x110]  }
0x209: {  	v44 =	vld [tilespmem:s22+$0x80]  }
0x20a: {  	v19 =	vld [tilespmem:s22+$0x100];
	v27 =	vadd.f32 v33, v29  }
0x20b: {  	v7 =	vld [tilespmem:$0x1FEC0]  }
0x20c: {  	v8 =	vld [tilespmem:s21+$0x180];
	v22 =	vsub.f32 v27, v22;
	v16 =	vsub.f32 v16, v25  }
0x20d: {  	v62 =	vadd.f32 v62, v48;
	v48 =	vld [tilespmem:s22+$0xFFFFFF80]  }
0x20e: {  	v29 =	vld [tilespmem:s23+$0x1A0];
	v22 =	vand.u32 $0x7FFFFFFF, v22;
	v16 =	vand.u32 $0x7FFFFFFF, v16  }
0x20f: {  	v33 =	vld [tilespmem:s21+$0x280];
	v16 =	vadd.f32 v16, v22  }
0x210: {  	v45 =	vsub.f32 v61, v7;
	v7 =	vld [tilespmem:s21+$0x190];
	v25 =	vadd.f32 v38, v35;
	v22 =	vand.u32 $0x7FFFFFFF, v36  }
0x211: {  	v16 =	vadd.f32 v22, v16;
	v22 =	vld [tilespmem:$0x1FF30]  }
0x212: {  	v59 =	vsub.f32 v25, v55;
	v25 =	vld [tilespmem:$0x1FF20]  }
0x213: {  	v61 =	vadd.f32 v40, v52;
	v40 =	vld [tilespmem:s22+$0x320]  }
0x214: {  	v52 =	vld [tilespmem:s22+$0x3B0];
	v24 =	vsub.f32 v24, v46  }
0x215: {  	v27 =	vld [tilespmem:s22+$0x1A0]  }
0x216: {  	v24 =	vmul.f32 v57, v24;
	v36 =	vsub.f32 v26, v22;
	v22 =	vld [tilespmem:$0x1FF40]  }
0x217: {  	v35 =	vld [tilespmem:s23+$0x200];
	v32 =	vsub.f32 v32, v25  }
0x218: {  	v0 =	vand.u32 $0x7FFFFFFF, v0;
	v11 =	vadd.f32 v11, v20;
	v38 =	vld [tilespmem:s21+$0x380];
	v20 =	vadd.f32 v24, v46  }
0x219: {  	v24 =	vand.u32 $0x7FFFFFFF, v59;
	v59 =	vld [tilespmem:$0x1FFA0];
	v32 =	vand.u32 $0x7FFFFFFF, v32;
	v26 =	vadd.f32 v44, v41  }
0x21a: {  	v15 =	vand.u32 $0x7FFFFFFF, v15;
	v28 =	vsub.f32 v28, v39;
	v46 =	vld [tilespmem:s23+$0x2A0];
	v32 =	vadd.f32 v32, v24  }
0x21b: {  	v25 =	vld [tilespmem:s21+$0x290];
	v26 =	vsub.f32 v26, v30;
	v22 =	vsub.f32 v11, v22;
	v11 =	vand.u32 $0x7FFFFFFF, v53  }
0x21c: {  	v6 =	vand.u32 $0x7FFFFFFF, v6;
	v24 =	vld [tilespmem:s21+$0x300];
	v30 =	vsub.f32 v61, v34;
	v11 =	vadd.f32 v11, v32  }
0x21d: {  	v29 =	vadd.f32 v27, v29;
	v0 =	vadd.f32 v0, v16;
	v41 =	vld [tilespmem:s23+$0x320];
	v26 =	vand.u32 $0x7FFFFFFF, v26  }
0x21e: {  	v44 =	vld [tilespmem:s23+$0x3B0];
	v30 =	vand.u32 $0x7FFFFFFF, v30;
	v11 =	vadd.f32 v15, v11;
	v15 =	vperm.xlane v20, v59  }
0x21f: {  	v34 =	vld [tilespmem:s22+$0x290];
	v26 =	vadd.f32 v30, v26;
	v30 =	vsub.f32 v62, v31;
	v31 =	vand.u32 $0x7FFFFFFF, v54  }
0x220: {  	v32 =	vld [tilespmem:s23+$0xFFFFFF80];
	v16 =	vadd.f32 v15, v20;
	v15 =	vadd.f32 v19, v56;
	v19 =	vperm.xlane v0, v58  }
0x221: {  	v28 =	vand.u32 $0x7FFFFFFF, v28;
	v26 =	vadd.f32 v31, v26;
	v31 =	vadd.f32 v63, v35;
	v63 =	vld [tilespmem:s22+$0x180]  }
0x222: {  	v20 =	vadd.f32 v19, v0;
	v0 =	vld [tilespmem:s23+$0xFFFFFF90];
	v19 =	vperm.xlane v11, v58;
	v15 =	vsub.f32 v15, v51  }
0x223: {  	v30 =	vand.u32 $0x7FFFFFFF, v30;
	v35 =	vld [tilespmem:s22+$0x300];
	v26 =	vadd.f32 v6, v26;
	v31 =	vsub.f32 v31, v43  }
0x224: {  	v6 =	vld [tilespmem:s23+$0x280];
	v19 =	vadd.f32 v19, v11;
	v11 =	vadd.f32 v50, v47;
	v15 =	vand.u32 $0x7FFFFFFF, v15  }
0x225: {  	v61 =	vand.u32 $0x7FFFFFFF, v45;
	v56 =	vld [tilespmem:s23+$0x190];
	v31 =	vand.u32 $0x7FFFFFFF, v31;
	v15 =	vadd.f32 v30, v15  }
0x226: {  	v28 =	vadd.f32 v28, v31;
	v31 =	vld [tilespmem:s23+$0x300];
	v62 =	vsub.f32 v11, v18;
	v18 =	vperm.xlane v26, v58  }
0x227: {  	v47 =	vld [tilespmem:s23+$0x180];
	v11 =	vadd.f32 v61, v15;
	v0 =	vadd.f32 v49, v0  }
0x228: {  	v23 =	vand.u32 $0x7FFFFFFF, v23;
	v30 =	vld [tilespmem:s22+$0x280];
	v18 =	vadd.f32 v18, v26;
	v26 =	vadd.f32 v42, v46  }
0x229: {  	v15 =	vld [tilespmem:s23+$0x290];
	v27 =	vadd.f32 v23, v11;
	v11 =	vsub.f32 v29, v1  }
0x22a: {  	v1 =	vand.u32 $0x7FFFFFFF, v37;
	v23 =	vadd.f32 v48, v32;
	v32 =	vld [tilespmem:s23+$0x310];
	v10 =	vsub.f32 v0, v10  }
0x22b: {  	v37 =	vld [tilespmem:s22+$0x310];
	v1 =	vadd.f32 v1, v28;
	v28 =	vadd.f32 v40, v41  }
0x22c: {  	v29 =	vsub.f32 v23, v9;
	v9 =	vsub.f32 v26, v4;
	v23 =	vld [tilespmem:s23+$0x3A0]  }
0x22d: {  	s31 =	sld [smem:$0x7F7];
	v4 =	vadd.f32 v52, v44;
	v26 =	vld [tilespmem:s23+$0x380];
	v10 =	vand.u32 $0x7FFFFFFF, v10;
	v0 =	vsub.f32 v28, v5  }
0x22e: {  	v5 =	vadd.f32 v63, v47;
	v63 =	vadd.f32 v60, v56;
	v28 =	vld [tilespmem:s22+$0x380];
	v29 =	vand.u32 $0x7FFFFFFF, v29  }
0x22f: {  	v39 =	vadd.f32 v10, v29;
	v10 =	vsub.f32 v4, v12;
	v29 =	vld [tilespmem:s23+$0x390]  }
0x230: {  	s25 =	simm.s32 $0x0;
	s26 =	simm.s32 $0x10;
	s24 =	sadd.s32 $0x18600, s31;
	v5 =	vsub.f32 v5, v8;
	v8 =	vand.u32 $0x7FFFFFFF, v62;
	v7 =	vsub.f32 v63, v7;
	v4 =	vld [tilespmem:s22+$0x390]  }
.LBB2_5:
0x231: {  	v2 =	vand.u32 $0x7FFFFFFF, v2;
	v17 =	vand.u32 $0x7FFFFFFF, v17;
	v8 =	vadd.f32 v8, v39  }
0x232: {  	v12 =	vld [tilespmem:s22+$0x3A0];
	v5 =	vand.u32 $0x7FFFFFFF, v5;
	v7 =	vand.u32 $0x7FFFFFFF, v7;
	v1 =	vadd.f32 v2, v1  }
0x233: {  	v5 =	vadd.f32 v7, v5;
	v7 =	vld [tilespmem:s21+$0x310];
	v8 =	vadd.f32 v17, v8  }
0x234: {  	v6 =	vadd.f32 v30, v6;
	v15 =	vadd.f32 v34, v15;
	v30 =	vld [tilespmem:s21+$0x390]  }
0x235: {  	v26 =	vadd.f32 v28, v26;
	v4 =	vadd.f32 v4, v29  }
0x236: {  	v47 =	vand.u32 $0x7FFFFFFF, v36;
	v15 =	vsub.f32 v15, v25;
	v25 =	vadd.f32 v35, v31;
	v31 =	vld [tilespmem:s21+$0x3A0]  }
0x237: {  	v11 =	vand.u32 $0x7FFFFFFF, v11;
	v28 =	vadd.f32 v37, v32;
	v6 =	vsub.f32 v6, v33  }
0x238: {  	v9 =	vand.u32 $0x7FFFFFFF, v9;
	v12 =	vadd.f32 v12, v23;
	v23 =	vsub.f32 v26, v38  }
0x239: {  	v7 =	vsub.f32 v28, v7;
	v6 =	vand.u32 $0x7FFFFFFF, v6;
	v4 =	vsub.f32 v4, v30  }
0x23a: {  	v15 =	vand.u32 $0x7FFFFFFF, v15;
	v24 =	vsub.f32 v25, v24;
	v23 =	vand.u32 $0x7FFFFFFF, v23  }
0x23b: {  	v6 =	vadd.f32 v15, v6;
	v4 =	vand.u32 $0x7FFFFFFF, v4;
	v12 =	vsub.f32 v12, v31  }
0x23c: {  	v7 =	vand.u32 $0x7FFFFFFF, v7;
	v15 =	vand.u32 $0x7FFFFFFF, v24;
	v4 =	vadd.f32 v4, v23  }
0x23d: {  	v5 =	vadd.f32 v11, v5;
	v7 =	vadd.f32 v7, v15;
	v12 =	vand.u32 $0x7FFFFFFF, v12  }
0x23e: {  	v0 =	vand.u32 $0x7FFFFFFF, v0;
	v6 =	vadd.f32 v9, v6;
	v4 =	vadd.f32 v12, v4  }
0x23f: {  	v2 =	vperm.xlane v8, v58;
	v9 =	vand.u32 $0x7FFFFFFF, v10;
	v0 =	vadd.f32 v0, v7  }
0x240: {  	v21 =	vand.u32 $0x7FFFFFFF, v21;
	v6 =	vadd.f32 v47, v6;
	v4 =	vadd.f32 v9, v4  }
0x241: {  	v5 =	vadd.f32 v21, v5;
	v2 =	vadd.f32 v2, v8;
	v7 =	vand.u32 $0x7FFFFFFF, v22  }
0x242: {  	v0 =	vadd.f32 v7, v0;
	v11 =	vperm.xlane v6, v58;
	v7 =	vperm.xlane v4, v58  }
0x243: {  	v2 =	vperm.xlane v2, v58;
	v10 =	vperm.xlane v5, v58  }
0x244: {  	v6 =	vadd.f32 v11, v6;
	v4 =	vadd.f32 v7, v4;
	v7 =	vperm.xlane v1, v58  }
0x245: {  	v2 =	vsub.f32 v2, v19;
	v12 =	vperm.xlane v0, v58  }
0x246: {  	v5 =	vadd.f32 v10, v5;
	v6 =	vperm.xlane v6, v58;
	v1 =	vadd.f32 v7, v1  }
0x247: {  	v9 =	vperm.xlane v27, v58;
	v0 =	vadd.f32 v12, v0;
	v4 =	vperm.xlane v4, v58  }
0x248: {  	v2 =	vmul.f32 v57, v2;
	v5 =	vperm.xlane v5, v58;
	v6 =	vsub.f32 v6, v1  }
0x249: {  	v8 =	vadd.f32 v9, v27;
	v7 =	vperm.xlane v20, v58;
	v4 =	vsub.f32 v4, v0  }
0x24a: {  	v2 =	vadd.f32 v2, v19;
	v9 =	vperm.xlane v18, v58;
	v6 =	vmul.f32 v57, v6  }
0x24b: {  	v5 =	vsub.f32 v5, v8;
	v7 =	vsub.f32 v7, v13;
	v4 =	vmul.f32 v57, v4  }
0x24c: {  	v9 =	vsub.f32 v9, v14;
	v1 =	vadd.f32 v6, v1  }
0x24d: {  	v5 =	vmul.f32 v57, v5;
	v0 =	vadd.f32 v4, v0;
	v4 =	vmul.f32 v57, v7  }
0x24e: {  	v7 =	vmul.f32 v57, v9;
	v10 =	vperm.xlane v1, v59  }
0x24f: {  	v5 =	vadd.f32 v5, v8;
	v8 =	vperm.xlane v2, v59;
	v4 =	vadd.f32 v4, v13  }
0x250: {  	v6 =	vperm.xlane v0, v59;
	v7 =	vadd.f32 v7, v14;
	v1 =	vadd.f32 v10, v1;
	v10 =	vld [tilespmem:$0x1FFB0]  }
0x251: {  	v2 =	vadd.f32 v8, v2  }
0x252: {  	v0 =	vadd.f32 v6, v0;
	v6 =	vperm.xlane v4, v59;
	v8 =	vperm.xlane v7, v59  }
0x253: {  	v9 =	vperm.xlane v5, v59  }
0x254: {  	v4 =	vadd.f32 v6, v4;
	v6 =	vadd.f32 v8, v7;
	v8 =	vld [tilespmem:$0x1FF60]  }
0x255: {  	v5 =	vadd.f32 v9, v5;
	v9 =	vperm.xlane v3, v59;
	v0 =	vperm.xlane v0, v10;
	_ =	sdelay $0x1  }
0x256: {  	v3 =	vadd.f32 v9, v3;
	v7 =	vperm.xlane v16, v10;
	v0 =	vsub.f32 v0, v1  }
0x257: {  	v2 =	vperm.xlane v2, v10;
	v5 =	vperm.xlane v5, v10  }
0x258: {  	v7 =	vsub.f32 v7, v3;
	v0 =	vmul.f32 v8, v0  }
0x259: {  	v2 =	vsub.f32 v2, v4;
	v5 =	vsub.f32 v5, v6  }
0x25a: {  	v0 =	vadd.f32 v0, v1;
	v1 =	vmul.f32 v8, v7;
	v7 =	vld [tilespmem:$0x1FFC0]  }
0x25b: {  	v2 =	vmul.f32 v8, v2;
	v5 =	vmul.f32 v8, v5;
	_ =	sdelay $0x1  }
0x25c: {  	v2 =	vadd.f32 v2, v4;
	v4 =	vadd.f32 v5, v6;
	_ =	sdelay $0x1  }
0x25d: {  	v1 =	vadd.f32 v1, v3;
	v3 =	vperm.xlane v2, v7;
	v6 =	vperm.xlane v4, v7;
	_ =	sdelay $0x1  }
0x25e: {  	v2 =	vadd.f32 v3, v2;
	v3 =	vadd.f32 v6, v4;
	v4 =	vld [tilespmem:$0x1FFD0]  }
0x25f: {  	v5 =	vperm.xlane v0, v7;
	_ =	sdelay $0x1  }
0x260: {  	v0 =	vadd.f32 v5, v0;
	_ =	sdelay $0x1  }
0x261: {  	v0 =	vperm.xlane v0, v4;
	v2 =	vperm.xlane v2, v4;
	v4 =	vld [tilespmem:$0x1FF70];
	_ =	sdelay $0x2  }
0x262: {  	v0 =	vsub.f32 v0, v3  }
0x263: {  	v5 =	vperm.xlane v1, v7  }
0x264: {  	v0 =	vmul.f32 v4, v0  }
0x265: {  	v1 =	vadd.f32 v5, v1  }
0x266: {  	v0 =	vadd.f32 v0, v3;
	v3 =	vld [tilespmem:$0x1FFE0]  }
0x267: {  	v2 =	vsub.f32 v2, v1;
	_ =	sdelay $0x1  }
0x268: {  	v2 =	vmul.f32 v4, v2;
	_ =	sdelay $0x1  }
0x269: {  	v1 =	vadd.f32 v2, v1;
	v2 =	vperm.xlane v0, v3;
	_ =	sdelay $0x1  }
0x26a: {  	v0 =	vadd.f32 v0, v2;
	v2 =	vld [tilespmem:$0x1FF80];
	_ =	sdelay $0x3  }
0x26b: {  	v3 =	vperm.xlane v1, v3  }
0x26c: {  	v0 =	vperm.xlane v0, v2;
	v2 =	vld [tilespmem:$0x1FF90]  }
0x26d: {  	v1 =	vadd.f32 v3, v1;
	_ =	sdelay $0x1  }
0x26e: {  	v0 =	vsub.f32 v0, v1;
	_ =	sdelay $0x1  }
0x26f: {  	v0 =	vmul.f32 v2, v0;
	_ =	sdelay $0x1  }
0x270: {  	v0 =	vadd.f32 v0, v1;
	v1 =	vld [tilespmem:$0x1FFF0];
	_ =	sdelay $0x3  }
0x271: {  	s0 =	sand.u32 $0x80, s25  }
0x272: {  	s2 =	sand.u32 $0x70, s25;
	s0 =	sadd.s32 s0, s24;
	v0 =	vperm.xlane v0, v1  }
0x273: {  	s0 =	sadd.s32 s2, s0  }
0x274: {  	s21 =	sadd.s32 $0x800, s21;
	[tilespmem:s0+$0x0] =	vst v0  }
0x275: {  	v0 =	vld [tilespmem:s21+$0xFFFFFC30];
	_ =	sdelay $0x4  }
0x276: {  	[tilespmem:$0x1FA90] =	vst v0;
	v0 =	vld [tilespmem:s21+$0xFFFFFE30];
	_ =	sdelay $0x4  }
0x277: {  	[tilespmem:$0x1FAB0] =	vst v0;
	v0 =	vld [tilespmem:s21+$0x30];
	_ =	sdelay $0x4  }
0x278: {  	[tilespmem:$0x1FAC0] =	vst v0;
	v0 =	vld [tilespmem:s21+$0xFFFFFCA0];
	_ =	sdelay $0x4  }
0x279: {  	[tilespmem:$0x1FAA0] =	vst v0;
	v0 =	vld [tilespmem:s21+$0xFFFFFD20];
	_ =	sdelay $0x4  }
0x27a: {  	[tilespmem:$0x1FAD0] =	vst v0;
	v0 =	vld [tilespmem:s21+$0xFFFFFDB0];
	_ =	sdelay $0x4  }
0x27b: {  	[tilespmem:$0x1FAE0] =	vst v0;
	v0 =	vld [tilespmem:s21+$0xFFFFFE20];
	_ =	sdelay $0x4  }
0x27c: {  	[tilespmem:$0x1FAF0] =	vst v0;
	v0 =	vld [tilespmem:s21+$0xFFFFFEB0];
	_ =	sdelay $0x4  }
0x27d: {  	[tilespmem:$0x1FB00] =	vst v0;
	v0 =	vld [tilespmem:s21+$0xFFFFFF30];
	_ =	sdelay $0x4  }
0x27e: {  	[tilespmem:$0x1FB10] =	vst v0;
	v0 =	vld [tilespmem:s21+$0x20];
	_ =	sdelay $0x4  }
0x27f: {  	[tilespmem:$0x1FB20] =	vst v0;
	v0 =	vld [tilespmem:s21+$0xB0];
	_ =	sdelay $0x3  }
0x280: {  	v40 =	vld [tilespmem:s21+$0xFFFFFC20]  }
0x281: {  	s23 =	sadd.s32 $0x800, s23;
	[tilespmem:$0x1FB30] =	vst v0;
	v0 =	vld [tilespmem:s21+$0x130]  }
0x282: {  	s22 =	sadd.s32 $0x800, s22;
	v56 =	vld [tilespmem:s23+$0xFFFFFC30]  }
0x283: {  	v60 =	vld [tilespmem:s22+$0xFFFFFC30]  }
0x284: {  	v41 =	vld [tilespmem:s21+$0xFFFFFCB0]  }
0x285: {  	v42 =	vld [tilespmem:s21+$0xFFFFFD30]  }
0x286: {  	[tilespmem:$0x1FB40] =	vst v0;
	v0 =	vld [tilespmem:s21+$0x230]  }
0x287: {  	v31 =	vld [tilespmem:s21+$0xFFFFFC00]  }
0x288: {  	v25 =	vld [tilespmem:s21+$0xFFFFFC10]  }
0x289: {  	v27 =	vld [tilespmem:s23+$0xFFFFFC20]  }
0x28a: {  	v17 =	vld [tilespmem:s22+$0xFFFFFC20]  }
0x28b: {  	[tilespmem:$0x1FB90] =	vst v0;
	v0 =	vld [tilespmem:s21+$0xFFFFFD00]  }
0x28c: {  	v29 =	vld [tilespmem:s23+$0xFFFFFCB0]  }
0x28d: {  	v24 =	vld [tilespmem:s22+$0xFFFFFCB0]  }
0x28e: {  	v22 =	vld [tilespmem:s23+$0xFFFFFD30]  }
0x28f: {  	v18 =	vld [tilespmem:s22+$0xFFFFFD30]  }
0x290: {  	[tilespmem:$0x1FB50] =	vst v0;
	v0 =	vld [tilespmem:s21+$0xFFFFFD10]  }
0x291: {  	v61 =	vld [tilespmem:s23+$0xFFFFFE30]  }
0x292: {  	v62 =	vld [tilespmem:s22+$0xFFFFFE30]  }
0x293: {  	v32 =	vld [tilespmem:s23+$0x30]  }
0x294: {  	v30 =	vld [tilespmem:s22+$0x30]  }
0x295: {  	[tilespmem:$0x1FB60] =	vst v0;
	v0 =	vld [tilespmem:s21+$0xFFFFFDA0]  }
0x296: {  	v50 =	vld [tilespmem:s22+$0xFFFFFC00]  }
0x297: {  	v51 =	vld [tilespmem:s23+$0xFFFFFC00]  }
0x298: {  	v35 =	vld [tilespmem:s23+$0xFFFFFC10]  }
0x299: {  	v52 =	vld [tilespmem:s22+$0xFFFFFC10]  }
0x29a: {  	[tilespmem:$0x1FBC0] =	vst v0;
	v0 =	vld [tilespmem:s21+$0xFFFFFE00]  }
0x29b: {  	v11 =	vld [tilespmem:s21+$0xFFFFFC80]  }
0x29c: {  	v10 =	vld [tilespmem:s21+$0xFFFFFC90]  }
0x29d: {  	v3 =	vld [tilespmem:s23+$0xFFFFFCA0]  }
0x29e: {  	v1 =	vld [tilespmem:s22+$0xFFFFFCA0]  }
0x29f: {  	[tilespmem:$0x1FB70] =	vst v0;
	v0 =	vld [tilespmem:s21+$0xFFFFFE10]  }
0x2a0: {  	v28 =	vld [tilespmem:s23+$0xFFFFFD20]  }
0x2a1: {  	v20 =	vld [tilespmem:s22+$0xFFFFFD20]  }
0x2a2: {  	v23 =	vld [tilespmem:s23+$0xFFFFFDB0]  }
0x2a3: {  	v19 =	vld [tilespmem:s22+$0xFFFFFDB0]  }
0x2a4: {  	[tilespmem:$0x1FB80] =	vst v0;
	v0 =	vld [tilespmem:s21+$0xFFFFFEA0]  }
0x2a5: {  	v14 =	vld [tilespmem:s23+$0xFFFFFE20]  }
0x2a6: {  	v13 =	vld [tilespmem:s22+$0xFFFFFE20]  }
0x2a7: {  	v12 =	vld [tilespmem:s23+$0xFFFFFEB0]  }
0x2a8: {  	v8 =	vld [tilespmem:s22+$0xFFFFFEB0]  }
0x2a9: {  	[tilespmem:$0x1FC20] =	vst v0;
	v0 =	vld [tilespmem:s21+$0xFFFFFF20]  }
0x2aa: {  	v16 =	vld [tilespmem:s23+$0xFFFFFF30]  }
0x2ab: {  	v15 =	vld [tilespmem:s22+$0xFFFFFF30]  }
0x2ac: {  	v6 =	vld [tilespmem:s23+$0x20]  }
0x2ad: {  	v5 =	vld [tilespmem:s22+$0x20]  }
0x2ae: {  	[tilespmem:$0x1FC30] =	vst v0;
	v0 =	vld [tilespmem:s21+$0xFFFFFFB0]  }
0x2af: {  	v4 =	vld [tilespmem:s23+$0xB0]  }
0x2b0: {  	v2 =	vld [tilespmem:s22+$0xB0]  }
0x2b1: {  	v9 =	vld [tilespmem:s23+$0x130]  }
0x2b2: {  	v7 =	vld [tilespmem:s22+$0x130]  }
0x2b3: {  	[tilespmem:$0x1FC40] =	vst v0;
	v0 =	vld [tilespmem:s21+$0x0]  }
0x2b4: {  	v26 =	vld [tilespmem:s23+$0x230]  }
0x2b5: {  	v21 =	vld [tilespmem:s22+$0x230]  }
0x2b6: {  	v53 =	vld [tilespmem:s23+$0xFFFFFC80]  }
0x2b7: {  	v54 =	vld [tilespmem:s22+$0xFFFFFC80]  }
0x2b8: {  	[tilespmem:$0x1FBA0] =	vst v0;
	v0 =	vld [tilespmem:s21+$0x10]  }
0x2b9: {  	v18 =	vadd.f32 v18, v22;
	v22 =	vld [tilespmem:s21+$0x100]  }
0x2ba: {  	v55 =	vld [tilespmem:s23+$0xFFFFFC90]  }
0x2bb: {  	v57 =	vld [tilespmem:s22+$0xFFFFFC90]  }
0x2bc: {  	v38 =	vld [tilespmem:s22+$0xFFFFFD00]  }
0x2bd: {  	[tilespmem:$0x1FBB0] =	vst v0;
	v0 =	vld [tilespmem:s21+$0xA0]  }
0x2be: {  	[tilespmem:$0x1FD00] =	vst v22;
	v22 =	vld [tilespmem:$0x1FA90]  }
0x2bf: {  	v43 =	vld [tilespmem:s23+$0xFFFFFD10]  }
0x2c0: {  	v46 =	vld [tilespmem:s22+$0xFFFFFD10];
	v35 =	vadd.f32 v52, v35  }
0x2c1: {  	v52 =	vadd.f32 v60, v56;
	v1 =	vadd.f32 v1, v3;
	v3 =	vld [tilespmem:s21+$0x1A0]  }
0x2c2: {  	v17 =	vadd.f32 v17, v27;
	[tilespmem:$0x1FC50] =	vst v0;
	v0 =	vld [tilespmem:s21+$0x120]  }
0x2c3: {  	v36 =	vld [tilespmem:s21+$0xFFFFFD80];
	v24 =	vadd.f32 v24, v29;
	v22 =	vsub.f32 v52, v22  }
0x2c4: {  	v34 =	vld [tilespmem:s21+$0xFFFFFD90];
	v29 =	vadd.f32 v57, v55;
	v17 =	vsub.f32 v17, v40  }
0x2c5: {  	v63 =	vld [tilespmem:s23+$0xFFFFFDA0];
	v40 =	vsub.f32 v18, v42;
	v18 =	vand.u32 $0x7FFFFFFF, v22;
	v22 =	vadd.f32 v54, v53  }
0x2c6: {  	v33 =	vld [tilespmem:s22+$0xFFFFFDA0];
	[tilespmem:$0x1FD20] =	vst v3  }
0x2c7: {  	v10 =	vsub.f32 v29, v10;
	v3 =	vsub.f32 v22, v11;
	[tilespmem:$0x1FC60] =	vst v0;
	v0 =	vld [tilespmem:s21+$0x1B0]  }
0x2c8: {  	v45 =	vld [tilespmem:s23+$0xFFFFFE00]  }
0x2c9: {  	v27 =	vld [tilespmem:s21+$0x80];
	v10 =	vand.u32 $0x7FFFFFFF, v10;
	v3 =	vand.u32 $0x7FFFFFFF, v3  }
0x2ca: {  	v3 =	vadd.f32 v10, v3;
	v10 =	vld [tilespmem:$0x1FAB0]  }
0x2cb: {  	v29 =	vadd.f32 v30, v32;
	v30 =	vld [tilespmem:$0x1FAA0]  }
0x2cc: {  	[tilespmem:$0x1FC70] =	vst v0;
	v0 =	vld [tilespmem:s21+$0x220]  }
0x2cd: {  	v39 =	vld [tilespmem:s22+$0xFFFFFE00];
	v11 =	vadd.f32 v62, v61  }
0x2ce: {  	v49 =	vld [tilespmem:s23+$0xFFFFFE10];
	v51 =	vadd.f32 v50, v51  }
0x2cf: {  	v25 =	vsub.f32 v35, v25;
	v55 =	vsub.f32 v11, v10;
	v10 =	vld [tilespmem:$0x1FAC0]  }
0x2d0: {  	v37 =	vld [tilespmem:s22+$0xFFFFFE10];
	[tilespmem:$0x1FCF0] =	vst v27;
	v27 =	vsub.f32 v51, v31;
	v1 =	vsub.f32 v1, v30  }
0x2d1: {  	v15 =	vadd.f32 v15, v16;
	v35 =	vsub.f32 v24, v41;
	[tilespmem:$0x1FC80] =	vst v0;
	v0 =	vld [tilespmem:s21+$0x2B0]  }
0x2d2: {  	v44 =	vld [tilespmem:s21+$0xFFFFFE80];
	v25 =	vand.u32 $0x7FFFFFFF, v25;
	v27 =	vand.u32 $0x7FFFFFFF, v27;
	v1 =	vand.u32 $0x7FFFFFFF, v1  }
0x2d3: {  	v25 =	vadd.f32 v25, v27;
	v1 =	vadd.f32 v1, v3;
	v16 =	vld [tilespmem:$0x1FB30]  }
0x2d4: {  	v48 =	vld [tilespmem:s21+$0xFFFFFE90];
	v17 =	vand.u32 $0x7FFFFFFF, v17;
	v61 =	vsub.f32 v29, v10;
	v10 =	vand.u32 $0x7FFFFFFF, v35  }
0x2d5: {  	v59 =	vld [tilespmem:s23+$0xFFFFFEA0];
	v17 =	vadd.f32 v17, v25;
	v1 =	vadd.f32 v10, v1  }
0x2d6: {  	v2 =	vadd.f32 v2, v4;
	[tilespmem:$0x1FCD0] =	vst v0;
	v0 =	vld [tilespmem:s21+$0x330]  }
0x2d7: {  	v47 =	vld [tilespmem:s22+$0x0];
	v8 =	vadd.f32 v8, v12;
	v17 =	vadd.f32 v18, v17;
	v12 =	vperm.xlane v1, v58  }
0x2d8: {  	v41 =	vsub.f32 v2, v16;
	v2 =	vadd.f32 v7, v9;
	v7 =	vld [tilespmem:$0x1FB40]  }
0x2d9: {  	[tilespmem:$0x1FCA0] =	vst v48;
	v48 =	vld [tilespmem:s22+$0xFFFFFEA0];
	v54 =	vperm.xlane v17, v58;
	v4 =	vadd.f32 v12, v1  }
0x2da: {  	[tilespmem:$0x1FBD0] =	vst v59;
	v59 =	vld [tilespmem:s21+$0xFFFFFF00]  }
0x2db: {  	v17 =	vadd.f32 v54, v17;
	v4 =	vperm.xlane v4, v58;
	[tilespmem:$0x1FCE0] =	vst v0;
	v0 =	vld [tilespmem:s23+$0xFFFFFD00]  }
0x2dc: {  	[tilespmem:$0x1FC90] =	vst v44;
	v44 =	vld [tilespmem:s23+$0x0]  }
0x2dd: {  	v7 =	vsub.f32 v2, v7;
	v2 =	vsub.f32 v4, v17;
	v4 =	vld [tilespmem:$0x1FB50]  }
0x2de: {  	v50 =	vld [tilespmem:s22+$0x10]  }
0x2df: {  	v56 =	vld [tilespmem:s23+$0xA0]  }
0x2e0: {  	v10 =	vld [tilespmem:$0x1FAD0];
	v0 =	vadd.f32 v38, v0  }
0x2e1: {  	[tilespmem:$0x1FBE0] =	vst v48;
	v48 =	vld [tilespmem:s21+$0xFFFFFF10]  }
0x2e2: {  	v0 =	vsub.f32 v0, v4;
	v4 =	vld [tilespmem:$0x1FB60]  }
0x2e3: {  	v60 =	vld [tilespmem:s22+$0xA0];
	v3 =	vadd.f32 v20, v28  }
0x2e4: {  	v57 =	vld [tilespmem:$0x1FF50]  }
0x2e5: {  	v3 =	vsub.f32 v3, v10;
	v10 =	vld [tilespmem:$0x1FAE0];
	v9 =	vadd.f32 v46, v43  }
0x2e6: {  	v5 =	vadd.f32 v5, v6;
	v6 =	vld [tilespmem:s22+$0x330]  }
0x2e7: {  	[tilespmem:$0x1FCC0] =	vst v48;
	v48 =	vld [tilespmem:s22+$0xFFFFFF20];
	v4 =	vsub.f32 v9, v4  }
0x2e8: {  	v11 =	vadd.f32 v19, v23;
	v46 =	vld [tilespmem:$0x1FB80]  }
0x2e9: {  	v21 =	vadd.f32 v21, v26;
	v26 =	vmul.f32 v57, v2;
	v2 =	vand.u32 $0x7FFFFFFF, v4;
	v4 =	vld [tilespmem:$0x1FB70]  }
0x2ea: {  	v13 =	vadd.f32 v13, v14;
	v14 =	vsub.f32 v11, v10;
	v10 =	vld [tilespmem:$0x1FAF0];
	v0 =	vand.u32 $0x7FFFFFFF, v0  }
0x2eb: {  	v0 =	vadd.f32 v2, v0;
	v2 =	vld [tilespmem:$0x1FB90]  }
0x2ec: {  	v45 =	vadd.f32 v39, v45;
	v37 =	vadd.f32 v37, v49;
	v39 =	vld [tilespmem:s23+$0xFFFFFE80]  }
0x2ed: {  	[tilespmem:$0x1FC00] =	vst v48;
	v48 =	vld [tilespmem:s23+$0xFFFFFFB0]  }
0x2ee: {  	v24 =	vld [tilespmem:s22+$0x120];
	v37 =	vsub.f32 v37, v46;
	v4 =	vsub.f32 v45, v4  }
0x2ef: {  	v49 =	vand.u32 $0x7FFFFFFF, v3;
	v1 =	vld [tilespmem:$0x1FB10];
	v13 =	vsub.f32 v13, v10  }
0x2f0: {  	v32 =	vld [tilespmem:s21+$0x200];
	v2 =	vsub.f32 v21, v2;
	v21 =	vand.u32 $0x7FFFFFFF, v37;
	v4 =	vand.u32 $0x7FFFFFFF, v4  }
0x2f1: {  	v62 =	vld [tilespmem:s23+$0xFFFFFD90];
	v0 =	vadd.f32 v49, v0;
	v4 =	vadd.f32 v21, v4  }
0x2f2: {  	[tilespmem:$0x1FC10] =	vst v48;
	v48 =	vld [tilespmem:s23+$0x10];
	v13 =	vand.u32 $0x7FFFFFFF, v13;
	v3 =	vadd.f32 v26, v17;
	v17 =	vand.u32 $0x7FFFFFFF, v40  }
0x2f3: {  	v17 =	vadd.f32 v17, v0;
	v0 =	vadd.f32 v13, v4;
	v13 =	vld [tilespmem:$0x1FBA0]  }
0x2f4: {  	v1 =	vsub.f32 v15, v1;
	v15 =	vld [tilespmem:s23+$0xFFFFFD80]  }
0x2f5: {  	v16 =	vld [tilespmem:s22+$0xFFFFFD80]  }
0x2f6: {  	v12 =	vld [tilespmem:$0x1FB20];
	v21 =	vadd.f32 v47, v44  }
0x2f7: {  	v9 =	vld [tilespmem:s22+$0xFFFFFD90]  }
0x2f8: {  	v13 =	vsub.f32 v21, v13;
	v21 =	vld [tilespmem:$0x1FBB0]  }
0x2f9: {  	v42 =	vld [tilespmem:s21+$0xFFFFFF90]  }
0x2fa: {  	[tilespmem:$0x1FCB0] =	vst v59;
	v59 =	vld [tilespmem:s23+$0xFFFFFF20];
	v15 =	vadd.f32 v16, v15  }
0x2fb: {  	v52 =	vadd.f32 v50, v48;
	v5 =	vsub.f32 v5, v12;
	v54 =	vld [tilespmem:$0x1FBC0]  }
0x2fc: {  	v31 =	vld [tilespmem:s21+$0x90];
	v15 =	vsub.f32 v15, v36;
	v9 =	vadd.f32 v9, v62  }
0x2fd: {  	v51 =	vld [tilespmem:s22+$0x100];
	v16 =	vadd.f32 v33, v63;
	v21 =	vsub.f32 v52, v21  }
0x2fe: {  	v27 =	vld [tilespmem:s21+$0x110];
	v15 =	vand.u32 $0x7FFFFFFF, v15;
	v53 =	vsub.f32 v9, v34;
	v4 =	vand.u32 $0x7FFFFFFF, v55  }
0x2ff: {  	[tilespmem:$0x1FBF0] =	vst v59;
	v59 =	vld [tilespmem:s21+$0xFFFFFFA0];
	v4 =	vadd.f32 v4, v0;
	v13 =	vand.u32 $0x7FFFFFFF, v13;
	v21 =	vand.u32 $0x7FFFFFFF, v21  }
0x300: {  	v25 =	vld [tilespmem:s23+$0x120];
	v16 =	vsub.f32 v16, v54;
	v33 =	vand.u32 $0x7FFFFFFF, v53;
	v13 =	vadd.f32 v21, v13  }
0x301: {  	v18 =	vld [tilespmem:s23+$0x1B0];
	v5 =	vand.u32 $0x7FFFFFFF, v5;
	v15 =	vadd.f32 v33, v15;
	v55 =	vperm.xlane v4, v58  }
0x302: {  	v22 =	vld [tilespmem:s22+$0x1B0];
	v61 =	vand.u32 $0x7FFFFFFF, v61;
	v16 =	vand.u32 $0x7FFFFFFF, v16;
	v5 =	vadd.f32 v5, v13  }
0x303: {  	v21 =	vperm.xlane v17, v58;
	v13 =	vadd.f32 v55, v4;
	v4 =	vadd.f32 v16, v15;
	v16 =	vld [tilespmem:$0x1FBE0]  }
0x304: {  	v15 =	vadd.f32 v61, v5;
	v5 =	vand.u32 $0x7FFFFFFF, v14;
	v14 =	vld [tilespmem:$0x1FBD0]  }
0x305: {  	[tilespmem:$0x1FD10] =	vst v59;
	v59 =	vld [tilespmem:s22+$0xFFFFFFB0];
	v49 =	vadd.f32 v21, v17;
	v21 =	vadd.f32 v5, v4  }
0x306: {  	v5 =	vld [tilespmem:$0x1FC20]  }
0x307: {  	v30 =	vld [tilespmem:s21+$0x210];
	v63 =	vperm.xlane v21, v58  }
0x308: {  	v18 =	vadd.f32 v22, v18;
	v23 =	vld [tilespmem:s21+$0x2A0]  }
0x309: {  	v14 =	vadd.f32 v16, v14;
	v22 =	vadd.f32 v63, v21;
	v21 =	vld [tilespmem:$0x1FC50]  }
0x30a: {  	v28 =	vld [tilespmem:s22+$0x220];
	v33 =	vperm.xlane v15, v58  }
0x30b: {  	v20 =	vld [tilespmem:s23+$0x2B0];
	v62 =	vsub.f32 v14, v5  }
0x30c: {  	v48 =	vld [tilespmem:s22+$0x90];
	v14 =	vadd.f32 v33, v15;
	v15 =	vadd.f32 v60, v56  }
0x30d: {  	v29 =	vld [tilespmem:s23+$0x220]  }
0x30e: {  	v15 =	vsub.f32 v15, v21;
	v21 =	vld [tilespmem:$0x1FC60]  }
0x30f: {  	v43 =	vld [tilespmem:s22+$0xFFFFFE80]  }
0x310: {  	v60 =	vld [tilespmem:$0x1FC80]  }
0x311: {  	v24 =	vadd.f32 v24, v25;
	v10 =	vld [tilespmem:$0x1FB00]  }
0x312: {  	v50 =	vld [tilespmem:s23+$0x100]  }
0x313: {  	v35 =	vld [tilespmem:s22+$0x80];
	v54 =	vsub.f32 v24, v21;
	v24 =	vadd.f32 v28, v29  }
0x314: {  	v11 =	vld [tilespmem:s22+$0x2B0]  }
0x315: {  	v25 =	vadd.f32 v43, v39;
	v39 =	vsub.f32 v24, v60;
	v24 =	vld [tilespmem:$0x1FC90]  }
0x316: {  	v19 =	vsub.f32 v8, v10;
	v8 =	vld [tilespmem:s21+$0x320]  }
0x317: {  	v46 =	vld [tilespmem:s22+$0xFFFFFE90]  }
0x318: {  	v38 =	vld [tilespmem:s23+$0xFFFFFE90]  }
0x319: {  	v10 =	vld [tilespmem:s23+$0x330]  }
0x31a: {  	v24 =	vsub.f32 v25, v24;
	v25 =	vld [tilespmem:$0x1FCA0]  }
0x31b: {  	v12 =	vld [tilespmem:s21+$0x3B0]  }
0x31c: {  	v43 =	vld [tilespmem:s22+$0x210]  }
0x31d: {  	v26 =	vld [tilespmem:s22+$0xFFFFFF00];
	v22 =	vperm.xlane v22, v58;
	v28 =	vadd.f32 v46, v38  }
0x31e: {  	v40 =	vld [tilespmem:s21+$0xFFFFFF80]  }
0x31f: {  	v37 =	vld [tilespmem:s23+$0xFFFFFF00];
	v22 =	vsub.f32 v22, v49;
	v28 =	vsub.f32 v28, v25  }
0x320: {  	v45 =	vld [tilespmem:s23+$0xFFFFFF10]  }
0x321: {  	v11 =	vadd.f32 v11, v20;
	v20 =	vmul.f32 v57, v22;
	v22 =	vand.u32 $0x7FFFFFFF, v28;
	v28 =	vld [tilespmem:$0x1FCB0]  }
0x322: {  	v9 =	vld [tilespmem:s22+$0xFFFFFFA0]  }
0x323: {  	v34 =	vld [tilespmem:s23+$0x80]  }
0x324: {  	v47 =	vld [tilespmem:s22+$0xFFFFFF10];
	v26 =	vadd.f32 v26, v37  }
0x325: {  	v53 =	vld [tilespmem:s22+$0x110]  }
0x326: {  	v26 =	vsub.f32 v26, v28;
	v28 =	vld [tilespmem:$0x1FCC0]  }
0x327: {  	v44 =	vld [tilespmem:s23+$0x90]  }
0x328: {  	v37 =	vld [tilespmem:s23+$0x2A0]  }
0x329: {  	v0 =	vld [tilespmem:s23+$0xFFFFFFA0];
	v61 =	vadd.f32 v47, v45  }
0x32a: {  	v52 =	vld [tilespmem:s23+$0x110];
	v24 =	vand.u32 $0x7FFFFFFF, v24  }
0x32b: {  	v4 =	vld [tilespmem:$0x1FC10];
	v22 =	vadd.f32 v22, v24;
	v28 =	vsub.f32 v61, v28  }
0x32c: {  	v6 =	vadd.f32 v6, v10;
	v17 =	vld [tilespmem:$0x1FC00];
	v36 =	vand.u32 $0x7FFFFFFF, v62  }
0x32d: {  	v10 =	vand.u32 $0x7FFFFFFF, v26;
	v26 =	vand.u32 $0x7FFFFFFF, v28;
	v28 =	vadd.f32 v36, v22;
	v22 =	vld [tilespmem:$0x1FCD0]  }
0x32e: {  	v55 =	vld [tilespmem:s23+$0x1A0]  }
0x32f: {  	v16 =	vld [tilespmem:$0x1FBF0]  }
0x330: {  	v4 =	vadd.f32 v59, v4;
	v59 =	vld [tilespmem:$0x1FFA0]  }
0x331: {  	v5 =	vld [tilespmem:$0x1FC30]  }
0x332: {  	v36 =	vsub.f32 v11, v22;
	v11 =	vld [tilespmem:$0x1FCE0]  }
0x333: {  	v45 =	vld [tilespmem:s22+$0x2A0]  }
0x334: {  	v47 =	vld [tilespmem:s22+$0xFFFFFF80];
	v16 =	vadd.f32 v17, v16  }
0x335: {  	v56 =	vld [tilespmem:s22+$0x1A0];
	v20 =	vadd.f32 v20, v49  }
0x336: {  	v33 =	vld [tilespmem:s21+$0x280];
	v62 =	vadd.f32 v48, v44;
	v16 =	vsub.f32 v16, v5  }
0x337: {  	v44 =	vld [tilespmem:s22+$0x3B0];
	v10 =	vadd.f32 v26, v10;
	v22 =	vsub.f32 v6, v11;
	v11 =	vperm.xlane v20, v59  }
0x338: {  	v48 =	vld [tilespmem:s23+$0xFFFFFF90];
	v16 =	vand.u32 $0x7FFFFFFF, v16  }
0x339: {  	v10 =	vadd.f32 v16, v10;
	v16 =	vadd.f32 v11, v20;
	v11 =	vld [tilespmem:$0x1FCF0]  }
0x33a: {  	v5 =	vld [tilespmem:$0x1FC40]  }
0x33b: {  	v19 =	vand.u32 $0x7FFFFFFF, v19;
	v49 =	vld [tilespmem:s22+$0xFFFFFF90]  }
0x33c: {  	v21 =	vld [tilespmem:$0x1FC70];
	v6 =	vadd.f32 v19, v28;
	v19 =	vadd.f32 v35, v34  }
0x33d: {  	v29 =	vld [tilespmem:s22+$0x200]  }
0x33e: {  	v38 =	vld [tilespmem:s23+$0x210];
	v11 =	vsub.f32 v19, v11;
	v19 =	vsub.f32 v62, v31  }
0x33f: {  	v46 =	vld [tilespmem:s22+$0x320]  }
0x340: {  	v17 =	vsub.f32 v4, v5;
	v5 =	vld [tilespmem:s21+$0x180];
	v11 =	vand.u32 $0x7FFFFFFF, v11;
	v19 =	vand.u32 $0x7FFFFFFF, v19  }
0x341: {  	v1 =	vand.u32 $0x7FFFFFFF, v1;
	v11 =	vadd.f32 v19, v11;
	v19 =	vld [tilespmem:$0x1FD00]  }
0x342: {  	v4 =	vld [tilespmem:s21+$0x190];
	v1 =	vadd.f32 v1, v10;
	v63 =	vperm.xlane v6, v58  }
0x343: {  	v60 =	vadd.f32 v53, v52;
	v21 =	vsub.f32 v18, v21;
	v18 =	vld [tilespmem:s23+$0x200]  }
0x344: {  	v25 =	vld [tilespmem:s21+$0x290];
	v20 =	vadd.f32 v63, v6;
	v6 =	vperm.xlane v1, v58;
	v31 =	vadd.f32 v51, v50  }
0x345: {  	v15 =	vand.u32 $0x7FFFFFFF, v15;
	v27 =	vsub.f32 v60, v27;
	v24 =	vld [tilespmem:s21+$0x300]  }
0x346: {  	v61 =	vand.u32 $0x7FFFFFFF, v41;
	v41 =	vld [tilespmem:s23+$0x180];
	v31 =	vsub.f32 v31, v19;
	v19 =	vadd.f32 v6, v1  }
0x347: {  	v26 =	vld [tilespmem:s23+$0x320];
	v1 =	vadd.f32 v15, v11;
	v15 =	vadd.f32 v43, v38  }
0x348: {  	v10 =	vld [tilespmem:s23+$0xFFFFFF80]  }
0x349: {  	v0 =	vadd.f32 v9, v0;
	v9 =	vand.u32 $0x7FFFFFFF, v27;
	v27 =	vsub.f32 v15, v30;
	v15 =	vld [tilespmem:$0x1FD10]  }
0x34a: {  	v28 =	vld [tilespmem:s23+$0x3B0]  }
0x34b: {  	v34 =	vld [tilespmem:s22+$0x290];
	v6 =	vand.u32 $0x7FFFFFFF, v31  }
0x34c: {  	v35 =	vld [tilespmem:s22+$0x300];
	v9 =	vadd.f32 v9, v6  }
0x34d: {  	v63 =	vld [tilespmem:s22+$0x190];
	v11 =	vadd.f32 v29, v18;
	v18 =	vand.u32 $0x7FFFFFFF, v54  }
0x34e: {  	v62 =	vld [tilespmem:s22+$0x180];
	v60 =	vsub.f32 v0, v15;
	v0 =	vadd.f32 v18, v9  }
0x34f: {  	v7 =	vand.u32 $0x7FFFFFFF, v7;
	v51 =	vld [tilespmem:s23+$0x190]  }
0x350: {  	v1 =	vadd.f32 v61, v1;
	v18 =	vand.u32 $0x7FFFFFFF, v27;
	v27 =	vadd.f32 v7, v0;
	v0 =	vld [tilespmem:$0x1FD20]  }
0x351: {  	v38 =	vld [tilespmem:s21+$0x380];
	v11 =	vsub.f32 v11, v32  }
0x352: {  	v30 =	vld [tilespmem:s22+$0x280];
	v9 =	vperm.xlane v1, v58  }
0x353: {  	v62 =	vadd.f32 v62, v41;
	v29 =	vadd.f32 v56, v55;
	v31 =	vld [tilespmem:s23+$0x300];
	v11 =	vand.u32 $0x7FFFFFFF, v11  }
0x354: {  	v32 =	vld [tilespmem:s23+$0x310];
	v61 =	vadd.f32 v18, v11;
	v18 =	vadd.f32 v9, v1  }
0x355: {  	v6 =	vld [tilespmem:s23+$0x280];
	v7 =	vadd.f32 v47, v10;
	v11 =	vsub.f32 v29, v0;
	v0 =	vand.u32 $0x7FFFFFFF, v39  }
0x356: {  	v15 =	vld [tilespmem:s23+$0x290];
	v1 =	vadd.f32 v0, v61;
	v0 =	vadd.f32 v49, v48  }
0x357: {  	p1 =	sne.s32 s26, $0xF0;
	v9 =	vadd.f32 v45, v37;
	v37 =	vld [tilespmem:s22+$0x310];
	v7 =	vsub.f32 v7, v40  }
.Ltmp1:
0x358: {  	v10 =	vadd.f32 v46, v26;
	v26 =	vld [tilespmem:s23+$0x380];
	v29 =	vsub.f32 v0, v42;
	(pc) =	sbr.rel @p1 .LBB2_5-.Ltmp1, $4  }
0x359: {  	v63 =	vadd.f32 v63, v51;
	v9 =	vsub.f32 v9, v23;
	v23 =	vld [tilespmem:s23+$0x3A0];
	v7 =	vand.u32 $0x7FFFFFFF, v7  }
0x35a: {  	v0 =	vsub.f32 v10, v8;
	v8 =	vadd.f32 v44, v28;
	v28 =	vld [tilespmem:s22+$0x380];
	v10 =	vand.u32 $0x7FFFFFFF, v29  }
0x35b: {  	v5 =	vsub.f32 v62, v5;
	v29 =	vld [tilespmem:s23+$0x390];
	v39 =	vadd.f32 v10, v7  }
0x35c: {  	s25 =	smov.u32 s26;
	s26 =	sadd.s32 $0x10, s26;
	v10 =	vsub.f32 v8, v12;
	v8 =	vand.u32 $0x7FFFFFFF, v60;
	v7 =	vsub.f32 v63, v4;
	v4 =	vld [tilespmem:s22+$0x390]  }
0x35d: {  	v8 =	vadd.f32 v8, v39;
	v2 =	vand.u32 $0x7FFFFFFF, v2  }
0x35e: {  	v6 =	vadd.f32 v30, v6;
	v12 =	vld [tilespmem:s22+$0x3A0];
	v5 =	vand.u32 $0x7FFFFFFF, v5;
	v15 =	vadd.f32 v34, v15  }
0x35f: {  	v53 =	vld [tilespmem:s21+$0x390];
	v55 =	vadd.f32 v35, v31;
	v61 =	vadd.f32 v37, v32;
	v7 =	vand.u32 $0x7FFFFFFF, v7  }
0x360: {  	v54 =	vld [tilespmem:s21+$0x310];
	v1 =	vadd.f32 v2, v1;
	v5 =	vadd.f32 v7, v5  }
0x361: {  	v17 =	vand.u32 $0x7FFFFFFF, v17;
	v56 =	vld [tilespmem:s21+$0x3A0];
	v6 =	vsub.f32 v6, v33;
	v26 =	vadd.f32 v28, v26  }
0x362: {  	v21 =	vand.u32 $0x7FFFFFFF, v21;
	v15 =	vsub.f32 v15, v25;
	v4 =	vadd.f32 v4, v29  }
0x363: {  	v11 =	vand.u32 $0x7FFFFFFF, v11;
	v24 =	vsub.f32 v55, v24;
	v62 =	vsub.f32 v26, v38  }
0x364: {  	v9 =	vand.u32 $0x7FFFFFFF, v9;
	v12 =	vadd.f32 v12, v23;
	v4 =	vsub.f32 v4, v53  }
0x365: {  	v8 =	vadd.f32 v17, v8;
	v6 =	vand.u32 $0x7FFFFFFF, v6;
	v7 =	vsub.f32 v61, v54  }
0x366: {  	v23 =	vand.u32 $0x7FFFFFFF, v62;
	v12 =	vsub.f32 v12, v56;
	v4 =	vand.u32 $0x7FFFFFFF, v4  }
0x367: {  	v15 =	vand.u32 $0x7FFFFFFF, v15;
	v63 =	vand.u32 $0x7FFFFFFF, v24;
	v4 =	vadd.f32 v4, v23  }
0x368: {  	v6 =	vadd.f32 v15, v6;
	v7 =	vand.u32 $0x7FFFFFFF, v7;
	v12 =	vand.u32 $0x7FFFFFFF, v12  }
0x369: {  	v0 =	vand.u32 $0x7FFFFFFF, v0;
	v7 =	vadd.f32 v7, v63;
	v4 =	vadd.f32 v12, v4  }
0x36a: {  	v5 =	vadd.f32 v11, v5;
	v15 =	vand.u32 $0x7FFFFFFF, v10;
	v6 =	vadd.f32 v9, v6  }
0x36b: {  	v60 =	vand.u32 $0x7FFFFFFF, v36;
	v0 =	vadd.f32 v0, v7;
	v4 =	vadd.f32 v15, v4  }
0x36c: {  	v31 =	vperm.xlane v1, v58;
	v5 =	vadd.f32 v21, v5;
	v23 =	vand.u32 $0x7FFFFFFF, v22  }
0x36d: {  	v6 =	vadd.f32 v60, v6;
	v0 =	vadd.f32 v23, v0;
	v25 =	vperm.xlane v4, v58  }
0x36e: {  	v26 =	vperm.xlane v8, v58;
	v28 =	vperm.xlane v5, v58  }
0x36f: {  	v29 =	vperm.xlane v6, v58;
	v30 =	vperm.xlane v0, v58;
	v4 =	vadd.f32 v25, v4  }
0x370: {  	v24 =	vperm.xlane v27, v58;
	v2 =	vadd.f32 v26, v8;
	v5 =	vadd.f32 v28, v5  }
0x371: {  	v6 =	vadd.f32 v29, v6;
	v0 =	vadd.f32 v30, v0;
	v4 =	vperm.xlane v4, v58  }
0x372: {  	v32 =	vadd.f32 v24, v27;
	v2 =	vperm.xlane v2, v58;
	v5 =	vperm.xlane v5, v58  }
0x373: {  	v1 =	vadd.f32 v31, v1;
	v6 =	vperm.xlane v6, v58;
	v4 =	vsub.f32 v4, v0  }
0x374: {  	v34 =	vperm.xlane v18, v58;
	v2 =	vsub.f32 v2, v19;
	v5 =	vsub.f32 v5, v32  }
0x375: {  	v33 =	vperm.xlane v20, v58;
	v6 =	vsub.f32 v6, v1;
	v4 =	vmul.f32 v57, v4  }
0x376: {  	v9 =	vsub.f32 v34, v14;
	v2 =	vmul.f32 v57, v2;
	v5 =	vmul.f32 v57, v5  }
0x377: {  	v7 =	vsub.f32 v33, v13;
	v6 =	vmul.f32 v57, v6;
	v0 =	vadd.f32 v4, v0  }
0x378: {  	v43 =	vld [tilespmem:$0x1FFB0];
	v36 =	vmul.f32 v57, v9;
	v2 =	vadd.f32 v2, v19;
	v5 =	vadd.f32 v5, v32  }
0x379: {  	v35 =	vmul.f32 v57, v7;
	v1 =	vadd.f32 v6, v1;
	v37 =	vperm.xlane v0, v59  }
0x37a: {  	v7 =	vadd.f32 v36, v14;
	v38 =	vperm.xlane v2, v59;
	v39 =	vperm.xlane v5, v59  }
0x37b: {  	v40 =	vperm.xlane v1, v59;
	v4 =	vadd.f32 v35, v13;
	v0 =	vadd.f32 v37, v0  }
0x37c: {  	v47 =	vld [tilespmem:$0x1FF60];
	v42 =	vperm.xlane v7, v59;
	v2 =	vadd.f32 v38, v2;
	v5 =	vadd.f32 v39, v5  }
0x37d: {  	v1 =	vadd.f32 v40, v1;
	v41 =	vperm.xlane v4, v59;
	v0 =	vperm.xlane v0, v43  }
0x37e: {  	v44 =	vperm.xlane v3, v59;
	v45 =	vadd.f32 v42, v7;
	v5 =	vperm.xlane v5, v43  }
0x37f: {  	v2 =	vperm.xlane v2, v43;
	v4 =	vadd.f32 v41, v4;
	v0 =	vsub.f32 v0, v1  }
0x380: {  	v50 =	vld [tilespmem:$0x1FFC0];
	v3 =	vadd.f32 v44, v3;
	v5 =	vsub.f32 v5, v45  }
0x381: {  	v46 =	vperm.xlane v16, v43;
	v2 =	vsub.f32 v2, v4;
	v0 =	vmul.f32 v47, v0  }
0x382: {  	v5 =	vmul.f32 v47, v5  }
0x383: {  	v7 =	vsub.f32 v46, v3;
	v2 =	vmul.f32 v47, v2;
	v0 =	vadd.f32 v0, v1  }
0x384: {  	v55 =	vld [tilespmem:$0x1FFD0];
	v49 =	vadd.f32 v5, v45  }
0x385: {  	v48 =	vmul.f32 v47, v7;
	v2 =	vadd.f32 v2, v4;
	v51 =	vperm.xlane v0, v50  }
0x386: {  	v6 =	vperm.xlane v49, v50  }
0x387: {  	v1 =	vadd.f32 v48, v3;
	v52 =	vperm.xlane v2, v50;
	v0 =	vadd.f32 v51, v0  }
0x388: {  	v56 =	vld [tilespmem:$0x1FF70];
	v54 =	vadd.f32 v6, v49  }
0x389: {  	v53 =	vperm.xlane v1, v50;
	v2 =	vadd.f32 v52, v2;
	v0 =	vperm.xlane v0, v55;
	_ =	sdelay $0x1  }
0x38a: {  	v1 =	vadd.f32 v53, v1;
	v2 =	vperm.xlane v2, v55;
	v0 =	vsub.f32 v0, v54  }
0x38b: {  	v57 =	vld [tilespmem:$0x1FFE0]  }
0x38c: {  	v2 =	vsub.f32 v2, v1;
	v0 =	vmul.f32 v56, v0;
	_ =	sdelay $0x1  }
0x38d: {  	v2 =	vmul.f32 v56, v2;
	v0 =	vadd.f32 v0, v54  }
0x38e: {  	v61 =	vld [tilespmem:$0x1FF80]  }
0x38f: {  	v1 =	vadd.f32 v2, v1;
	v59 =	vperm.xlane v0, v57;
	_ =	sdelay $0x1  }
0x390: {  	v60 =	vperm.xlane v1, v57;
	v0 =	vadd.f32 v0, v59  }
0x391: {  	v62 =	vld [tilespmem:$0x1FF90]  }
0x392: {  	v1 =	vadd.f32 v60, v1;
	v0 =	vperm.xlane v0, v61;
	_ =	sdelay $0x1  }
0x393: {  	v0 =	vsub.f32 v0, v1  }
0x394: {  	v63 =	vld [tilespmem:$0x1FFF0]  }
0x395: {  	v0 =	vmul.f32 v62, v0;
	_ =	sdelay $0x1  }
.Ltmp2:
0x396: {  	v0 =	vadd.f32 v0, v1;
	(pc) =	sbr.rel @p0 .LBB2_2-.Ltmp2, $4  }
0x397: {  	s0 =	sand.u32 $0x80, s25  }
0x398: {  	s2 =	sand.u32 $0x70, s25;
	s0 =	sadd.s32 s0, s24;
	v0 =	vperm.xlane v0, v63  }
0x399: {  	s0 =	sadd.s32 s2, s0  }
0x39a: {  	p1 =	por $0x0, $0x0;
	[tilespmem:s0+$0x0] =	vst v0;
	s0 =	simm.s32 $0x100  }
0x39b: {  	s0 =	sld [smem:$0x7FC];
	_ =	sdelay $0x1  }
0x39c: {  	s2 =	simm.s32 $0x18600  }
0x39d: {  	[hbm4b:s0+s1] =	stream.linear.scatter [tilespmem:s2], [sflag:$0x7], $0x200, $0x38;
	[tilespmem:$0x18800] =	vst v63  }
0x39e: {  	s2 =	simm.s32 $0x7  }
0x39f: {  	_ =	swait.ge [sflag:s2], $0x200  }
0x3a0: {  	s4 =	sld [smem:$0x7F8]  }
0x3a1: {  	s31 =	sld [smem:$0x7FD];
	_ =	sdelay $0x1  }
0x3a2: {  	s4 =	sadd.s32 $0x1, s4  }
0x3a3: {  	p0 =	sne.s32 s4, s31  }
.Ltmp3:
0x3a4: {  	_ = 	snop;
	(pc) =	sbr.rel @p0 .LBB2_1-.Ltmp3, $3  }
0x3a5: {  	_ =	sdelay $0x1  }
0x3a6: {  	[sflag:s2] =	ssyncset.done $0x0  }
0x3a7: {  	[sflag:s2] =	ssyncadd.s32 $0xFFFFFE00  }
0x3a8: {  	_ =	sfence.sel $0x180000  }
0x3a9: {  	[bflag:$0x0] =	sbarrier.arrive $0xFFFF  }
0x3aa: {  	_ =	strace $0x90000047  }
0x3ab: {  	s0 =	stileid.u32;
	[bflag:$0x2] =	sbarrier.arrive $0xFFFF  }
0x3ac: {  	p0 =	sne.s32 s0, $0x0;
	s0 =	rddreg [dreg:$0x5]  }
0x3ad: {  	s0 =	sadd.s32 @!p0 $0x100000, s0  }
0x3ae: {  	[sflag:s0] =	ssyncadd.tile.s32 @!p0 $0x1;
	_ =	shalt  }
.Lfunc_end2:
_tile_overlayer_lowered:
.L_overlay_start_2:
0x3af: {  	(tag) =	ssettag $0x2  }
0x3b0: {  	s0 =	rddreg [dreg:$0x0];
	s2 =	stileid.u32  }
0x3b1: {  	s1 =	rddreg [dreg:$0x1];
	p0 =	sne.s32 s2, $0x0  }
0x3b2: {  	s3 =	rddreg [dreg:$0x2];
	[bflag:$0x3] =	sbarrier.arrive $0xFFFF;
	s2 =	simm.s32 @!p0 $0x1C07  }
0x3b3: {  	[timem:s3], [sflag:s2] =	dma.local @!p0 [hbm:s0], s1  }
0x3b4: {  	s0 =	simm.s32 @!p0 $0x7  }
0x3b5: {  	_ =	swait.ge @!p0 [sflag:s0], s1  }
0x3b6: {  	s1 =	ssub.s32 @!p0 $0x0, s1;
	[sflag:s0] =	ssyncset.done @!p0 $0x0  }
0x3b7: {  	[sflag:s0] =	ssyncadd.s32 @!p0 s1  }
0x3b8: {  	[bflag:$0x3] =	sbarrier.arrive $0xFFFF  }
0x3b9: {  	_ =	shalt  }

</sc_bundles>
